<compile_context>
chip_gen: v7x
topology: tpu7x:2x2x1
jax: 0.10.2.dev20260603
libtpu: 0.0.44.dev20260713+nightly
codegen_flags: <defaults>
</compile_context>

<pallas_src>
import functools

import jax
import jax.numpy as jnp
from jax import lax
from jax.experimental import pallas as pl
from jax.experimental.pallas import tpu as pltpu
from jax.experimental.pallas import tpu_sc as plsc

_B, _N, _F, _E = 1024, 500, 64, 16
_TN = 25
_STEPS = _N // _TN
_ROWS = _TN * _E

_SCW = 25
_PER_W = (2 * _N) // _SCW
_SLAB = 8
_NDMA = _PER_W // _SLAB


def _tc_body(xt_ref, wt_ref, b16_ref, wvp_ref, bv_ref,
             val_ref, z_ref, bt_ref):
    i = pl.program_id(0)

    @pl.when(i == 0)
    def _init():
        val_ref[...] = jnp.full((1, _B), bv_ref[0, 0], jnp.float32)
        e_idx = jax.lax.broadcasted_iota(jnp.int32, (_E, 1), 0)
        bt = jnp.zeros((_E, 1), jnp.float32)
        for e in range(_E):
            bt = jnp.where(e_idx == e, b16_ref[0, e], bt)
        bt_ref[...] = bt

    wt = wt_ref[...]
    bt = bt_ref[...]
    for n in range(_TN):
        y = jnp.dot(wt, xt_ref[n], preferred_element_type=jnp.float32)
        z_ref[n * _E:(n + 1) * _E, :] = jnp.maximum(y + bt, 0.0)
    part = jnp.dot(wvp_ref[0], z_ref[...],
                   preferred_element_type=jnp.float32)
    val_ref[...] += part


_sc_mesh = plsc.VectorSubcoreMesh(core_axis_name="c", subcore_axis_name="s")


@functools.partial(
    pl.kernel,
    mesh=_sc_mesh,
    out_type=jax.ShapeDtypeStruct((2 * _N, _B), jnp.float32),
    scratch_types=[
        pltpu.VMEM((32,), jnp.float32),
        pltpu.VMEM((_SLAB, _B), jnp.float32),
        pltpu.SemaphoreType.DMA,
    ],
)
def _sc_actions(p32_hbm, out_hbm, p_v, slab_v, sem):
    wid = lax.axis_index("c") * 16 + lax.axis_index("s")

    @pl.when(wid < _SCW)
    def _work():
        pltpu.sync_copy(p32_hbm, p_v)
        v0 = p_v[pl.ds(0, 16)]
        v1 = p_v[pl.ds(16, 16)]
        a0v = 1.0 / (1.0 + jnp.exp(-v0))
        a1v = 0.5 / (1.0 + jnp.exp(-v1))
        for r in range(_SLAB):
            rv = a0v if r % 2 == 0 else a1v
            for t in range(_B // 16):
                slab_v[r, pl.ds(16 * t, 16)] = rv
        base = wid * _PER_W
        cps = [
            pltpu.make_async_copy(
                slab_v, out_hbm.at[pl.ds(base + j * _SLAB, _SLAB)], sem)
            for j in range(_NDMA)
        ]
        for c in cps:
            c.start()
        for c in cps:
            c.wait()


def kernel(node_features_gen, W_embed, b_embed, param, W_val, b_val):
    actt = _sc_actions(jnp.repeat(param, 16))

    xt = jnp.transpose(node_features_gen, (1, 2, 0))
    wt = W_embed.T
    wvp = W_val.reshape(_STEPS, 1, _ROWS)

    val = pl.pallas_call(
        _tc_body,
        grid=(_STEPS,),
        in_specs=[
            pl.BlockSpec((_TN, _F, _B), lambda i: (i, 0, 0)),
            pl.BlockSpec((_E, _F), lambda i: (0, 0)),
            pl.BlockSpec((1, _E), lambda i: (0, 0)),
            pl.BlockSpec((1, 1, _ROWS), lambda i: (i, 0, 0)),
            pl.BlockSpec((1, 1), lambda i: (0, 0)),
        ],
        out_specs=pl.BlockSpec((1, _B), lambda i: (0, 0)),
        out_shape=jax.ShapeDtypeStruct((1, _B), jnp.float32),
        scratch_shapes=[pltpu.VMEM((_ROWS, _B), jnp.float32),
                        pltpu.VMEM((_E, 1), jnp.float32)],
    )(xt, wt, b_embed.reshape(1, _E), wvp, b_val.reshape(1, 1))
    return actt.T, val.reshape(_B)

# --- scband reference (transcript-rebuilt; emitter-appended) ---
"""Pipeline reference for scband-custom-torch-model-27212912787871 (READ-ONLY COPY).

The authoritative reference and input builder live on the scoring server;
editing this copy changes nothing except your own understanding.
"""

import jax, jax.numpy as jnp
import numpy as np

B, N_GEN, F_GEN, EMB = 1024, 500, 64, 16
ACTION_HIGH = 1.0


def setup_inputs(seed: int = 0) -> dict:
    key = jax.random.key(seed)
    ks = jax.random.split(key, 4)
    return {
        "node_features_gen": jax.random.normal(ks[0], (B, N_GEN, F_GEN), dtype=jnp.float32),
        "W_embed": jax.random.normal(ks[1], (F_GEN, EMB), dtype=jnp.float32) * 0.1,
        "b_embed": jnp.zeros((EMB,), dtype=jnp.float32),
        "param": jnp.array([-1.0, 1.0], dtype=jnp.float32),
        "W_val": jax.random.normal(ks[2], (N_GEN * EMB, 1), dtype=jnp.float32) * 0.01,
        "b_val": jnp.zeros((1,), dtype=jnp.float32),
    }


def reference(node_features_gen, W_embed, b_embed, param, W_val, b_val):
    # node_embedder['gen']: Linear(F_gen, 16) + ReLU applied per-graph, batched here
    gen_embeds = jax.nn.relu(jnp.einsum('bnf,fe->bne', node_features_gen, W_embed) + b_embed)
    b = gen_embeds.shape[0]
    n = gen_embeds.shape[1]
    # action['redispatch'] = param.repeat((B, N_gen, 1)) then per-channel sigmoid scaling
    act = jnp.broadcast_to(param, (b, n, 2))
    a0 = jax.nn.sigmoid(act[:, :, 0]) * ACTION_HIGH
    a1 = jax.nn.sigmoid(act[:, :, 1]) * (ACTION_HIGH / 2.0)
    action = jnp.stack([a0, a1], axis=-1)
    # value_model: Linear(N_gen*16, 1) on flattened gen embeddings
    val = (gen_embeds.reshape(b, -1) @ W_val + b_val).reshape(-1)
    flattened_actions = action.reshape(b, -1)
    return (flattened_actions, val)

if __name__ == "__main__":
    import jax
    _d = setup_inputs()
    print(jax.jit(kernel)(*tuple(_d.values())))

</pallas_src>

<mosaic_0001>
#map = affine_map<(d0, d1) -> (0)>
#map1 = affine_map<(d0, d1) -> (0, 0)>
module attributes {stable_mosaic.version = 14 : i64} {
  func.func @_sc_actions(%arg0: i32, %arg1: i32, %arg2: memref<32xf32, #tpu.memory_space<hbm>>, %arg3: memref<1000x1024xf32, #tpu.memory_space<hbm>>, %arg4: memref<32xf32, #tpu.memory_space<vmem>>, %arg5: memref<8x1024xf32, #tpu.memory_space<vmem>>, %arg6: memref<!tpu.dma_semaphore, #tpu.memory_space<semaphore_mem>>) attributes {dimension_semantics = [#tpu.dimension_semantics<core_parallel>, #tpu.dimension_semantics<subcore_parallel>], iteration_bounds = array<i64: 2, 16>, scalar_prefetch = 0 : i64, scratch_operands = 3 : i64, tpu.core_type = #tpu.core_type<sc_vector_subcore>, window_params = [{transform_indices = #map}, {transform_indices = #map1}]} {
    %mul3A = arith.constant 16 : i32
    %mul3A_0 = arith.muli %arg0, %mul3A : i32
    %add3A = arith.addi %mul3A_0, %arg1 : i32
    %lt3A = arith.constant 25 : i32
    %lt3A_1 = arith.cmpi slt, %add3A, %lt3A : i32
    %convert_element_type3A = arith.extui %lt3A_1 : i1 to i32
    %cond3A = arith.constant 0 : i32
    %cond3A_2 = arith.cmpi ne, %convert_element_type3A, %cond3A : i32
    scf.if %cond3A_2 {
      "tpu.region"() ({
        %run_scoped3A = tpu.sem_alloc : memref<!tpu.dma_semaphore, #tpu.memory_space<semaphore_mem>>
        tpu.enqueue_dma source(%arg2 : memref<32xf32, #tpu.memory_space<hbm>>) target(%arg4 : memref<32xf32, #tpu.memory_space<vmem>>) target_semaphore(%run_scoped3A : memref<!tpu.dma_semaphore, #tpu.memory_space<semaphore_mem>>)
        tpu.wait_dma2 semaphore(%run_scoped3A : memref<!tpu.dma_semaphore, #tpu.memory_space<semaphore_mem>>) src(%arg2 : memref<32xf32, #tpu.memory_space<hbm>>) dst(%arg4 : memref<32xf32, #tpu.memory_space<vmem>>)
        tpu.yield
      }) : () -> ()
      %get3A = arith.constant 0 : index
      %get3A_3 = tpu.vector_load %arg4[%get3A] {strides = array<i32>} : memref<32xf32, #tpu.memory_space<vmem>>, vector<16xf32>,
      %get3A_4 = vector.shape_cast %get3A_3 : vector<16xf32> to vector<16xf32>
      %get3A_5 = arith.constant 16 : index
      %get3A_6 = tpu.vector_load %arg4[%get3A_5] {strides = array<i32>} : memref<32xf32, #tpu.memory_space<vmem>>, vector<16xf32>,
      %get3A_7 = vector.shape_cast %get3A_6 : vector<16xf32> to vector<16xf32>
      %neg3A = arith.constant 0.000000e+00 : f32
      %neg3A_8 = vector.broadcast %neg3A : f32 to vector<16xf32>
      %neg3A_9 = arith.subf %neg3A_8, %get3A_4 : vector<16xf32>
      %exp3A = math.exp %neg3A_9 : vector<16xf32>
      %add3A_10 = arith.constant 1.000000e+00 : f32
      %add3A_11 = vector.broadcast %add3A_10 : f32 to vector<16xf32>
      %add3A_12 = arith.addf %add3A_11, %exp3A : vector<16xf32>
      %div3A = arith.constant 1.000000e+00 : f32
      %div3A_13 = vector.broadcast %div3A : f32 to vector<16xf32>
      %div3A_14 = arith.divf %div3A_13, %add3A_12 : vector<16xf32>
      %neg3A_15 = arith.constant 0.000000e+00 : f32
      %neg3A_16 = vector.broadcast %neg3A_15 : f32 to vector<16xf32>
      %neg3A_17 = arith.subf %neg3A_16, %get3A_7 : vector<16xf32>
      %exp3A_18 = math.exp %neg3A_17 : vector<16xf32>
      %add3A_19 = arith.constant 1.000000e+00 : f32
      %add3A_20 = vector.broadcast %add3A_19 : f32 to vector<16xf32>
      %add3A_21 = arith.addf %add3A_20, %exp3A_18 : vector<16xf32>
      %div3A_22 = arith.constant 5.000000e-01 : f32
      %div3A_23 = vector.broadcast %div3A_22 : f32 to vector<16xf32>
      %div3A_24 = arith.divf %div3A_23, %add3A_21 : vector<16xf32>
      %swap3A = arith.constant 0 : i32
      %swap3A_25 = arith.index_cast %swap3A : i32 to index
      %swap3A_26 = arith.constant 0 : index
      %swap3A_27 = tpu.vector_load %arg5[%swap3A_25, %swap3A_26] {strides = array<i32>} : memref<8x1024xf32, #tpu.memory_space<vmem>>, vector<1x16xf32>,
      %swap3A_28 = vector.shape_cast %swap3A_27 : vector<1x16xf32> to vector<16xf32>
      %swap3A_29 = vector.shape_cast %div3A_14 : vector<16xf32> to vector<1x16xf32>
      tpu.vector_store %arg5[%swap3A_25, %swap3A_26], %swap3A_29 {strides = array<i32>} : memref<8x1024xf32, #tpu.memory_space<vmem>>, vector<1x16xf32>,
      %swap3A_30 = arith.constant 0 : i32
      %swap3A_31 = arith.index_cast %swap3A_30 : i32 to index
      %swap3A_32 = arith.constant 16 : index
      %swap3A_33 = tpu.vector_load %arg5[%swap3A_31, %swap3A_32] {strides = array<i32>} : memref<8x1024xf32, #tpu.memory_space<vmem>>, vector<1x16xf32>,
      %swap3A_34 = vector.shape_cast %swap3A_33 : vector<1x16xf32> to vector<16xf32>
      %swap3A_35 = vector.shape_cast %div3A_14 : vector<16xf32> to vector<1x16xf32>
      tpu.vector_store %arg5[%swap3A_31, %swap3A_32], %swap3A_35 {strides = array<i32>} : memref<8x1024xf32, #tpu.memory_space<vmem>>, vector<1x16xf32>,
      %swap3A_36 = arith.constant 0 : i32
      %swap3A_37 = arith.index_cast %swap3A_36 : i32 to index
      %swap3A_38 = arith.constant 32 : index
      %swap3A_39 = tpu.vector_load %arg5[%swap3A_37, %swap3A_38] {strides = array<i32>} : memref<8x1024xf32, #tpu.memory_space<vmem>>, vector<1x16xf32>,
      %swap3A_40 = vector.shape_cast %swap3A_39 : vector<1x16xf32> to vector<16xf32>
      %swap3A_41 = vector.shape_cast %div3A_14 : vector<16xf32> to vector<1x16xf32>
      tpu.vector_store %arg5[%swap3A_37, %swap3A_38], %swap3A_41 {strides = array<i32>} : memref<8x1024xf32, #tpu.memory_space<vmem>>, vector<1x16xf32>,
      %swap3A_42 = arith.constant 0 : i32
      %swap3A_43 = arith.index_cast %swap3A_42 : i32 to index
      %swap3A_44 = arith.constant 48 : index
      %swap3A_45 = tpu.vector_load %arg5[%swap3A_43, %swap3A_44] {strides = array<i32>} : memref<8x1024xf32, #tpu.memory_space<vmem>>, vector<1x16xf32>,
      %swap3A_46 = vector.shape_cast %swap3A_45 : vector<1x16xf32> to vector<16xf32>
      %swap3A_47 = vector.shape_cast %div3A_14 : vector<16xf32> to vector<1x16xf32>
      tpu.vector_store %arg5[%swap3A_43, %swap3A_44], %swap3A_47 {strides = array<i32>} : memref<8x1024xf32, #tpu.memory_space<vmem>>, vector<1x16xf32>,
      %swap3A_48 = arith.constant 0 : i32
      %swap3A_49 = arith.index_cast %swap3A_48 : i32 to index
      %swap3A_50 = arith.constant 64 : index
      %swap3A_51 = tpu.vector_load %arg5[%swap3A_49, %swap3A_50] {strides = array<i32>} : memref<8x1024xf32, #tpu.memory_space<vmem>>, vector<1x16xf32>,
      %swap3A_52 = vector.shape_cast %swap3A_51 : vector<1x16xf32> to vector<16xf32>
      %swap3A_53 = vector.shape_cast %div3A_14 : vector<16xf32> to vector<1x16xf32>
      tpu.vector_store %arg5[%swap3A_49, %swap3A_50], %swap3A_53 {strides = array<i32>} : memref<8x1024xf32, #tpu.memory_space<vmem>>, vector<1x16xf32>,
      %swap3A_54 = arith.constant 0 : i32
      %swap3A_55 = arith.index_cast %swap3A_54 : i32 to index
      %swap3A_56 = arith.constant 80 : index
      %swap3A_57 = tpu.vector_load %arg5[%swap3A_55, %swap3A_56] {strides = array<i32>} : memref<8x1024xf32, #tpu.memory_space<vmem>>, vector<1x16xf32>,
      %swap3A_58 = vector.shape_cast %swap3A_57 : vector<1x16xf32> to vector<16xf32>
      %swap3A_59 = vector.shape_cast %div3A_14 : vector<16xf32> to vector<1x16xf32>
      tpu.vector_store %arg5[%swap3A_55, %swap3A_56], %swap3A_59 {strides = array<i32>} : memref<8x1024xf32, #tpu.memory_space<vmem>>, vector<1x16xf32>,
      %swap3A_60 = arith.constant 0 : i32
      %swap3A_61 = arith.index_cast %swap3A_60 : i32 to index
      %swap3A_62 = arith.constant 96 : index
      %swap3A_63 = tpu.vector_load %arg5[%swap3A_61, %swap3A_62] {strides = array<i32>} : memref<8x1024xf32, #tpu.memory_space<vmem>>, vector<1x16xf32>,
      %swap3A_64 = vector.shape_cast %swap3A_63 : vector<1x16xf32> to vector<16xf32>
      %swap3A_65 = vector.shape_cast %div3A_14 : vector<16xf32> to vector<1x16xf32>
      tpu.vector_store %arg5[%swap3A_61, %swap3A_62], %swap3A_65 {strides = array<i32>} : memref<8x1024xf32, #tpu.memory_space<vmem>>, vector<1x16xf32>,
      %swap3A_66 = arith.constant 0 : i32
      %swap3A_67 = arith.index_cast %swap3A_66 : i32 to index
      %swap3A_68 = arith.constant 112 : index
      %swap3A_69 = tpu.vector_load %arg5[%swap3A_67, %swap3A_68] {strides = array<i32>} : memref<8x1024xf32, #tpu.memory_space<vmem>>, vector<1x16xf32>,
      %swap3A_70 = vector.shape_cast %swap3A_69 : vector<1x16xf32> to vector<16xf32>
      %swap3A_71 = vector.shape_cast %div3A_14 : vector<16xf32> to vector<1x16xf32>
      tpu.vector_store %arg5[%swap3A_67, %swap3A_68], %swap3A_71 {strides = array<i32>} : memref<8x1024xf32, #tpu.memory_space<vmem>>, vector<1x16xf32>,
      %swap3A_72 = arith.constant 0 : i32
      %swap3A_73 = arith.index_cast %swap3A_72 : i32 to index
      %swap3A_74 = arith.constant 128 : index
      %swap3A_75 = tpu.vector_load %arg5[%swap3A_73, %swap3A_74] {strides = array<i32>} : memref<8x1024xf32, #tpu.memory_space<vmem>>, vector<1x16xf32>,
      %swap3A_76 = vector.shape_cast %swap3A_75 : vector<1x16xf32> to vector<16xf32>
      %swap3A_77 = vector.shape_cast %div3A_14 : vector<16xf32> to vector<1x16xf32>
      tpu.vector_store %arg5[%swap3A_73, %swap3A_74], %swap3A_77 {strides = array<i32>} : memref<8x1024xf32, #tpu.memory_space<vmem>>, vector<1x16xf32>,
      %swap3A_78 = arith.constant 0 : i32
      %swap3A_79 = arith.index_cast %swap3A_78 : i32 to index
      %swap3A_80 = arith.constant 144 : index
      %swap3A_81 = tpu.vector_load %arg5[%swap3A_79, %swap3A_80] {strides = array<i32>} : memref<8x1024xf32, #tpu.memory_space<vmem>>, vector<1x16xf32>,
      %swap3A_82 = vector.shape_cast %swap3A_81 : vector<1x16xf32> to vector<16xf32>
      %swap3A_83 = vector.shape_cast %div3A_14 : vector<16xf32> to vector<1x16xf32>
      tpu.vector_store %arg5[%swap3A_79, %swap3A_80], %swap3A_83 {strides = array<i32>} : memref<8x1024xf32, #tpu.memory_space<vmem>>, vector<1x16xf32>,
      %swap3A_84 = arith.constant 0 : i32
      %swap3A_85 = arith.index_cast %swap3A_84 : i32 to index
      %swap3A_86 = arith.constant 160 : index
      %swap3A_87 = tpu.vector_load %arg5[%swap3A_85, %swap3A_86] {strides = array<i32>} : memref<8x1024xf32, #tpu.memory_space<vmem>>, vector<1x16xf32>,
      %swap3A_88 = vector.shape_cast %swap3A_87 : vector<1x16xf32> to vector<16xf32>
      %swap3A_89 = vector.shape_cast %div3A_14 : vector<16xf32> to vector<1x16xf32>
      tpu.vector_store %arg5[%swap3A_85, %swap3A_86], %swap3A_89 {strides = array<i32>} : memref<8x1024xf32, #tpu.memory_space<vmem>>, vector<1x16xf32>,
      %swap3A_90 = arith.constant 0 : i32
      %swap3A_91 = arith.index_cast %swap3A_90 : i32 to index
      %swap3A_92 = arith.constant 176 : index
      %swap3A_93 = tpu.vector_load %arg5[%swap3A_91, %swap3A_92] {strides = array<i32>} : memref<8x1024xf32, #tpu.memory_space<vmem>>, vector<1x16xf32>,
      %swap3A_94 = vector.shape_cast %swap3A_93 : vector<1x16xf32> to vector<16xf32>
      %swap3A_95 = vector.shape_cast %div3A_14 : vector<16xf32> to vector<1x16xf32>
      tpu.vector_store %arg5[%swap3A_91, %swap3A_92], %swap3A_95 {strides = array<i32>} : memref<8x1024xf32, #tpu.memory_space<vmem>>, vector<1x16xf32>,
      %swap3A_96 = arith.constant 0 : i32
      %swap3A_97 = arith.index_cast %swap3A_96 : i32 to index
      %swap3A_98 = arith.constant 192 : index
      %swap3A_99 = tpu.vector_load %arg5[%swap3A_97, %swap3A_98] {strides = array<i32>} : memref<8x1024xf32, #tpu.memory_space<vmem>>, vector<1x16xf32>,
      %swap3A_100 = vector.shape_cast %swap3A_99 : vector<1x16xf32> to vector<16xf32>
      %swap3A_101 = vector.shape_cast %div3A_14 : vector<16xf32> to vector<1x16xf32>
      tpu.vector_store %arg5[%swap3A_97, %swap3A_98], %swap3A_101 {strides = array<i32>} : memref<8x1024xf32, #tpu.memory_space<vmem>>, vector<1x16xf32>,
      %swap3A_102 = arith.constant 0 : i32
      %swap3A_103 = arith.index_cast %swap3A_102 : i32 to index
      %swap3A_104 = arith.constant 208 : index
      %swap3A_105 = tpu.vector_load %arg5[%swap3A_103, %swap3A_104] {strides = array<i32>} : memref<8x1024xf32, #tpu.memory_space<vmem>>, vector<1x16xf32>,
      %swap3A_106 = vector.shape_cast %swap3A_105 : vector<1x16xf32> to vector<16xf32>
      %swap3A_107 = vector.shape_cast %div3A_14 : vector<16xf32> to vector<1x16xf32>
      tpu.vector_store %arg5[%swap3A_103, %swap3A_104], %swap3A_107 {strides = array<i32>} : memref<8x1024xf32, #tpu.memory_space<vmem>>, vector<1x16xf32>,
      %swap3A_108 = arith.constant 0 : i32
      %swap3A_109 = arith.index_cast %swap3A_108 : i32 to index
      %swap3A_110 = arith.constant 224 : index
      %swap3A_111 = tpu.vector_load %arg5[%swap3A_109, %swap3A_110] {strides = array<i32>} : memref<8x1024xf32, #tpu.memory_space<vmem>>, vector<1x16xf32>,
      %swap3A_112 = vector.shape_cast %swap3A_111 : vector<1x16xf32> to vector<16xf32>
      %swap3A_113 = vector.shape_cast %div3A_14 : vector<16xf32> to vector<1x16xf32>
      tpu.vector_store %arg5[%swap3A_109, %swap3A_110], %swap3A_113 {strides = array<i32>} : memref<8x1024xf32, #tpu.memory_space<vmem>>, vector<1x16xf32>,
      %swap3A_114 = arith.constant 0 : i32
      %swap3A_115 = arith.index_cast %swap3A_114 : i32 to index
      %swap3A_116 = arith.constant 240 : index
      %swap3A_117 = tpu.vector_load %arg5[%swap3A_115, %swap3A_116] {strides = array<i32>} : memref<8x1024xf32, #tpu.memory_space<vmem>>, vector<1x16xf32>,
      %swap3A_118 = vector.shape_cast %swap3A_117 : vector<1x16xf32> to vector<16xf32>
      %swap3A_119 = vector.shape_cast %div3A_14 : vector<16xf32> to vector<1x16xf32>
      tpu.vector_store %arg5[%swap3A_115, %swap3A_116], %swap3A_119 {strides = array<i32>} : memref<8x1024xf32, #tpu.memory_space<vmem>>, vector<1x16xf32>,
      %swap3A_120 = arith.constant 0 : i32
      %swap3A_121 = arith.index_cast %swap3A_120 : i32 to index
      %swap3A_122 = arith.constant 256 : index
      %swap3A_123 = tpu.vector_load %arg5[%swap3A_121, %swap3A_122] {strides = array<i32>} : memref<8x1024xf32, #tpu.memory_space<vmem>>, vector<1x16xf32>,
      %swap3A_124 = vector.shape_cast %swap3A_123 : vector<1x16xf32> to vector<16xf32>
      %swap3A_125 = vector.shape_cast %div3A_14 : vector<16xf32> to vector<1x16xf32>
      tpu.vector_store %arg5[%swap3A_121, %swap3A_122], %swap3A_125 {strides = array<i32>} : memref<8x1024xf32, #tpu.memory_space<vmem>>, vector<1x16xf32>,
      %swap3A_126 = arith.constant 0 : i32
      %swap3A_127 = arith.index_cast %swap3A_126 : i32 to index
      %swap3A_128 = arith.constant 272 : index
      %swap3A_129 = tpu.vector_load %arg5[%swap3A_127, %swap3A_128] {strides = array<i32>} : memref<8x1024xf32, #tpu.memory_space<vmem>>, vector<1x16xf32>,
      %swap3A_130 = vector.shape_cast %swap3A_129 : vector<1x16xf32> to vector<16xf32>
      %swap3A_131 = vector.shape_cast %div3A_14 : vector<16xf32> to vector<1x16xf32>
      tpu.vector_store %arg5[%swap3A_127, %swap3A_128], %swap3A_131 {strides = array<i32>} : memref<8x1024xf32, #tpu.memory_space<vmem>>, vector<1x16xf32>,
      %swap3A_132 = arith.constant 0 : i32
      %swap3A_133 = arith.index_cast %swap3A_132 : i32 to index
      %swap3A_134 = arith.constant 288 : index
      %swap3A_135 = tpu.vector_load %arg5[%swap3A_133, %swap3A_134] {strides = array<i32>} : memref<8x1024xf32, #tpu.memory_space<vmem>>, vector<1x16xf32>,
      %swap3A_136 = vector.shape_cast %swap3A_135 : vector<1x16xf32> to vector<16xf32>
      %swap3A_137 = vector.shape_cast %div3A_14 : vector<16xf32> to vector<1x16xf32>
      tpu.vector_store %arg5[%swap3A_133, %swap3A_134], %swap3A_137 {strides = array<i32>} : memref<8x1024xf32, #tpu.memory_space<vmem>>, vector<1x16xf32>,
      %swap3A_138 = arith.constant 0 : i32
      %swap3A_139 = arith.index_cast %swap3A_138 : i32 to index
      %swap3A_140 = arith.constant 304 : index
      %swap3A_141 = tpu.vector_load %arg5[%swap3A_139, %swap3A_140] {strides = array<i32>} : memref<8x1024xf32, #tpu.memory_space<vmem>>, vector<1x16xf32>,
      %swap3A_142 = vector.shape_cast %swap3A_141 : vector<1x16xf32> to vector<16xf32>
      %swap3A_143 = vector.shape_cast %div3A_14 : vector<16xf32> to vector<1x16xf32>
      tpu.vector_store %arg5[%swap3A_139, %swap3A_140], %swap3A_143 {strides = array<i32>} : memref<8x1024xf32, #tpu.memory_space<vmem>>, vector<1x16xf32>,
      %swap3A_144 = arith.constant 0 : i32
      %swap3A_145 = arith.index_cast %swap3A_144 : i32 to index
      %swap3A_146 = arith.constant 320 : index
      %swap3A_147 = tpu.vector_load %arg5[%swap3A_145, %swap3A_146] {strides = array<i32>} : memref<8x1024xf32, #tpu.memory_space<vmem>>, vector<1x16xf32>,
      %swap3A_148 = vector.shape_cast %swap3A_147 : vector<1x16xf32> to vector<16xf32>
      %swap3A_149 = vector.shape_cast %div3A_14 : vector<16xf32> to vector<1x16xf32>
      tpu.vector_store %arg5[%swap3A_145, %swap3A_146], %swap3A_149 {strides = array<i32>} : memref<8x1024xf32, #tpu.memory_space<vmem>>, vector<1x16xf32>,
      %swap3A_150 = arith.constant 0 : i32
      %swap3A_151 = arith.index_cast %swap3A_150 : i32 to index
      %swap3A_152 = arith.constant 336 : index
      %swap3A_153 = tpu.vector_load %arg5[%swap3A_151, %swap3A_152] {strides = array<i32>} : memref<8x1024xf32, #tpu.memory_space<vmem>>, vector<1x16xf32>,
      %swap3A_154 = vector.shape_cast %swap3A_153 : vector<1x16xf32> to vector<16xf32>
      %swap3A_155 = vector.shape_cast %div3A_14 : vector<16xf32> to vector<1x16xf32>
      tpu.vector_store %arg5[%swap3A_151, %swap3A_152], %swap3A_155 {strides = array<i32>} : memref<8x1024xf32, #tpu.memory_space<vmem>>, vector<1x16xf32>,
      %swap3A_156 = arith.constant 0 : i32
      %swap3A_157 = arith.index_cast %swap3A_156 : i32 to index
      %swap3A_158 = arith.constant 352 : index
      %swap3A_159 = tpu.vector_load %arg5[%swap3A_157, %swap3A_158] {strides = array<i32>} : memref<8x1024xf32, #tpu.memory_space<vmem>>, vector<1x16xf32>,
      %swap3A_160 = vector.shape_cast %swap3A_159 : vector<1x16xf32> to vector<16xf32>
      %swap3A_161 = vector.shape_cast %div3A_14 : vector<16xf32> to vector<1x16xf32>
      tpu.vector_store %arg5[%swap3A_157, %swap3A_158], %swap3A_161 {strides = array<i32>} : memref<8x1024xf32, #tpu.memory_space<vmem>>, vector<1x16xf32>,
      %swap3A_162 = arith.constant 0 : i32
      %swap3A_163 = arith.index_cast %swap3A_162 : i32 to index
      %swap3A_164 = arith.constant 368 : index
      %swap3A_165 = tpu.vector_load %arg5[%swap3A_163, %swap3A_164] {strides = array<i32>} : memref<8x1024xf32, #tpu.memory_space<vmem>>, vector<1x16xf32>,
      %swap3A_166 = vector.shape_cast %swap3A_165 : vector<1x16xf32> to vector<16xf32>
      %swap3A_167 = vector.shape_cast %div3A_14 : vector<16xf32> to vector<1x16xf32>
      tpu.vector_store %arg5[%swap3A_163, %swap3A_164], %swap3A_167 {strides = array<i32>} : memref<8x1024xf32, #tpu.memory_space<vmem>>, vector<1x16xf32>,
      %swap3A_168 = arith.constant 0 : i32
      %swap3A_169 = arith.index_cast %swap3A_168 : i32 to index
      %swap3A_170 = arith.constant 384 : index
      %swap3A_171 = tpu.vector_load %arg5[%swap3A_169, %swap3A_170] {strides = array<i32>} : memref<8x1024xf32, #tpu.memory_space<vmem>>, vector<1x16xf32>,
      %swap3A_172 = vector.shape_cast %swap3A_171 : vector<1x16xf32> to vector<16xf32>
      %swap3A_173 = vector.shape_cast %div3A_14 : vector<16xf32> to vector<1x16xf32>
      tpu.vector_store %arg5[%swap3A_169, %swap3A_170], %swap3A_173 {strides = array<i32>} : memref<8x1024xf32, #tpu.memory_space<vmem>>, vector<1x16xf32>,
      %swap3A_174 = arith.constant 0 : i32
      %swap3A_175 = arith.index_cast %swap3A_174 : i32 to index
      %swap3A_176 = arith.constant 400 : index
      %swap3A_177 = tpu.vector_load %arg5[%swap3A_175, %swap3A_176] {strides = array<i32>} : memref<8x1024xf32, #tpu.memory_space<vmem>>, vector<1x16xf32>,
      %swap3A_178 = vector.shape_cast %swap3A_177 : vector<1x16xf32> to vector<16xf32>
      %swap3A_179 = vector.shape_cast %div3A_14 : vector<16xf32> to vector<1x16xf32>
      tpu.vector_store %arg5[%swap3A_175, %swap3A_176], %swap3A_179 {strides = array<i32>} : memref<8x1024xf32, #tpu.memory_space<vmem>>, vector<1x16xf32>,
      %swap3A_180 = arith.constant 0 : i32
      %swap3A_181 = arith.index_cast %swap3A_180 : i32 to index
      %swap3A_182 = arith.constant 416 : index
      %swap3A_183 = tpu.vector_load %arg5[%swap3A_181, %swap3A_182] {strides = array<i32>} : memref<8x1024xf32, #tpu.memory_space<vmem>>, vector<1x16xf32>,
      %swap3A_184 = vector.shape_cast %swap3A_183 : vector<1x16xf32> to vector<16xf32>
      %swap3A_185 = vector.shape_cast %div3A_14 : vector<16xf32> to vector<1x16xf32>
      tpu.vector_store %arg5[%swap3A_181, %swap3A_182], %swap3A_185 {strides = array<i32>} : memref<8x1024xf32, #tpu.memory_space<vmem>>, vector<1x16xf32>,
      %swap3A_186 = arith.constant 0 : i32
      %swap3A_187 = arith.index_cast %swap3A_186 : i32 to index
      %swap3A_188 = arith.constant 432 : index
      %swap3A_189 = tpu.vector_load %arg5[%swap3A_187, %swap3A_188] {strides = array<i32>} : memref<8x1024xf32, #tpu.memory_space<vmem>>, vector<1x16xf32>,
      %swap3A_190 = vector.shape_cast %swap3A_189 : vector<1x16xf32> to vector<16xf32>
      %swap3A_191 = vector.shape_cast %div3A_14 : vector<16xf32> to vector<1x16xf32>
      tpu.vector_store %arg5[%swap3A_187, %swap3A_188], %swap3A_191 {strides = array<i32>} : memref<8x1024xf32, #tpu.memory_space<vmem>>, vector<1x16xf32>,
      %swap3A_192 = arith.constant 0 : i32
      %swap3A_193 = arith.index_cast %swap3A_192 : i32 to index
      %swap3A_194 = arith.constant 448 : index
      %swap3A_195 = tpu.vector_load %arg5[%swap3A_193, %swap3A_194] {strides = array<i32>} : memref<8x1024xf32, #tpu.memory_space<vmem>>, vector<1x16xf32>,
      %swap3A_196 = vector.shape_cast %swap3A_195 : vector<1x16xf32> to vector<16xf32>
      %swap3A_197 = vector.shape_cast %div3A_14 : vector<16xf32> to vector<1x16xf32>
      tpu.vector_store %arg5[%swap3A_193, %swap3A_194], %swap3A_197 {strides = array<i32>} : memref<8x1024xf32, #tpu.memory_space<vmem>>, vector<1x16xf32>,
      %swap3A_198 = arith.constant 0 : i32
      %swap3A_199 = arith.index_cast %swap3A_198 : i32 to index
      %swap3A_200 = arith.constant 464 : index
      %swap3A_201 = tpu.vector_load %arg5[%swap3A_199, %swap3A_200] {strides = array<i32>} : memref<8x1024xf32, #tpu.memory_space<vmem>>, vector<1x16xf32>,
      %swap3A_202 = vector.shape_cast %swap3A_201 : vector<1x16xf32> to vector<16xf32>
      %swap3A_203 = vector.shape_cast %div3A_14 : vector<16xf32> to vector<1x16xf32>
      tpu.vector_store %arg5[%swap3A_199, %swap3A_200], %swap3A_203 {strides = array<i32>} : memref<8x1024xf32, #tpu.memory_space<vmem>>, vector<1x16xf32>,
      %swap3A_204 = arith.constant 0 : i32
      %swap3A_205 = arith.index_cast %swap3A_204 : i32 to index
      %swap3A_206 = arith.constant 480 : index
      %swap3A_207 = tpu.vector_load %arg5[%swap3A_205, %swap3A_206] {strides = array<i32>} : memref<8x1024xf32, #tpu.memory_space<vmem>>, vector<1x16xf32>,
      %swap3A_208 = vector.shape_cast %swap3A_207 : vector<1x16xf32> to vector<16xf32>
      %swap3A_209 = vector.shape_cast %div3A_14 : vector<16xf32> to vector<1x16xf32>
      tpu.vector_store %arg5[%swap3A_205, %swap3A_206], %swap3A_209 {strides = array<i32>} : memref<8x1024xf32, #tpu.memory_space<vmem>>, vector<1x16xf32>,
      %swap3A_210 = arith.constant 0 : i32
      %swap3A_211 = arith.index_cast %swap3A_210 : i32 to index
      %swap3A_212 = arith.constant 496 : index
      %swap3A_213 = tpu.vector_load %arg5[%swap3A_211, %swap3A_212] {strides = array<i32>} : memref<8x1024xf32, #tpu.memory_space<vmem>>, vector<1x16xf32>,
      %swap3A_214 = vector.shape_cast %swap3A_213 : vector<1x16xf32> to vector<16xf32>
      %swap3A_215 = vector.shape_cast %div3A_14 : vector<16xf32> to vector<1x16xf32>
      tpu.vector_store %arg5[%swap3A_211, %swap3A_212], %swap3A_215 {strides = array<i32>} : memref<8x1024xf32, #tpu.memory_space<vmem>>, vector<1x16xf32>,
      %swap3A_216 = arith.constant 0 : i32
      %swap3A_217 = arith.index_cast %swap3A_216 : i32 to index
      %swap3A_218 = arith.constant 512 : index
      %swap3A_219 = tpu.vector_load %arg5[%swap3A_217, %swap3A_218] {strides = array<i32>} : memref<8x1024xf32, #tpu.memory_space<vmem>>, vector<1x16xf32>,
      %swap3A_220 = vector.shape_cast %swap3A_219 : vector<1x16xf32> to vector<16xf32>
      %swap3A_221 = vector.shape_cast %div3A_14 : vector<16xf32> to vector<1x16xf32>
      tpu.vector_store %arg5[%swap3A_217, %swap3A_218], %swap3A_221 {strides = array<i32>} : memref<8x1024xf32, #tpu.memory_space<vmem>>, vector<1x16xf32>,
      %swap3A_222 = arith.constant 0 : i32
      %swap3A_223 = arith.index_cast %swap3A_222 : i32 to index
      %swap3A_224 = arith.constant 528 : index
      %swap3A_225 = tpu.vector_load %arg5[%swap3A_223, %swap3A_224] {strides = array<i32>} : memref<8x1024xf32, #tpu.memory_space<vmem>>, vector<1x16xf32>,
      %swap3A_226 = vector.shape_cast %swap3A_225 : vector<1x16xf32> to vector<16xf32>
      %swap3A_227 = vector.shape_cast %div3A_14 : vector<16xf32> to vector<1x16xf32>
      tpu.vector_store %arg5[%swap3A_223, %swap3A_224], %swap3A_227 {strides = array<i32>} : memref<8x1024xf32, #tpu.memory_space<vmem>>, vector<1x16xf32>,
      %swap3A_228 = arith.constant 0 : i32
      %swap3A_229 = arith.index_cast %swap3A_228 : i32 to index
      %swap3A_230 = arith.constant 544 : index
      %swap3A_231 = tpu.vector_load %arg5[%swap3A_229, %swap3A_230] {strides = array<i32>} : memref<8x1024xf32, #tpu.memory_space<vmem>>, vector<1x16xf32>,
      %swap3A_232 = vector.shape_cast %swap3A_231 : vector<1x16xf32> to vector<16xf32>
      %swap3A_233 = vector.shape_cast %div3A_14 : vector<16xf32> to vector<1x16xf32>
      tpu.vector_store %arg5[%swap3A_229, %swap3A_230], %swap3A_233 {strides = array<i32>} : memref<8x1024xf32, #tpu.memory_space<vmem>>, vector<1x16xf32>,
      %swap3A_234 = arith.constant 0 : i32
      %swap3A_235 = arith.index_cast %swap3A_234 : i32 to index
      %swap3A_236 = arith.constant 560 : index
      %swap3A_237 = tpu.vector_load %arg5[%swap3A_235, %swap3A_236] {strides = array<i32>} : memref<8x1024xf32, #tpu.memory_space<vmem>>, vector<1x16xf32>,
      %swap3A_238 = vector.shape_cast %swap3A_237 : vector<1x16xf32> to vector<16xf32>
      %swap3A_239 = vector.shape_cast %div3A_14 : vector<16xf32> to vector<1x16xf32>
      tpu.vector_store %arg5[%swap3A_235, %swap3A_236], %swap3A_239 {strides = array<i32>} : memref<8x1024xf32, #tpu.memory_space<vmem>>, vector<1x16xf32>,
      %swap3A_240 = arith.constant 0 : i32
      %swap3A_241 = arith.index_cast %swap3A_240 : i32 to index
      %swap3A_242 = arith.constant 576 : index
      %swap3A_243 = tpu.vector_load %arg5[%swap3A_241, %swap3A_242] {strides = array<i32>} : memref<8x1024xf32, #tpu.memory_space<vmem>>, vector<1x16xf32>,
      %swap3A_244 = vector.shape_cast %swap3A_243 : vector<1x16xf32> to vector<16xf32>
      %swap3A_245 = vector.shape_cast %div3A_14 : vector<16xf32> to vector<1x16xf32>
      tpu.vector_store %arg5[%swap3A_241, %swap3A_242], %swap3A_245 {strides = array<i32>} : memref<8x1024xf32, #tpu.memory_space<vmem>>, vector<1x16xf32>,
      %swap3A_246 = arith.constant 0 : i32
      %swap3A_247 = arith.index_cast %swap3A_246 : i32 to index
      %swap3A_248 = arith.constant 592 : index
      %swap3A_249 = tpu.vector_load %arg5[%swap3A_247, %swap3A_248] {strides = array<i32>} : memref<8x1024xf32, #tpu.memory_space<vmem>>, vector<1x16xf32>,
      %swap3A_250 = vector.shape_cast %swap3A_249 : vector<1x16xf32> to vector<16xf32>
      %swap3A_251 = vector.shape_cast %div3A_14 : vector<16xf32> to vector<1x16xf32>
      tpu.vector_store %arg5[%swap3A_247, %swap3A_248], %swap3A_251 {strides = array<i32>} : memref<8x1024xf32, #tpu.memory_space<vmem>>, vector<1x16xf32>,
      %swap3A_252 = arith.constant 0 : i32
      %swap3A_253 = arith.index_cast %swap3A_252 : i32 to index
      %swap3A_254 = arith.constant 608 : index
      %swap3A_255 = tpu.vector_load %arg5[%swap3A_253, %swap3A_254] {strides = array<i32>} : memref<8x1024xf32, #tpu.memory_space<vmem>>, vector<1x16xf32>,
      %swap3A_256 = vector.shape_cast %swap3A_255 : vector<1x16xf32> to vector<16xf32>
      %swap3A_257 = vector.shape_cast %div3A_14 : vector<16xf32> to vector<1x16xf32>
      tpu.vector_store %arg5[%swap3A_253, %swap3A_254], %swap3A_257 {strides = array<i32>} : memref<8x1024xf32, #tpu.memory_space<vmem>>, vector<1x16xf32>,
      %swap3A_258 = arith.constant 0 : i32
      %swap3A_259 = arith.index_cast %swap3A_258 : i32 to index
      %swap3A_260 = arith.constant 624 : index
      %swap3A_261 = tpu.vector_load %arg5[%swap3A_259, %swap3A_260] {strides = array<i32>} : memref<8x1024xf32, #tpu.memory_space<vmem>>, vector<1x16xf32>,
      %swap3A_262 = vector.shape_cast %swap3A_261 : vector<1x16xf32> to vector<16xf32>
      %swap3A_263 = vector.shape_cast %div3A_14 : vector<16xf32> to vector<1x16xf32>
      tpu.vector_store %arg5[%swap3A_259, %swap3A_260], %swap3A_263 {strides = array<i32>} : memref<8x1024xf32, #tpu.memory_space<vmem>>, vector<1x16xf32>,
      %swap3A_264 = arith.constant 0 : i32
      %swap3A_265 = arith.index_cast %swap3A_264 : i32 to index
      %swap3A_266 = arith.constant 640 : index
      %swap3A_267 = tpu.vector_load %arg5[%swap3A_265, %swap3A_266] {strides = array<i32>} : memref<8x1024xf32, #tpu.memory_space<vmem>>, vector<1x16xf32>,
      %swap3A_268 = vector.shape_cast %swap3A_267 : vector<1x16xf32> to vector<16xf32>
      %swap3A_269 = vector.shape_cast %div3A_14 : vector<16xf32> to vector<1x16xf32>
      tpu.vector_store %arg5[%swap3A_265, %swap3A_266], %swap3A_269 {strides = array<i32>} : memref<8x1024xf32, #tpu.memory_space<vmem>>, vector<1x16xf32>,
      %swap3A_270 = arith.constant 0 : i32
      %swap3A_271 = arith.index_cast %swap3A_270 : i32 to index
      %swap3A_272 = arith.constant 656 : index
      %swap3A_273 = tpu.vector_load %arg5[%swap3A_271, %swap3A_272] {strides = array<i32>} : memref<8x1024xf32, #tpu.memory_space<vmem>>, vector<1x16xf32>,
      %swap3A_274 = vector.shape_cast %swap3A_273 : vector<1x16xf32> to vector<16xf32>
      %swap3A_275 = vector.shape_cast %div3A_14 : vector<16xf32> to vector<1x16xf32>
      tpu.vector_store %arg5[%swap3A_271, %swap3A_272], %swap3A_275 {strides = array<i32>} : memref<8x1024xf32, #tpu.memory_space<vmem>>, vector<1x16xf32>,
      %swap3A_276 = arith.constant 0 : i32
      %swap3A_277 = arith.index_cast %swap3A_276 : i32 to index
      %swap3A_278 = arith.constant 672 : index
      %swap3A_279 = tpu.vector_load %arg5[%swap3A_277, %swap3A_278] {strides = array<i32>} : memref<8x1024xf32, #tpu.memory_space<vmem>>, vector<1x16xf32>,
      %swap3A_280 = vector.shape_cast %swap3A_279 : vector<1x16xf32> to vector<16xf32>
      %swap3A_281 = vector.shape_cast %div3A_14 : vector<16xf32> to vector<1x16xf32>
      tpu.vector_store %arg5[%swap3A_277, %swap3A_278], %swap3A_281 {strides = array<i32>} : memref<8x1024xf32, #tpu.memory_space<vmem>>, vector<1x16xf32>,
      %swap3A_282 = arith.constant 0 : i32
      %swap3A_283 = arith.index_cast %swap3A_282 : i32 to index
      %swap3A_284 = arith.constant 688 : index
      %swap3A_285 = tpu.vector_load %arg5[%swap3A_283, %swap3A_284] {strides = array<i32>} : memref<8x1024xf32, #tpu.memory_space<vmem>>, vector<1x16xf32>,
      %swap3A_286 = vector.shape_cast %swap3A_285 : vector<1x16xf32> to vector<16xf32>
      %swap3A_287 = vector.shape_cast %div3A_14 : vector<16xf32> to vector<1x16xf32>
      tpu.vector_store %arg5[%swap3A_283, %swap3A_284], %swap3A_287 {strides = array<i32>} : memref<8x1024xf32, #tpu.memory_space<vmem>>, vector<1x16xf32>,
      %swap3A_288 = arith.constant 0 : i32
      %swap3A_289 = arith.index_cast %swap3A_288 : i32 to index
      %swap3A_290 = arith.constant 704 : index
      %swap3A_291 = tpu.vector_load %arg5[%swap3A_289, %swap3A_290] {strides = array<i32>} : memref<8x1024xf32, #tpu.memory_space<vmem>>, vector<1x16xf32>,
      %swap3A_292 = vector.shape_cast %swap3A_291 : vector<1x16xf32> to vector<16xf32>
      %swap3A_293 = vector.shape_cast %div3A_14 : vector<16xf32> to vector<1x16xf32>
      tpu.vector_store %arg5[%swap3A_289, %swap3A_290], %swap3A_293 {strides = array<i32>} : memref<8x1024xf32, #tpu.memory_space<vmem>>, vector<1x16xf32>,
      %swap3A_294 = arith.constant 0 : i32
      %swap3A_295 = arith.index_cast %swap3A_294 : i32 to index
      %swap3A_296 = arith.constant 720 : index
      %swap3A_297 = tpu.vector_load %arg5[%swap3A_295, %swap3A_296] {strides = array<i32>} : memref<8x1024xf32, #tpu.memory_space<vmem>>, vector<1x16xf32>,
      %swap3A_298 = vector.shape_cast %swap3A_297 : vector<1x16xf32> to vector<16xf32>
      %swap3A_299 = vector.shape_cast %div3A_14 : vector<16xf32> to vector<1x16xf32>
      tpu.vector_store %arg5[%swap3A_295, %swap3A_296], %swap3A_299 {strides = array<i32>} : memref<8x1024xf32, #tpu.memory_space<vmem>>, vector<1x16xf32>,
      %swap3A_300 = arith.constant 0 : i32
      %swap3A_301 = arith.index_cast %swap3A_300 : i32 to index
      %swap3A_302 = arith.constant 736 : index
      %swap3A_303 = tpu.vector_load %arg5[%swap3A_301, %swap3A_302] {strides = array<i32>} : memref<8x1024xf32, #tpu.memory_space<vmem>>, vector<1x16xf32>,
      %swap3A_304 = vector.shape_cast %swap3A_303 : vector<1x16xf32> to vector<16xf32>
      %swap3A_305 = vector.shape_cast %div3A_14 : vector<16xf32> to vector<1x16xf32>
      tpu.vector_store %arg5[%swap3A_301, %swap3A_302], %swap3A_305 {strides = array<i32>} : memref<8x1024xf32, #tpu.memory_space<vmem>>, vector<1x16xf32>,
      %swap3A_306 = arith.constant 0 : i32
      %swap3A_307 = arith.index_cast %swap3A_306 : i32 to index
      %swap3A_308 = arith.constant 752 : index
      %swap3A_309 = tpu.vector_load %arg5[%swap3A_307, %swap3A_308] {strides = array<i32>} : memref<8x1024xf32, #tpu.memory_space<vmem>>, vector<1x16xf32>,
      %swap3A_310 = vector.shape_cast %swap3A_309 : vector<1x16xf32> to vector<16xf32>
      %swap3A_311 = vector.shape_cast %div3A_14 : vector<16xf32> to vector<1x16xf32>
      tpu.vector_store %arg5[%swap3A_307, %swap3A_308], %swap3A_311 {strides = array<i32>} : memref<8x1024xf32, #tpu.memory_space<vmem>>, vector<1x16xf32>,
      %swap3A_312 = arith.constant 0 : i32
      %swap3A_313 = arith.index_cast %swap3A_312 : i32 to index
      %swap3A_314 = arith.constant 768 : index
      %swap3A_315 = tpu.vector_load %arg5[%swap3A_313, %swap3A_314] {strides = array<i32>} : memref<8x1024xf32, #tpu.memory_space<vmem>>, vector<1x16xf32>,
      %swap3A_316 = vector.shape_cast %swap3A_315 : vector<1x16xf32> to vector<16xf32>
      %swap3A_317 = vector.shape_cast %div3A_14 : vector<16xf32> to vector<1x16xf32>
      tpu.vector_store %arg5[%swap3A_313, %swap3A_314], %swap3A_317 {strides = array<i32>} : memref<8x1024xf32, #tpu.memory_space<vmem>>, vector<1x16xf32>,
      %swap3A_318 = arith.constant 0 : i32
      %swap3A_319 = arith.index_cast %swap3A_318 : i32 to index
      %swap3A_320 = arith.constant 784 : index
      %swap3A_321 = tpu.vector_load %arg5[%swap3A_319, %swap3A_320] {strides = array<i32>} : memref<8x1024xf32, #tpu.memory_space<vmem>>, vector<1x16xf32>,
      %swap3A_322 = vector.shape_cast %swap3A_321 : vector<1x16xf32> to vector<16xf32>
      %swap3A_323 = vector.shape_cast %div3A_14 : vector<16xf32> to vector<1x16xf32>
      tpu.vector_store %arg5[%swap3A_319, %swap3A_320], %swap3A_323 {strides = array<i32>} : memref<8x1024xf32, #tpu.memory_space<vmem>>, vector<1x16xf32>,
      %swap3A_324 = arith.constant 0 : i32
      %swap3A_325 = arith.index_cast %swap3A_324 : i32 to index
      %swap3A_326 = arith.constant 800 : index
      %swap3A_327 = tpu.vector_load %arg5[%swap3A_325, %swap3A_326] {strides = array<i32>} : memref<8x1024xf32, #tpu.memory_space<vmem>>, vector<1x16xf32>,
      %swap3A_328 = vector.shape_cast %swap3A_327 : vector<1x16xf32> to vector<16xf32>
      %swap3A_329 = vector.shape_cast %div3A_14 : vector<16xf32> to vector<1x16xf32>
      tpu.vector_store %arg5[%swap3A_325, %swap3A_326], %swap3A_329 {strides = array<i32>} : memref<8x1024xf32, #tpu.memory_space<vmem>>, vector<1x16xf32>,
      %swap3A_330 = arith.constant 0 : i32
      %swap3A_331 = arith.index_cast %swap3A_330 : i32 to index
      %swap3A_332 = arith.constant 816 : index
      %swap3A_333 = tpu.vector_load %arg5[%swap3A_331, %swap3A_332] {strides = array<i32>} : memref<8x1024xf32, #tpu.memory_space<vmem>>, vector<1x16xf32>,
      %swap3A_334 = vector.shape_cast %swap3A_333 : vector<1x16xf32> to vector<16xf32>
      %swap3A_335 = vector.shape_cast %div3A_14 : vector<16xf32> to vector<1x16xf32>
      tpu.vector_store %arg5[%swap3A_331, %swap3A_332], %swap3A_335 {strides = array<i32>} : memref<8x1024xf32, #tpu.memory_space<vmem>>, vector<1x16xf32>,
      %swap3A_336 = arith.constant 0 : i32
      %swap3A_337 = arith.index_cast %swap3A_336 : i32 to index
      %swap3A_338 = arith.constant 832 : index
      %swap3A_339 = tpu.vector_load %arg5[%swap3A_337, %swap3A_338] {strides = array<i32>} : memref<8x1024xf32, #tpu.memory_space<vmem>>, vector<1x16xf32>,
      %swap3A_340 = vector.shape_cast %swap3A_339 : vector<1x16xf32> to vector<16xf32>
      %swap3A_341 = vector.shape_cast %div3A_14 : vector<16xf32> to vector<1x16xf32>
      tpu.vector_store %arg5[%swap3A_337, %swap3A_338], %swap3A_341 {strides = array<i32>} : memref<8x1024xf32, #tpu.memory_space<vmem>>, vector<1x16xf32>,
      %swap3A_342 = arith.constant 0 : i32
      %swap3A_343 = arith.index_cast %swap3A_342 : i32 to index
      %swap3A_344 = arith.constant 848 : index
      %swap3A_345 = tpu.vector_load %arg5[%swap3A_343, %swap3A_344] {strides = array<i32>} : memref<8x1024xf32, #tpu.memory_space<vmem>>, vector<1x16xf32>,
      %swap3A_346 = vector.shape_cast %swap3A_345 : vector<1x16xf32> to vector<16xf32>
      %swap3A_347 = vector.shape_cast %div3A_14 : vector<16xf32> to vector<1x16xf32>
      tpu.vector_store %arg5[%swap3A_343, %swap3A_344], %swap3A_347 {strides = array<i32>} : memref<8x1024xf32, #tpu.memory_space<vmem>>, vector<1x16xf32>,
      %swap3A_348 = arith.constant 0 : i32
      %swap3A_349 = arith.index_cast %swap3A_348 : i32 to index
      %swap3A_350 = arith.constant 864 : index
      %swap3A_351 = tpu.vector_load %arg5[%swap3A_349, %swap3A_350] {strides = array<i32>} : memref<8x1024xf32, #tpu.memory_space<vmem>>, vector<1x16xf32>,
      %swap3A_352 = vector.shape_cast %swap3A_351 : vector<1x16xf32> to vector<16xf32>
      %swap3A_353 = vector.shape_cast %div3A_14 : vector<16xf32> to vector<1x16xf32>
      tpu.vector_store %arg5[%swap3A_349, %swap3A_350], %swap3A_353 {strides = array<i32>} : memref<8x1024xf32, #tpu.memory_space<vmem>>, vector<1x16xf32>,
      %swap3A_354 = arith.constant 0 : i32
      %swap3A_355 = arith.index_cast %swap3A_354 : i32 to index
      %swap3A_356 = arith.constant 880 : index
      %swap3A_357 = tpu.vector_load %arg5[%swap3A_355, %swap3A_356] {strides = array<i32>} : memref<8x1024xf32, #tpu.memory_space<vmem>>, vector<1x16xf32>,
      %swap3A_358 = vector.shape_cast %swap3A_357 : vector<1x16xf32> to vector<16xf32>
      %swap3A_359 = vector.shape_cast %div3A_14 : vector<16xf32> to vector<1x16xf32>
      tpu.vector_store %arg5[%swap3A_355, %swap3A_356], %swap3A_359 {strides = array<i32>} : memref<8x1024xf32, #tpu.memory_space<vmem>>, vector<1x16xf32>,
      %swap3A_360 = arith.constant 0 : i32
      %swap3A_361 = arith.index_cast %swap3A_360 : i32 to index
      %swap3A_362 = arith.constant 896 : index
      %swap3A_363 = tpu.vector_load %arg5[%swap3A_361, %swap3A_362] {strides = array<i32>} : memref<8x1024xf32, #tpu.memory_space<vmem>>, vector<1x16xf32>,
      %swap3A_364 = vector.shape_cast %swap3A_363 : vector<1x16xf32> to vector<16xf32>
      %swap3A_365 = vector.shape_cast %div3A_14 : vector<16xf32> to vector<1x16xf32>
      tpu.vector_store %arg5[%swap3A_361, %swap3A_362], %swap3A_365 {strides = array<i32>} : memref<8x1024xf32, #tpu.memory_space<vmem>>, vector<1x16xf32>,
      %swap3A_366 = arith.constant 0 : i32
      %swap3A_367 = arith.index_cast %swap3A_366 : i32 to index
      %swap3A_368 = arith.constant 912 : index
      %swap3A_369 = tpu.vector_load %arg5[%swap3A_367, %swap3A_368] {strides = array<i32>} : memref<8x1024xf32, #tpu.memory_space<vmem>>, vector<1x16xf32>,
      %swap3A_370 = vector.shape_cast %swap3A_369 : vector<1x16xf32> to vector<16xf32>
      %swap3A_371 = vector.shape_cast %div3A_14 : vector<16xf32> to vector<1x16xf32>
      tpu.vector_store %arg5[%swap3A_367, %swap3A_368], %swap3A_371 {strides = array<i32>} : memref<8x1024xf32, #tpu.memory_space<vmem>>, vector<1x16xf32>,
      %swap3A_372 = arith.constant 0 : i32
      %swap3A_373 = arith.index_cast %swap3A_372 : i32 to index
      %swap3A_374 = arith.constant 928 : index
      %swap3A_375 = tpu.vector_load %arg5[%swap3A_373, %swap3A_374] {strides = array<i32>} : memref<8x1024xf32, #tpu.memory_space<vmem>>, vector<1x16xf32>,
      %swap3A_376 = vector.shape_cast %swap3A_375 : vector<1x16xf32> to vector<16xf32>
      %swap3A_377 = vector.shape_cast %div3A_14 : vector<16xf32> to vector<1x16xf32>
      tpu.vector_store %arg5[%swap3A_373, %swap3A_374], %swap3A_377 {strides = array<i32>} : memref<8x1024xf32, #tpu.memory_space<vmem>>, vector<1x16xf32>,
      %swap3A_378 = arith.constant 0 : i32
      %swap3A_379 = arith.index_cast %swap3A_378 : i32 to index
      %swap3A_380 = arith.constant 944 : index
      %swap3A_381 = tpu.vector_load %arg5[%swap3A_379, %swap3A_380] {strides = array<i32>} : memref<8x1024xf32, #tpu.memory_space<vmem>>, vector<1x16xf32>,
      %swap3A_382 = vector.shape_cast %swap3A_381 : vector<1x16xf32> to vector<16xf32>
      %swap3A_383 = vector.shape_cast %div3A_14 : vector<16xf32> to vector<1x16xf32>
      tpu.vector_store %arg5[%swap3A_379, %swap3A_380], %swap3A_383 {strides = array<i32>} : memref<8x1024xf32, #tpu.memory_space<vmem>>, vector<1x16xf32>,
      %swap3A_384 = arith.constant 0 : i32
      %swap3A_385 = arith.index_cast %swap3A_384 : i32 to index
      %swap3A_386 = arith.constant 960 : index
      %swap3A_387 = tpu.vector_load %arg5[%swap3A_385, %swap3A_386] {strides = array<i32>} : memref<8x1024xf32, #tpu.memory_space<vmem>>, vector<1x16xf32>,
      %swap3A_388 = vector.shape_cast %swap3A_387 : vector<1x16xf32> to vector<16xf32>
      %swap3A_389 = vector.shape_cast %div3A_14 : vector<16xf32> to vector<1x16xf32>
      tpu.vector_store %arg5[%swap3A_385, %swap3A_386], %swap3A_389 {strides = array<i32>} : memref<8x1024xf32, #tpu.memory_space<vmem>>, vector<1x16xf32>,
      %swap3A_390 = arith.constant 0 : i32
      %swap3A_391 = arith.index_cast %swap3A_390 : i32 to index
      %swap3A_392 = arith.constant 976 : index
      %swap3A_393 = tpu.vector_load %arg5[%swap3A_391, %swap3A_392] {strides = array<i32>} : memref<8x1024xf32, #tpu.memory_space<vmem>>, vector<1x16xf32>,
      %swap3A_394 = vector.shape_cast %swap3A_393 : vector<1x16xf32> to vector<16xf32>
      %swap3A_395 = vector.shape_cast %div3A_14 : vector<16xf32> to vector<1x16xf32>
      tpu.vector_store %arg5[%swap3A_391, %swap3A_392], %swap3A_395 {strides = array<i32>} : memref<8x1024xf32, #tpu.memory_space<vmem>>, vector<1x16xf32>,
      %swap3A_396 = arith.constant 0 : i32
      %swap3A_397 = arith.index_cast %swap3A_396 : i32 to index
      %swap3A_398 = arith.constant 992 : index
      %swap3A_399 = tpu.vector_load %arg5[%swap3A_397, %swap3A_398] {strides = array<i32>} : memref<8x1024xf32, #tpu.memory_space<vmem>>, vector<1x16xf32>,
      %swap3A_400 = vector.shape_cast %swap3A_399 : vector<1x16xf32> to vector<16xf32>
      %swap3A_401 = vector.shape_cast %div3A_14 : vector<16xf32> to vector<1x16xf32>
      tpu.vector_store %arg5[%swap3A_397, %swap3A_398], %swap3A_401 {strides = array<i32>} : memref<8x1024xf32, #tpu.memory_space<vmem>>, vector<1x16xf32>,
      %swap3A_402 = arith.constant 0 : i32
      %swap3A_403 = arith.index_cast %swap3A_402 : i32 to index
      %swap3A_404 = arith.constant 1008 : index
      %swap3A_405 = tpu.vector_load %arg5[%swap3A_403, %swap3A_404] {strides = array<i32>} : memref<8x1024xf32, #tpu.memory_space<vmem>>, vector<1x16xf32>,
      %swap3A_406 = vector.shape_cast %swap3A_405 : vector<1x16xf32> to vector<16xf32>
      %swap3A_407 = vector.shape_cast %div3A_14 : vector<16xf32> to vector<1x16xf32>
      tpu.vector_store %arg5[%swap3A_403, %swap3A_404], %swap3A_407 {strides = array<i32>} : memref<8x1024xf32, #tpu.memory_space<vmem>>, vector<1x16xf32>,
      %swap3A_408 = arith.constant 1 : i32
      %swap3A_409 = arith.index_cast %swap3A_408 : i32 to index
      %swap3A_410 = arith.constant 0 : index
      %swap3A_411 = tpu.vector_load %arg5[%swap3A_409, %swap3A_410] {strides = array<i32>} : memref<8x1024xf32, #tpu.memory_space<vmem>>, vector<1x16xf32>,
      %swap3A_412 = vector.shape_cast %swap3A_411 : vector<1x16xf32> to vector<16xf32>
      %swap3A_413 = vector.shape_cast %div3A_24 : vector<16xf32> to vector<1x16xf32>
      tpu.vector_store %arg5[%swap3A_409, %swap3A_410], %swap3A_413 {strides = array<i32>} : memref<8x1024xf32, #tpu.memory_space<vmem>>, vector<1x16xf32>,
      %swap3A_414 = arith.constant 1 : i32
      %swap3A_415 = arith.index_cast %swap3A_414 : i32 to index
      %swap3A_416 = arith.constant 16 : index
      %swap3A_417 = tpu.vector_load %arg5[%swap3A_415, %swap3A_416] {strides = array<i32>} : memref<8x1024xf32, #tpu.memory_space<vmem>>, vector<1x16xf32>,
      %swap3A_418 = vector.shape_cast %swap3A_417 : vector<1x16xf32> to vector<16xf32>
      %swap3A_419 = vector.shape_cast %div3A_24 : vector<16xf32> to vector<1x16xf32>
      tpu.vector_store %arg5[%swap3A_415, %swap3A_416], %swap3A_419 {strides = array<i32>} : memref<8x1024xf32, #tpu.memory_space<vmem>>, vector<1x16xf32>,
      %swap3A_420 = arith.constant 1 : i32
      %swap3A_421 = arith.index_cast %swap3A_420 : i32 to index
      %swap3A_422 = arith.constant 32 : index
      %swap3A_423 = tpu.vector_load %arg5[%swap3A_421, %swap3A_422] {strides = array<i32>} : memref<8x1024xf32, #tpu.memory_space<vmem>>, vector<1x16xf32>,
      %swap3A_424 = vector.shape_cast %swap3A_423 : vector<1x16xf32> to vector<16xf32>
      %swap3A_425 = vector.shape_cast %div3A_24 : vector<16xf32> to vector<1x16xf32>
      tpu.vector_store %arg5[%swap3A_421, %swap3A_422], %swap3A_425 {strides = array<i32>} : memref<8x1024xf32, #tpu.memory_space<vmem>>, vector<1x16xf32>,
      %swap3A_426 = arith.constant 1 : i32
      %swap3A_427 = arith.index_cast %swap3A_426 : i32 to index
      %swap3A_428 = arith.constant 48 : index
      %swap3A_429 = tpu.vector_load %arg5[%swap3A_427, %swap3A_428] {strides = array<i32>} : memref<8x1024xf32, #tpu.memory_space<vmem>>, vector<1x16xf32>,
      %swap3A_430 = vector.shape_cast %swap3A_429 : vector<1x16xf32> to vector<16xf32>
      %swap3A_431 = vector.shape_cast %div3A_24 : vector<16xf32> to vector<1x16xf32>
      tpu.vector_store %arg5[%swap3A_427, %swap3A_428], %swap3A_431 {strides = array<i32>} : memref<8x1024xf32, #tpu.memory_space<vmem>>, vector<1x16xf32>,
      %swap3A_432 = arith.constant 1 : i32
      %swap3A_433 = arith.index_cast %swap3A_432 : i32 to index
      %swap3A_434 = arith.constant 64 : index
      %swap3A_435 = tpu.vector_load %arg5[%swap3A_433, %swap3A_434] {strides = array<i32>} : memref<8x1024xf32, #tpu.memory_space<vmem>>, vector<1x16xf32>,
      %swap3A_436 = vector.shape_cast %swap3A_435 : vector<1x16xf32> to vector<16xf32>
      %swap3A_437 = vector.shape_cast %div3A_24 : vector<16xf32> to vector<1x16xf32>
      tpu.vector_store %arg5[%swap3A_433, %swap3A_434], %swap3A_437 {strides = array<i32>} : memref<8x1024xf32, #tpu.memory_space<vmem>>, vector<1x16xf32>,
      %swap3A_438 = arith.constant 1 : i32
      %swap3A_439 = arith.index_cast %swap3A_438 : i32 to index
      %swap3A_440 = arith.constant 80 : index
      %swap3A_441 = tpu.vector_load %arg5[%swap3A_439, %swap3A_440] {strides = array<i32>} : memref<8x1024xf32, #tpu.memory_space<vmem>>, vector<1x16xf32>,
      %swap3A_442 = vector.shape_cast %swap3A_441 : vector<1x16xf32> to vector<16xf32>
      %swap3A_443 = vector.shape_cast %div3A_24 : vector<16xf32> to vector<1x16xf32>
      tpu.vector_store %arg5[%swap3A_439, %swap3A_440], %swap3A_443 {strides = array<i32>} : memref<8x1024xf32, #tpu.memory_space<vmem>>, vector<1x16xf32>,
      %swap3A_444 = arith.constant 1 : i32
      %swap3A_445 = arith.index_cast %swap3A_444 : i32 to index
      %swap3A_446 = arith.constant 96 : index
      %swap3A_447 = tpu.vector_load %arg5[%swap3A_445, %swap3A_446] {strides = array<i32>} : memref<8x1024xf32, #tpu.memory_space<vmem>>, vector<1x16xf32>,
      %swap3A_448 = vector.shape_cast %swap3A_447 : vector<1x16xf32> to vector<16xf32>
      %swap3A_449 = vector.shape_cast %div3A_24 : vector<16xf32> to vector<1x16xf32>
      tpu.vector_store %arg5[%swap3A_445, %swap3A_446], %swap3A_449 {strides = array<i32>} : memref<8x1024xf32, #tpu.memory_space<vmem>>, vector<1x16xf32>,
      %swap3A_450 = arith.constant 1 : i32
      %swap3A_451 = arith.index_cast %swap3A_450 : i32 to index
      %swap3A_452 = arith.constant 112 : index
      %swap3A_453 = tpu.vector_load %arg5[%swap3A_451, %swap3A_452] {strides = array<i32>} : memref<8x1024xf32, #tpu.memory_space<vmem>>, vector<1x16xf32>,
      %swap3A_454 = vector.shape_cast %swap3A_453 : vector<1x16xf32> to vector<16xf32>
      %swap3A_455 = vector.shape_cast %div3A_24 : vector<16xf32> to vector<1x16xf32>
      tpu.vector_store %arg5[%swap3A_451, %swap3A_452], %swap3A_455 {strides = array<i32>} : memref<8x1024xf32, #tpu.memory_space<vmem>>, vector<1x16xf32>,
      %swap3A_456 = arith.constant 1 : i32
      %swap3A_457 = arith.index_cast %swap3A_456 : i32 to index
      %swap3A_458 = arith.constant 128 : index
      %swap3A_459 = tpu.vector_load %arg5[%swap3A_457, %swap3A_458] {strides = array<i32>} : memref<8x1024xf32, #tpu.memory_space<vmem>>, vector<1x16xf32>,
      %swap3A_460 = vector.shape_cast %swap3A_459 : vector<1x16xf32> to vector<16xf32>
      %swap3A_461 = vector.shape_cast %div3A_24 : vector<16xf32> to vector<1x16xf32>
      tpu.vector_store %arg5[%swap3A_457, %swap3A_458], %swap3A_461 {strides = array<i32>} : memref<8x1024xf32, #tpu.memory_space<vmem>>, vector<1x16xf32>,
      %swap3A_462 = arith.constant 1 : i32
      %swap3A_463 = arith.index_cast %swap3A_462 : i32 to index
      %swap3A_464 = arith.constant 144 : index
      %swap3A_465 = tpu.vector_load %arg5[%swap3A_463, %swap3A_464] {strides = array<i32>} : memref<8x1024xf32, #tpu.memory_space<vmem>>, vector<1x16xf32>,
      %swap3A_466 = vector.shape_cast %swap3A_465 : vector<1x16xf32> to vector<16xf32>
      %swap3A_467 = vector.shape_cast %div3A_24 : vector<16xf32> to vector<1x16xf32>
      tpu.vector_store %arg5[%swap3A_463, %swap3A_464], %swap3A_467 {strides = array<i32>} : memref<8x1024xf32, #tpu.memory_space<vmem>>, vector<1x16xf32>,
      %swap3A_468 = arith.constant 1 : i32
      %swap3A_469 = arith.index_cast %swap3A_468 : i32 to index
      %swap3A_470 = arith.constant 160 : index
      %swap3A_471 = tpu.vector_load %arg5[%swap3A_469, %swap3A_470] {strides = array<i32>} : memref<8x1024xf32, #tpu.memory_space<vmem>>, vector<1x16xf32>,
      %swap3A_472 = vector.shape_cast %swap3A_471 : vector<1x16xf32> to vector<16xf32>
      %swap3A_473 = vector.shape_cast %div3A_24 : vector<16xf32> to vector<1x16xf32>
      tpu.vector_store %arg5[%swap3A_469, %swap3A_470], %swap3A_473 {strides = array<i32>} : memref<8x1024xf32, #tpu.memory_space<vmem>>, vector<1x16xf32>,
      %swap3A_474 = arith.constant 1 : i32
      %swap3A_475 = arith.index_cast %swap3A_474 : i32 to index
      %swap3A_476 = arith.constant 176 : index
      %swap3A_477 = tpu.vector_load %arg5[%swap3A_475, %swap3A_476] {strides = array<i32>} : memref<8x1024xf32, #tpu.memory_space<vmem>>, vector<1x16xf32>,
      %swap3A_478 = vector.shape_cast %swap3A_477 : vector<1x16xf32> to vector<16xf32>
      %swap3A_479 = vector.shape_cast %div3A_24 : vector<16xf32> to vector<1x16xf32>
      tpu.vector_store %arg5[%swap3A_475, %swap3A_476], %swap3A_479 {strides = array<i32>} : memref<8x1024xf32, #tpu.memory_space<vmem>>, vector<1x16xf32>,
      %swap3A_480 = arith.constant 1 : i32
      %swap3A_481 = arith.index_cast %swap3A_480 : i32 to index
      %swap3A_482 = arith.constant 192 : index
      %swap3A_483 = tpu.vector_load %arg5[%swap3A_481, %swap3A_482] {strides = array<i32>} : memref<8x1024xf32, #tpu.memory_space<vmem>>, vector<1x16xf32>,
      %swap3A_484 = vector.shape_cast %swap3A_483 : vector<1x16xf32> to vector<16xf32>
      %swap3A_485 = vector.shape_cast %div3A_24 : vector<16xf32> to vector<1x16xf32>
      tpu.vector_store %arg5[%swap3A_481, %swap3A_482], %swap3A_485 {strides = array<i32>} : memref<8x1024xf32, #tpu.memory_space<vmem>>, vector<1x16xf32>,
      %swap3A_486 = arith.constant 1 : i32
      %swap3A_487 = arith.index_cast %swap3A_486 : i32 to index
      %swap3A_488 = arith.constant 208 : index
      %swap3A_489 = tpu.vector_load %arg5[%swap3A_487, %swap3A_488] {strides = array<i32>} : memref<8x1024xf32, #tpu.memory_space<vmem>>, vector<1x16xf32>,
      %swap3A_490 = vector.shape_cast %swap3A_489 : vector<1x16xf32> to vector<16xf32>
      %swap3A_491 = vector.shape_cast %div3A_24 : vector<16xf32> to vector<1x16xf32>
      tpu.vector_store %arg5[%swap3A_487, %swap3A_488], %swap3A_491 {strides = array<i32>} : memref<8x1024xf32, #tpu.memory_space<vmem>>, vector<1x16xf32>,
      %swap3A_492 = arith.constant 1 : i32
      %swap3A_493 = arith.index_cast %swap3A_492 : i32 to index
      %swap3A_494 = arith.constant 224 : index
      %swap3A_495 = tpu.vector_load %arg5[%swap3A_493, %swap3A_494] {strides = array<i32>} : memref<8x1024xf32, #tpu.memory_space<vmem>>, vector<1x16xf32>,
      %swap3A_496 = vector.shape_cast %swap3A_495 : vector<1x16xf32> to vector<16xf32>
      %swap3A_497 = vector.shape_cast %div3A_24 : vector<16xf32> to vector<1x16xf32>
      tpu.vector_store %arg5[%swap3A_493, %swap3A_494], %swap3A_497 {strides = array<i32>} : memref<8x1024xf32, #tpu.memory_space<vmem>>, vector<1x16xf32>,
      %swap3A_498 = arith.constant 1 : i32
      %swap3A_499 = arith.index_cast %swap3A_498 : i32 to index
      %swap3A_500 = arith.constant 240 : index
      %swap3A_501 = tpu.vector_load %arg5[%swap3A_499, %swap3A_500] {strides = array<i32>} : memref<8x1024xf32, #tpu.memory_space<vmem>>, vector<1x16xf32>,
      %swap3A_502 = vector.shape_cast %swap3A_501 : vector<1x16xf32> to vector<16xf32>
      %swap3A_503 = vector.shape_cast %div3A_24 : vector<16xf32> to vector<1x16xf32>
      tpu.vector_store %arg5[%swap3A_499, %swap3A_500], %swap3A_503 {strides = array<i32>} : memref<8x1024xf32, #tpu.memory_space<vmem>>, vector<1x16xf32>,
      %swap3A_504 = arith.constant 1 : i32
      %swap3A_505 = arith.index_cast %swap3A_504 : i32 to index
      %swap3A_506 = arith.constant 256 : index
      %swap3A_507 = tpu.vector_load %arg5[%swap3A_505, %swap3A_506] {strides = array<i32>} : memref<8x1024xf32, #tpu.memory_space<vmem>>, vector<1x16xf32>,
      %swap3A_508 = vector.shape_cast %swap3A_507 : vector<1x16xf32> to vector<16xf32>
      %swap3A_509 = vector.shape_cast %div3A_24 : vector<16xf32> to vector<1x16xf32>
      tpu.vector_store %arg5[%swap3A_505, %swap3A_506], %swap3A_509 {strides = array<i32>} : memref<8x1024xf32, #tpu.memory_space<vmem>>, vector<1x16xf32>,
      %swap3A_510 = arith.constant 1 : i32
      %swap3A_511 = arith.index_cast %swap3A_510 : i32 to index
      %swap3A_512 = arith.constant 272 : index
      %swap3A_513 = tpu.vector_load %arg5[%swap3A_511, %swap3A_512] {strides = array<i32>} : memref<8x1024xf32, #tpu.memory_space<vmem>>, vector<1x16xf32>,
      %swap3A_514 = vector.shape_cast %swap3A_513 : vector<1x16xf32> to vector<16xf32>
      %swap3A_515 = vector.shape_cast %div3A_24 : vector<16xf32> to vector<1x16xf32>
      tpu.vector_store %arg5[%swap3A_511, %swap3A_512], %swap3A_515 {strides = array<i32>} : memref<8x1024xf32, #tpu.memory_space<vmem>>, vector<1x16xf32>,
      %swap3A_516 = arith.constant 1 : i32
      %swap3A_517 = arith.index_cast %swap3A_516 : i32 to index
      %swap3A_518 = arith.constant 288 : index
      %swap3A_519 = tpu.vector_load %arg5[%swap3A_517, %swap3A_518] {strides = array<i32>} : memref<8x1024xf32, #tpu.memory_space<vmem>>, vector<1x16xf32>,
      %swap3A_520 = vector.shape_cast %swap3A_519 : vector<1x16xf32> to vector<16xf32>
      %swap3A_521 = vector.shape_cast %div3A_24 : vector<16xf32> to vector<1x16xf32>
      tpu.vector_store %arg5[%swap3A_517, %swap3A_518], %swap3A_521 {strides = array<i32>} : memref<8x1024xf32, #tpu.memory_space<vmem>>, vector<1x16xf32>,
      %swap3A_522 = arith.constant 1 : i32
      %swap3A_523 = arith.index_cast %swap3A_522 : i32 to index
      %swap3A_524 = arith.constant 304 : index
      %swap3A_525 = tpu.vector_load %arg5[%swap3A_523, %swap3A_524] {strides = array<i32>} : memref<8x1024xf32, #tpu.memory_space<vmem>>, vector<1x16xf32>,
      %swap3A_526 = vector.shape_cast %swap3A_525 : vector<1x16xf32> to vector<16xf32>
      %swap3A_527 = vector.shape_cast %div3A_24 : vector<16xf32> to vector<1x16xf32>
      tpu.vector_store %arg5[%swap3A_523, %swap3A_524], %swap3A_527 {strides = array<i32>} : memref<8x1024xf32, #tpu.memory_space<vmem>>, vector<1x16xf32>,
      %swap3A_528 = arith.constant 1 : i32
      %swap3A_529 = arith.index_cast %swap3A_528 : i32 to index
      %swap3A_530 = arith.constant 320 : index
      %swap3A_531 = tpu.vector_load %arg5[%swap3A_529, %swap3A_530] {strides = array<i32>} : memref<8x1024xf32, #tpu.memory_space<vmem>>, vector<1x16xf32>,
      %swap3A_532 = vector.shape_cast %swap3A_531 : vector<1x16xf32> to vector<16xf32>
      %swap3A_533 = vector.shape_cast %div3A_24 : vector<16xf32> to vector<1x16xf32>
      tpu.vector_store %arg5[%swap3A_529, %swap3A_530], %swap3A_533 {strides = array<i32>} : memref<8x1024xf32, #tpu.memory_space<vmem>>, vector<1x16xf32>,
      %swap3A_534 = arith.constant 1 : i32
      %swap3A_535 = arith.index_cast %swap3A_534 : i32 to index
      %swap3A_536 = arith.constant 336 : index
      %swap3A_537 = tpu.vector_load %arg5[%swap3A_535, %swap3A_536] {strides = array<i32>} : memref<8x1024xf32, #tpu.memory_space<vmem>>, vector<1x16xf32>,
      %swap3A_538 = vector.shape_cast %swap3A_537 : vector<1x16xf32> to vector<16xf32>
      %swap3A_539 = vector.shape_cast %div3A_24 : vector<16xf32> to vector<1x16xf32>
      tpu.vector_store %arg5[%swap3A_535, %swap3A_536], %swap3A_539 {strides = array<i32>} : memref<8x1024xf32, #tpu.memory_space<vmem>>, vector<1x16xf32>,
      %swap3A_540 = arith.constant 1 : i32
      %swap3A_541 = arith.index_cast %swap3A_540 : i32 to index
      %swap3A_542 = arith.constant 352 : index
      %swap3A_543 = tpu.vector_load %arg5[%swap3A_541, %swap3A_542] {strides = array<i32>} : memref<8x1024xf32, #tpu.memory_space<vmem>>, vector<1x16xf32>,
      %swap3A_544 = vector.shape_cast %swap3A_543 : vector<1x16xf32> to vector<16xf32>
      %swap3A_545 = vector.shape_cast %div3A_24 : vector<16xf32> to vector<1x16xf32>
      tpu.vector_store %arg5[%swap3A_541, %swap3A_542], %swap3A_545 {strides = array<i32>} : memref<8x1024xf32, #tpu.memory_space<vmem>>, vector<1x16xf32>,
      %swap3A_546 = arith.constant 1 : i32
      %swap3A_547 = arith.index_cast %swap3A_546 : i32 to index
      %swap3A_548 = arith.constant 368 : index
      %swap3A_549 = tpu.vector_load %arg5[%swap3A_547, %swap3A_548] {strides = array<i32>} : memref<8x1024xf32, #tpu.memory_space<vmem>>, vector<1x16xf32>,
      %swap3A_550 = vector.shape_cast %swap3A_549 : vector<1x16xf32> to vector<16xf32>
      %swap3A_551 = vector.shape_cast %div3A_24 : vector<16xf32> to vector<1x16xf32>
      tpu.vector_store %arg5[%swap3A_547, %swap3A_548], %swap3A_551 {strides = array<i32>} : memref<8x1024xf32, #tpu.memory_space<vmem>>, vector<1x16xf32>,
      %swap3A_552 = arith.constant 1 : i32
      %swap3A_553 = arith.index_cast %swap3A_552 : i32 to index
      %swap3A_554 = arith.constant 384 : index
      %swap3A_555 = tpu.vector_load %arg5[%swap3A_553, %swap3A_554] {strides = array<i32>} : memref<8x1024xf32, #tpu.memory_space<vmem>>, vector<1x16xf32>,
      %swap3A_556 = vector.shape_cast %swap3A_555 : vector<1x16xf32> to vector<16xf32>
      %swap3A_557 = vector.shape_cast %div3A_24 : vector<16xf32> to vector<1x16xf32>
      tpu.vector_store %arg5[%swap3A_553, %swap3A_554], %swap3A_557 {strides = array<i32>} : memref<8x1024xf32, #tpu.memory_space<vmem>>, vector<1x16xf32>,
      %swap3A_558 = arith.constant 1 : i32
      %swap3A_559 = arith.index_cast %swap3A_558 : i32 to index
      %swap3A_560 = arith.constant 400 : index
      %swap3A_561 = tpu.vector_load %arg5[%swap3A_559, %swap3A_560] {strides = array<i32>} : memref<8x1024xf32, #tpu.memory_space<vmem>>, vector<1x16xf32>,
      %swap3A_562 = vector.shape_cast %swap3A_561 : vector<1x16xf32> to vector<16xf32>
      %swap3A_563 = vector.shape_cast %div3A_24 : vector<16xf32> to vector<1x16xf32>
      tpu.vector_store %arg5[%swap3A_559, %swap3A_560], %swap3A_563 {strides = array<i32>} : memref<8x1024xf32, #tpu.memory_space<vmem>>, vector<1x16xf32>,
      %swap3A_564 = arith.constant 1 : i32
      %swap3A_565 = arith.index_cast %swap3A_564 : i32 to index
      %swap3A_566 = arith.constant 416 : index
      %swap3A_567 = tpu.vector_load %arg5[%swap3A_565, %swap3A_566] {strides = array<i32>} : memref<8x1024xf32, #tpu.memory_space<vmem>>, vector<1x16xf32>,
      %swap3A_568 = vector.shape_cast %swap3A_567 : vector<1x16xf32> to vector<16xf32>
      %swap3A_569 = vector.shape_cast %div3A_24 : vector<16xf32> to vector<1x16xf32>
      tpu.vector_store %arg5[%swap3A_565, %swap3A_566], %swap3A_569 {strides = array<i32>} : memref<8x1024xf32, #tpu.memory_space<vmem>>, vector<1x16xf32>,
      %swap3A_570 = arith.constant 1 : i32
      %swap3A_571 = arith.index_cast %swap3A_570 : i32 to index
      %swap3A_572 = arith.constant 432 : index
      %swap3A_573 = tpu.vector_load %arg5[%swap3A_571, %swap3A_572] {strides = array<i32>} : memref<8x1024xf32, #tpu.memory_space<vmem>>, vector<1x16xf32>,
      %swap3A_574 = vector.shape_cast %swap3A_573 : vector<1x16xf32> to vector<16xf32>
      %swap3A_575 = vector.shape_cast %div3A_24 : vector<16xf32> to vector<1x16xf32>
      tpu.vector_store %arg5[%swap3A_571, %swap3A_572], %swap3A_575 {strides = array<i32>} : memref<8x1024xf32, #tpu.memory_space<vmem>>, vector<1x16xf32>,
      %swap3A_576 = arith.constant 1 : i32
      %swap3A_577 = arith.index_cast %swap3A_576 : i32 to index
      %swap3A_578 = arith.constant 448 : index
      %swap3A_579 = tpu.vector_load %arg5[%swap3A_577, %swap3A_578] {strides = array<i32>} : memref<8x1024xf32, #tpu.memory_space<vmem>>, vector<1x16xf32>,
      %swap3A_580 = vector.shape_cast %swap3A_579 : vector<1x16xf32> to vector<16xf32>
      %swap3A_581 = vector.shape_cast %div3A_24 : vector<16xf32> to vector<1x16xf32>
      tpu.vector_store %arg5[%swap3A_577, %swap3A_578], %swap3A_581 {strides = array<i32>} : memref<8x1024xf32, #tpu.memory_space<vmem>>, vector<1x16xf32>,
      %swap3A_582 = arith.constant 1 : i32
      %swap3A_583 = arith.index_cast %swap3A_582 : i32 to index
      %swap3A_584 = arith.constant 464 : index
      %swap3A_585 = tpu.vector_load %arg5[%swap3A_583, %swap3A_584] {strides = array<i32>} : memref<8x1024xf32, #tpu.memory_space<vmem>>, vector<1x16xf32>,
      %swap3A_586 = vector.shape_cast %swap3A_585 : vector<1x16xf32> to vector<16xf32>
      %swap3A_587 = vector.shape_cast %div3A_24 : vector<16xf32> to vector<1x16xf32>
      tpu.vector_store %arg5[%swap3A_583, %swap3A_584], %swap3A_587 {strides = array<i32>} : memref<8x1024xf32, #tpu.memory_space<vmem>>, vector<1x16xf32>,
      %swap3A_588 = arith.constant 1 : i32
      %swap3A_589 = arith.index_cast %swap3A_588 : i32 to index
      %swap3A_590 = arith.constant 480 : index
      %swap3A_591 = tpu.vector_load %arg5[%swap3A_589, %swap3A_590] {strides = array<i32>} : memref<8x1024xf32, #tpu.memory_space<vmem>>, vector<1x16xf32>,
      %swap3A_592 = vector.shape_cast %swap3A_591 : vector<1x16xf32> to vector<16xf32>
      %swap3A_593 = vector.shape_cast %div3A_24 : vector<16xf32> to vector<1x16xf32>
      tpu.vector_store %arg5[%swap3A_589, %swap3A_590], %swap3A_593 {strides = array<i32>} : memref<8x1024xf32, #tpu.memory_space<vmem>>, vector<1x16xf32>,
      %swap3A_594 = arith.constant 1 : i32
      %swap3A_595 = arith.index_cast %swap3A_594 : i32 to index
      %swap3A_596 = arith.constant 496 : index
      %swap3A_597 = tpu.vector_load %arg5[%swap3A_595, %swap3A_596] {strides = array<i32>} : memref<8x1024xf32, #tpu.memory_space<vmem>>, vector<1x16xf32>,
      %swap3A_598 = vector.shape_cast %swap3A_597 : vector<1x16xf32> to vector<16xf32>
      %swap3A_599 = vector.shape_cast %div3A_24 : vector<16xf32> to vector<1x16xf32>
      tpu.vector_store %arg5[%swap3A_595, %swap3A_596], %swap3A_599 {strides = array<i32>} : memref<8x1024xf32, #tpu.memory_space<vmem>>, vector<1x16xf32>,
      %swap3A_600 = arith.constant 1 : i32
      %swap3A_601 = arith.index_cast %swap3A_600 : i32 to index
      %swap3A_602 = arith.constant 512 : index
      %swap3A_603 = tpu.vector_load %arg5[%swap3A_601, %swap3A_602] {strides = array<i32>} : memref<8x1024xf32, #tpu.memory_space<vmem>>, vector<1x16xf32>,
      %swap3A_604 = vector.shape_cast %swap3A_603 : vector<1x16xf32> to vector<16xf32>
      %swap3A_605 = vector.shape_cast %div3A_24 : vector<16xf32> to vector<1x16xf32>
      tpu.vector_store %arg5[%swap3A_601, %swap3A_602], %swap3A_605 {strides = array<i32>} : memref<8x1024xf32, #tpu.memory_space<vmem>>, vector<1x16xf32>,
      %swap3A_606 = arith.constant 1 : i32
      %swap3A_607 = arith.index_cast %swap3A_606 : i32 to index
      %swap3A_608 = arith.constant 528 : index
      %swap3A_609 = tpu.vector_load %arg5[%swap3A_607, %swap3A_608] {strides = array<i32>} : memref<8x1024xf32, #tpu.memory_space<vmem>>, vector<1x16xf32>,
      %swap3A_610 = vector.shape_cast %swap3A_609 : vector<1x16xf32> to vector<16xf32>
      %swap3A_611 = vector.shape_cast %div3A_24 : vector<16xf32> to vector<1x16xf32>
      tpu.vector_store %arg5[%swap3A_607, %swap3A_608], %swap3A_611 {strides = array<i32>} : memref<8x1024xf32, #tpu.memory_space<vmem>>, vector<1x16xf32>,
      %swap3A_612 = arith.constant 1 : i32
      %swap3A_613 = arith.index_cast %swap3A_612 : i32 to index
      %swap3A_614 = arith.constant 544 : index
      %swap3A_615 = tpu.vector_load %arg5[%swap3A_613, %swap3A_614] {strides = array<i32>} : memref<8x1024xf32, #tpu.memory_space<vmem>>, vector<1x16xf32>,
      %swap3A_616 = vector.shape_cast %swap3A_615 : vector<1x16xf32> to vector<16xf32>
      %swap3A_617 = vector.shape_cast %div3A_24 : vector<16xf32> to vector<1x16xf32>
      tpu.vector_store %arg5[%swap3A_613, %swap3A_614], %swap3A_617 {strides = array<i32>} : memref<8x1024xf32, #tpu.memory_space<vmem>>, vector<1x16xf32>,
      %swap3A_618 = arith.constant 1 : i32
      %swap3A_619 = arith.index_cast %swap3A_618 : i32 to index
      %swap3A_620 = arith.constant 560 : index
      %swap3A_621 = tpu.vector_load %arg5[%swap3A_619, %swap3A_620] {strides = array<i32>} : memref<8x1024xf32, #tpu.memory_space<vmem>>, vector<1x16xf32>,
      %swap3A_622 = vector.shape_cast %swap3A_621 : vector<1x16xf32> to vector<16xf32>
      %swap3A_623 = vector.shape_cast %div3A_24 : vector<16xf32> to vector<1x16xf32>
      tpu.vector_store %arg5[%swap3A_619, %swap3A_620], %swap3A_623 {strides = array<i32>} : memref<8x1024xf32, #tpu.memory_space<vmem>>, vector<1x16xf32>,
      %swap3A_624 = arith.constant 1 : i32
      %swap3A_625 = arith.index_cast %swap3A_624 : i32 to index
      %swap3A_626 = arith.constant 576 : index
      %swap3A_627 = tpu.vector_load %arg5[%swap3A_625, %swap3A_626] {strides = array<i32>} : memref<8x1024xf32, #tpu.memory_space<vmem>>, vector<1x16xf32>,
      %swap3A_628 = vector.shape_cast %swap3A_627 : vector<1x16xf32> to vector<16xf32>
      %swap3A_629 = vector.shape_cast %div3A_24 : vector<16xf32> to vector<1x16xf32>
      tpu.vector_store %arg5[%swap3A_625, %swap3A_626], %swap3A_629 {strides = array<i32>} : memref<8x1024xf32, #tpu.memory_space<vmem>>, vector<1x16xf32>,
      %swap3A_630 = arith.constant 1 : i32
      %swap3A_631 = arith.index_cast %swap3A_630 : i32 to index
      %swap3A_632 = arith.constant 592 : index
      %swap3A_633 = tpu.vector_load %arg5[%swap3A_631, %swap3A_632] {strides = array<i32>} : memref<8x1024xf32, #tpu.memory_space<vmem>>, vector<1x16xf32>,
      %swap3A_634 = vector.shape_cast %swap3A_633 : vector<1x16xf32> to vector<16xf32>
      %swap3A_635 = vector.shape_cast %div3A_24 : vector<16xf32> to vector<1x16xf32>
      tpu.vector_store %arg5[%swap3A_631, %swap3A_632], %swap3A_635 {strides = array<i32>} : memref<8x1024xf32, #tpu.memory_space<vmem>>, vector<1x16xf32>,
      %swap3A_636 = arith.constant 1 : i32
      %swap3A_637 = arith.index_cast %swap3A_636 : i32 to index
      %swap3A_638 = arith.constant 608 : index
      %swap3A_639 = tpu.vector_load %arg5[%swap3A_637, %swap3A_638] {strides = array<i32>} : memref<8x1024xf32, #tpu.memory_space<vmem>>, vector<1x16xf32>,
      %swap3A_640 = vector.shape_cast %swap3A_639 : vector<1x16xf32> to vector<16xf32>
      %swap3A_641 = vector.shape_cast %div3A_24 : vector<16xf32> to vector<1x16xf32>
      tpu.vector_store %arg5[%swap3A_637, %swap3A_638], %swap3A_641 {strides = array<i32>} : memref<8x1024xf32, #tpu.memory_space<vmem>>, vector<1x16xf32>,
      %swap3A_642 = arith.constant 1 : i32
      %swap3A_643 = arith.index_cast %swap3A_642 : i32 to index
      %swap3A_644 = arith.constant 624 : index
      %swap3A_645 = tpu.vector_load %arg5[%swap3A_643, %swap3A_644] {strides = array<i32>} : memref<8x1024xf32, #tpu.memory_space<vmem>>, vector<1x16xf32>,
      %swap3A_646 = vector.shape_cast %swap3A_645 : vector<1x16xf32> to vector<16xf32>
      %swap3A_647 = vector.shape_cast %div3A_24 : vector<16xf32> to vector<1x16xf32>
      tpu.vector_store %arg5[%swap3A_643, %swap3A_644], %swap3A_647 {strides = array<i32>} : memref<8x1024xf32, #tpu.memory_space<vmem>>, vector<1x16xf32>,
      %swap3A_648 = arith.constant 1 : i32
      %swap3A_649 = arith.index_cast %swap3A_648 : i32 to index
      %swap3A_650 = arith.constant 640 : index
      %swap3A_651 = tpu.vector_load %arg5[%swap3A_649, %swap3A_650] {strides = array<i32>} : memref<8x1024xf32, #tpu.memory_space<vmem>>, vector<1x16xf32>,
      %swap3A_652 = vector.shape_cast %swap3A_651 : vector<1x16xf32> to vector<16xf32>
      %swap3A_653 = vector.shape_cast %div3A_24 : vector<16xf32> to vector<1x16xf32>
      tpu.vector_store %arg5[%swap3A_649, %swap3A_650], %swap3A_653 {strides = array<i32>} : memref<8x1024xf32, #tpu.memory_space<vmem>>, vector<1x16xf32>,
      %swap3A_654 = arith.constant 1 : i32
      %swap3A_655 = arith.index_cast %swap3A_654 : i32 to index
      %swap3A_656 = arith.constant 656 : index
      %swap3A_657 = tpu.vector_load %arg5[%swap3A_655, %swap3A_656] {strides = array<i32>} : memref<8x1024xf32, #tpu.memory_space<vmem>>, vector<1x16xf32>,
      %swap3A_658 = vector.shape_cast %swap3A_657 : vector<1x16xf32> to vector<16xf32>
      %swap3A_659 = vector.shape_cast %div3A_24 : vector<16xf32> to vector<1x16xf32>
      tpu.vector_store %arg5[%swap3A_655, %swap3A_656], %swap3A_659 {strides = array<i32>} : memref<8x1024xf32, #tpu.memory_space<vmem>>, vector<1x16xf32>,
      %swap3A_660 = arith.constant 1 : i32
      %swap3A_661 = arith.index_cast %swap3A_660 : i32 to index
      %swap3A_662 = arith.constant 672 : index
      %swap3A_663 = tpu.vector_load %arg5[%swap3A_661, %swap3A_662] {strides = array<i32>} : memref<8x1024xf32, #tpu.memory_space<vmem>>, vector<1x16xf32>,
      %swap3A_664 = vector.shape_cast %swap3A_663 : vector<1x16xf32> to vector<16xf32>
      %swap3A_665 = vector.shape_cast %div3A_24 : vector<16xf32> to vector<1x16xf32>
      tpu.vector_store %arg5[%swap3A_661, %swap3A_662], %swap3A_665 {strides = array<i32>} : memref<8x1024xf32, #tpu.memory_space<vmem>>, vector<1x16xf32>,
      %swap3A_666 = arith.constant 1 : i32
      %swap3A_667 = arith.index_cast %swap3A_666 : i32 to index
      %swap3A_668 = arith.constant 688 : index
      %swap3A_669 = tpu.vector_load %arg5[%swap3A_667, %swap3A_668] {strides = array<i32>} : memref<8x1024xf32, #tpu.memory_space<vmem>>, vector<1x16xf32>,
      %swap3A_670 = vector.shape_cast %swap3A_669 : vector<1x16xf32> to vector<16xf32>
      %swap3A_671 = vector.shape_cast %div3A_24 : vector<16xf32> to vector<1x16xf32>
      tpu.vector_store %arg5[%swap3A_667, %swap3A_668], %swap3A_671 {strides = array<i32>} : memref<8x1024xf32, #tpu.memory_space<vmem>>, vector<1x16xf32>,
      %swap3A_672 = arith.constant 1 : i32
      %swap3A_673 = arith.index_cast %swap3A_672 : i32 to index
      %swap3A_674 = arith.constant 704 : index
      %swap3A_675 = tpu.vector_load %arg5[%swap3A_673, %swap3A_674] {strides = array<i32>} : memref<8x1024xf32, #tpu.memory_space<vmem>>, vector<1x16xf32>,
      %swap3A_676 = vector.shape_cast %swap3A_675 : vector<1x16xf32> to vector<16xf32>
      %swap3A_677 = vector.shape_cast %div3A_24 : vector<16xf32> to vector<1x16xf32>
      tpu.vector_store %arg5[%swap3A_673, %swap3A_674], %swap3A_677 {strides = array<i32>} : memref<8x1024xf32, #tpu.memory_space<vmem>>, vector<1x16xf32>,
      %swap3A_678 = arith.constant 1 : i32
      %swap3A_679 = arith.index_cast %swap3A_678 : i32 to index
      %swap3A_680 = arith.constant 720 : index
      %swap3A_681 = tpu.vector_load %arg5[%swap3A_679, %swap3A_680] {strides = array<i32>} : memref<8x1024xf32, #tpu.memory_space<vmem>>, vector<1x16xf32>,
      %swap3A_682 = vector.shape_cast %swap3A_681 : vector<1x16xf32> to vector<16xf32>
      %swap3A_683 = vector.shape_cast %div3A_24 : vector<16xf32> to vector<1x16xf32>
      tpu.vector_store %arg5[%swap3A_679, %swap3A_680], %swap3A_683 {strides = array<i32>} : memref<8x1024xf32, #tpu.memory_space<vmem>>, vector<1x16xf32>,
      %swap3A_684 = arith.constant 1 : i32
      %swap3A_685 = arith.index_cast %swap3A_684 : i32 to index
      %swap3A_686 = arith.constant 736 : index
      %swap3A_687 = tpu.vector_load %arg5[%swap3A_685, %swap3A_686] {strides = array<i32>} : memref<8x1024xf32, #tpu.memory_space<vmem>>, vector<1x16xf32>,
      %swap3A_688 = vector.shape_cast %swap3A_687 : vector<1x16xf32> to vector<16xf32>
      %swap3A_689 = vector.shape_cast %div3A_24 : vector<16xf32> to vector<1x16xf32>
      tpu.vector_store %arg5[%swap3A_685, %swap3A_686], %swap3A_689 {strides = array<i32>} : memref<8x1024xf32, #tpu.memory_space<vmem>>, vector<1x16xf32>,
      %swap3A_690 = arith.constant 1 : i32
      %swap3A_691 = arith.index_cast %swap3A_690 : i32 to index
      %swap3A_692 = arith.constant 752 : index
      %swap3A_693 = tpu.vector_load %arg5[%swap3A_691, %swap3A_692] {strides = array<i32>} : memref<8x1024xf32, #tpu.memory_space<vmem>>, vector<1x16xf32>,
      %swap3A_694 = vector.shape_cast %swap3A_693 : vector<1x16xf32> to vector<16xf32>
      %swap3A_695 = vector.shape_cast %div3A_24 : vector<16xf32> to vector<1x16xf32>
      tpu.vector_store %arg5[%swap3A_691, %swap3A_692], %swap3A_695 {strides = array<i32>} : memref<8x1024xf32, #tpu.memory_space<vmem>>, vector<1x16xf32>,
      %swap3A_696 = arith.constant 1 : i32
      %swap3A_697 = arith.index_cast %swap3A_696 : i32 to index
      %swap3A_698 = arith.constant 768 : index
      %swap3A_699 = tpu.vector_load %arg5[%swap3A_697, %swap3A_698] {strides = array<i32>} : memref<8x1024xf32, #tpu.memory_space<vmem>>, vector<1x16xf32>,
      %swap3A_700 = vector.shape_cast %swap3A_699 : vector<1x16xf32> to vector<16xf32>
      %swap3A_701 = vector.shape_cast %div3A_24 : vector<16xf32> to vector<1x16xf32>
      tpu.vector_store %arg5[%swap3A_697, %swap3A_698], %swap3A_701 {strides = array<i32>} : memref<8x1024xf32, #tpu.memory_space<vmem>>, vector<1x16xf32>,
      %swap3A_702 = arith.constant 1 : i32
      %swap3A_703 = arith.index_cast %swap3A_702 : i32 to index
      %swap3A_704 = arith.constant 784 : index
      %swap3A_705 = tpu.vector_load %arg5[%swap3A_703, %swap3A_704] {strides = array<i32>} : memref<8x1024xf32, #tpu.memory_space<vmem>>, vector<1x16xf32>,
      %swap3A_706 = vector.shape_cast %swap3A_705 : vector<1x16xf32> to vector<16xf32>
      %swap3A_707 = vector.shape_cast %div3A_24 : vector<16xf32> to vector<1x16xf32>
      tpu.vector_store %arg5[%swap3A_703, %swap3A_704], %swap3A_707 {strides = array<i32>} : memref<8x1024xf32, #tpu.memory_space<vmem>>, vector<1x16xf32>,
      %swap3A_708 = arith.constant 1 : i32
      %swap3A_709 = arith.index_cast %swap3A_708 : i32 to index
      %swap3A_710 = arith.constant 800 : index
      %swap3A_711 = tpu.vector_load %arg5[%swap3A_709, %swap3A_710] {strides = array<i32>} : memref<8x1024xf32, #tpu.memory_space<vmem>>, vector<1x16xf32>,
      %swap3A_712 = vector.shape_cast %swap3A_711 : vector<1x16xf32> to vector<16xf32>
      %swap3A_713 = vector.shape_cast %div3A_24 : vector<16xf32> to vector<1x16xf32>
      tpu.vector_store %arg5[%swap3A_709, %swap3A_710], %swap3A_713 {strides = array<i32>} : memref<8x1024xf32, #tpu.memory_space<vmem>>, vector<1x16xf32>,
      %swap3A_714 = arith.constant 1 : i32
      %swap3A_715 = arith.index_cast %swap3A_714 : i32 to index
      %swap3A_716 = arith.constant 816 : index
      %swap3A_717 = tpu.vector_load %arg5[%swap3A_715, %swap3A_716] {strides = array<i32>} : memref<8x1024xf32, #tpu.memory_space<vmem>>, vector<1x16xf32>,
      %swap3A_718 = vector.shape_cast %swap3A_717 : vector<1x16xf32> to vector<16xf32>
      %swap3A_719 = vector.shape_cast %div3A_24 : vector<16xf32> to vector<1x16xf32>
      tpu.vector_store %arg5[%swap3A_715, %swap3A_716], %swap3A_719 {strides = array<i32>} : memref<8x1024xf32, #tpu.memory_space<vmem>>, vector<1x16xf32>,
      %swap3A_720 = arith.constant 1 : i32
      %swap3A_721 = arith.index_cast %swap3A_720 : i32 to index
      %swap3A_722 = arith.constant 832 : index
      %swap3A_723 = tpu.vector_load %arg5[%swap3A_721, %swap3A_722] {strides = array<i32>} : memref<8x1024xf32, #tpu.memory_space<vmem>>, vector<1x16xf32>,
      %swap3A_724 = vector.shape_cast %swap3A_723 : vector<1x16xf32> to vector<16xf32>
      %swap3A_725 = vector.shape_cast %div3A_24 : vector<16xf32> to vector<1x16xf32>
      tpu.vector_store %arg5[%swap3A_721, %swap3A_722], %swap3A_725 {strides = array<i32>} : memref<8x1024xf32, #tpu.memory_space<vmem>>, vector<1x16xf32>,
      %swap3A_726 = arith.constant 1 : i32
      %swap3A_727 = arith.index_cast %swap3A_726 : i32 to index
      %swap3A_728 = arith.constant 848 : index
      %swap3A_729 = tpu.vector_load %arg5[%swap3A_727, %swap3A_728] {strides = array<i32>} : memref<8x1024xf32, #tpu.memory_space<vmem>>, vector<1x16xf32>,
      %swap3A_730 = vector.shape_cast %swap3A_729 : vector<1x16xf32> to vector<16xf32>
      %swap3A_731 = vector.shape_cast %div3A_24 : vector<16xf32> to vector<1x16xf32>
      tpu.vector_store %arg5[%swap3A_727, %swap3A_728], %swap3A_731 {strides = array<i32>} : memref<8x1024xf32, #tpu.memory_space<vmem>>, vector<1x16xf32>,
      %swap3A_732 = arith.constant 1 : i32
      %swap3A_733 = arith.index_cast %swap3A_732 : i32 to index
      %swap3A_734 = arith.constant 864 : index
      %swap3A_735 = tpu.vector_load %arg5[%swap3A_733, %swap3A_734] {strides = array<i32>} : memref<8x1024xf32, #tpu.memory_space<vmem>>, vector<1x16xf32>,
      %swap3A_736 = vector.shape_cast %swap3A_735 : vector<1x16xf32> to vector<16xf32>
      %swap3A_737 = vector.shape_cast %div3A_24 : vector<16xf32> to vector<1x16xf32>
      tpu.vector_store %arg5[%swap3A_733, %swap3A_734], %swap3A_737 {strides = array<i32>} : memref<8x1024xf32, #tpu.memory_space<vmem>>, vector<1x16xf32>,
      %swap3A_738 = arith.constant 1 : i32
      %swap3A_739 = arith.index_cast %swap3A_738 : i32 to index
      %swap3A_740 = arith.constant 880 : index
      %swap3A_741 = tpu.vector_load %arg5[%swap3A_739, %swap3A_740] {strides = array<i32>} : memref<8x1024xf32, #tpu.memory_space<vmem>>, vector<1x16xf32>,
      %swap3A_742 = vector.shape_cast %swap3A_741 : vector<1x16xf32> to vector<16xf32>
      %swap3A_743 = vector.shape_cast %div3A_24 : vector<16xf32> to vector<1x16xf32>
      tpu.vector_store %arg5[%swap3A_739, %swap3A_740], %swap3A_743 {strides = array<i32>} : memref<8x1024xf32, #tpu.memory_space<vmem>>, vector<1x16xf32>,
      %swap3A_744 = arith.constant 1 : i32
      %swap3A_745 = arith.index_cast %swap3A_744 : i32 to index
      %swap3A_746 = arith.constant 896 : index
      %swap3A_747 = tpu.vector_load %arg5[%swap3A_745, %swap3A_746] {strides = array<i32>} : memref<8x1024xf32, #tpu.memory_space<vmem>>, vector<1x16xf32>,
      %swap3A_748 = vector.shape_cast %swap3A_747 : vector<1x16xf32> to vector<16xf32>
      %swap3A_749 = vector.shape_cast %div3A_24 : vector<16xf32> to vector<1x16xf32>
      tpu.vector_store %arg5[%swap3A_745, %swap3A_746], %swap3A_749 {strides = array<i32>} : memref<8x1024xf32, #tpu.memory_space<vmem>>, vector<1x16xf32>,
      %swap3A_750 = arith.constant 1 : i32
      %swap3A_751 = arith.index_cast %swap3A_750 : i32 to index
      %swap3A_752 = arith.constant 912 : index
      %swap3A_753 = tpu.vector_load %arg5[%swap3A_751, %swap3A_752] {strides = array<i32>} : memref<8x1024xf32, #tpu.memory_space<vmem>>, vector<1x16xf32>,
      %swap3A_754 = vector.shape_cast %swap3A_753 : vector<1x16xf32> to vector<16xf32>
      %swap3A_755 = vector.shape_cast %div3A_24 : vector<16xf32> to vector<1x16xf32>
      tpu.vector_store %arg5[%swap3A_751, %swap3A_752], %swap3A_755 {strides = array<i32>} : memref<8x1024xf32, #tpu.memory_space<vmem>>, vector<1x16xf32>,
      %swap3A_756 = arith.constant 1 : i32
      %swap3A_757 = arith.index_cast %swap3A_756 : i32 to index
      %swap3A_758 = arith.constant 928 : index
      %swap3A_759 = tpu.vector_load %arg5[%swap3A_757, %swap3A_758] {strides = array<i32>} : memref<8x1024xf32, #tpu.memory_space<vmem>>, vector<1x16xf32>,
      %swap3A_760 = vector.shape_cast %swap3A_759 : vector<1x16xf32> to vector<16xf32>
      %swap3A_761 = vector.shape_cast %div3A_24 : vector<16xf32> to vector<1x16xf32>
      tpu.vector_store %arg5[%swap3A_757, %swap3A_758], %swap3A_761 {strides = array<i32>} : memref<8x1024xf32, #tpu.memory_space<vmem>>, vector<1x16xf32>,
      %swap3A_762 = arith.constant 1 : i32
      %swap3A_763 = arith.index_cast %swap3A_762 : i32 to index
      %swap3A_764 = arith.constant 944 : index
      %swap3A_765 = tpu.vector_load %arg5[%swap3A_763, %swap3A_764] {strides = array<i32>} : memref<8x1024xf32, #tpu.memory_space<vmem>>, vector<1x16xf32>,
      %swap3A_766 = vector.shape_cast %swap3A_765 : vector<1x16xf32> to vector<16xf32>
      %swap3A_767 = vector.shape_cast %div3A_24 : vector<16xf32> to vector<1x16xf32>
      tpu.vector_store %arg5[%swap3A_763, %swap3A_764], %swap3A_767 {strides = array<i32>} : memref<8x1024xf32, #tpu.memory_space<vmem>>, vector<1x16xf32>,
      %swap3A_768 = arith.constant 1 : i32
      %swap3A_769 = arith.index_cast %swap3A_768 : i32 to index
      %swap3A_770 = arith.constant 960 : index
      %swap3A_771 = tpu.vector_load %arg5[%swap3A_769, %swap3A_770] {strides = array<i32>} : memref<8x1024xf32, #tpu.memory_space<vmem>>, vector<1x16xf32>,
      %swap3A_772 = vector.shape_cast %swap3A_771 : vector<1x16xf32> to vector<16xf32>
      %swap3A_773 = vector.shape_cast %div3A_24 : vector<16xf32> to vector<1x16xf32>
      tpu.vector_store %arg5[%swap3A_769, %swap3A_770], %swap3A_773 {strides = array<i32>} : memref<8x1024xf32, #tpu.memory_space<vmem>>, vector<1x16xf32>,
      %swap3A_774 = arith.constant 1 : i32
      %swap3A_775 = arith.index_cast %swap3A_774 : i32 to index
      %swap3A_776 = arith.constant 976 : index
      %swap3A_777 = tpu.vector_load %arg5[%swap3A_775, %swap3A_776] {strides = array<i32>} : memref<8x1024xf32, #tpu.memory_space<vmem>>, vector<1x16xf32>,
      %swap3A_778 = vector.shape_cast %swap3A_777 : vector<1x16xf32> to vector<16xf32>
      %swap3A_779 = vector.shape_cast %div3A_24 : vector<16xf32> to vector<1x16xf32>
      tpu.vector_store %arg5[%swap3A_775, %swap3A_776], %swap3A_779 {strides = array<i32>} : memref<8x1024xf32, #tpu.memory_space<vmem>>, vector<1x16xf32>,
      %swap3A_780 = arith.constant 1 : i32
      %swap3A_781 = arith.index_cast %swap3A_780 : i32 to index
      %swap3A_782 = arith.constant 992 : index
      %swap3A_783 = tpu.vector_load %arg5[%swap3A_781, %swap3A_782] {strides = array<i32>} : memref<8x1024xf32, #tpu.memory_space<vmem>>, vector<1x16xf32>,
      %swap3A_784 = vector.shape_cast %swap3A_783 : vector<1x16xf32> to vector<16xf32>
      %swap3A_785 = vector.shape_cast %div3A_24 : vector<16xf32> to vector<1x16xf32>
      tpu.vector_store %arg5[%swap3A_781, %swap3A_782], %swap3A_785 {strides = array<i32>} : memref<8x1024xf32, #tpu.memory_space<vmem>>, vector<1x16xf32>,
      %swap3A_786 = arith.constant 1 : i32
      %swap3A_787 = arith.index_cast %swap3A_786 : i32 to index
      %swap3A_788 = arith.constant 1008 : index
      %swap3A_789 = tpu.vector_load %arg5[%swap3A_787, %swap3A_788] {strides = array<i32>} : memref<8x1024xf32, #tpu.memory_space<vmem>>, vector<1x16xf32>,
      %swap3A_790 = vector.shape_cast %swap3A_789 : vector<1x16xf32> to vector<16xf32>
      %swap3A_791 = vector.shape_cast %div3A_24 : vector<16xf32> to vector<1x16xf32>
      tpu.vector_store %arg5[%swap3A_787, %swap3A_788], %swap3A_791 {strides = array<i32>} : memref<8x1024xf32, #tpu.memory_space<vmem>>, vector<1x16xf32>,
      %swap3A_792 = arith.constant 2 : i32
      %swap3A_793 = arith.index_cast %swap3A_792 : i32 to index
      %swap3A_794 = arith.constant 0 : index
      %swap3A_795 = tpu.vector_load %arg5[%swap3A_793, %swap3A_794] {strides = array<i32>} : memref<8x1024xf32, #tpu.memory_space<vmem>>, vector<1x16xf32>,
      %swap3A_796 = vector.shape_cast %swap3A_795 : vector<1x16xf32> to vector<16xf32>
      %swap3A_797 = vector.shape_cast %div3A_14 : vector<16xf32> to vector<1x16xf32>
      tpu.vector_store %arg5[%swap3A_793, %swap3A_794], %swap3A_797 {strides = array<i32>} : memref<8x1024xf32, #tpu.memory_space<vmem>>, vector<1x16xf32>,
      %swap3A_798 = arith.constant 2 : i32
      %swap3A_799 = arith.index_cast %swap3A_798 : i32 to index
      %swap3A_800 = arith.constant 16 : index
      %swap3A_801 = tpu.vector_load %arg5[%swap3A_799, %swap3A_800] {strides = array<i32>} : memref<8x1024xf32, #tpu.memory_space<vmem>>, vector<1x16xf32>,
      %swap3A_802 = vector.shape_cast %swap3A_801 : vector<1x16xf32> to vector<16xf32>
      %swap3A_803 = vector.shape_cast %div3A_14 : vector<16xf32> to vector<1x16xf32>
      tpu.vector_store %arg5[%swap3A_799, %swap3A_800], %swap3A_803 {strides = array<i32>} : memref<8x1024xf32, #tpu.memory_space<vmem>>, vector<1x16xf32>,
      %swap3A_804 = arith.constant 2 : i32
      %swap3A_805 = arith.index_cast %swap3A_804 : i32 to index
      %swap3A_806 = arith.constant 32 : index
      %swap3A_807 = tpu.vector_load %arg5[%swap3A_805, %swap3A_806] {strides = array<i32>} : memref<8x1024xf32, #tpu.memory_space<vmem>>, vector<1x16xf32>,
      %swap3A_808 = vector.shape_cast %swap3A_807 : vector<1x16xf32> to vector<16xf32>
      %swap3A_809 = vector.shape_cast %div3A_14 : vector<16xf32> to vector<1x16xf32>
      tpu.vector_store %arg5[%swap3A_805, %swap3A_806], %swap3A_809 {strides = array<i32>} : memref<8x1024xf32, #tpu.memory_space<vmem>>, vector<1x16xf32>,
      %swap3A_810 = arith.constant 2 : i32
      %swap3A_811 = arith.index_cast %swap3A_810 : i32 to index
      %swap3A_812 = arith.constant 48 : index
      %swap3A_813 = tpu.vector_load %arg5[%swap3A_811, %swap3A_812] {strides = array<i32>} : memref<8x1024xf32, #tpu.memory_space<vmem>>, vector<1x16xf32>,
      %swap3A_814 = vector.shape_cast %swap3A_813 : vector<1x16xf32> to vector<16xf32>
      %swap3A_815 = vector.shape_cast %div3A_14 : vector<16xf32> to vector<1x16xf32>
      tpu.vector_store %arg5[%swap3A_811, %swap3A_812], %swap3A_815 {strides = array<i32>} : memref<8x1024xf32, #tpu.memory_space<vmem>>, vector<1x16xf32>,
      %swap3A_816 = arith.constant 2 : i32
      %swap3A_817 = arith.index_cast %swap3A_816 : i32 to index
      %swap3A_818 = arith.constant 64 : index
      %swap3A_819 = tpu.vector_load %arg5[%swap3A_817, %swap3A_818] {strides = array<i32>} : memref<8x1024xf32, #tpu.memory_space<vmem>>, vector<1x16xf32>,
      %swap3A_820 = vector.shape_cast %swap3A_819 : vector<1x16xf32> to vector<16xf32>
      %swap3A_821 = vector.shape_cast %div3A_14 : vector<16xf32> to vector<1x16xf32>
      tpu.vector_store %arg5[%swap3A_817, %swap3A_818], %swap3A_821 {strides = array<i32>} : memref<8x1024xf32, #tpu.memory_space<vmem>>, vector<1x16xf32>,
      %swap3A_822 = arith.constant 2 : i32
      %swap3A_823 = arith.index_cast %swap3A_822 : i32 to index
      %swap3A_824 = arith.constant 80 : index
      %swap3A_825 = tpu.vector_load %arg5[%swap3A_823, %swap3A_824] {strides = array<i32>} : memref<8x1024xf32, #tpu.memory_space<vmem>>, vector<1x16xf32>,
      %swap3A_826 = vector.shape_cast %swap3A_825 : vector<1x16xf32> to vector<16xf32>
      %swap3A_827 = vector.shape_cast %div3A_14 : vector<16xf32> to vector<1x16xf32>
      tpu.vector_store %arg5[%swap3A_823, %swap3A_824], %swap3A_827 {strides = array<i32>} : memref<8x1024xf32, #tpu.memory_space<vmem>>, vector<1x16xf32>,
      %swap3A_828 = arith.constant 2 : i32
      %swap3A_829 = arith.index_cast %swap3A_828 : i32 to index
      %swap3A_830 = arith.constant 96 : index
      %swap3A_831 = tpu.vector_load %arg5[%swap3A_829, %swap3A_830] {strides = array<i32>} : memref<8x1024xf32, #tpu.memory_space<vmem>>, vector<1x16xf32>,
      %swap3A_832 = vector.shape_cast %swap3A_831 : vector<1x16xf32> to vector<16xf32>
      %swap3A_833 = vector.shape_cast %div3A_14 : vector<16xf32> to vector<1x16xf32>
      tpu.vector_store %arg5[%swap3A_829, %swap3A_830], %swap3A_833 {strides = array<i32>} : memref<8x1024xf32, #tpu.memory_space<vmem>>, vector<1x16xf32>,
      %swap3A_834 = arith.constant 2 : i32
      %swap3A_835 = arith.index_cast %swap3A_834 : i32 to index
      %swap3A_836 = arith.constant 112 : index
      %swap3A_837 = tpu.vector_load %arg5[%swap3A_835, %swap3A_836] {strides = array<i32>} : memref<8x1024xf32, #tpu.memory_space<vmem>>, vector<1x16xf32>,
      %swap3A_838 = vector.shape_cast %swap3A_837 : vector<1x16xf32> to vector<16xf32>
      %swap3A_839 = vector.shape_cast %div3A_14 : vector<16xf32> to vector<1x16xf32>
      tpu.vector_store %arg5[%swap3A_835, %swap3A_836], %swap3A_839 {strides = array<i32>} : memref<8x1024xf32, #tpu.memory_space<vmem>>, vector<1x16xf32>,
      %swap3A_840 = arith.constant 2 : i32
      %swap3A_841 = arith.index_cast %swap3A_840 : i32 to index
      %swap3A_842 = arith.constant 128 : index
      %swap3A_843 = tpu.vector_load %arg5[%swap3A_841, %swap3A_842] {strides = array<i32>} : memref<8x1024xf32, #tpu.memory_space<vmem>>, vector<1x16xf32>,
      %swap3A_844 = vector.shape_cast %swap3A_843 : vector<1x16xf32> to vector<16xf32>
      %swap3A_845 = vector.shape_cast %div3A_14 : vector<16xf32> to vector<1x16xf32>
      tpu.vector_store %arg5[%swap3A_841, %swap3A_842], %swap3A_845 {strides = array<i32>} : memref<8x1024xf32, #tpu.memory_space<vmem>>, vector<1x16xf32>,
      %swap3A_846 = arith.constant 2 : i32
      %swap3A_847 = arith.index_cast %swap3A_846 : i32 to index
      %swap3A_848 = arith.constant 144 : index
      %swap3A_849 = tpu.vector_load %arg5[%swap3A_847, %swap3A_848] {strides = array<i32>} : memref<8x1024xf32, #tpu.memory_space<vmem>>, vector<1x16xf32>,
      %swap3A_850 = vector.shape_cast %swap3A_849 : vector<1x16xf32> to vector<16xf32>
      %swap3A_851 = vector.shape_cast %div3A_14 : vector<16xf32> to vector<1x16xf32>
      tpu.vector_store %arg5[%swap3A_847, %swap3A_848], %swap3A_851 {strides = array<i32>} : memref<8x1024xf32, #tpu.memory_space<vmem>>, vector<1x16xf32>,
      %swap3A_852 = arith.constant 2 : i32
      %swap3A_853 = arith.index_cast %swap3A_852 : i32 to index
      %swap3A_854 = arith.constant 160 : index
      %swap3A_855 = tpu.vector_load %arg5[%swap3A_853, %swap3A_854] {strides = array<i32>} : memref<8x1024xf32, #tpu.memory_space<vmem>>, vector<1x16xf32>,
      %swap3A_856 = vector.shape_cast %swap3A_855 : vector<1x16xf32> to vector<16xf32>
      %swap3A_857 = vector.shape_cast %div3A_14 : vector<16xf32> to vector<1x16xf32>
      tpu.vector_store %arg5[%swap3A_853, %swap3A_854], %swap3A_857 {strides = array<i32>} : memref<8x1024xf32, #tpu.memory_space<vmem>>, vector<1x16xf32>,
      %swap3A_858 = arith.constant 2 : i32
      %swap3A_859 = arith.index_cast %swap3A_858 : i32 to index
      %swap3A_860 = arith.constant 176 : index
      %swap3A_861 = tpu.vector_load %arg5[%swap3A_859, %swap3A_860] {strides = array<i32>} : memref<8x1024xf32, #tpu.memory_space<vmem>>, vector<1x16xf32>,
      %swap3A_862 = vector.shape_cast %swap3A_861 : vector<1x16xf32> to vector<16xf32>
      %swap3A_863 = vector.shape_cast %div3A_14 : vector<16xf32> to vector<1x16xf32>
      tpu.vector_store %arg5[%swap3A_859, %swap3A_860], %swap3A_863 {strides = array<i32>} : memref<8x1024xf32, #tpu.memory_space<vmem>>, vector<1x16xf32>,
      %swap3A_864 = arith.constant 2 : i32
      %swap3A_865 = arith.index_cast %swap3A_864 : i32 to index
      %swap3A_866 = arith.constant 192 : index
      %swap3A_867 = tpu.vector_load %arg5[%swap3A_865, %swap3A_866] {strides = array<i32>} : memref<8x1024xf32, #tpu.memory_space<vmem>>, vector<1x16xf32>,
      %swap3A_868 = vector.shape_cast %swap3A_867 : vector<1x16xf32> to vector<16xf32>
      %swap3A_869 = vector.shape_cast %div3A_14 : vector<16xf32> to vector<1x16xf32>
      tpu.vector_store %arg5[%swap3A_865, %swap3A_866], %swap3A_869 {strides = array<i32>} : memref<8x1024xf32, #tpu.memory_space<vmem>>, vector<1x16xf32>,
      %swap3A_870 = arith.constant 2 : i32
      %swap3A_871 = arith.index_cast %swap3A_870 : i32 to index
      %swap3A_872 = arith.constant 208 : index
      %swap3A_873 = tpu.vector_load %arg5[%swap3A_871, %swap3A_872] {strides = array<i32>} : memref<8x1024xf32, #tpu.memory_space<vmem>>, vector<1x16xf32>,
      %swap3A_874 = vector.shape_cast %swap3A_873 : vector<1x16xf32> to vector<16xf32>
      %swap3A_875 = vector.shape_cast %div3A_14 : vector<16xf32> to vector<1x16xf32>
      tpu.vector_store %arg5[%swap3A_871, %swap3A_872], %swap3A_875 {strides = array<i32>} : memref<8x1024xf32, #tpu.memory_space<vmem>>, vector<1x16xf32>,
      %swap3A_876 = arith.constant 2 : i32
      %swap3A_877 = arith.index_cast %swap3A_876 : i32 to index
      %swap3A_878 = arith.constant 224 : index
      %swap3A_879 = tpu.vector_load %arg5[%swap3A_877, %swap3A_878] {strides = array<i32>} : memref<8x1024xf32, #tpu.memory_space<vmem>>, vector<1x16xf32>,
      %swap3A_880 = vector.shape_cast %swap3A_879 : vector<1x16xf32> to vector<16xf32>
      %swap3A_881 = vector.shape_cast %div3A_14 : vector<16xf32> to vector<1x16xf32>
      tpu.vector_store %arg5[%swap3A_877, %swap3A_878], %swap3A_881 {strides = array<i32>} : memref<8x1024xf32, #tpu.memory_space<vmem>>, vector<1x16xf32>,
      %swap3A_882 = arith.constant 2 : i32
      %swap3A_883 = arith.index_cast %swap3A_882 : i32 to index
      %swap3A_884 = arith.constant 240 : index
      %swap3A_885 = tpu.vector_load %arg5[%swap3A_883, %swap3A_884] {strides = array<i32>} : memref<8x1024xf32, #tpu.memory_space<vmem>>, vector<1x16xf32>,
      %swap3A_886 = vector.shape_cast %swap3A_885 : vector<1x16xf32> to vector<16xf32>
      %swap3A_887 = vector.shape_cast %div3A_14 : vector<16xf32> to vector<1x16xf32>
      tpu.vector_store %arg5[%swap3A_883, %swap3A_884], %swap3A_887 {strides = array<i32>} : memref<8x1024xf32, #tpu.memory_space<vmem>>, vector<1x16xf32>,
      %swap3A_888 = arith.constant 2 : i32
      %swap3A_889 = arith.index_cast %swap3A_888 : i32 to index
      %swap3A_890 = arith.constant 256 : index
      %swap3A_891 = tpu.vector_load %arg5[%swap3A_889, %swap3A_890] {strides = array<i32>} : memref<8x1024xf32, #tpu.memory_space<vmem>>, vector<1x16xf32>,
      %swap3A_892 = vector.shape_cast %swap3A_891 : vector<1x16xf32> to vector<16xf32>
      %swap3A_893 = vector.shape_cast %div3A_14 : vector<16xf32> to vector<1x16xf32>
      tpu.vector_store %arg5[%swap3A_889, %swap3A_890], %swap3A_893 {strides = array<i32>} : memref<8x1024xf32, #tpu.memory_space<vmem>>, vector<1x16xf32>,
      %swap3A_894 = arith.constant 2 : i32
      %swap3A_895 = arith.index_cast %swap3A_894 : i32 to index
      %swap3A_896 = arith.constant 272 : index
      %swap3A_897 = tpu.vector_load %arg5[%swap3A_895, %swap3A_896] {strides = array<i32>} : memref<8x1024xf32, #tpu.memory_space<vmem>>, vector<1x16xf32>,
      %swap3A_898 = vector.shape_cast %swap3A_897 : vector<1x16xf32> to vector<16xf32>
      %swap3A_899 = vector.shape_cast %div3A_14 : vector<16xf32> to vector<1x16xf32>
      tpu.vector_store %arg5[%swap3A_895, %swap3A_896], %swap3A_899 {strides = array<i32>} : memref<8x1024xf32, #tpu.memory_space<vmem>>, vector<1x16xf32>,
      %swap3A_900 = arith.constant 2 : i32
      %swap3A_901 = arith.index_cast %swap3A_900 : i32 to index
      %swap3A_902 = arith.constant 288 : index
      %swap3A_903 = tpu.vector_load %arg5[%swap3A_901, %swap3A_902] {strides = array<i32>} : memref<8x1024xf32, #tpu.memory_space<vmem>>, vector<1x16xf32>,
      %swap3A_904 = vector.shape_cast %swap3A_903 : vector<1x16xf32> to vector<16xf32>
      %swap3A_905 = vector.shape_cast %div3A_14 : vector<16xf32> to vector<1x16xf32>
      tpu.vector_store %arg5[%swap3A_901, %swap3A_902], %swap3A_905 {strides = array<i32>} : memref<8x1024xf32, #tpu.memory_space<vmem>>, vector<1x16xf32>,
      %swap3A_906 = arith.constant 2 : i32
      %swap3A_907 = arith.index_cast %swap3A_906 : i32 to index
      %swap3A_908 = arith.constant 304 : index
      %swap3A_909 = tpu.vector_load %arg5[%swap3A_907, %swap3A_908] {strides = array<i32>} : memref<8x1024xf32, #tpu.memory_space<vmem>>, vector<1x16xf32>,
      %swap3A_910 = vector.shape_cast %swap3A_909 : vector<1x16xf32> to vector<16xf32>
      %swap3A_911 = vector.shape_cast %div3A_14 : vector<16xf32> to vector<1x16xf32>
      tpu.vector_store %arg5[%swap3A_907, %swap3A_908], %swap3A_911 {strides = array<i32>} : memref<8x1024xf32, #tpu.memory_space<vmem>>, vector<1x16xf32>,
      %swap3A_912 = arith.constant 2 : i32
      %swap3A_913 = arith.index_cast %swap3A_912 : i32 to index
      %swap3A_914 = arith.constant 320 : index
      %swap3A_915 = tpu.vector_load %arg5[%swap3A_913, %swap3A_914] {strides = array<i32>} : memref<8x1024xf32, #tpu.memory_space<vmem>>, vector<1x16xf32>,
      %swap3A_916 = vector.shape_cast %swap3A_915 : vector<1x16xf32> to vector<16xf32>
      %swap3A_917 = vector.shape_cast %div3A_14 : vector<16xf32> to vector<1x16xf32>
      tpu.vector_store %arg5[%swap3A_913, %swap3A_914], %swap3A_917 {strides = array<i32>} : memref<8x1024xf32, #tpu.memory_space<vmem>>, vector<1x16xf32>,
      %swap3A_918 = arith.constant 2 : i32
      %swap3A_919 = arith.index_cast %swap3A_918 : i32 to index
      %swap3A_920 = arith.constant 336 : index
      %swap3A_921 = tpu.vector_load %arg5[%swap3A_919, %swap3A_920] {strides = array<i32>} : memref<8x1024xf32, #tpu.memory_space<vmem>>, vector<1x16xf32>,
      %swap3A_922 = vector.shape_cast %swap3A_921 : vector<1x16xf32> to vector<16xf32>
      %swap3A_923 = vector.shape_cast %div3A_14 : vector<16xf32> to vector<1x16xf32>
      tpu.vector_store %arg5[%swap3A_919, %swap3A_920], %swap3A_923 {strides = array<i32>} : memref<8x1024xf32, #tpu.memory_space<vmem>>, vector<1x16xf32>,
      %swap3A_924 = arith.constant 2 : i32
      %swap3A_925 = arith.index_cast %swap3A_924 : i32 to index
      %swap3A_926 = arith.constant 352 : index
      %swap3A_927 = tpu.vector_load %arg5[%swap3A_925, %swap3A_926] {strides = array<i32>} : memref<8x1024xf32, #tpu.memory_space<vmem>>, vector<1x16xf32>,
      %swap3A_928 = vector.shape_cast %swap3A_927 : vector<1x16xf32> to vector<16xf32>
      %swap3A_929 = vector.shape_cast %div3A_14 : vector<16xf32> to vector<1x16xf32>
      tpu.vector_store %arg5[%swap3A_925, %swap3A_926], %swap3A_929 {strides = array<i32>} : memref<8x1024xf32, #tpu.memory_space<vmem>>, vector<1x16xf32>,
      %swap3A_930 = arith.constant 2 : i32
      %swap3A_931 = arith.index_cast %swap3A_930 : i32 to index
      %swap3A_932 = arith.constant 368 : index
      %swap3A_933 = tpu.vector_load %arg5[%swap3A_931, %swap3A_932] {strides = array<i32>} : memref<8x1024xf32, #tpu.memory_space<vmem>>, vector<1x16xf32>,
      %swap3A_934 = vector.shape_cast %swap3A_933 : vector<1x16xf32> to vector<16xf32>
      %swap3A_935 = vector.shape_cast %div3A_14 : vector<16xf32> to vector<1x16xf32>
      tpu.vector_store %arg5[%swap3A_931, %swap3A_932], %swap3A_935 {strides = array<i32>} : memref<8x1024xf32, #tpu.memory_space<vmem>>, vector<1x16xf32>,
      %swap3A_936 = arith.constant 2 : i32
      %swap3A_937 = arith.index_cast %swap3A_936 : i32 to index
      %swap3A_938 = arith.constant 384 : index
      %swap3A_939 = tpu.vector_load %arg5[%swap3A_937, %swap3A_938] {strides = array<i32>} : memref<8x1024xf32, #tpu.memory_space<vmem>>, vector<1x16xf32>,
      %swap3A_940 = vector.shape_cast %swap3A_939 : vector<1x16xf32> to vector<16xf32>
      %swap3A_941 = vector.shape_cast %div3A_14 : vector<16xf32> to vector<1x16xf32>
      tpu.vector_store %arg5[%swap3A_937, %swap3A_938], %swap3A_941 {strides = array<i32>} : memref<8x1024xf32, #tpu.memory_space<vmem>>, vector<1x16xf32>,
      %swap3A_942 = arith.constant 2 : i32
      %swap3A_943 = arith.index_cast %swap3A_942 : i32 to index
      %swap3A_944 = arith.constant 400 : index
      %swap3A_945 = tpu.vector_load %arg5[%swap3A_943, %swap3A_944] {strides = array<i32>} : memref<8x1024xf32, #tpu.memory_space<vmem>>, vector<1x16xf32>,
      %swap3A_946 = vector.shape_cast %swap3A_945 : vector<1x16xf32> to vector<16xf32>
      %swap3A_947 = vector.shape_cast %div3A_14 : vector<16xf32> to vector<1x16xf32>
      tpu.vector_store %arg5[%swap3A_943, %swap3A_944], %swap3A_947 {strides = array<i32>} : memref<8x1024xf32, #tpu.memory_space<vmem>>, vector<1x16xf32>,
      %swap3A_948 = arith.constant 2 : i32
      %swap3A_949 = arith.index_cast %swap3A_948 : i32 to index
      %swap3A_950 = arith.constant 416 : index
      %swap3A_951 = tpu.vector_load %arg5[%swap3A_949, %swap3A_950] {strides = array<i32>} : memref<8x1024xf32, #tpu.memory_space<vmem>>, vector<1x16xf32>,
      %swap3A_952 = vector.shape_cast %swap3A_951 : vector<1x16xf32> to vector<16xf32>
      %swap3A_953 = vector.shape_cast %div3A_14 : vector<16xf32> to vector<1x16xf32>
      tpu.vector_store %arg5[%swap3A_949, %swap3A_950], %swap3A_953 {strides = array<i32>} : memref<8x1024xf32, #tpu.memory_space<vmem>>, vector<1x16xf32>,
      %swap3A_954 = arith.constant 2 : i32
      %swap3A_955 = arith.index_cast %swap3A_954 : i32 to index
      %swap3A_956 = arith.constant 432 : index
      %swap3A_957 = tpu.vector_load %arg5[%swap3A_955, %swap3A_956] {strides = array<i32>} : memref<8x1024xf32, #tpu.memory_space<vmem>>, vector<1x16xf32>,
      %swap3A_958 = vector.shape_cast %swap3A_957 : vector<1x16xf32> to vector<16xf32>
      %swap3A_959 = vector.shape_cast %div3A_14 : vector<16xf32> to vector<1x16xf32>
      tpu.vector_store %arg5[%swap3A_955, %swap3A_956], %swap3A_959 {strides = array<i32>} : memref<8x1024xf32, #tpu.memory_space<vmem>>, vector<1x16xf32>,
      %swap3A_960 = arith.constant 2 : i32
      %swap3A_961 = arith.index_cast %swap3A_960 : i32 to index
      %swap3A_962 = arith.constant 448 : index
      %swap3A_963 = tpu.vector_load %arg5[%swap3A_961, %swap3A_962] {strides = array<i32>} : memref<8x1024xf32, #tpu.memory_space<vmem>>, vector<1x16xf32>,
      %swap3A_964 = vector.shape_cast %swap3A_963 : vector<1x16xf32> to vector<16xf32>
      %swap3A_965 = vector.shape_cast %div3A_14 : vector<16xf32> to vector<1x16xf32>
      tpu.vector_store %arg5[%swap3A_961, %swap3A_962], %swap3A_965 {strides = array<i32>} : memref<8x1024xf32, #tpu.memory_space<vmem>>, vector<1x16xf32>,
      %swap3A_966 = arith.constant 2 : i32
      %swap3A_967 = arith.index_cast %swap3A_966 : i32 to index
      %swap3A_968 = arith.constant 464 : index
      %swap3A_969 = tpu.vector_load %arg5[%swap3A_967, %swap3A_968] {strides = array<i32>} : memref<8x1024xf32, #tpu.memory_space<vmem>>, vector<1x16xf32>,
      %swap3A_970 = vector.shape_cast %swap3A_969 : vector<1x16xf32> to vector<16xf32>
      %swap3A_971 = vector.shape_cast %div3A_14 : vector<16xf32> to vector<1x16xf32>
      tpu.vector_store %arg5[%swap3A_967, %swap3A_968], %swap3A_971 {strides = array<i32>} : memref<8x1024xf32, #tpu.memory_space<vmem>>, vector<1x16xf32>,
      %swap3A_972 = arith.constant 2 : i32
      %swap3A_973 = arith.index_cast %swap3A_972 : i32 to index
      %swap3A_974 = arith.constant 480 : index
      %swap3A_975 = tpu.vector_load %arg5[%swap3A_973, %swap3A_974] {strides = array<i32>} : memref<8x1024xf32, #tpu.memory_space<vmem>>, vector<1x16xf32>,
      %swap3A_976 = vector.shape_cast %swap3A_975 : vector<1x16xf32> to vector<16xf32>
      %swap3A_977 = vector.shape_cast %div3A_14 : vector<16xf32> to vector<1x16xf32>
      tpu.vector_store %arg5[%swap3A_973, %swap3A_974], %swap3A_977 {strides = array<i32>} : memref<8x1024xf32, #tpu.memory_space<vmem>>, vector<1x16xf32>,
      %swap3A_978 = arith.constant 2 : i32
      %swap3A_979 = arith.index_cast %swap3A_978 : i32 to index
      %swap3A_980 = arith.constant 496 : index
      %swap3A_981 = tpu.vector_load %arg5[%swap3A_979, %swap3A_980] {strides = array<i32>} : memref<8x1024xf32, #tpu.memory_space<vmem>>, vector<1x16xf32>,
      %swap3A_982 = vector.shape_cast %swap3A_981 : vector<1x16xf32> to vector<16xf32>
      %swap3A_983 = vector.shape_cast %div3A_14 : vector<16xf32> to vector<1x16xf32>
      tpu.vector_store %arg5[%swap3A_979, %swap3A_980], %swap3A_983 {strides = array<i32>} : memref<8x1024xf32, #tpu.memory_space<vmem>>, vector<1x16xf32>,
      %swap3A_984 = arith.constant 2 : i32
      %swap3A_985 = arith.index_cast %swap3A_984 : i32 to index
      %swap3A_986 = arith.constant 512 : index
      %swap3A_987 = tpu.vector_load %arg5[%swap3A_985, %swap3A_986] {strides = array<i32>} : memref<8x1024xf32, #tpu.memory_space<vmem>>, vector<1x16xf32>,
      %swap3A_988 = vector.shape_cast %swap3A_987 : vector<1x16xf32> to vector<16xf32>
      %swap3A_989 = vector.shape_cast %div3A_14 : vector<16xf32> to vector<1x16xf32>
      tpu.vector_store %arg5[%swap3A_985, %swap3A_986], %swap3A_989 {strides = array<i32>} : memref<8x1024xf32, #tpu.memory_space<vmem>>, vector<1x16xf32>,
      %swap3A_990 = arith.constant 2 : i32
      %swap3A_991 = arith.index_cast %swap3A_990 : i32 to index
      %swap3A_992 = arith.constant 528 : index
      %swap3A_993 = tpu.vector_load %arg5[%swap3A_991, %swap3A_992] {strides = array<i32>} : memref<8x1024xf32, #tpu.memory_space<vmem>>, vector<1x16xf32>,
      %swap3A_994 = vector.shape_cast %swap3A_993 : vector<1x16xf32> to vector<16xf32>
      %swap3A_995 = vector.shape_cast %div3A_14 : vector<16xf32> to vector<1x16xf32>
      tpu.vector_store %arg5[%swap3A_991, %swap3A_992], %swap3A_995 {strides = array<i32>} : memref<8x1024xf32, #tpu.memory_space<vmem>>, vector<1x16xf32>,
      %swap3A_996 = arith.constant 2 : i32
      %swap3A_997 = arith.index_cast %swap3A_996 : i32 to index
      %swap3A_998 = arith.constant 544 : index
      %swap3A_999 = tpu.vector_load %arg5[%swap3A_997, %swap3A_998] {strides = array<i32>} : memref<8x1024xf32, #tpu.memory_space<vmem>>, vector<1x16xf32>,
      %swap3A_1000 = vector.shape_cast %swap3A_999 : vector<1x16xf32> to vector<16xf32>
      %swap3A_1001 = vector.shape_cast %div3A_14 : vector<16xf32> to vector<1x16xf32>
      tpu.vector_store %arg5[%swap3A_997, %swap3A_998], %swap3A_1001 {strides = array<i32>} : memref<8x1024xf32, #tpu.memory_space<vmem>>, vector<1x16xf32>,
      %swap3A_1002 = arith.constant 2 : i32
      %swap3A_1003 = arith.index_cast %swap3A_1002 : i32 to index
      %swap3A_1004 = arith.constant 560 : index
      %swap3A_1005 = tpu.vector_load %arg5[%swap3A_1003, %swap3A_1004] {strides = array<i32>} : memref<8x1024xf32, #tpu.memory_space<vmem>>, vector<1x16xf32>,
      %swap3A_1006 = vector.shape_cast %swap3A_1005 : vector<1x16xf32> to vector<16xf32>
      %swap3A_1007 = vector.shape_cast %div3A_14 : vector<16xf32> to vector<1x16xf32>
      tpu.vector_store %arg5[%swap3A_1003, %swap3A_1004], %swap3A_1007 {strides = array<i32>} : memref<8x1024xf32, #tpu.memory_space<vmem>>, vector<1x16xf32>,
      %swap3A_1008 = arith.constant 2 : i32
      %swap3A_1009 = arith.index_cast %swap3A_1008 : i32 to index
      %swap3A_1010 = arith.constant 576 : index
      %swap3A_1011 = tpu.vector_load %arg5[%swap3A_1009, %swap3A_1010] {strides = array<i32>} : memref<8x1024xf32, #tpu.memory_space<vmem>>, vector<1x16xf32>,
      %swap3A_1012 = vector.shape_cast %swap3A_1011 : vector<1x16xf32> to vector<16xf32>
      %swap3A_1013 = vector.shape_cast %div3A_14 : vector<16xf32> to vector<1x16xf32>
      tpu.vector_store %arg5[%swap3A_1009, %swap3A_1010], %swap3A_1013 {strides = array<i32>} : memref<8x1024xf32, #tpu.memory_space<vmem>>, vector<1x16xf32>,
      %swap3A_1014 = arith.constant 2 : i32
      %swap3A_1015 = arith.index_cast %swap3A_1014 : i32 to index
      %swap3A_1016 = arith.constant 592 : index
      %swap3A_1017 = tpu.vector_load %arg5[%swap3A_1015, %swap3A_1016] {strides = array<i32>} : memref<8x1024xf32, #tpu.memory_space<vmem>>, vector<1x16xf32>,
      %swap3A_1018 = vector.shape_cast %swap3A_1017 : vector<1x16xf32> to vector<16xf32>
      %swap3A_1019 = vector.shape_cast %div3A_14 : vector<16xf32> to vector<1x16xf32>
      tpu.vector_store %arg5[%swap3A_1015, %swap3A_1016], %swap3A_1019 {strides = array<i32>} : memref<8x1024xf32, #tpu.memory_space<vmem>>, vector<1x16xf32>,
      %swap3A_1020 = arith.constant 2 : i32
      %swap3A_1021 = arith.index_cast %swap3A_1020 : i32 to index
      %swap3A_1022 = arith.constant 608 : index
      %swap3A_1023 = tpu.vector_load %arg5[%swap3A_1021, %swap3A_1022] {strides = array<i32>} : memref<8x1024xf32, #tpu.memory_space<vmem>>, vector<1x16xf32>,
      %swap3A_1024 = vector.shape_cast %swap3A_1023 : vector<1x16xf32> to vector<16xf32>
      %swap3A_1025 = vector.shape_cast %div3A_14 : vector<16xf32> to vector<1x16xf32>
      tpu.vector_store %arg5[%swap3A_1021, %swap3A_1022], %swap3A_1025 {strides = array<i32>} : memref<8x1024xf32, #tpu.memory_space<vmem>>, vector<1x16xf32>,
      %swap3A_1026 = arith.constant 2 : i32
      %swap3A_1027 = arith.index_cast %swap3A_1026 : i32 to index
      %swap3A_1028 = arith.constant 624 : index
      %swap3A_1029 = tpu.vector_load %arg5[%swap3A_1027, %swap3A_1028] {strides = array<i32>} : memref<8x1024xf32, #tpu.memory_space<vmem>>, vector<1x16xf32>,
      %swap3A_1030 = vector.shape_cast %swap3A_1029 : vector<1x16xf32> to vector<16xf32>
      %swap3A_1031 = vector.shape_cast %div3A_14 : vector<16xf32> to vector<1x16xf32>
      tpu.vector_store %arg5[%swap3A_1027, %swap3A_1028], %swap3A_1031 {strides = array<i32>} : memref<8x1024xf32, #tpu.memory_space<vmem>>, vector<1x16xf32>,
      %swap3A_1032 = arith.constant 2 : i32
      %swap3A_1033 = arith.index_cast %swap3A_1032 : i32 to index
      %swap3A_1034 = arith.constant 640 : index
      %swap3A_1035 = tpu.vector_load %arg5[%swap3A_1033, %swap3A_1034] {strides = array<i32>} : memref<8x1024xf32, #tpu.memory_space<vmem>>, vector<1x16xf32>,
      %swap3A_1036 = vector.shape_cast %swap3A_1035 : vector<1x16xf32> to vector<16xf32>
      %swap3A_1037 = vector.shape_cast %div3A_14 : vector<16xf32> to vector<1x16xf32>
      tpu.vector_store %arg5[%swap3A_1033, %swap3A_1034], %swap3A_1037 {strides = array<i32>} : memref<8x1024xf32, #tpu.memory_space<vmem>>, vector<1x16xf32>,
      %swap3A_1038 = arith.constant 2 : i32
      %swap3A_1039 = arith.index_cast %swap3A_1038 : i32 to index
      %swap3A_1040 = arith.constant 656 : index
      %swap3A_1041 = tpu.vector_load %arg5[%swap3A_1039, %swap3A_1040] {strides = array<i32>} : memref<8x1024xf32, #tpu.memory_space<vmem>>, vector<1x16xf32>,
      %swap3A_1042 = vector.shape_cast %swap3A_1041 : vector<1x16xf32> to vector<16xf32>
      %swap3A_1043 = vector.shape_cast %div3A_14 : vector<16xf32> to vector<1x16xf32>
      tpu.vector_store %arg5[%swap3A_1039, %swap3A_1040], %swap3A_1043 {strides = array<i32>} : memref<8x1024xf32, #tpu.memory_space<vmem>>, vector<1x16xf32>,
      %swap3A_1044 = arith.constant 2 : i32
      %swap3A_1045 = arith.index_cast %swap3A_1044 : i32 to index
      %swap3A_1046 = arith.constant 672 : index
      %swap3A_1047 = tpu.vector_load %arg5[%swap3A_1045, %swap3A_1046] {strides = array<i32>} : memref<8x1024xf32, #tpu.memory_space<vmem>>, vector<1x16xf32>,
      %swap3A_1048 = vector.shape_cast %swap3A_1047 : vector<1x16xf32> to vector<16xf32>
      %swap3A_1049 = vector.shape_cast %div3A_14 : vector<16xf32> to vector<1x16xf32>
      tpu.vector_store %arg5[%swap3A_1045, %swap3A_1046], %swap3A_1049 {strides = array<i32>} : memref<8x1024xf32, #tpu.memory_space<vmem>>, vector<1x16xf32>,
      %swap3A_1050 = arith.constant 2 : i32
      %swap3A_1051 = arith.index_cast %swap3A_1050 : i32 to index
      %swap3A_1052 = arith.constant 688 : index
      %swap3A_1053 = tpu.vector_load %arg5[%swap3A_1051, %swap3A_1052] {strides = array<i32>} : memref<8x1024xf32, #tpu.memory_space<vmem>>, vector<1x16xf32>,
      %swap3A_1054 = vector.shape_cast %swap3A_1053 : vector<1x16xf32> to vector<16xf32>
      %swap3A_1055 = vector.shape_cast %div3A_14 : vector<16xf32> to vector<1x16xf32>
      tpu.vector_store %arg5[%swap3A_1051, %swap3A_1052], %swap3A_1055 {strides = array<i32>} : memref<8x1024xf32, #tpu.memory_space<vmem>>, vector<1x16xf32>,
      %swap3A_1056 = arith.constant 2 : i32
      %swap3A_1057 = arith.index_cast %swap3A_1056 : i32 to index
      %swap3A_1058 = arith.constant 704 : index
      %swap3A_1059 = tpu.vector_load %arg5[%swap3A_1057, %swap3A_1058] {strides = array<i32>} : memref<8x1024xf32, #tpu.memory_space<vmem>>, vector<1x16xf32>,
      %swap3A_1060 = vector.shape_cast %swap3A_1059 : vector<1x16xf32> to vector<16xf32>
      %swap3A_1061 = vector.shape_cast %div3A_14 : vector<16xf32> to vector<1x16xf32>
      tpu.vector_store %arg5[%swap3A_1057, %swap3A_1058], %swap3A_1061 {strides = array<i32>} : memref<8x1024xf32, #tpu.memory_space<vmem>>, vector<1x16xf32>,
      %swap3A_1062 = arith.constant 2 : i32
      %swap3A_1063 = arith.index_cast %swap3A_1062 : i32 to index
      %swap3A_1064 = arith.constant 720 : index
      %swap3A_1065 = tpu.vector_load %arg5[%swap3A_1063, %swap3A_1064] {strides = array<i32>} : memref<8x1024xf32, #tpu.memory_space<vmem>>, vector<1x16xf32>,
      %swap3A_1066 = vector.shape_cast %swap3A_1065 : vector<1x16xf32> to vector<16xf32>
      %swap3A_1067 = vector.shape_cast %div3A_14 : vector<16xf32> to vector<1x16xf32>
      tpu.vector_store %arg5[%swap3A_1063, %swap3A_1064], %swap3A_1067 {strides = array<i32>} : memref<8x1024xf32, #tpu.memory_space<vmem>>, vector<1x16xf32>,
      %swap3A_1068 = arith.constant 2 : i32
      %swap3A_1069 = arith.index_cast %swap3A_1068 : i32 to index
      %swap3A_1070 = arith.constant 736 : index
      %swap3A_1071 = tpu.vector_load %arg5[%swap3A_1069, %swap3A_1070] {strides = array<i32>} : memref<8x1024xf32, #tpu.memory_space<vmem>>, vector<1x16xf32>,
      %swap3A_1072 = vector.shape_cast %swap3A_1071 : vector<1x16xf32> to vector<16xf32>
      %swap3A_1073 = vector.shape_cast %div3A_14 : vector<16xf32> to vector<1x16xf32>
      tpu.vector_store %arg5[%swap3A_1069, %swap3A_1070], %swap3A_1073 {strides = array<i32>} : memref<8x1024xf32, #tpu.memory_space<vmem>>, vector<1x16xf32>,
      %swap3A_1074 = arith.constant 2 : i32
      %swap3A_1075 = arith.index_cast %swap3A_1074 : i32 to index
      %swap3A_1076 = arith.constant 752 : index
      %swap3A_1077 = tpu.vector_load %arg5[%swap3A_1075, %swap3A_1076] {strides = array<i32>} : memref<8x1024xf32, #tpu.memory_space<vmem>>, vector<1x16xf32>,
      %swap3A_1078 = vector.shape_cast %swap3A_1077 : vector<1x16xf32> to vector<16xf32>
      %swap3A_1079 = vector.shape_cast %div3A_14 : vector<16xf32> to vector<1x16xf32>
      tpu.vector_store %arg5[%swap3A_1075, %swap3A_1076], %swap3A_1079 {strides = array<i32>} : memref<8x1024xf32, #tpu.memory_space<vmem>>, vector<1x16xf32>,
      %swap3A_1080 = arith.constant 2 : i32
      %swap3A_1081 = arith.index_cast %swap3A_1080 : i32 to index
      %swap3A_1082 = arith.constant 768 : index
      %swap3A_1083 = tpu.vector_load %arg5[%swap3A_1081, %swap3A_1082] {strides = array<i32>} : memref<8x1024xf32, #tpu.memory_space<vmem>>, vector<1x16xf32>,
      %swap3A_1084 = vector.shape_cast %swap3A_1083 : vector<1x16xf32> to vector<16xf32>
      %swap3A_1085 = vector.shape_cast %div3A_14 : vector<16xf32> to vector<1x16xf32>
      tpu.vector_store %arg5[%swap3A_1081, %swap3A_1082], %swap3A_1085 {strides = array<i32>} : memref<8x1024xf32, #tpu.memory_space<vmem>>, vector<1x16xf32>,
      %swap3A_1086 = arith.constant 2 : i32
      %swap3A_1087 = arith.index_cast %swap3A_1086 : i32 to index
      %swap3A_1088 = arith.constant 784 : index
      %swap3A_1089 = tpu.vector_load %arg5[%swap3A_1087, %swap3A_1088] {strides = array<i32>} : memref<8x1024xf32, #tpu.memory_space<vmem>>, vector<1x16xf32>,
      %swap3A_1090 = vector.shape_cast %swap3A_1089 : vector<1x16xf32> to vector<16xf32>
      %swap3A_1091 = vector.shape_cast %div3A_14 : vector<16xf32> to vector<1x16xf32>
      tpu.vector_store %arg5[%swap3A_1087, %swap3A_1088], %swap3A_1091 {strides = array<i32>} : memref<8x1024xf32, #tpu.memory_space<vmem>>, vector<1x16xf32>,
      %swap3A_1092 = arith.constant 2 : i32
      %swap3A_1093 = arith.index_cast %swap3A_1092 : i32 to index
      %swap3A_1094 = arith.constant 800 : index
      %swap3A_1095 = tpu.vector_load %arg5[%swap3A_1093, %swap3A_1094] {strides = array<i32>} : memref<8x1024xf32, #tpu.memory_space<vmem>>, vector<1x16xf32>,
      %swap3A_1096 = vector.shape_cast %swap3A_1095 : vector<1x16xf32> to vector<16xf32>
      %swap3A_1097 = vector.shape_cast %div3A_14 : vector<16xf32> to vector<1x16xf32>
      tpu.vector_store %arg5[%swap3A_1093, %swap3A_1094], %swap3A_1097 {strides = array<i32>} : memref<8x1024xf32, #tpu.memory_space<vmem>>, vector<1x16xf32>,
      %swap3A_1098 = arith.constant 2 : i32
      %swap3A_1099 = arith.index_cast %swap3A_1098 : i32 to index
      %swap3A_1100 = arith.constant 816 : index
      %swap3A_1101 = tpu.vector_load %arg5[%swap3A_1099, %swap3A_1100] {strides = array<i32>} : memref<8x1024xf32, #tpu.memory_space<vmem>>, vector<1x16xf32>,
      %swap3A_1102 = vector.shape_cast %swap3A_1101 : vector<1x16xf32> to vector<16xf32>
      %swap3A_1103 = vector.shape_cast %div3A_14 : vector<16xf32> to vector<1x16xf32>
      tpu.vector_store %arg5[%swap3A_1099, %swap3A_1100], %swap3A_1103 {strides = array<i32>} : memref<8x1024xf32, #tpu.memory_space<vmem>>, vector<1x16xf32>,
      %swap3A_1104 = arith.constant 2 : i32
      %swap3A_1105 = arith.index_cast %swap3A_1104 : i32 to index
      %swap3A_1106 = arith.constant 832 : index
      %swap3A_1107 = tpu.vector_load %arg5[%swap3A_1105, %swap3A_1106] {strides = array<i32>} : memref<8x1024xf32, #tpu.memory_space<vmem>>, vector<1x16xf32>,
      %swap3A_1108 = vector.shape_cast %swap3A_1107 : vector<1x16xf32> to vector<16xf32>
      %swap3A_1109 = vector.shape_cast %div3A_14 : vector<16xf32> to vector<1x16xf32>
      tpu.vector_store %arg5[%swap3A_1105, %swap3A_1106], %swap3A_1109 {strides = array<i32>} : memref<8x1024xf32, #tpu.memory_space<vmem>>, vector<1x16xf32>,
      %swap3A_1110 = arith.constant 2 : i32
      %swap3A_1111 = arith.index_cast %swap3A_1110 : i32 to index
      %swap3A_1112 = arith.constant 848 : index
      %swap3A_1113 = tpu.vector_load %arg5[%swap3A_1111, %swap3A_1112] {strides = array<i32>} : memref<8x1024xf32, #tpu.memory_space<vmem>>, vector<1x16xf32>,
      %swap3A_1114 = vector.shape_cast %swap3A_1113 : vector<1x16xf32> to vector<16xf32>
      %swap3A_1115 = vector.shape_cast %div3A_14 : vector<16xf32> to vector<1x16xf32>
      tpu.vector_store %arg5[%swap3A_1111, %swap3A_1112], %swap3A_1115 {strides = array<i32>} : memref<8x1024xf32, #tpu.memory_space<vmem>>, vector<1x16xf32>,
      %swap3A_1116 = arith.constant 2 : i32
      %swap3A_1117 = arith.index_cast %swap3A_1116 : i32 to index
      %swap3A_1118 = arith.constant 864 : index
      %swap3A_1119 = tpu.vector_load %arg5[%swap3A_1117, %swap3A_1118] {strides = array<i32>} : memref<8x1024xf32, #tpu.memory_space<vmem>>, vector<1x16xf32>,
      %swap3A_1120 = vector.shape_cast %swap3A_1119 : vector<1x16xf32> to vector<16xf32>
      %swap3A_1121 = vector.shape_cast %div3A_14 : vector<16xf32> to vector<1x16xf32>
      tpu.vector_store %arg5[%swap3A_1117, %swap3A_1118], %swap3A_1121 {strides = array<i32>} : memref<8x1024xf32, #tpu.memory_space<vmem>>, vector<1x16xf32>,
      %swap3A_1122 = arith.constant 2 : i32
      %swap3A_1123 = arith.index_cast %swap3A_1122 : i32 to index
      %swap3A_1124 = arith.constant 880 : index
      %swap3A_1125 = tpu.vector_load %arg5[%swap3A_1123, %swap3A_1124] {strides = array<i32>} : memref<8x1024xf32, #tpu.memory_space<vmem>>, vector<1x16xf32>,
      %swap3A_1126 = vector.shape_cast %swap3A_1125 : vector<1x16xf32> to vector<16xf32>
      %swap3A_1127 = vector.shape_cast %div3A_14 : vector<16xf32> to vector<1x16xf32>
      tpu.vector_store %arg5[%swap3A_1123, %swap3A_1124], %swap3A_1127 {strides = array<i32>} : memref<8x1024xf32, #tpu.memory_space<vmem>>, vector<1x16xf32>,
      %swap3A_1128 = arith.constant 2 : i32
      %swap3A_1129 = arith.index_cast %swap3A_1128 : i32 to index
      %swap3A_1130 = arith.constant 896 : index
      %swap3A_1131 = tpu.vector_load %arg5[%swap3A_1129, %swap3A_1130] {strides = array<i32>} : memref<8x1024xf32, #tpu.memory_space<vmem>>, vector<1x16xf32>,
      %swap3A_1132 = vector.shape_cast %swap3A_1131 : vector<1x16xf32> to vector<16xf32>
      %swap3A_1133 = vector.shape_cast %div3A_14 : vector<16xf32> to vector<1x16xf32>
      tpu.vector_store %arg5[%swap3A_1129, %swap3A_1130], %swap3A_1133 {strides = array<i32>} : memref<8x1024xf32, #tpu.memory_space<vmem>>, vector<1x16xf32>,
      %swap3A_1134 = arith.constant 2 : i32
      %swap3A_1135 = arith.index_cast %swap3A_1134 : i32 to index
      %swap3A_1136 = arith.constant 912 : index
      %swap3A_1137 = tpu.vector_load %arg5[%swap3A_1135, %swap3A_1136] {strides = array<i32>} : memref<8x1024xf32, #tpu.memory_space<vmem>>, vector<1x16xf32>,
      %swap3A_1138 = vector.shape_cast %swap3A_1137 : vector<1x16xf32> to vector<16xf32>
      %swap3A_1139 = vector.shape_cast %div3A_14 : vector<16xf32> to vector<1x16xf32>
      tpu.vector_store %arg5[%swap3A_1135, %swap3A_1136], %swap3A_1139 {strides = array<i32>} : memref<8x1024xf32, #tpu.memory_space<vmem>>, vector<1x16xf32>,
      %swap3A_1140 = arith.constant 2 : i32
      %swap3A_1141 = arith.index_cast %swap3A_1140 : i32 to index
      %swap3A_1142 = arith.constant 928 : index
      %swap3A_1143 = tpu.vector_load %arg5[%swap3A_1141, %swap3A_1142] {strides = array<i32>} : memref<8x1024xf32, #tpu.memory_space<vmem>>, vector<1x16xf32>,
      %swap3A_1144 = vector.shape_cast %swap3A_1143 : vector<1x16xf32> to vector<16xf32>
      %swap3A_1145 = vector.shape_cast %div3A_14 : vector<16xf32> to vector<1x16xf32>
      tpu.vector_store %arg5[%swap3A_1141, %swap3A_1142], %swap3A_1145 {strides = array<i32>} : memref<8x1024xf32, #tpu.memory_space<vmem>>, vector<1x16xf32>,
      %swap3A_1146 = arith.constant 2 : i32
      %swap3A_1147 = arith.index_cast %swap3A_1146 : i32 to index
      %swap3A_1148 = arith.constant 944 : index
      %swap3A_1149 = tpu.vector_load %arg5[%swap3A_1147, %swap3A_1148] {strides = array<i32>} : memref<8x1024xf32, #tpu.memory_space<vmem>>, vector<1x16xf32>,
      %swap3A_1150 = vector.shape_cast %swap3A_1149 : vector<1x16xf32> to vector<16xf32>
      %swap3A_1151 = vector.shape_cast %div3A_14 : vector<16xf32> to vector<1x16xf32>
      tpu.vector_store %arg5[%swap3A_1147, %swap3A_1148], %swap3A_1151 {strides = array<i32>} : memref<8x1024xf32, #tpu.memory_space<vmem>>, vector<1x16xf32>,
      %swap3A_1152 = arith.constant 2 : i32
      %swap3A_1153 = arith.index_cast %swap3A_1152 : i32 to index
      %swap3A_1154 = arith.constant 960 : index
      %swap3A_1155 = tpu.vector_load %arg5[%swap3A_1153, %swap3A_1154] {strides = array<i32>} : memref<8x1024xf32, #tpu.memory_space<vmem>>, vector<1x16xf32>,
      %swap3A_1156 = vector.shape_cast %swap3A_1155 : vector<1x16xf32> to vector<16xf32>
      %swap3A_1157 = vector.shape_cast %div3A_14 : vector<16xf32> to vector<1x16xf32>
      tpu.vector_store %arg5[%swap3A_1153, %swap3A_1154], %swap3A_1157 {strides = array<i32>} : memref<8x1024xf32, #tpu.memory_space<vmem>>, vector<1x16xf32>,
      %swap3A_1158 = arith.constant 2 : i32
      %swap3A_1159 = arith.index_cast %swap3A_1158 : i32 to index
      %swap3A_1160 = arith.constant 976 : index
      %swap3A_1161 = tpu.vector_load %arg5[%swap3A_1159, %swap3A_1160] {strides = array<i32>} : memref<8x1024xf32, #tpu.memory_space<vmem>>, vector<1x16xf32>,
      %swap3A_1162 = vector.shape_cast %swap3A_1161 : vector<1x16xf32> to vector<16xf32>
      %swap3A_1163 = vector.shape_cast %div3A_14 : vector<16xf32> to vector<1x16xf32>
      tpu.vector_store %arg5[%swap3A_1159, %swap3A_1160], %swap3A_1163 {strides = array<i32>} : memref<8x1024xf32, #tpu.memory_space<vmem>>, vector<1x16xf32>,
      %swap3A_1164 = arith.constant 2 : i32
      %swap3A_1165 = arith.index_cast %swap3A_1164 : i32 to index
      %swap3A_1166 = arith.constant 992 : index
      %swap3A_1167 = tpu.vector_load %arg5[%swap3A_1165, %swap3A_1166] {strides = array<i32>} : memref<8x1024xf32, #tpu.memory_space<vmem>>, vector<1x16xf32>,
      %swap3A_1168 = vector.shape_cast %swap3A_1167 : vector<1x16xf32> to vector<16xf32>
      %swap3A_1169 = vector.shape_cast %div3A_14 : vector<16xf32> to vector<1x16xf32>
      tpu.vector_store %arg5[%swap3A_1165, %swap3A_1166], %swap3A_1169 {strides = array<i32>} : memref<8x1024xf32, #tpu.memory_space<vmem>>, vector<1x16xf32>,
      %swap3A_1170 = arith.constant 2 : i32
      %swap3A_1171 = arith.index_cast %swap3A_1170 : i32 to index
      %swap3A_1172 = arith.constant 1008 : index
      %swap3A_1173 = tpu.vector_load %arg5[%swap3A_1171, %swap3A_1172] {strides = array<i32>} : memref<8x1024xf32, #tpu.memory_space<vmem>>, vector<1x16xf32>,
      %swap3A_1174 = vector.shape_cast %swap3A_1173 : vector<1x16xf32> to vector<16xf32>
      %swap3A_1175 = vector.shape_cast %div3A_14 : vector<16xf32> to vector<1x16xf32>
      tpu.vector_store %arg5[%swap3A_1171, %swap3A_1172], %swap3A_1175 {strides = array<i32>} : memref<8x1024xf32, #tpu.memory_space<vmem>>, vector<1x16xf32>,
      %swap3A_1176 = arith.constant 3 : i32
      %swap3A_1177 = arith.index_cast %swap3A_1176 : i32 to index
      %swap3A_1178 = arith.constant 0 : index
      %swap3A_1179 = tpu.vector_load %arg5[%swap3A_1177, %swap3A_1178] {strides = array<i32>} : memref<8x1024xf32, #tpu.memory_space<vmem>>, vector<1x16xf32>,
      %swap3A_1180 = vector.shape_cast %swap3A_1179 : vector<1x16xf32> to vector<16xf32>
      %swap3A_1181 = vector.shape_cast %div3A_24 : vector<16xf32> to vector<1x16xf32>
      tpu.vector_store %arg5[%swap3A_1177, %swap3A_1178], %swap3A_1181 {strides = array<i32>} : memref<8x1024xf32, #tpu.memory_space<vmem>>, vector<1x16xf32>,
      %swap3A_1182 = arith.constant 3 : i32
      %swap3A_1183 = arith.index_cast %swap3A_1182 : i32 to index
      %swap3A_1184 = arith.constant 16 : index
      %swap3A_1185 = tpu.vector_load %arg5[%swap3A_1183, %swap3A_1184] {strides = array<i32>} : memref<8x1024xf32, #tpu.memory_space<vmem>>, vector<1x16xf32>,
      %swap3A_1186 = vector.shape_cast %swap3A_1185 : vector<1x16xf32> to vector<16xf32>
      %swap3A_1187 = vector.shape_cast %div3A_24 : vector<16xf32> to vector<1x16xf32>
      tpu.vector_store %arg5[%swap3A_1183, %swap3A_1184], %swap3A_1187 {strides = array<i32>} : memref<8x1024xf32, #tpu.memory_space<vmem>>, vector<1x16xf32>,
      %swap3A_1188 = arith.constant 3 : i32
      %swap3A_1189 = arith.index_cast %swap3A_1188 : i32 to index
      %swap3A_1190 = arith.constant 32 : index
      %swap3A_1191 = tpu.vector_load %arg5[%swap3A_1189, %swap3A_1190] {strides = array<i32>} : memref<8x1024xf32, #tpu.memory_space<vmem>>, vector<1x16xf32>,
      %swap3A_1192 = vector.shape_cast %swap3A_1191 : vector<1x16xf32> to vector<16xf32>
      %swap3A_1193 = vector.shape_cast %div3A_24 : vector<16xf32> to vector<1x16xf32>
      tpu.vector_store %arg5[%swap3A_1189, %swap3A_1190], %swap3A_1193 {strides = array<i32>} : memref<8x1024xf32, #tpu.memory_space<vmem>>, vector<1x16xf32>,
      %swap3A_1194 = arith.constant 3 : i32
      %swap3A_1195 = arith.index_cast %swap3A_1194 : i32 to index
      %swap3A_1196 = arith.constant 48 : index
      %swap3A_1197 = tpu.vector_load %arg5[%swap3A_1195, %swap3A_1196] {strides = array<i32>} : memref<8x1024xf32, #tpu.memory_space<vmem>>, vector<1x16xf32>,
      %swap3A_1198 = vector.shape_cast %swap3A_1197 : vector<1x16xf32> to vector<16xf32>
      %swap3A_1199 = vector.shape_cast %div3A_24 : vector<16xf32> to vector<1x16xf32>
      tpu.vector_store %arg5[%swap3A_1195, %swap3A_1196], %swap3A_1199 {strides = array<i32>} : memref<8x1024xf32, #tpu.memory_space<vmem>>, vector<1x16xf32>,
      %swap3A_1200 = arith.constant 3 : i32
      %swap3A_1201 = arith.index_cast %swap3A_1200 : i32 to index
      %swap3A_1202 = arith.constant 64 : index
      %swap3A_1203 = tpu.vector_load %arg5[%swap3A_1201, %swap3A_1202] {strides = array<i32>} : memref<8x1024xf32, #tpu.memory_space<vmem>>, vector<1x16xf32>,
      %swap3A_1204 = vector.shape_cast %swap3A_1203 : vector<1x16xf32> to vector<16xf32>
      %swap3A_1205 = vector.shape_cast %div3A_24 : vector<16xf32> to vector<1x16xf32>
      tpu.vector_store %arg5[%swap3A_1201, %swap3A_1202], %swap3A_1205 {strides = array<i32>} : memref<8x1024xf32, #tpu.memory_space<vmem>>, vector<1x16xf32>,
      %swap3A_1206 = arith.constant 3 : i32
      %swap3A_1207 = arith.index_cast %swap3A_1206 : i32 to index
      %swap3A_1208 = arith.constant 80 : index
      %swap3A_1209 = tpu.vector_load %arg5[%swap3A_1207, %swap3A_1208] {strides = array<i32>} : memref<8x1024xf32, #tpu.memory_space<vmem>>, vector<1x16xf32>,
      %swap3A_1210 = vector.shape_cast %swap3A_1209 : vector<1x16xf32> to vector<16xf32>
      %swap3A_1211 = vector.shape_cast %div3A_24 : vector<16xf32> to vector<1x16xf32>
      tpu.vector_store %arg5[%swap3A_1207, %swap3A_1208], %swap3A_1211 {strides = array<i32>} : memref<8x1024xf32, #tpu.memory_space<vmem>>, vector<1x16xf32>,
      %swap3A_1212 = arith.constant 3 : i32
      %swap3A_1213 = arith.index_cast %swap3A_1212 : i32 to index
      %swap3A_1214 = arith.constant 96 : index
      %swap3A_1215 = tpu.vector_load %arg5[%swap3A_1213, %swap3A_1214] {strides = array<i32>} : memref<8x1024xf32, #tpu.memory_space<vmem>>, vector<1x16xf32>,
      %swap3A_1216 = vector.shape_cast %swap3A_1215 : vector<1x16xf32> to vector<16xf32>
      %swap3A_1217 = vector.shape_cast %div3A_24 : vector<16xf32> to vector<1x16xf32>
      tpu.vector_store %arg5[%swap3A_1213, %swap3A_1214], %swap3A_1217 {strides = array<i32>} : memref<8x1024xf32, #tpu.memory_space<vmem>>, vector<1x16xf32>,
      %swap3A_1218 = arith.constant 3 : i32
      %swap3A_1219 = arith.index_cast %swap3A_1218 : i32 to index
      %swap3A_1220 = arith.constant 112 : index
      %swap3A_1221 = tpu.vector_load %arg5[%swap3A_1219, %swap3A_1220] {strides = array<i32>} : memref<8x1024xf32, #tpu.memory_space<vmem>>, vector<1x16xf32>,
      %swap3A_1222 = vector.shape_cast %swap3A_1221 : vector<1x16xf32> to vector<16xf32>
      %swap3A_1223 = vector.shape_cast %div3A_24 : vector<16xf32> to vector<1x16xf32>
      tpu.vector_store %arg5[%swap3A_1219, %swap3A_1220], %swap3A_1223 {strides = array<i32>} : memref<8x1024xf32, #tpu.memory_space<vmem>>, vector<1x16xf32>,
      %swap3A_1224 = arith.constant 3 : i32
      %swap3A_1225 = arith.index_cast %swap3A_1224 : i32 to index
      %swap3A_1226 = arith.constant 128 : index
      %swap3A_1227 = tpu.vector_load %arg5[%swap3A_1225, %swap3A_1226] {strides = array<i32>} : memref<8x1024xf32, #tpu.memory_space<vmem>>, vector<1x16xf32>,
      %swap3A_1228 = vector.shape_cast %swap3A_1227 : vector<1x16xf32> to vector<16xf32>
      %swap3A_1229 = vector.shape_cast %div3A_24 : vector<16xf32> to vector<1x16xf32>
      tpu.vector_store %arg5[%swap3A_1225, %swap3A_1226], %swap3A_1229 {strides = array<i32>} : memref<8x1024xf32, #tpu.memory_space<vmem>>, vector<1x16xf32>,
      %swap3A_1230 = arith.constant 3 : i32
      %swap3A_1231 = arith.index_cast %swap3A_1230 : i32 to index
      %swap3A_1232 = arith.constant 144 : index
      %swap3A_1233 = tpu.vector_load %arg5[%swap3A_1231, %swap3A_1232] {strides = array<i32>} : memref<8x1024xf32, #tpu.memory_space<vmem>>, vector<1x16xf32>,
      %swap3A_1234 = vector.shape_cast %swap3A_1233 : vector<1x16xf32> to vector<16xf32>
      %swap3A_1235 = vector.shape_cast %div3A_24 : vector<16xf32> to vector<1x16xf32>
      tpu.vector_store %arg5[%swap3A_1231, %swap3A_1232], %swap3A_1235 {strides = array<i32>} : memref<8x1024xf32, #tpu.memory_space<vmem>>, vector<1x16xf32>,
      %swap3A_1236 = arith.constant 3 : i32
      %swap3A_1237 = arith.index_cast %swap3A_1236 : i32 to index
      %swap3A_1238 = arith.constant 160 : index
      %swap3A_1239 = tpu.vector_load %arg5[%swap3A_1237, %swap3A_1238] {strides = array<i32>} : memref<8x1024xf32, #tpu.memory_space<vmem>>, vector<1x16xf32>,
      %swap3A_1240 = vector.shape_cast %swap3A_1239 : vector<1x16xf32> to vector<16xf32>
      %swap3A_1241 = vector.shape_cast %div3A_24 : vector<16xf32> to vector<1x16xf32>
      tpu.vector_store %arg5[%swap3A_1237, %swap3A_1238], %swap3A_1241 {strides = array<i32>} : memref<8x1024xf32, #tpu.memory_space<vmem>>, vector<1x16xf32>,
      %swap3A_1242 = arith.constant 3 : i32
      %swap3A_1243 = arith.index_cast %swap3A_1242 : i32 to index
      %swap3A_1244 = arith.constant 176 : index
      %swap3A_1245 = tpu.vector_load %arg5[%swap3A_1243, %swap3A_1244] {strides = array<i32>} : memref<8x1024xf32, #tpu.memory_space<vmem>>, vector<1x16xf32>,
      %swap3A_1246 = vector.shape_cast %swap3A_1245 : vector<1x16xf32> to vector<16xf32>
      %swap3A_1247 = vector.shape_cast %div3A_24 : vector<16xf32> to vector<1x16xf32>
      tpu.vector_store %arg5[%swap3A_1243, %swap3A_1244], %swap3A_1247 {strides = array<i32>} : memref<8x1024xf32, #tpu.memory_space<vmem>>, vector<1x16xf32>,
      %swap3A_1248 = arith.constant 3 : i32
      %swap3A_1249 = arith.index_cast %swap3A_1248 : i32 to index
      %swap3A_1250 = arith.constant 192 : index
      %swap3A_1251 = tpu.vector_load %arg5[%swap3A_1249, %swap3A_1250] {strides = array<i32>} : memref<8x1024xf32, #tpu.memory_space<vmem>>, vector<1x16xf32>,
      %swap3A_1252 = vector.shape_cast %swap3A_1251 : vector<1x16xf32> to vector<16xf32>
      %swap3A_1253 = vector.shape_cast %div3A_24 : vector<16xf32> to vector<1x16xf32>
      tpu.vector_store %arg5[%swap3A_1249, %swap3A_1250], %swap3A_1253 {strides = array<i32>} : memref<8x1024xf32, #tpu.memory_space<vmem>>, vector<1x16xf32>,
      %swap3A_1254 = arith.constant 3 : i32
      %swap3A_1255 = arith.index_cast %swap3A_1254 : i32 to index
      %swap3A_1256 = arith.constant 208 : index
      %swap3A_1257 = tpu.vector_load %arg5[%swap3A_1255, %swap3A_1256] {strides = array<i32>} : memref<8x1024xf32, #tpu.memory_space<vmem>>, vector<1x16xf32>,
      %swap3A_1258 = vector.shape_cast %swap3A_1257 : vector<1x16xf32> to vector<16xf32>
      %swap3A_1259 = vector.shape_cast %div3A_24 : vector<16xf32> to vector<1x16xf32>
      tpu.vector_store %arg5[%swap3A_1255, %swap3A_1256], %swap3A_1259 {strides = array<i32>} : memref<8x1024xf32, #tpu.memory_space<vmem>>, vector<1x16xf32>,
      %swap3A_1260 = arith.constant 3 : i32
      %swap3A_1261 = arith.index_cast %swap3A_1260 : i32 to index
      %swap3A_1262 = arith.constant 224 : index
      %swap3A_1263 = tpu.vector_load %arg5[%swap3A_1261, %swap3A_1262] {strides = array<i32>} : memref<8x1024xf32, #tpu.memory_space<vmem>>, vector<1x16xf32>,
      %swap3A_1264 = vector.shape_cast %swap3A_1263 : vector<1x16xf32> to vector<16xf32>
      %swap3A_1265 = vector.shape_cast %div3A_24 : vector<16xf32> to vector<1x16xf32>
      tpu.vector_store %arg5[%swap3A_1261, %swap3A_1262], %swap3A_1265 {strides = array<i32>} : memref<8x1024xf32, #tpu.memory_space<vmem>>, vector<1x16xf32>,
      %swap3A_1266 = arith.constant 3 : i32
      %swap3A_1267 = arith.index_cast %swap3A_1266 : i32 to index
      %swap3A_1268 = arith.constant 240 : index
      %swap3A_1269 = tpu.vector_load %arg5[%swap3A_1267, %swap3A_1268] {strides = array<i32>} : memref<8x1024xf32, #tpu.memory_space<vmem>>, vector<1x16xf32>,
      %swap3A_1270 = vector.shape_cast %swap3A_1269 : vector<1x16xf32> to vector<16xf32>
      %swap3A_1271 = vector.shape_cast %div3A_24 : vector<16xf32> to vector<1x16xf32>
      tpu.vector_store %arg5[%swap3A_1267, %swap3A_1268], %swap3A_1271 {strides = array<i32>} : memref<8x1024xf32, #tpu.memory_space<vmem>>, vector<1x16xf32>,
      %swap3A_1272 = arith.constant 3 : i32
      %swap3A_1273 = arith.index_cast %swap3A_1272 : i32 to index
      %swap3A_1274 = arith.constant 256 : index
      %swap3A_1275 = tpu.vector_load %arg5[%swap3A_1273, %swap3A_1274] {strides = array<i32>} : memref<8x1024xf32, #tpu.memory_space<vmem>>, vector<1x16xf32>,
      %swap3A_1276 = vector.shape_cast %swap3A_1275 : vector<1x16xf32> to vector<16xf32>
      %swap3A_1277 = vector.shape_cast %div3A_24 : vector<16xf32> to vector<1x16xf32>
      tpu.vector_store %arg5[%swap3A_1273, %swap3A_1274], %swap3A_1277 {strides = array<i32>} : memref<8x1024xf32, #tpu.memory_space<vmem>>, vector<1x16xf32>,
      %swap3A_1278 = arith.constant 3 : i32
      %swap3A_1279 = arith.index_cast %swap3A_1278 : i32 to index
      %swap3A_1280 = arith.constant 272 : index
      %swap3A_1281 = tpu.vector_load %arg5[%swap3A_1279, %swap3A_1280] {strides = array<i32>} : memref<8x1024xf32, #tpu.memory_space<vmem>>, vector<1x16xf32>,
      %swap3A_1282 = vector.shape_cast %swap3A_1281 : vector<1x16xf32> to vector<16xf32>
      %swap3A_1283 = vector.shape_cast %div3A_24 : vector<16xf32> to vector<1x16xf32>
      tpu.vector_store %arg5[%swap3A_1279, %swap3A_1280], %swap3A_1283 {strides = array<i32>} : memref<8x1024xf32, #tpu.memory_space<vmem>>, vector<1x16xf32>,
      %swap3A_1284 = arith.constant 3 : i32
      %swap3A_1285 = arith.index_cast %swap3A_1284 : i32 to index
      %swap3A_1286 = arith.constant 288 : index
      %swap3A_1287 = tpu.vector_load %arg5[%swap3A_1285, %swap3A_1286] {strides = array<i32>} : memref<8x1024xf32, #tpu.memory_space<vmem>>, vector<1x16xf32>,
      %swap3A_1288 = vector.shape_cast %swap3A_1287 : vector<1x16xf32> to vector<16xf32>
      %swap3A_1289 = vector.shape_cast %div3A_24 : vector<16xf32> to vector<1x16xf32>
      tpu.vector_store %arg5[%swap3A_1285, %swap3A_1286], %swap3A_1289 {strides = array<i32>} : memref<8x1024xf32, #tpu.memory_space<vmem>>, vector<1x16xf32>,
      %swap3A_1290 = arith.constant 3 : i32
      %swap3A_1291 = arith.index_cast %swap3A_1290 : i32 to index
      %swap3A_1292 = arith.constant 304 : index
      %swap3A_1293 = tpu.vector_load %arg5[%swap3A_1291, %swap3A_1292] {strides = array<i32>} : memref<8x1024xf32, #tpu.memory_space<vmem>>, vector<1x16xf32>,
      %swap3A_1294 = vector.shape_cast %swap3A_1293 : vector<1x16xf32> to vector<16xf32>
      %swap3A_1295 = vector.shape_cast %div3A_24 : vector<16xf32> to vector<1x16xf32>
      tpu.vector_store %arg5[%swap3A_1291, %swap3A_1292], %swap3A_1295 {strides = array<i32>} : memref<8x1024xf32, #tpu.memory_space<vmem>>, vector<1x16xf32>,
      %swap3A_1296 = arith.constant 3 : i32
      %swap3A_1297 = arith.index_cast %swap3A_1296 : i32 to index
      %swap3A_1298 = arith.constant 320 : index
      %swap3A_1299 = tpu.vector_load %arg5[%swap3A_1297, %swap3A_1298] {strides = array<i32>} : memref<8x1024xf32, #tpu.memory_space<vmem>>, vector<1x16xf32>,
      %swap3A_1300 = vector.shape_cast %swap3A_1299 : vector<1x16xf32> to vector<16xf32>
      %swap3A_1301 = vector.shape_cast %div3A_24 : vector<16xf32> to vector<1x16xf32>
      tpu.vector_store %arg5[%swap3A_1297, %swap3A_1298], %swap3A_1301 {strides = array<i32>} : memref<8x1024xf32, #tpu.memory_space<vmem>>, vector<1x16xf32>,
      %swap3A_1302 = arith.constant 3 : i32
      %swap3A_1303 = arith.index_cast %swap3A_1302 : i32 to index
      %swap3A_1304 = arith.constant 336 : index
      %swap3A_1305 = tpu.vector_load %arg5[%swap3A_1303, %swap3A_1304] {strides = array<i32>} : memref<8x1024xf32, #tpu.memory_space<vmem>>, vector<1x16xf32>,
      %swap3A_1306 = vector.shape_cast %swap3A_1305 : vector<1x16xf32> to vector<16xf32>
      %swap3A_1307 = vector.shape_cast %div3A_24 : vector<16xf32> to vector<1x16xf32>
      tpu.vector_store %arg5[%swap3A_1303, %swap3A_1304], %swap3A_1307 {strides = array<i32>} : memref<8x1024xf32, #tpu.memory_space<vmem>>, vector<1x16xf32>,
      %swap3A_1308 = arith.constant 3 : i32
      %swap3A_1309 = arith.index_cast %swap3A_1308 : i32 to index
      %swap3A_1310 = arith.constant 352 : index
      %swap3A_1311 = tpu.vector_load %arg5[%swap3A_1309, %swap3A_1310] {strides = array<i32>} : memref<8x1024xf32, #tpu.memory_space<vmem>>, vector<1x16xf32>,
      %swap3A_1312 = vector.shape_cast %swap3A_1311 : vector<1x16xf32> to vector<16xf32>
      %swap3A_1313 = vector.shape_cast %div3A_24 : vector<16xf32> to vector<1x16xf32>
      tpu.vector_store %arg5[%swap3A_1309, %swap3A_1310], %swap3A_1313 {strides = array<i32>} : memref<8x1024xf32, #tpu.memory_space<vmem>>, vector<1x16xf32>,
      %swap3A_1314 = arith.constant 3 : i32
      %swap3A_1315 = arith.index_cast %swap3A_1314 : i32 to index
      %swap3A_1316 = arith.constant 368 : index
      %swap3A_1317 = tpu.vector_load %arg5[%swap3A_1315, %swap3A_1316] {strides = array<i32>} : memref<8x1024xf32, #tpu.memory_space<vmem>>, vector<1x16xf32>,
      %swap3A_1318 = vector.shape_cast %swap3A_1317 : vector<1x16xf32> to vector<16xf32>
      %swap3A_1319 = vector.shape_cast %div3A_24 : vector<16xf32> to vector<1x16xf32>
      tpu.vector_store %arg5[%swap3A_1315, %swap3A_1316], %swap3A_1319 {strides = array<i32>} : memref<8x1024xf32, #tpu.memory_space<vmem>>, vector<1x16xf32>,
      %swap3A_1320 = arith.constant 3 : i32
      %swap3A_1321 = arith.index_cast %swap3A_1320 : i32 to index
      %swap3A_1322 = arith.constant 384 : index
      %swap3A_1323 = tpu.vector_load %arg5[%swap3A_1321, %swap3A_1322] {strides = array<i32>} : memref<8x1024xf32, #tpu.memory_space<vmem>>, vector<1x16xf32>,
      %swap3A_1324 = vector.shape_cast %swap3A_1323 : vector<1x16xf32> to vector<16xf32>
      %swap3A_1325 = vector.shape_cast %div3A_24 : vector<16xf32> to vector<1x16xf32>
      tpu.vector_store %arg5[%swap3A_1321, %swap3A_1322], %swap3A_1325 {strides = array<i32>} : memref<8x1024xf32, #tpu.memory_space<vmem>>, vector<1x16xf32>,
      %swap3A_1326 = arith.constant 3 : i32
      %swap3A_1327 = arith.index_cast %swap3A_1326 : i32 to index
      %swap3A_1328 = arith.constant 400 : index
      %swap3A_1329 = tpu.vector_load %arg5[%swap3A_1327, %swap3A_1328] {strides = array<i32>} : memref<8x1024xf32, #tpu.memory_space<vmem>>, vector<1x16xf32>,
      %swap3A_1330 = vector.shape_cast %swap3A_1329 : vector<1x16xf32> to vector<16xf32>
      %swap3A_1331 = vector.shape_cast %div3A_24 : vector<16xf32> to vector<1x16xf32>
      tpu.vector_store %arg5[%swap3A_1327, %swap3A_1328], %swap3A_1331 {strides = array<i32>} : memref<8x1024xf32, #tpu.memory_space<vmem>>, vector<1x16xf32>,
      %swap3A_1332 = arith.constant 3 : i32
      %swap3A_1333 = arith.index_cast %swap3A_1332 : i32 to index
      %swap3A_1334 = arith.constant 416 : index
      %swap3A_1335 = tpu.vector_load %arg5[%swap3A_1333, %swap3A_1334] {strides = array<i32>} : memref<8x1024xf32, #tpu.memory_space<vmem>>, vector<1x16xf32>,
      %swap3A_1336 = vector.shape_cast %swap3A_1335 : vector<1x16xf32> to vector<16xf32>
      %swap3A_1337 = vector.shape_cast %div3A_24 : vector<16xf32> to vector<1x16xf32>
      tpu.vector_store %arg5[%swap3A_1333, %swap3A_1334], %swap3A_1337 {strides = array<i32>} : memref<8x1024xf32, #tpu.memory_space<vmem>>, vector<1x16xf32>,
      %swap3A_1338 = arith.constant 3 : i32
      %swap3A_1339 = arith.index_cast %swap3A_1338 : i32 to index
      %swap3A_1340 = arith.constant 432 : index
      %swap3A_1341 = tpu.vector_load %arg5[%swap3A_1339, %swap3A_1340] {strides = array<i32>} : memref<8x1024xf32, #tpu.memory_space<vmem>>, vector<1x16xf32>,
      %swap3A_1342 = vector.shape_cast %swap3A_1341 : vector<1x16xf32> to vector<16xf32>
      %swap3A_1343 = vector.shape_cast %div3A_24 : vector<16xf32> to vector<1x16xf32>
      tpu.vector_store %arg5[%swap3A_1339, %swap3A_1340], %swap3A_1343 {strides = array<i32>} : memref<8x1024xf32, #tpu.memory_space<vmem>>, vector<1x16xf32>,
      %swap3A_1344 = arith.constant 3 : i32
      %swap3A_1345 = arith.index_cast %swap3A_1344 : i32 to index
      %swap3A_1346 = arith.constant 448 : index
      %swap3A_1347 = tpu.vector_load %arg5[%swap3A_1345, %swap3A_1346] {strides = array<i32>} : memref<8x1024xf32, #tpu.memory_space<vmem>>, vector<1x16xf32>,
      %swap3A_1348 = vector.shape_cast %swap3A_1347 : vector<1x16xf32> to vector<16xf32>
      %swap3A_1349 = vector.shape_cast %div3A_24 : vector<16xf32> to vector<1x16xf32>
      tpu.vector_store %arg5[%swap3A_1345, %swap3A_1346], %swap3A_1349 {strides = array<i32>} : memref<8x1024xf32, #tpu.memory_space<vmem>>, vector<1x16xf32>,
      %swap3A_1350 = arith.constant 3 : i32
      %swap3A_1351 = arith.index_cast %swap3A_1350 : i32 to index
      %swap3A_1352 = arith.constant 464 : index
      %swap3A_1353 = tpu.vector_load %arg5[%swap3A_1351, %swap3A_1352] {strides = array<i32>} : memref<8x1024xf32, #tpu.memory_space<vmem>>, vector<1x16xf32>,
      %swap3A_1354 = vector.shape_cast %swap3A_1353 : vector<1x16xf32> to vector<16xf32>
      %swap3A_1355 = vector.shape_cast %div3A_24 : vector<16xf32> to vector<1x16xf32>
      tpu.vector_store %arg5[%swap3A_1351, %swap3A_1352], %swap3A_1355 {strides = array<i32>} : memref<8x1024xf32, #tpu.memory_space<vmem>>, vector<1x16xf32>,
      %swap3A_1356 = arith.constant 3 : i32
      %swap3A_1357 = arith.index_cast %swap3A_1356 : i32 to index
      %swap3A_1358 = arith.constant 480 : index
      %swap3A_1359 = tpu.vector_load %arg5[%swap3A_1357, %swap3A_1358] {strides = array<i32>} : memref<8x1024xf32, #tpu.memory_space<vmem>>, vector<1x16xf32>,
      %swap3A_1360 = vector.shape_cast %swap3A_1359 : vector<1x16xf32> to vector<16xf32>
      %swap3A_1361 = vector.shape_cast %div3A_24 : vector<16xf32> to vector<1x16xf32>
      tpu.vector_store %arg5[%swap3A_1357, %swap3A_1358], %swap3A_1361 {strides = array<i32>} : memref<8x1024xf32, #tpu.memory_space<vmem>>, vector<1x16xf32>,
      %swap3A_1362 = arith.constant 3 : i32
      %swap3A_1363 = arith.index_cast %swap3A_1362 : i32 to index
      %swap3A_1364 = arith.constant 496 : index
      %swap3A_1365 = tpu.vector_load %arg5[%swap3A_1363, %swap3A_1364] {strides = array<i32>} : memref<8x1024xf32, #tpu.memory_space<vmem>>, vector<1x16xf32>,
      %swap3A_1366 = vector.shape_cast %swap3A_1365 : vector<1x16xf32> to vector<16xf32>
      %swap3A_1367 = vector.shape_cast %div3A_24 : vector<16xf32> to vector<1x16xf32>
      tpu.vector_store %arg5[%swap3A_1363, %swap3A_1364], %swap3A_1367 {strides = array<i32>} : memref<8x1024xf32, #tpu.memory_space<vmem>>, vector<1x16xf32>,
      %swap3A_1368 = arith.constant 3 : i32
      %swap3A_1369 = arith.index_cast %swap3A_1368 : i32 to index
      %swap3A_1370 = arith.constant 512 : index
      %swap3A_1371 = tpu.vector_load %arg5[%swap3A_1369, %swap3A_1370] {strides = array<i32>} : memref<8x1024xf32, #tpu.memory_space<vmem>>, vector<1x16xf32>,
      %swap3A_1372 = vector.shape_cast %swap3A_1371 : vector<1x16xf32> to vector<16xf32>
      %swap3A_1373 = vector.shape_cast %div3A_24 : vector<16xf32> to vector<1x16xf32>
      tpu.vector_store %arg5[%swap3A_1369, %swap3A_1370], %swap3A_1373 {strides = array<i32>} : memref<8x1024xf32, #tpu.memory_space<vmem>>, vector<1x16xf32>,
      %swap3A_1374 = arith.constant 3 : i32
      %swap3A_1375 = arith.index_cast %swap3A_1374 : i32 to index
      %swap3A_1376 = arith.constant 528 : index
      %swap3A_1377 = tpu.vector_load %arg5[%swap3A_1375, %swap3A_1376] {strides = array<i32>} : memref<8x1024xf32, #tpu.memory_space<vmem>>, vector<1x16xf32>,
      %swap3A_1378 = vector.shape_cast %swap3A_1377 : vector<1x16xf32> to vector<16xf32>
      %swap3A_1379 = vector.shape_cast %div3A_24 : vector<16xf32> to vector<1x16xf32>
      tpu.vector_store %arg5[%swap3A_1375, %swap3A_1376], %swap3A_1379 {strides = array<i32>} : memref<8x1024xf32, #tpu.memory_space<vmem>>, vector<1x16xf32>,
      %swap3A_1380 = arith.constant 3 : i32
      %swap3A_1381 = arith.index_cast %swap3A_1380 : i32 to index
      %swap3A_1382 = arith.constant 544 : index
      %swap3A_1383 = tpu.vector_load %arg5[%swap3A_1381, %swap3A_1382] {strides = array<i32>} : memref<8x1024xf32, #tpu.memory_space<vmem>>, vector<1x16xf32>,
      %swap3A_1384 = vector.shape_cast %swap3A_1383 : vector<1x16xf32> to vector<16xf32>
      %swap3A_1385 = vector.shape_cast %div3A_24 : vector<16xf32> to vector<1x16xf32>
      tpu.vector_store %arg5[%swap3A_1381, %swap3A_1382], %swap3A_1385 {strides = array<i32>} : memref<8x1024xf32, #tpu.memory_space<vmem>>, vector<1x16xf32>,
      %swap3A_1386 = arith.constant 3 : i32
      %swap3A_1387 = arith.index_cast %swap3A_1386 : i32 to index
      %swap3A_1388 = arith.constant 560 : index
      %swap3A_1389 = tpu.vector_load %arg5[%swap3A_1387, %swap3A_1388] {strides = array<i32>} : memref<8x1024xf32, #tpu.memory_space<vmem>>, vector<1x16xf32>,
      %swap3A_1390 = vector.shape_cast %swap3A_1389 : vector<1x16xf32> to vector<16xf32>
      %swap3A_1391 = vector.shape_cast %div3A_24 : vector<16xf32> to vector<1x16xf32>
      tpu.vector_store %arg5[%swap3A_1387, %swap3A_1388], %swap3A_1391 {strides = array<i32>} : memref<8x1024xf32, #tpu.memory_space<vmem>>, vector<1x16xf32>,
      %swap3A_1392 = arith.constant 3 : i32
      %swap3A_1393 = arith.index_cast %swap3A_1392 : i32 to index
      %swap3A_1394 = arith.constant 576 : index
      %swap3A_1395 = tpu.vector_load %arg5[%swap3A_1393, %swap3A_1394] {strides = array<i32>} : memref<8x1024xf32, #tpu.memory_space<vmem>>, vector<1x16xf32>,
      %swap3A_1396 = vector.shape_cast %swap3A_1395 : vector<1x16xf32> to vector<16xf32>
      %swap3A_1397 = vector.shape_cast %div3A_24 : vector<16xf32> to vector<1x16xf32>
      tpu.vector_store %arg5[%swap3A_1393, %swap3A_1394], %swap3A_1397 {strides = array<i32>} : memref<8x1024xf32, #tpu.memory_space<vmem>>, vector<1x16xf32>,
      %swap3A_1398 = arith.constant 3 : i32
      %swap3A_1399 = arith.index_cast %swap3A_1398 : i32 to index
      %swap3A_1400 = arith.constant 592 : index
      %swap3A_1401 = tpu.vector_load %arg5[%swap3A_1399, %swap3A_1400] {strides = array<i32>} : memref<8x1024xf32, #tpu.memory_space<vmem>>, vector<1x16xf32>,
      %swap3A_1402 = vector.shape_cast %swap3A_1401 : vector<1x16xf32> to vector<16xf32>
      %swap3A_1403 = vector.shape_cast %div3A_24 : vector<16xf32> to vector<1x16xf32>
      tpu.vector_store %arg5[%swap3A_1399, %swap3A_1400], %swap3A_1403 {strides = array<i32>} : memref<8x1024xf32, #tpu.memory_space<vmem>>, vector<1x16xf32>,
      %swap3A_1404 = arith.constant 3 : i32
      %swap3A_1405 = arith.index_cast %swap3A_1404 : i32 to index
      %swap3A_1406 = arith.constant 608 : index
      %swap3A_1407 = tpu.vector_load %arg5[%swap3A_1405, %swap3A_1406] {strides = array<i32>} : memref<8x1024xf32, #tpu.memory_space<vmem>>, vector<1x16xf32>,
      %swap3A_1408 = vector.shape_cast %swap3A_1407 : vector<1x16xf32> to vector<16xf32>
      %swap3A_1409 = vector.shape_cast %div3A_24 : vector<16xf32> to vector<1x16xf32>
      tpu.vector_store %arg5[%swap3A_1405, %swap3A_1406], %swap3A_1409 {strides = array<i32>} : memref<8x1024xf32, #tpu.memory_space<vmem>>, vector<1x16xf32>,
      %swap3A_1410 = arith.constant 3 : i32
      %swap3A_1411 = arith.index_cast %swap3A_1410 : i32 to index
      %swap3A_1412 = arith.constant 624 : index
      %swap3A_1413 = tpu.vector_load %arg5[%swap3A_1411, %swap3A_1412] {strides = array<i32>} : memref<8x1024xf32, #tpu.memory_space<vmem>>, vector<1x16xf32>,
      %swap3A_1414 = vector.shape_cast %swap3A_1413 : vector<1x16xf32> to vector<16xf32>
      %swap3A_1415 = vector.shape_cast %div3A_24 : vector<16xf32> to vector<1x16xf32>
      tpu.vector_store %arg5[%swap3A_1411, %swap3A_1412], %swap3A_1415 {strides = array<i32>} : memref<8x1024xf32, #tpu.memory_space<vmem>>, vector<1x16xf32>,
      %swap3A_1416 = arith.constant 3 : i32
      %swap3A_1417 = arith.index_cast %swap3A_1416 : i32 to index
      %swap3A_1418 = arith.constant 640 : index
      %swap3A_1419 = tpu.vector_load %arg5[%swap3A_1417, %swap3A_1418] {strides = array<i32>} : memref<8x1024xf32, #tpu.memory_space<vmem>>, vector<1x16xf32>,
      %swap3A_1420 = vector.shape_cast %swap3A_1419 : vector<1x16xf32> to vector<16xf32>
      %swap3A_1421 = vector.shape_cast %div3A_24 : vector<16xf32> to vector<1x16xf32>
      tpu.vector_store %arg5[%swap3A_1417, %swap3A_1418], %swap3A_1421 {strides = array<i32>} : memref<8x1024xf32, #tpu.memory_space<vmem>>, vector<1x16xf32>,
      %swap3A_1422 = arith.constant 3 : i32
      %swap3A_1423 = arith.index_cast %swap3A_1422 : i32 to index
      %swap3A_1424 = arith.constant 656 : index
      %swap3A_1425 = tpu.vector_load %arg5[%swap3A_1423, %swap3A_1424] {strides = array<i32>} : memref<8x1024xf32, #tpu.memory_space<vmem>>, vector<1x16xf32>,
      %swap3A_1426 = vector.shape_cast %swap3A_1425 : vector<1x16xf32> to vector<16xf32>
      %swap3A_1427 = vector.shape_cast %div3A_24 : vector<16xf32> to vector<1x16xf32>
      tpu.vector_store %arg5[%swap3A_1423, %swap3A_1424], %swap3A_1427 {strides = array<i32>} : memref<8x1024xf32, #tpu.memory_space<vmem>>, vector<1x16xf32>,
      %swap3A_1428 = arith.constant 3 : i32
      %swap3A_1429 = arith.index_cast %swap3A_1428 : i32 to index
      %swap3A_1430 = arith.constant 672 : index
      %swap3A_1431 = tpu.vector_load %arg5[%swap3A_1429, %swap3A_1430] {strides = array<i32>} : memref<8x1024xf32, #tpu.memory_space<vmem>>, vector<1x16xf32>,
      %swap3A_1432 = vector.shape_cast %swap3A_1431 : vector<1x16xf32> to vector<16xf32>
      %swap3A_1433 = vector.shape_cast %div3A_24 : vector<16xf32> to vector<1x16xf32>
      tpu.vector_store %arg5[%swap3A_1429, %swap3A_1430], %swap3A_1433 {strides = array<i32>} : memref<8x1024xf32, #tpu.memory_space<vmem>>, vector<1x16xf32>,
      %swap3A_1434 = arith.constant 3 : i32
      %swap3A_1435 = arith.index_cast %swap3A_1434 : i32 to index
      %swap3A_1436 = arith.constant 688 : index
      %swap3A_1437 = tpu.vector_load %arg5[%swap3A_1435, %swap3A_1436] {strides = array<i32>} : memref<8x1024xf32, #tpu.memory_space<vmem>>, vector<1x16xf32>,
      %swap3A_1438 = vector.shape_cast %swap3A_1437 : vector<1x16xf32> to vector<16xf32>
      %swap3A_1439 = vector.shape_cast %div3A_24 : vector<16xf32> to vector<1x16xf32>
      tpu.vector_store %arg5[%swap3A_1435, %swap3A_1436], %swap3A_1439 {strides = array<i32>} : memref<8x1024xf32, #tpu.memory_space<vmem>>, vector<1x16xf32>,
      %swap3A_1440 = arith.constant 3 : i32
      %swap3A_1441 = arith.index_cast %swap3A_1440 : i32 to index
      %swap3A_1442 = arith.constant 704 : index
      %swap3A_1443 = tpu.vector_load %arg5[%swap3A_1441, %swap3A_1442] {strides = array<i32>} : memref<8x1024xf32, #tpu.memory_space<vmem>>, vector<1x16xf32>,
      %swap3A_1444 = vector.shape_cast %swap3A_1443 : vector<1x16xf32> to vector<16xf32>
      %swap3A_1445 = vector.shape_cast %div3A_24 : vector<16xf32> to vector<1x16xf32>
      tpu.vector_store %arg5[%swap3A_1441, %swap3A_1442], %swap3A_1445 {strides = array<i32>} : memref<8x1024xf32, #tpu.memory_space<vmem>>, vector<1x16xf32>,
      %swap3A_1446 = arith.constant 3 : i32
      %swap3A_1447 = arith.index_cast %swap3A_1446 : i32 to index
      %swap3A_1448 = arith.constant 720 : index
      %swap3A_1449 = tpu.vector_load %arg5[%swap3A_1447, %swap3A_1448] {strides = array<i32>} : memref<8x1024xf32, #tpu.memory_space<vmem>>, vector<1x16xf32>,
      %swap3A_1450 = vector.shape_cast %swap3A_1449 : vector<1x16xf32> to vector<16xf32>
      %swap3A_1451 = vector.shape_cast %div3A_24 : vector<16xf32> to vector<1x16xf32>
      tpu.vector_store %arg5[%swap3A_1447, %swap3A_1448], %swap3A_1451 {strides = array<i32>} : memref<8x1024xf32, #tpu.memory_space<vmem>>, vector<1x16xf32>,
      %swap3A_1452 = arith.constant 3 : i32
      %swap3A_1453 = arith.index_cast %swap3A_1452 : i32 to index
      %swap3A_1454 = arith.constant 736 : index
      %swap3A_1455 = tpu.vector_load %arg5[%swap3A_1453, %swap3A_1454] {strides = array<i32>} : memref<8x1024xf32, #tpu.memory_space<vmem>>, vector<1x16xf32>,
      %swap3A_1456 = vector.shape_cast %swap3A_1455 : vector<1x16xf32> to vector<16xf32>
      %swap3A_1457 = vector.shape_cast %div3A_24 : vector<16xf32> to vector<1x16xf32>
      tpu.vector_store %arg5[%swap3A_1453, %swap3A_1454], %swap3A_1457 {strides = array<i32>} : memref<8x1024xf32, #tpu.memory_space<vmem>>, vector<1x16xf32>,
      %swap3A_1458 = arith.constant 3 : i32
      %swap3A_1459 = arith.index_cast %swap3A_1458 : i32 to index
      %swap3A_1460 = arith.constant 752 : index
      %swap3A_1461 = tpu.vector_load %arg5[%swap3A_1459, %swap3A_1460] {strides = array<i32>} : memref<8x1024xf32, #tpu.memory_space<vmem>>, vector<1x16xf32>,
      %swap3A_1462 = vector.shape_cast %swap3A_1461 : vector<1x16xf32> to vector<16xf32>
      %swap3A_1463 = vector.shape_cast %div3A_24 : vector<16xf32> to vector<1x16xf32>
      tpu.vector_store %arg5[%swap3A_1459, %swap3A_1460], %swap3A_1463 {strides = array<i32>} : memref<8x1024xf32, #tpu.memory_space<vmem>>, vector<1x16xf32>,
      %swap3A_1464 = arith.constant 3 : i32
      %swap3A_1465 = arith.index_cast %swap3A_1464 : i32 to index
      %swap3A_1466 = arith.constant 768 : index
      %swap3A_1467 = tpu.vector_load %arg5[%swap3A_1465, %swap3A_1466] {strides = array<i32>} : memref<8x1024xf32, #tpu.memory_space<vmem>>, vector<1x16xf32>,
      %swap3A_1468 = vector.shape_cast %swap3A_1467 : vector<1x16xf32> to vector<16xf32>
      %swap3A_1469 = vector.shape_cast %div3A_24 : vector<16xf32> to vector<1x16xf32>
      tpu.vector_store %arg5[%swap3A_1465, %swap3A_1466], %swap3A_1469 {strides = array<i32>} : memref<8x1024xf32, #tpu.memory_space<vmem>>, vector<1x16xf32>,
      %swap3A_1470 = arith.constant 3 : i32
      %swap3A_1471 = arith.index_cast %swap3A_1470 : i32 to index
      %swap3A_1472 = arith.constant 784 : index
      %swap3A_1473 = tpu.vector_load %arg5[%swap3A_1471, %swap3A_1472] {strides = array<i32>} : memref<8x1024xf32, #tpu.memory_space<vmem>>, vector<1x16xf32>,
      %swap3A_1474 = vector.shape_cast %swap3A_1473 : vector<1x16xf32> to vector<16xf32>
      %swap3A_1475 = vector.shape_cast %div3A_24 : vector<16xf32> to vector<1x16xf32>
      tpu.vector_store %arg5[%swap3A_1471, %swap3A_1472], %swap3A_1475 {strides = array<i32>} : memref<8x1024xf32, #tpu.memory_space<vmem>>, vector<1x16xf32>,
      %swap3A_1476 = arith.constant 3 : i32
      %swap3A_1477 = arith.index_cast %swap3A_1476 : i32 to index
      %swap3A_1478 = arith.constant 800 : index
      %swap3A_1479 = tpu.vector_load %arg5[%swap3A_1477, %swap3A_1478] {strides = array<i32>} : memref<8x1024xf32, #tpu.memory_space<vmem>>, vector<1x16xf32>,
      %swap3A_1480 = vector.shape_cast %swap3A_1479 : vector<1x16xf32> to vector<16xf32>
      %swap3A_1481 = vector.shape_cast %div3A_24 : vector<16xf32> to vector<1x16xf32>
      tpu.vector_store %arg5[%swap3A_1477, %swap3A_1478], %swap3A_1481 {strides = array<i32>} : memref<8x1024xf32, #tpu.memory_space<vmem>>, vector<1x16xf32>,
      %swap3A_1482 = arith.constant 3 : i32
      %swap3A_1483 = arith.index_cast %swap3A_1482 : i32 to index
      %swap3A_1484 = arith.constant 816 : index
      %swap3A_1485 = tpu.vector_load %arg5[%swap3A_1483, %swap3A_1484] {strides = array<i32>} : memref<8x1024xf32, #tpu.memory_space<vmem>>, vector<1x16xf32>,
      %swap3A_1486 = vector.shape_cast %swap3A_1485 : vector<1x16xf32> to vector<16xf32>
      %swap3A_1487 = vector.shape_cast %div3A_24 : vector<16xf32> to vector<1x16xf32>
      tpu.vector_store %arg5[%swap3A_1483, %swap3A_1484], %swap3A_1487 {strides = array<i32>} : memref<8x1024xf32, #tpu.memory_space<vmem>>, vector<1x16xf32>,
      %swap3A_1488 = arith.constant 3 : i32
      %swap3A_1489 = arith.index_cast %swap3A_1488 : i32 to index
      %swap3A_1490 = arith.constant 832 : index
      %swap3A_1491 = tpu.vector_load %arg5[%swap3A_1489, %swap3A_1490] {strides = array<i32>} : memref<8x1024xf32, #tpu.memory_space<vmem>>, vector<1x16xf32>,
      %swap3A_1492 = vector.shape_cast %swap3A_1491 : vector<1x16xf32> to vector<16xf32>
      %swap3A_1493 = vector.shape_cast %div3A_24 : vector<16xf32> to vector<1x16xf32>
      tpu.vector_store %arg5[%swap3A_1489, %swap3A_1490], %swap3A_1493 {strides = array<i32>} : memref<8x1024xf32, #tpu.memory_space<vmem>>, vector<1x16xf32>,
      %swap3A_1494 = arith.constant 3 : i32
      %swap3A_1495 = arith.index_cast %swap3A_1494 : i32 to index
      %swap3A_1496 = arith.constant 848 : index
      %swap3A_1497 = tpu.vector_load %arg5[%swap3A_1495, %swap3A_1496] {strides = array<i32>} : memref<8x1024xf32, #tpu.memory_space<vmem>>, vector<1x16xf32>,
      %swap3A_1498 = vector.shape_cast %swap3A_1497 : vector<1x16xf32> to vector<16xf32>
      %swap3A_1499 = vector.shape_cast %div3A_24 : vector<16xf32> to vector<1x16xf32>
      tpu.vector_store %arg5[%swap3A_1495, %swap3A_1496], %swap3A_1499 {strides = array<i32>} : memref<8x1024xf32, #tpu.memory_space<vmem>>, vector<1x16xf32>,
      %swap3A_1500 = arith.constant 3 : i32
      %swap3A_1501 = arith.index_cast %swap3A_1500 : i32 to index
      %swap3A_1502 = arith.constant 864 : index
      %swap3A_1503 = tpu.vector_load %arg5[%swap3A_1501, %swap3A_1502] {strides = array<i32>} : memref<8x1024xf32, #tpu.memory_space<vmem>>, vector<1x16xf32>,
      %swap3A_1504 = vector.shape_cast %swap3A_1503 : vector<1x16xf32> to vector<16xf32>
      %swap3A_1505 = vector.shape_cast %div3A_24 : vector<16xf32> to vector<1x16xf32>
      tpu.vector_store %arg5[%swap3A_1501, %swap3A_1502], %swap3A_1505 {strides = array<i32>} : memref<8x1024xf32, #tpu.memory_space<vmem>>, vector<1x16xf32>,
      %swap3A_1506 = arith.constant 3 : i32
      %swap3A_1507 = arith.index_cast %swap3A_1506 : i32 to index
      %swap3A_1508 = arith.constant 880 : index
      %swap3A_1509 = tpu.vector_load %arg5[%swap3A_1507, %swap3A_1508] {strides = array<i32>} : memref<8x1024xf32, #tpu.memory_space<vmem>>, vector<1x16xf32>,
      %swap3A_1510 = vector.shape_cast %swap3A_1509 : vector<1x16xf32> to vector<16xf32>
      %swap3A_1511 = vector.shape_cast %div3A_24 : vector<16xf32> to vector<1x16xf32>
      tpu.vector_store %arg5[%swap3A_1507, %swap3A_1508], %swap3A_1511 {strides = array<i32>} : memref<8x1024xf32, #tpu.memory_space<vmem>>, vector<1x16xf32>,
      %swap3A_1512 = arith.constant 3 : i32
      %swap3A_1513 = arith.index_cast %swap3A_1512 : i32 to index
      %swap3A_1514 = arith.constant 896 : index
      %swap3A_1515 = tpu.vector_load %arg5[%swap3A_1513, %swap3A_1514] {strides = array<i32>} : memref<8x1024xf32, #tpu.memory_space<vmem>>, vector<1x16xf32>,
      %swap3A_1516 = vector.shape_cast %swap3A_1515 : vector<1x16xf32> to vector<16xf32>
      %swap3A_1517 = vector.shape_cast %div3A_24 : vector<16xf32> to vector<1x16xf32>
      tpu.vector_store %arg5[%swap3A_1513, %swap3A_1514], %swap3A_1517 {strides = array<i32>} : memref<8x1024xf32, #tpu.memory_space<vmem>>, vector<1x16xf32>,
      %swap3A_1518 = arith.constant 3 : i32
      %swap3A_1519 = arith.index_cast %swap3A_1518 : i32 to index
      %swap3A_1520 = arith.constant 912 : index
      %swap3A_1521 = tpu.vector_load %arg5[%swap3A_1519, %swap3A_1520] {strides = array<i32>} : memref<8x1024xf32, #tpu.memory_space<vmem>>, vector<1x16xf32>,
      %swap3A_1522 = vector.shape_cast %swap3A_1521 : vector<1x16xf32> to vector<16xf32>
      %swap3A_1523 = vector.shape_cast %div3A_24 : vector<16xf32> to vector<1x16xf32>
      tpu.vector_store %arg5[%swap3A_1519, %swap3A_1520], %swap3A_1523 {strides = array<i32>} : memref<8x1024xf32, #tpu.memory_space<vmem>>, vector<1x16xf32>,
      %swap3A_1524 = arith.constant 3 : i32
      %swap3A_1525 = arith.index_cast %swap3A_1524 : i32 to index
      %swap3A_1526 = arith.constant 928 : index
      %swap3A_1527 = tpu.vector_load %arg5[%swap3A_1525, %swap3A_1526] {strides = array<i32>} : memref<8x1024xf32, #tpu.memory_space<vmem>>, vector<1x16xf32>,
      %swap3A_1528 = vector.shape_cast %swap3A_1527 : vector<1x16xf32> to vector<16xf32>
      %swap3A_1529 = vector.shape_cast %div3A_24 : vector<16xf32> to vector<1x16xf32>
      tpu.vector_store %arg5[%swap3A_1525, %swap3A_1526], %swap3A_1529 {strides = array<i32>} : memref<8x1024xf32, #tpu.memory_space<vmem>>, vector<1x16xf32>,
      %swap3A_1530 = arith.constant 3 : i32
      %swap3A_1531 = arith.index_cast %swap3A_1530 : i32 to index
      %swap3A_1532 = arith.constant 944 : index
      %swap3A_1533 = tpu.vector_load %arg5[%swap3A_1531, %swap3A_1532] {strides = array<i32>} : memref<8x1024xf32, #tpu.memory_space<vmem>>, vector<1x16xf32>,
      %swap3A_1534 = vector.shape_cast %swap3A_1533 : vector<1x16xf32> to vector<16xf32>
      %swap3A_1535 = vector.shape_cast %div3A_24 : vector<16xf32> to vector<1x16xf32>
      tpu.vector_store %arg5[%swap3A_1531, %swap3A_1532], %swap3A_1535 {strides = array<i32>} : memref<8x1024xf32, #tpu.memory_space<vmem>>, vector<1x16xf32>,
      %swap3A_1536 = arith.constant 3 : i32
      %swap3A_1537 = arith.index_cast %swap3A_1536 : i32 to index
      %swap3A_1538 = arith.constant 960 : index
      %swap3A_1539 = tpu.vector_load %arg5[%swap3A_1537, %swap3A_1538] {strides = array<i32>} : memref<8x1024xf32, #tpu.memory_space<vmem>>, vector<1x16xf32>,
      %swap3A_1540 = vector.shape_cast %swap3A_1539 : vector<1x16xf32> to vector<16xf32>
      %swap3A_1541 = vector.shape_cast %div3A_24 : vector<16xf32> to vector<1x16xf32>
      tpu.vector_store %arg5[%swap3A_1537, %swap3A_1538], %swap3A_1541 {strides = array<i32>} : memref<8x1024xf32, #tpu.memory_space<vmem>>, vector<1x16xf32>,
      %swap3A_1542 = arith.constant 3 : i32
      %swap3A_1543 = arith.index_cast %swap3A_1542 : i32 to index
      %swap3A_1544 = arith.constant 976 : index
      %swap3A_1545 = tpu.vector_load %arg5[%swap3A_1543, %swap3A_1544] {strides = array<i32>} : memref<8x1024xf32, #tpu.memory_space<vmem>>, vector<1x16xf32>,
      %swap3A_1546 = vector.shape_cast %swap3A_1545 : vector<1x16xf32> to vector<16xf32>
      %swap3A_1547 = vector.shape_cast %div3A_24 : vector<16xf32> to vector<1x16xf32>
      tpu.vector_store %arg5[%swap3A_1543, %swap3A_1544], %swap3A_1547 {strides = array<i32>} : memref<8x1024xf32, #tpu.memory_space<vmem>>, vector<1x16xf32>,
      %swap3A_1548 = arith.constant 3 : i32
      %swap3A_1549 = arith.index_cast %swap3A_1548 : i32 to index
      %swap3A_1550 = arith.constant 992 : index
      %swap3A_1551 = tpu.vector_load %arg5[%swap3A_1549, %swap3A_1550] {strides = array<i32>} : memref<8x1024xf32, #tpu.memory_space<vmem>>, vector<1x16xf32>,
      %swap3A_1552 = vector.shape_cast %swap3A_1551 : vector<1x16xf32> to vector<16xf32>
      %swap3A_1553 = vector.shape_cast %div3A_24 : vector<16xf32> to vector<1x16xf32>
      tpu.vector_store %arg5[%swap3A_1549, %swap3A_1550], %swap3A_1553 {strides = array<i32>} : memref<8x1024xf32, #tpu.memory_space<vmem>>, vector<1x16xf32>,
      %swap3A_1554 = arith.constant 3 : i32
      %swap3A_1555 = arith.index_cast %swap3A_1554 : i32 to index
      %swap3A_1556 = arith.constant 1008 : index
      %swap3A_1557 = tpu.vector_load %arg5[%swap3A_1555, %swap3A_1556] {strides = array<i32>} : memref<8x1024xf32, #tpu.memory_space<vmem>>, vector<1x16xf32>,
      %swap3A_1558 = vector.shape_cast %swap3A_1557 : vector<1x16xf32> to vector<16xf32>
      %swap3A_1559 = vector.shape_cast %div3A_24 : vector<16xf32> to vector<1x16xf32>
      tpu.vector_store %arg5[%swap3A_1555, %swap3A_1556], %swap3A_1559 {strides = array<i32>} : memref<8x1024xf32, #tpu.memory_space<vmem>>, vector<1x16xf32>,
      %swap3A_1560 = arith.constant 4 : i32
      %swap3A_1561 = arith.index_cast %swap3A_1560 : i32 to index
      %swap3A_1562 = arith.constant 0 : index
      %swap3A_1563 = tpu.vector_load %arg5[%swap3A_1561, %swap3A_1562] {strides = array<i32>} : memref<8x1024xf32, #tpu.memory_space<vmem>>, vector<1x16xf32>,
      %swap3A_1564 = vector.shape_cast %swap3A_1563 : vector<1x16xf32> to vector<16xf32>
      %swap3A_1565 = vector.shape_cast %div3A_14 : vector<16xf32> to vector<1x16xf32>
      tpu.vector_store %arg5[%swap3A_1561, %swap3A_1562], %swap3A_1565 {strides = array<i32>} : memref<8x1024xf32, #tpu.memory_space<vmem>>, vector<1x16xf32>,
      %swap3A_1566 = arith.constant 4 : i32
      %swap3A_1567 = arith.index_cast %swap3A_1566 : i32 to index
      %swap3A_1568 = arith.constant 16 : index
      %swap3A_1569 = tpu.vector_load %arg5[%swap3A_1567, %swap3A_1568] {strides = array<i32>} : memref<8x1024xf32, #tpu.memory_space<vmem>>, vector<1x16xf32>,
      %swap3A_1570 = vector.shape_cast %swap3A_1569 : vector<1x16xf32> to vector<16xf32>
      %swap3A_1571 = vector.shape_cast %div3A_14 : vector<16xf32> to vector<1x16xf32>
      tpu.vector_store %arg5[%swap3A_1567, %swap3A_1568], %swap3A_1571 {strides = array<i32>} : memref<8x1024xf32, #tpu.memory_space<vmem>>, vector<1x16xf32>,
      %swap3A_1572 = arith.constant 4 : i32
      %swap3A_1573 = arith.index_cast %swap3A_1572 : i32 to index
      %swap3A_1574 = arith.constant 32 : index
      %swap3A_1575 = tpu.vector_load %arg5[%swap3A_1573, %swap3A_1574] {strides = array<i32>} : memref<8x1024xf32, #tpu.memory_space<vmem>>, vector<1x16xf32>,
      %swap3A_1576 = vector.shape_cast %swap3A_1575 : vector<1x16xf32> to vector<16xf32>
      %swap3A_1577 = vector.shape_cast %div3A_14 : vector<16xf32> to vector<1x16xf32>
      tpu.vector_store %arg5[%swap3A_1573, %swap3A_1574], %swap3A_1577 {strides = array<i32>} : memref<8x1024xf32, #tpu.memory_space<vmem>>, vector<1x16xf32>,
      %swap3A_1578 = arith.constant 4 : i32
      %swap3A_1579 = arith.index_cast %swap3A_1578 : i32 to index
      %swap3A_1580 = arith.constant 48 : index
      %swap3A_1581 = tpu.vector_load %arg5[%swap3A_1579, %swap3A_1580] {strides = array<i32>} : memref<8x1024xf32, #tpu.memory_space<vmem>>, vector<1x16xf32>,
      %swap3A_1582 = vector.shape_cast %swap3A_1581 : vector<1x16xf32> to vector<16xf32>
      %swap3A_1583 = vector.shape_cast %div3A_14 : vector<16xf32> to vector<1x16xf32>
      tpu.vector_store %arg5[%swap3A_1579, %swap3A_1580], %swap3A_1583 {strides = array<i32>} : memref<8x1024xf32, #tpu.memory_space<vmem>>, vector<1x16xf32>,
      %swap3A_1584 = arith.constant 4 : i32
      %swap3A_1585 = arith.index_cast %swap3A_1584 : i32 to index
      %swap3A_1586 = arith.constant 64 : index
      %swap3A_1587 = tpu.vector_load %arg5[%swap3A_1585, %swap3A_1586] {strides = array<i32>} : memref<8x1024xf32, #tpu.memory_space<vmem>>, vector<1x16xf32>,
      %swap3A_1588 = vector.shape_cast %swap3A_1587 : vector<1x16xf32> to vector<16xf32>
      %swap3A_1589 = vector.shape_cast %div3A_14 : vector<16xf32> to vector<1x16xf32>
      tpu.vector_store %arg5[%swap3A_1585, %swap3A_1586], %swap3A_1589 {strides = array<i32>} : memref<8x1024xf32, #tpu.memory_space<vmem>>, vector<1x16xf32>,
      %swap3A_1590 = arith.constant 4 : i32
      %swap3A_1591 = arith.index_cast %swap3A_1590 : i32 to index
      %swap3A_1592 = arith.constant 80 : index
      %swap3A_1593 = tpu.vector_load %arg5[%swap3A_1591, %swap3A_1592] {strides = array<i32>} : memref<8x1024xf32, #tpu.memory_space<vmem>>, vector<1x16xf32>,
      %swap3A_1594 = vector.shape_cast %swap3A_1593 : vector<1x16xf32> to vector<16xf32>
      %swap3A_1595 = vector.shape_cast %div3A_14 : vector<16xf32> to vector<1x16xf32>
      tpu.vector_store %arg5[%swap3A_1591, %swap3A_1592], %swap3A_1595 {strides = array<i32>} : memref<8x1024xf32, #tpu.memory_space<vmem>>, vector<1x16xf32>,
      %swap3A_1596 = arith.constant 4 : i32
      %swap3A_1597 = arith.index_cast %swap3A_1596 : i32 to index
      %swap3A_1598 = arith.constant 96 : index
      %swap3A_1599 = tpu.vector_load %arg5[%swap3A_1597, %swap3A_1598] {strides = array<i32>} : memref<8x1024xf32, #tpu.memory_space<vmem>>, vector<1x16xf32>,
      %swap3A_1600 = vector.shape_cast %swap3A_1599 : vector<1x16xf32> to vector<16xf32>
      %swap3A_1601 = vector.shape_cast %div3A_14 : vector<16xf32> to vector<1x16xf32>
      tpu.vector_store %arg5[%swap3A_1597, %swap3A_1598], %swap3A_1601 {strides = array<i32>} : memref<8x1024xf32, #tpu.memory_space<vmem>>, vector<1x16xf32>,
      %swap3A_1602 = arith.constant 4 : i32
      %swap3A_1603 = arith.index_cast %swap3A_1602 : i32 to index
      %swap3A_1604 = arith.constant 112 : index
      %swap3A_1605 = tpu.vector_load %arg5[%swap3A_1603, %swap3A_1604] {strides = array<i32>} : memref<8x1024xf32, #tpu.memory_space<vmem>>, vector<1x16xf32>,
      %swap3A_1606 = vector.shape_cast %swap3A_1605 : vector<1x16xf32> to vector<16xf32>
      %swap3A_1607 = vector.shape_cast %div3A_14 : vector<16xf32> to vector<1x16xf32>
      tpu.vector_store %arg5[%swap3A_1603, %swap3A_1604], %swap3A_1607 {strides = array<i32>} : memref<8x1024xf32, #tpu.memory_space<vmem>>, vector<1x16xf32>,
      %swap3A_1608 = arith.constant 4 : i32
      %swap3A_1609 = arith.index_cast %swap3A_1608 : i32 to index
      %swap3A_1610 = arith.constant 128 : index
      %swap3A_1611 = tpu.vector_load %arg5[%swap3A_1609, %swap3A_1610] {strides = array<i32>} : memref<8x1024xf32, #tpu.memory_space<vmem>>, vector<1x16xf32>,
      %swap3A_1612 = vector.shape_cast %swap3A_1611 : vector<1x16xf32> to vector<16xf32>
      %swap3A_1613 = vector.shape_cast %div3A_14 : vector<16xf32> to vector<1x16xf32>
      tpu.vector_store %arg5[%swap3A_1609, %swap3A_1610], %swap3A_1613 {strides = array<i32>} : memref<8x1024xf32, #tpu.memory_space<vmem>>, vector<1x16xf32>,
      %swap3A_1614 = arith.constant 4 : i32
      %swap3A_1615 = arith.index_cast %swap3A_1614 : i32 to index
      %swap3A_1616 = arith.constant 144 : index
      %swap3A_1617 = tpu.vector_load %arg5[%swap3A_1615, %swap3A_1616] {strides = array<i32>} : memref<8x1024xf32, #tpu.memory_space<vmem>>, vector<1x16xf32>,
      %swap3A_1618 = vector.shape_cast %swap3A_1617 : vector<1x16xf32> to vector<16xf32>
      %swap3A_1619 = vector.shape_cast %div3A_14 : vector<16xf32> to vector<1x16xf32>
      tpu.vector_store %arg5[%swap3A_1615, %swap3A_1616], %swap3A_1619 {strides = array<i32>} : memref<8x1024xf32, #tpu.memory_space<vmem>>, vector<1x16xf32>,
      %swap3A_1620 = arith.constant 4 : i32
      %swap3A_1621 = arith.index_cast %swap3A_1620 : i32 to index
      %swap3A_1622 = arith.constant 160 : index
      %swap3A_1623 = tpu.vector_load %arg5[%swap3A_1621, %swap3A_1622] {strides = array<i32>} : memref<8x1024xf32, #tpu.memory_space<vmem>>, vector<1x16xf32>,
      %swap3A_1624 = vector.shape_cast %swap3A_1623 : vector<1x16xf32> to vector<16xf32>
      %swap3A_1625 = vector.shape_cast %div3A_14 : vector<16xf32> to vector<1x16xf32>
      tpu.vector_store %arg5[%swap3A_1621, %swap3A_1622], %swap3A_1625 {strides = array<i32>} : memref<8x1024xf32, #tpu.memory_space<vmem>>, vector<1x16xf32>,
      %swap3A_1626 = arith.constant 4 : i32
      %swap3A_1627 = arith.index_cast %swap3A_1626 : i32 to index
      %swap3A_1628 = arith.constant 176 : index
      %swap3A_1629 = tpu.vector_load %arg5[%swap3A_1627, %swap3A_1628] {strides = array<i32>} : memref<8x1024xf32, #tpu.memory_space<vmem>>, vector<1x16xf32>,
      %swap3A_1630 = vector.shape_cast %swap3A_1629 : vector<1x16xf32> to vector<16xf32>
      %swap3A_1631 = vector.shape_cast %div3A_14 : vector<16xf32> to vector<1x16xf32>
      tpu.vector_store %arg5[%swap3A_1627, %swap3A_1628], %swap3A_1631 {strides = array<i32>} : memref<8x1024xf32, #tpu.memory_space<vmem>>, vector<1x16xf32>,
      %swap3A_1632 = arith.constant 4 : i32
      %swap3A_1633 = arith.index_cast %swap3A_1632 : i32 to index
      %swap3A_1634 = arith.constant 192 : index
      %swap3A_1635 = tpu.vector_load %arg5[%swap3A_1633, %swap3A_1634] {strides = array<i32>} : memref<8x1024xf32, #tpu.memory_space<vmem>>, vector<1x16xf32>,
      %swap3A_1636 = vector.shape_cast %swap3A_1635 : vector<1x16xf32> to vector<16xf32>
      %swap3A_1637 = vector.shape_cast %div3A_14 : vector<16xf32> to vector<1x16xf32>
      tpu.vector_store %arg5[%swap3A_1633, %swap3A_1634], %swap3A_1637 {strides = array<i32>} : memref<8x1024xf32, #tpu.memory_space<vmem>>, vector<1x16xf32>,
      %swap3A_1638 = arith.constant 4 : i32
      %swap3A_1639 = arith.index_cast %swap3A_1638 : i32 to index
      %swap3A_1640 = arith.constant 208 : index
      %swap3A_1641 = tpu.vector_load %arg5[%swap3A_1639, %swap3A_1640] {strides = array<i32>} : memref<8x1024xf32, #tpu.memory_space<vmem>>, vector<1x16xf32>,
      %swap3A_1642 = vector.shape_cast %swap3A_1641 : vector<1x16xf32> to vector<16xf32>
      %swap3A_1643 = vector.shape_cast %div3A_14 : vector<16xf32> to vector<1x16xf32>
      tpu.vector_store %arg5[%swap3A_1639, %swap3A_1640], %swap3A_1643 {strides = array<i32>} : memref<8x1024xf32, #tpu.memory_space<vmem>>, vector<1x16xf32>,
      %swap3A_1644 = arith.constant 4 : i32
      %swap3A_1645 = arith.index_cast %swap3A_1644 : i32 to index
      %swap3A_1646 = arith.constant 224 : index
      %swap3A_1647 = tpu.vector_load %arg5[%swap3A_1645, %swap3A_1646] {strides = array<i32>} : memref<8x1024xf32, #tpu.memory_space<vmem>>, vector<1x16xf32>,
      %swap3A_1648 = vector.shape_cast %swap3A_1647 : vector<1x16xf32> to vector<16xf32>
      %swap3A_1649 = vector.shape_cast %div3A_14 : vector<16xf32> to vector<1x16xf32>
      tpu.vector_store %arg5[%swap3A_1645, %swap3A_1646], %swap3A_1649 {strides = array<i32>} : memref<8x1024xf32, #tpu.memory_space<vmem>>, vector<1x16xf32>,
      %swap3A_1650 = arith.constant 4 : i32
      %swap3A_1651 = arith.index_cast %swap3A_1650 : i32 to index
      %swap3A_1652 = arith.constant 240 : index
      %swap3A_1653 = tpu.vector_load %arg5[%swap3A_1651, %swap3A_1652] {strides = array<i32>} : memref<8x1024xf32, #tpu.memory_space<vmem>>, vector<1x16xf32>,
      %swap3A_1654 = vector.shape_cast %swap3A_1653 : vector<1x16xf32> to vector<16xf32>
      %swap3A_1655 = vector.shape_cast %div3A_14 : vector<16xf32> to vector<1x16xf32>
      tpu.vector_store %arg5[%swap3A_1651, %swap3A_1652], %swap3A_1655 {strides = array<i32>} : memref<8x1024xf32, #tpu.memory_space<vmem>>, vector<1x16xf32>,
      %swap3A_1656 = arith.constant 4 : i32
      %swap3A_1657 = arith.index_cast %swap3A_1656 : i32 to index
      %swap3A_1658 = arith.constant 256 : index
      %swap3A_1659 = tpu.vector_load %arg5[%swap3A_1657, %swap3A_1658] {strides = array<i32>} : memref<8x1024xf32, #tpu.memory_space<vmem>>, vector<1x16xf32>,
      %swap3A_1660 = vector.shape_cast %swap3A_1659 : vector<1x16xf32> to vector<16xf32>
      %swap3A_1661 = vector.shape_cast %div3A_14 : vector<16xf32> to vector<1x16xf32>
      tpu.vector_store %arg5[%swap3A_1657, %swap3A_1658], %swap3A_1661 {strides = array<i32>} : memref<8x1024xf32, #tpu.memory_space<vmem>>, vector<1x16xf32>,
      %swap3A_1662 = arith.constant 4 : i32
      %swap3A_1663 = arith.index_cast %swap3A_1662 : i32 to index
      %swap3A_1664 = arith.constant 272 : index
      %swap3A_1665 = tpu.vector_load %arg5[%swap3A_1663, %swap3A_1664] {strides = array<i32>} : memref<8x1024xf32, #tpu.memory_space<vmem>>, vector<1x16xf32>,
      %swap3A_1666 = vector.shape_cast %swap3A_1665 : vector<1x16xf32> to vector<16xf32>
      %swap3A_1667 = vector.shape_cast %div3A_14 : vector<16xf32> to vector<1x16xf32>
      tpu.vector_store %arg5[%swap3A_1663, %swap3A_1664], %swap3A_1667 {strides = array<i32>} : memref<8x1024xf32, #tpu.memory_space<vmem>>, vector<1x16xf32>,
      %swap3A_1668 = arith.constant 4 : i32
      %swap3A_1669 = arith.index_cast %swap3A_1668 : i32 to index
      %swap3A_1670 = arith.constant 288 : index
      %swap3A_1671 = tpu.vector_load %arg5[%swap3A_1669, %swap3A_1670] {strides = array<i32>} : memref<8x1024xf32, #tpu.memory_space<vmem>>, vector<1x16xf32>,
      %swap3A_1672 = vector.shape_cast %swap3A_1671 : vector<1x16xf32> to vector<16xf32>
      %swap3A_1673 = vector.shape_cast %div3A_14 : vector<16xf32> to vector<1x16xf32>
      tpu.vector_store %arg5[%swap3A_1669, %swap3A_1670], %swap3A_1673 {strides = array<i32>} : memref<8x1024xf32, #tpu.memory_space<vmem>>, vector<1x16xf32>,
      %swap3A_1674 = arith.constant 4 : i32
      %swap3A_1675 = arith.index_cast %swap3A_1674 : i32 to index
      %swap3A_1676 = arith.constant 304 : index
      %swap3A_1677 = tpu.vector_load %arg5[%swap3A_1675, %swap3A_1676] {strides = array<i32>} : memref<8x1024xf32, #tpu.memory_space<vmem>>, vector<1x16xf32>,
      %swap3A_1678 = vector.shape_cast %swap3A_1677 : vector<1x16xf32> to vector<16xf32>
      %swap3A_1679 = vector.shape_cast %div3A_14 : vector<16xf32> to vector<1x16xf32>
      tpu.vector_store %arg5[%swap3A_1675, %swap3A_1676], %swap3A_1679 {strides = array<i32>} : memref<8x1024xf32, #tpu.memory_space<vmem>>, vector<1x16xf32>,
      %swap3A_1680 = arith.constant 4 : i32
      %swap3A_1681 = arith.index_cast %swap3A_1680 : i32 to index
      %swap3A_1682 = arith.constant 320 : index
      %swap3A_1683 = tpu.vector_load %arg5[%swap3A_1681, %swap3A_1682] {strides = array<i32>} : memref<8x1024xf32, #tpu.memory_space<vmem>>, vector<1x16xf32>,
      %swap3A_1684 = vector.shape_cast %swap3A_1683 : vector<1x16xf32> to vector<16xf32>
      %swap3A_1685 = vector.shape_cast %div3A_14 : vector<16xf32> to vector<1x16xf32>
      tpu.vector_store %arg5[%swap3A_1681, %swap3A_1682], %swap3A_1685 {strides = array<i32>} : memref<8x1024xf32, #tpu.memory_space<vmem>>, vector<1x16xf32>,
      %swap3A_1686 = arith.constant 4 : i32
      %swap3A_1687 = arith.index_cast %swap3A_1686 : i32 to index
      %swap3A_1688 = arith.constant 336 : index
      %swap3A_1689 = tpu.vector_load %arg5[%swap3A_1687, %swap3A_1688] {strides = array<i32>} : memref<8x1024xf32, #tpu.memory_space<vmem>>, vector<1x16xf32>,
      %swap3A_1690 = vector.shape_cast %swap3A_1689 : vector<1x16xf32> to vector<16xf32>
      %swap3A_1691 = vector.shape_cast %div3A_14 : vector<16xf32> to vector<1x16xf32>
      tpu.vector_store %arg5[%swap3A_1687, %swap3A_1688], %swap3A_1691 {strides = array<i32>} : memref<8x1024xf32, #tpu.memory_space<vmem>>, vector<1x16xf32>,
      %swap3A_1692 = arith.constant 4 : i32
      %swap3A_1693 = arith.index_cast %swap3A_1692 : i32 to index
      %swap3A_1694 = arith.constant 352 : index
      %swap3A_1695 = tpu.vector_load %arg5[%swap3A_1693, %swap3A_1694] {strides = array<i32>} : memref<8x1024xf32, #tpu.memory_space<vmem>>, vector<1x16xf32>,
      %swap3A_1696 = vector.shape_cast %swap3A_1695 : vector<1x16xf32> to vector<16xf32>
      %swap3A_1697 = vector.shape_cast %div3A_14 : vector<16xf32> to vector<1x16xf32>
      tpu.vector_store %arg5[%swap3A_1693, %swap3A_1694], %swap3A_1697 {strides = array<i32>} : memref<8x1024xf32, #tpu.memory_space<vmem>>, vector<1x16xf32>,
      %swap3A_1698 = arith.constant 4 : i32
      %swap3A_1699 = arith.index_cast %swap3A_1698 : i32 to index
      %swap3A_1700 = arith.constant 368 : index
      %swap3A_1701 = tpu.vector_load %arg5[%swap3A_1699, %swap3A_1700] {strides = array<i32>} : memref<8x1024xf32, #tpu.memory_space<vmem>>, vector<1x16xf32>,
      %swap3A_1702 = vector.shape_cast %swap3A_1701 : vector<1x16xf32> to vector<16xf32>
      %swap3A_1703 = vector.shape_cast %div3A_14 : vector<16xf32> to vector<1x16xf32>
      tpu.vector_store %arg5[%swap3A_1699, %swap3A_1700], %swap3A_1703 {strides = array<i32>} : memref<8x1024xf32, #tpu.memory_space<vmem>>, vector<1x16xf32>,
      %swap3A_1704 = arith.constant 4 : i32
      %swap3A_1705 = arith.index_cast %swap3A_1704 : i32 to index
      %swap3A_1706 = arith.constant 384 : index
      %swap3A_1707 = tpu.vector_load %arg5[%swap3A_1705, %swap3A_1706] {strides = array<i32>} : memref<8x1024xf32, #tpu.memory_space<vmem>>, vector<1x16xf32>,
      %swap3A_1708 = vector.shape_cast %swap3A_1707 : vector<1x16xf32> to vector<16xf32>
      %swap3A_1709 = vector.shape_cast %div3A_14 : vector<16xf32> to vector<1x16xf32>
      tpu.vector_store %arg5[%swap3A_1705, %swap3A_1706], %swap3A_1709 {strides = array<i32>} : memref<8x1024xf32, #tpu.memory_space<vmem>>, vector<1x16xf32>,
      %swap3A_1710 = arith.constant 4 : i32
      %swap3A_1711 = arith.index_cast %swap3A_1710 : i32 to index
      %swap3A_1712 = arith.constant 400 : index
      %swap3A_1713 = tpu.vector_load %arg5[%swap3A_1711, %swap3A_1712] {strides = array<i32>} : memref<8x1024xf32, #tpu.memory_space<vmem>>, vector<1x16xf32>,
      %swap3A_1714 = vector.shape_cast %swap3A_1713 : vector<1x16xf32> to vector<16xf32>
      %swap3A_1715 = vector.shape_cast %div3A_14 : vector<16xf32> to vector<1x16xf32>
      tpu.vector_store %arg5[%swap3A_1711, %swap3A_1712], %swap3A_1715 {strides = array<i32>} : memref<8x1024xf32, #tpu.memory_space<vmem>>, vector<1x16xf32>,
      %swap3A_1716 = arith.constant 4 : i32
      %swap3A_1717 = arith.index_cast %swap3A_1716 : i32 to index
      %swap3A_1718 = arith.constant 416 : index
      %swap3A_1719 = tpu.vector_load %arg5[%swap3A_1717, %swap3A_1718] {strides = array<i32>} : memref<8x1024xf32, #tpu.memory_space<vmem>>, vector<1x16xf32>,
      %swap3A_1720 = vector.shape_cast %swap3A_1719 : vector<1x16xf32> to vector<16xf32>
      %swap3A_1721 = vector.shape_cast %div3A_14 : vector<16xf32> to vector<1x16xf32>
      tpu.vector_store %arg5[%swap3A_1717, %swap3A_1718], %swap3A_1721 {strides = array<i32>} : memref<8x1024xf32, #tpu.memory_space<vmem>>, vector<1x16xf32>,
      %swap3A_1722 = arith.constant 4 : i32
      %swap3A_1723 = arith.index_cast %swap3A_1722 : i32 to index
      %swap3A_1724 = arith.constant 432 : index
      %swap3A_1725 = tpu.vector_load %arg5[%swap3A_1723, %swap3A_1724] {strides = array<i32>} : memref<8x1024xf32, #tpu.memory_space<vmem>>, vector<1x16xf32>,
      %swap3A_1726 = vector.shape_cast %swap3A_1725 : vector<1x16xf32> to vector<16xf32>
      %swap3A_1727 = vector.shape_cast %div3A_14 : vector<16xf32> to vector<1x16xf32>
      tpu.vector_store %arg5[%swap3A_1723, %swap3A_1724], %swap3A_1727 {strides = array<i32>} : memref<8x1024xf32, #tpu.memory_space<vmem>>, vector<1x16xf32>,
      %swap3A_1728 = arith.constant 4 : i32
      %swap3A_1729 = arith.index_cast %swap3A_1728 : i32 to index
      %swap3A_1730 = arith.constant 448 : index
      %swap3A_1731 = tpu.vector_load %arg5[%swap3A_1729, %swap3A_1730] {strides = array<i32>} : memref<8x1024xf32, #tpu.memory_space<vmem>>, vector<1x16xf32>,
      %swap3A_1732 = vector.shape_cast %swap3A_1731 : vector<1x16xf32> to vector<16xf32>
      %swap3A_1733 = vector.shape_cast %div3A_14 : vector<16xf32> to vector<1x16xf32>
      tpu.vector_store %arg5[%swap3A_1729, %swap3A_1730], %swap3A_1733 {strides = array<i32>} : memref<8x1024xf32, #tpu.memory_space<vmem>>, vector<1x16xf32>,
      %swap3A_1734 = arith.constant 4 : i32
      %swap3A_1735 = arith.index_cast %swap3A_1734 : i32 to index
      %swap3A_1736 = arith.constant 464 : index
      %swap3A_1737 = tpu.vector_load %arg5[%swap3A_1735, %swap3A_1736] {strides = array<i32>} : memref<8x1024xf32, #tpu.memory_space<vmem>>, vector<1x16xf32>,
      %swap3A_1738 = vector.shape_cast %swap3A_1737 : vector<1x16xf32> to vector<16xf32>
      %swap3A_1739 = vector.shape_cast %div3A_14 : vector<16xf32> to vector<1x16xf32>
      tpu.vector_store %arg5[%swap3A_1735, %swap3A_1736], %swap3A_1739 {strides = array<i32>} : memref<8x1024xf32, #tpu.memory_space<vmem>>, vector<1x16xf32>,
      %swap3A_1740 = arith.constant 4 : i32
      %swap3A_1741 = arith.index_cast %swap3A_1740 : i32 to index
      %swap3A_1742 = arith.constant 480 : index
      %swap3A_1743 = tpu.vector_load %arg5[%swap3A_1741, %swap3A_1742] {strides = array<i32>} : memref<8x1024xf32, #tpu.memory_space<vmem>>, vector<1x16xf32>,
      %swap3A_1744 = vector.shape_cast %swap3A_1743 : vector<1x16xf32> to vector<16xf32>
      %swap3A_1745 = vector.shape_cast %div3A_14 : vector<16xf32> to vector<1x16xf32>
      tpu.vector_store %arg5[%swap3A_1741, %swap3A_1742], %swap3A_1745 {strides = array<i32>} : memref<8x1024xf32, #tpu.memory_space<vmem>>, vector<1x16xf32>,
      %swap3A_1746 = arith.constant 4 : i32
      %swap3A_1747 = arith.index_cast %swap3A_1746 : i32 to index
      %swap3A_1748 = arith.constant 496 : index
      %swap3A_1749 = tpu.vector_load %arg5[%swap3A_1747, %swap3A_1748] {strides = array<i32>} : memref<8x1024xf32, #tpu.memory_space<vmem>>, vector<1x16xf32>,
      %swap3A_1750 = vector.shape_cast %swap3A_1749 : vector<1x16xf32> to vector<16xf32>
      %swap3A_1751 = vector.shape_cast %div3A_14 : vector<16xf32> to vector<1x16xf32>
      tpu.vector_store %arg5[%swap3A_1747, %swap3A_1748], %swap3A_1751 {strides = array<i32>} : memref<8x1024xf32, #tpu.memory_space<vmem>>, vector<1x16xf32>,
      %swap3A_1752 = arith.constant 4 : i32
      %swap3A_1753 = arith.index_cast %swap3A_1752 : i32 to index
      %swap3A_1754 = arith.constant 512 : index
      %swap3A_1755 = tpu.vector_load %arg5[%swap3A_1753, %swap3A_1754] {strides = array<i32>} : memref<8x1024xf32, #tpu.memory_space<vmem>>, vector<1x16xf32>,
      %swap3A_1756 = vector.shape_cast %swap3A_1755 : vector<1x16xf32> to vector<16xf32>
      %swap3A_1757 = vector.shape_cast %div3A_14 : vector<16xf32> to vector<1x16xf32>
      tpu.vector_store %arg5[%swap3A_1753, %swap3A_1754], %swap3A_1757 {strides = array<i32>} : memref<8x1024xf32, #tpu.memory_space<vmem>>, vector<1x16xf32>,
      %swap3A_1758 = arith.constant 4 : i32
      %swap3A_1759 = arith.index_cast %swap3A_1758 : i32 to index
      %swap3A_1760 = arith.constant 528 : index
      %swap3A_1761 = tpu.vector_load %arg5[%swap3A_1759, %swap3A_1760] {strides = array<i32>} : memref<8x1024xf32, #tpu.memory_space<vmem>>, vector<1x16xf32>,
      %swap3A_1762 = vector.shape_cast %swap3A_1761 : vector<1x16xf32> to vector<16xf32>
      %swap3A_1763 = vector.shape_cast %div3A_14 : vector<16xf32> to vector<1x16xf32>
      tpu.vector_store %arg5[%swap3A_1759, %swap3A_1760], %swap3A_1763 {strides = array<i32>} : memref<8x1024xf32, #tpu.memory_space<vmem>>, vector<1x16xf32>,
      %swap3A_1764 = arith.constant 4 : i32
      %swap3A_1765 = arith.index_cast %swap3A_1764 : i32 to index
      %swap3A_1766 = arith.constant 544 : index
      %swap3A_1767 = tpu.vector_load %arg5[%swap3A_1765, %swap3A_1766] {strides = array<i32>} : memref<8x1024xf32, #tpu.memory_space<vmem>>, vector<1x16xf32>,
      %swap3A_1768 = vector.shape_cast %swap3A_1767 : vector<1x16xf32> to vector<16xf32>
      %swap3A_1769 = vector.shape_cast %div3A_14 : vector<16xf32> to vector<1x16xf32>
      tpu.vector_store %arg5[%swap3A_1765, %swap3A_1766], %swap3A_1769 {strides = array<i32>} : memref<8x1024xf32, #tpu.memory_space<vmem>>, vector<1x16xf32>,
      %swap3A_1770 = arith.constant 4 : i32
      %swap3A_1771 = arith.index_cast %swap3A_1770 : i32 to index
      %swap3A_1772 = arith.constant 560 : index
      %swap3A_1773 = tpu.vector_load %arg5[%swap3A_1771, %swap3A_1772] {strides = array<i32>} : memref<8x1024xf32, #tpu.memory_space<vmem>>, vector<1x16xf32>,
      %swap3A_1774 = vector.shape_cast %swap3A_1773 : vector<1x16xf32> to vector<16xf32>
      %swap3A_1775 = vector.shape_cast %div3A_14 : vector<16xf32> to vector<1x16xf32>
      tpu.vector_store %arg5[%swap3A_1771, %swap3A_1772], %swap3A_1775 {strides = array<i32>} : memref<8x1024xf32, #tpu.memory_space<vmem>>, vector<1x16xf32>,
      %swap3A_1776 = arith.constant 4 : i32
      %swap3A_1777 = arith.index_cast %swap3A_1776 : i32 to index
      %swap3A_1778 = arith.constant 576 : index
      %swap3A_1779 = tpu.vector_load %arg5[%swap3A_1777, %swap3A_1778] {strides = array<i32>} : memref<8x1024xf32, #tpu.memory_space<vmem>>, vector<1x16xf32>,
      %swap3A_1780 = vector.shape_cast %swap3A_1779 : vector<1x16xf32> to vector<16xf32>
      %swap3A_1781 = vector.shape_cast %div3A_14 : vector<16xf32> to vector<1x16xf32>
      tpu.vector_store %arg5[%swap3A_1777, %swap3A_1778], %swap3A_1781 {strides = array<i32>} : memref<8x1024xf32, #tpu.memory_space<vmem>>, vector<1x16xf32>,
      %swap3A_1782 = arith.constant 4 : i32
      %swap3A_1783 = arith.index_cast %swap3A_1782 : i32 to index
      %swap3A_1784 = arith.constant 592 : index
      %swap3A_1785 = tpu.vector_load %arg5[%swap3A_1783, %swap3A_1784] {strides = array<i32>} : memref<8x1024xf32, #tpu.memory_space<vmem>>, vector<1x16xf32>,
      %swap3A_1786 = vector.shape_cast %swap3A_1785 : vector<1x16xf32> to vector<16xf32>
      %swap3A_1787 = vector.shape_cast %div3A_14 : vector<16xf32> to vector<1x16xf32>
      tpu.vector_store %arg5[%swap3A_1783, %swap3A_1784], %swap3A_1787 {strides = array<i32>} : memref<8x1024xf32, #tpu.memory_space<vmem>>, vector<1x16xf32>,
      %swap3A_1788 = arith.constant 4 : i32
      %swap3A_1789 = arith.index_cast %swap3A_1788 : i32 to index
      %swap3A_1790 = arith.constant 608 : index
      %swap3A_1791 = tpu.vector_load %arg5[%swap3A_1789, %swap3A_1790] {strides = array<i32>} : memref<8x1024xf32, #tpu.memory_space<vmem>>, vector<1x16xf32>,
      %swap3A_1792 = vector.shape_cast %swap3A_1791 : vector<1x16xf32> to vector<16xf32>
      %swap3A_1793 = vector.shape_cast %div3A_14 : vector<16xf32> to vector<1x16xf32>
      tpu.vector_store %arg5[%swap3A_1789, %swap3A_1790], %swap3A_1793 {strides = array<i32>} : memref<8x1024xf32, #tpu.memory_space<vmem>>, vector<1x16xf32>,
      %swap3A_1794 = arith.constant 4 : i32
      %swap3A_1795 = arith.index_cast %swap3A_1794 : i32 to index
      %swap3A_1796 = arith.constant 624 : index
      %swap3A_1797 = tpu.vector_load %arg5[%swap3A_1795, %swap3A_1796] {strides = array<i32>} : memref<8x1024xf32, #tpu.memory_space<vmem>>, vector<1x16xf32>,
      %swap3A_1798 = vector.shape_cast %swap3A_1797 : vector<1x16xf32> to vector<16xf32>
      %swap3A_1799 = vector.shape_cast %div3A_14 : vector<16xf32> to vector<1x16xf32>
      tpu.vector_store %arg5[%swap3A_1795, %swap3A_1796], %swap3A_1799 {strides = array<i32>} : memref<8x1024xf32, #tpu.memory_space<vmem>>, vector<1x16xf32>,
      %swap3A_1800 = arith.constant 4 : i32
      %swap3A_1801 = arith.index_cast %swap3A_1800 : i32 to index
      %swap3A_1802 = arith.constant 640 : index
      %swap3A_1803 = tpu.vector_load %arg5[%swap3A_1801, %swap3A_1802] {strides = array<i32>} : memref<8x1024xf32, #tpu.memory_space<vmem>>, vector<1x16xf32>,
      %swap3A_1804 = vector.shape_cast %swap3A_1803 : vector<1x16xf32> to vector<16xf32>
      %swap3A_1805 = vector.shape_cast %div3A_14 : vector<16xf32> to vector<1x16xf32>
      tpu.vector_store %arg5[%swap3A_1801, %swap3A_1802], %swap3A_1805 {strides = array<i32>} : memref<8x1024xf32, #tpu.memory_space<vmem>>, vector<1x16xf32>,
      %swap3A_1806 = arith.constant 4 : i32
      %swap3A_1807 = arith.index_cast %swap3A_1806 : i32 to index
      %swap3A_1808 = arith.constant 656 : index
      %swap3A_1809 = tpu.vector_load %arg5[%swap3A_1807, %swap3A_1808] {strides = array<i32>} : memref<8x1024xf32, #tpu.memory_space<vmem>>, vector<1x16xf32>,
      %swap3A_1810 = vector.shape_cast %swap3A_1809 : vector<1x16xf32> to vector<16xf32>
      %swap3A_1811 = vector.shape_cast %div3A_14 : vector<16xf32> to vector<1x16xf32>
      tpu.vector_store %arg5[%swap3A_1807, %swap3A_1808], %swap3A_1811 {strides = array<i32>} : memref<8x1024xf32, #tpu.memory_space<vmem>>, vector<1x16xf32>,
      %swap3A_1812 = arith.constant 4 : i32
      %swap3A_1813 = arith.index_cast %swap3A_1812 : i32 to index
      %swap3A_1814 = arith.constant 672 : index
      %swap3A_1815 = tpu.vector_load %arg5[%swap3A_1813, %swap3A_1814] {strides = array<i32>} : memref<8x1024xf32, #tpu.memory_space<vmem>>, vector<1x16xf32>,
      %swap3A_1816 = vector.shape_cast %swap3A_1815 : vector<1x16xf32> to vector<16xf32>
      %swap3A_1817 = vector.shape_cast %div3A_14 : vector<16xf32> to vector<1x16xf32>
      tpu.vector_store %arg5[%swap3A_1813, %swap3A_1814], %swap3A_1817 {strides = array<i32>} : memref<8x1024xf32, #tpu.memory_space<vmem>>, vector<1x16xf32>,
      %swap3A_1818 = arith.constant 4 : i32
      %swap3A_1819 = arith.index_cast %swap3A_1818 : i32 to index
      %swap3A_1820 = arith.constant 688 : index
      %swap3A_1821 = tpu.vector_load %arg5[%swap3A_1819, %swap3A_1820] {strides = array<i32>} : memref<8x1024xf32, #tpu.memory_space<vmem>>, vector<1x16xf32>,
      %swap3A_1822 = vector.shape_cast %swap3A_1821 : vector<1x16xf32> to vector<16xf32>
      %swap3A_1823 = vector.shape_cast %div3A_14 : vector<16xf32> to vector<1x16xf32>
      tpu.vector_store %arg5[%swap3A_1819, %swap3A_1820], %swap3A_1823 {strides = array<i32>} : memref<8x1024xf32, #tpu.memory_space<vmem>>, vector<1x16xf32>,
      %swap3A_1824 = arith.constant 4 : i32
      %swap3A_1825 = arith.index_cast %swap3A_1824 : i32 to index
      %swap3A_1826 = arith.constant 704 : index
      %swap3A_1827 = tpu.vector_load %arg5[%swap3A_1825, %swap3A_1826] {strides = array<i32>} : memref<8x1024xf32, #tpu.memory_space<vmem>>, vector<1x16xf32>,
      %swap3A_1828 = vector.shape_cast %swap3A_1827 : vector<1x16xf32> to vector<16xf32>
      %swap3A_1829 = vector.shape_cast %div3A_14 : vector<16xf32> to vector<1x16xf32>
      tpu.vector_store %arg5[%swap3A_1825, %swap3A_1826], %swap3A_1829 {strides = array<i32>} : memref<8x1024xf32, #tpu.memory_space<vmem>>, vector<1x16xf32>,
      %swap3A_1830 = arith.constant 4 : i32
      %swap3A_1831 = arith.index_cast %swap3A_1830 : i32 to index
      %swap3A_1832 = arith.constant 720 : index
      %swap3A_1833 = tpu.vector_load %arg5[%swap3A_1831, %swap3A_1832] {strides = array<i32>} : memref<8x1024xf32, #tpu.memory_space<vmem>>, vector<1x16xf32>,
      %swap3A_1834 = vector.shape_cast %swap3A_1833 : vector<1x16xf32> to vector<16xf32>
      %swap3A_1835 = vector.shape_cast %div3A_14 : vector<16xf32> to vector<1x16xf32>
      tpu.vector_store %arg5[%swap3A_1831, %swap3A_1832], %swap3A_1835 {strides = array<i32>} : memref<8x1024xf32, #tpu.memory_space<vmem>>, vector<1x16xf32>,
      %swap3A_1836 = arith.constant 4 : i32
      %swap3A_1837 = arith.index_cast %swap3A_1836 : i32 to index
      %swap3A_1838 = arith.constant 736 : index
      %swap3A_1839 = tpu.vector_load %arg5[%swap3A_1837, %swap3A_1838] {strides = array<i32>} : memref<8x1024xf32, #tpu.memory_space<vmem>>, vector<1x16xf32>,
      %swap3A_1840 = vector.shape_cast %swap3A_1839 : vector<1x16xf32> to vector<16xf32>
      %swap3A_1841 = vector.shape_cast %div3A_14 : vector<16xf32> to vector<1x16xf32>
      tpu.vector_store %arg5[%swap3A_1837, %swap3A_1838], %swap3A_1841 {strides = array<i32>} : memref<8x1024xf32, #tpu.memory_space<vmem>>, vector<1x16xf32>,
      %swap3A_1842 = arith.constant 4 : i32
      %swap3A_1843 = arith.index_cast %swap3A_1842 : i32 to index
      %swap3A_1844 = arith.constant 752 : index
      %swap3A_1845 = tpu.vector_load %arg5[%swap3A_1843, %swap3A_1844] {strides = array<i32>} : memref<8x1024xf32, #tpu.memory_space<vmem>>, vector<1x16xf32>,
      %swap3A_1846 = vector.shape_cast %swap3A_1845 : vector<1x16xf32> to vector<16xf32>
      %swap3A_1847 = vector.shape_cast %div3A_14 : vector<16xf32> to vector<1x16xf32>
      tpu.vector_store %arg5[%swap3A_1843, %swap3A_1844], %swap3A_1847 {strides = array<i32>} : memref<8x1024xf32, #tpu.memory_space<vmem>>, vector<1x16xf32>,
      %swap3A_1848 = arith.constant 4 : i32
      %swap3A_1849 = arith.index_cast %swap3A_1848 : i32 to index
      %swap3A_1850 = arith.constant 768 : index
      %swap3A_1851 = tpu.vector_load %arg5[%swap3A_1849, %swap3A_1850] {strides = array<i32>} : memref<8x1024xf32, #tpu.memory_space<vmem>>, vector<1x16xf32>,
      %swap3A_1852 = vector.shape_cast %swap3A_1851 : vector<1x16xf32> to vector<16xf32>
      %swap3A_1853 = vector.shape_cast %div3A_14 : vector<16xf32> to vector<1x16xf32>
      tpu.vector_store %arg5[%swap3A_1849, %swap3A_1850], %swap3A_1853 {strides = array<i32>} : memref<8x1024xf32, #tpu.memory_space<vmem>>, vector<1x16xf32>,
      %swap3A_1854 = arith.constant 4 : i32
      %swap3A_1855 = arith.index_cast %swap3A_1854 : i32 to index
      %swap3A_1856 = arith.constant 784 : index
      %swap3A_1857 = tpu.vector_load %arg5[%swap3A_1855, %swap3A_1856] {strides = array<i32>} : memref<8x1024xf32, #tpu.memory_space<vmem>>, vector<1x16xf32>,
      %swap3A_1858 = vector.shape_cast %swap3A_1857 : vector<1x16xf32> to vector<16xf32>
      %swap3A_1859 = vector.shape_cast %div3A_14 : vector<16xf32> to vector<1x16xf32>
      tpu.vector_store %arg5[%swap3A_1855, %swap3A_1856], %swap3A_1859 {strides = array<i32>} : memref<8x1024xf32, #tpu.memory_space<vmem>>, vector<1x16xf32>,
      %swap3A_1860 = arith.constant 4 : i32
      %swap3A_1861 = arith.index_cast %swap3A_1860 : i32 to index
      %swap3A_1862 = arith.constant 800 : index
      %swap3A_1863 = tpu.vector_load %arg5[%swap3A_1861, %swap3A_1862] {strides = array<i32>} : memref<8x1024xf32, #tpu.memory_space<vmem>>, vector<1x16xf32>,
      %swap3A_1864 = vector.shape_cast %swap3A_1863 : vector<1x16xf32> to vector<16xf32>
      %swap3A_1865 = vector.shape_cast %div3A_14 : vector<16xf32> to vector<1x16xf32>
      tpu.vector_store %arg5[%swap3A_1861, %swap3A_1862], %swap3A_1865 {strides = array<i32>} : memref<8x1024xf32, #tpu.memory_space<vmem>>, vector<1x16xf32>,
      %swap3A_1866 = arith.constant 4 : i32
      %swap3A_1867 = arith.index_cast %swap3A_1866 : i32 to index
      %swap3A_1868 = arith.constant 816 : index
      %swap3A_1869 = tpu.vector_load %arg5[%swap3A_1867, %swap3A_1868] {strides = array<i32>} : memref<8x1024xf32, #tpu.memory_space<vmem>>, vector<1x16xf32>,
      %swap3A_1870 = vector.shape_cast %swap3A_1869 : vector<1x16xf32> to vector<16xf32>
      %swap3A_1871 = vector.shape_cast %div3A_14 : vector<16xf32> to vector<1x16xf32>
      tpu.vector_store %arg5[%swap3A_1867, %swap3A_1868], %swap3A_1871 {strides = array<i32>} : memref<8x1024xf32, #tpu.memory_space<vmem>>, vector<1x16xf32>,
      %swap3A_1872 = arith.constant 4 : i32
      %swap3A_1873 = arith.index_cast %swap3A_1872 : i32 to index
      %swap3A_1874 = arith.constant 832 : index
      %swap3A_1875 = tpu.vector_load %arg5[%swap3A_1873, %swap3A_1874] {strides = array<i32>} : memref<8x1024xf32, #tpu.memory_space<vmem>>, vector<1x16xf32>,
      %swap3A_1876 = vector.shape_cast %swap3A_1875 : vector<1x16xf32> to vector<16xf32>
      %swap3A_1877 = vector.shape_cast %div3A_14 : vector<16xf32> to vector<1x16xf32>
      tpu.vector_store %arg5[%swap3A_1873, %swap3A_1874], %swap3A_1877 {strides = array<i32>} : memref<8x1024xf32, #tpu.memory_space<vmem>>, vector<1x16xf32>,
      %swap3A_1878 = arith.constant 4 : i32
      %swap3A_1879 = arith.index_cast %swap3A_1878 : i32 to index
      %swap3A_1880 = arith.constant 848 : index
      %swap3A_1881 = tpu.vector_load %arg5[%swap3A_1879, %swap3A_1880] {strides = array<i32>} : memref<8x1024xf32, #tpu.memory_space<vmem>>, vector<1x16xf32>,
      %swap3A_1882 = vector.shape_cast %swap3A_1881 : vector<1x16xf32> to vector<16xf32>
      %swap3A_1883 = vector.shape_cast %div3A_14 : vector<16xf32> to vector<1x16xf32>
      tpu.vector_store %arg5[%swap3A_1879, %swap3A_1880], %swap3A_1883 {strides = array<i32>} : memref<8x1024xf32, #tpu.memory_space<vmem>>, vector<1x16xf32>,
      %swap3A_1884 = arith.constant 4 : i32
      %swap3A_1885 = arith.index_cast %swap3A_1884 : i32 to index
      %swap3A_1886 = arith.constant 864 : index
      %swap3A_1887 = tpu.vector_load %arg5[%swap3A_1885, %swap3A_1886] {strides = array<i32>} : memref<8x1024xf32, #tpu.memory_space<vmem>>, vector<1x16xf32>,
      %swap3A_1888 = vector.shape_cast %swap3A_1887 : vector<1x16xf32> to vector<16xf32>
      %swap3A_1889 = vector.shape_cast %div3A_14 : vector<16xf32> to vector<1x16xf32>
      tpu.vector_store %arg5[%swap3A_1885, %swap3A_1886], %swap3A_1889 {strides = array<i32>} : memref<8x1024xf32, #tpu.memory_space<vmem>>, vector<1x16xf32>,
      %swap3A_1890 = arith.constant 4 : i32
      %swap3A_1891 = arith.index_cast %swap3A_1890 : i32 to index
      %swap3A_1892 = arith.constant 880 : index
      %swap3A_1893 = tpu.vector_load %arg5[%swap3A_1891, %swap3A_1892] {strides = array<i32>} : memref<8x1024xf32, #tpu.memory_space<vmem>>, vector<1x16xf32>,
      %swap3A_1894 = vector.shape_cast %swap3A_1893 : vector<1x16xf32> to vector<16xf32>
      %swap3A_1895 = vector.shape_cast %div3A_14 : vector<16xf32> to vector<1x16xf32>
      tpu.vector_store %arg5[%swap3A_1891, %swap3A_1892], %swap3A_1895 {strides = array<i32>} : memref<8x1024xf32, #tpu.memory_space<vmem>>, vector<1x16xf32>,
      %swap3A_1896 = arith.constant 4 : i32
      %swap3A_1897 = arith.index_cast %swap3A_1896 : i32 to index
      %swap3A_1898 = arith.constant 896 : index
      %swap3A_1899 = tpu.vector_load %arg5[%swap3A_1897, %swap3A_1898] {strides = array<i32>} : memref<8x1024xf32, #tpu.memory_space<vmem>>, vector<1x16xf32>,
      %swap3A_1900 = vector.shape_cast %swap3A_1899 : vector<1x16xf32> to vector<16xf32>
      %swap3A_1901 = vector.shape_cast %div3A_14 : vector<16xf32> to vector<1x16xf32>
      tpu.vector_store %arg5[%swap3A_1897, %swap3A_1898], %swap3A_1901 {strides = array<i32>} : memref<8x1024xf32, #tpu.memory_space<vmem>>, vector<1x16xf32>,
      %swap3A_1902 = arith.constant 4 : i32
      %swap3A_1903 = arith.index_cast %swap3A_1902 : i32 to index
      %swap3A_1904 = arith.constant 912 : index
      %swap3A_1905 = tpu.vector_load %arg5[%swap3A_1903, %swap3A_1904] {strides = array<i32>} : memref<8x1024xf32, #tpu.memory_space<vmem>>, vector<1x16xf32>,
      %swap3A_1906 = vector.shape_cast %swap3A_1905 : vector<1x16xf32> to vector<16xf32>
      %swap3A_1907 = vector.shape_cast %div3A_14 : vector<16xf32> to vector<1x16xf32>
      tpu.vector_store %arg5[%swap3A_1903, %swap3A_1904], %swap3A_1907 {strides = array<i32>} : memref<8x1024xf32, #tpu.memory_space<vmem>>, vector<1x16xf32>,
      %swap3A_1908 = arith.constant 4 : i32
      %swap3A_1909 = arith.index_cast %swap3A_1908 : i32 to index
      %swap3A_1910 = arith.constant 928 : index
      %swap3A_1911 = tpu.vector_load %arg5[%swap3A_1909, %swap3A_1910] {strides = array<i32>} : memref<8x1024xf32, #tpu.memory_space<vmem>>, vector<1x16xf32>,
      %swap3A_1912 = vector.shape_cast %swap3A_1911 : vector<1x16xf32> to vector<16xf32>
      %swap3A_1913 = vector.shape_cast %div3A_14 : vector<16xf32> to vector<1x16xf32>
      tpu.vector_store %arg5[%swap3A_1909, %swap3A_1910], %swap3A_1913 {strides = array<i32>} : memref<8x1024xf32, #tpu.memory_space<vmem>>, vector<1x16xf32>,
      %swap3A_1914 = arith.constant 4 : i32
      %swap3A_1915 = arith.index_cast %swap3A_1914 : i32 to index
      %swap3A_1916 = arith.constant 944 : index
      %swap3A_1917 = tpu.vector_load %arg5[%swap3A_1915, %swap3A_1916] {strides = array<i32>} : memref<8x1024xf32, #tpu.memory_space<vmem>>, vector<1x16xf32>,
      %swap3A_1918 = vector.shape_cast %swap3A_1917 : vector<1x16xf32> to vector<16xf32>
      %swap3A_1919 = vector.shape_cast %div3A_14 : vector<16xf32> to vector<1x16xf32>
      tpu.vector_store %arg5[%swap3A_1915, %swap3A_1916], %swap3A_1919 {strides = array<i32>} : memref<8x1024xf32, #tpu.memory_space<vmem>>, vector<1x16xf32>,
      %swap3A_1920 = arith.constant 4 : i32
      %swap3A_1921 = arith.index_cast %swap3A_1920 : i32 to index
      %swap3A_1922 = arith.constant 960 : index
      %swap3A_1923 = tpu.vector_load %arg5[%swap3A_1921, %swap3A_1922] {strides = array<i32>} : memref<8x1024xf32, #tpu.memory_space<vmem>>, vector<1x16xf32>,
      %swap3A_1924 = vector.shape_cast %swap3A_1923 : vector<1x16xf32> to vector<16xf32>
      %swap3A_1925 = vector.shape_cast %div3A_14 : vector<16xf32> to vector<1x16xf32>
      tpu.vector_store %arg5[%swap3A_1921, %swap3A_1922], %swap3A_1925 {strides = array<i32>} : memref<8x1024xf32, #tpu.memory_space<vmem>>, vector<1x16xf32>,
      %swap3A_1926 = arith.constant 4 : i32
      %swap3A_1927 = arith.index_cast %swap3A_1926 : i32 to index
      %swap3A_1928 = arith.constant 976 : index
      %swap3A_1929 = tpu.vector_load %arg5[%swap3A_1927, %swap3A_1928] {strides = array<i32>} : memref<8x1024xf32, #tpu.memory_space<vmem>>, vector<1x16xf32>,
      %swap3A_1930 = vector.shape_cast %swap3A_1929 : vector<1x16xf32> to vector<16xf32>
      %swap3A_1931 = vector.shape_cast %div3A_14 : vector<16xf32> to vector<1x16xf32>
      tpu.vector_store %arg5[%swap3A_1927, %swap3A_1928], %swap3A_1931 {strides = array<i32>} : memref<8x1024xf32, #tpu.memory_space<vmem>>, vector<1x16xf32>,
      %swap3A_1932 = arith.constant 4 : i32
      %swap3A_1933 = arith.index_cast %swap3A_1932 : i32 to index
      %swap3A_1934 = arith.constant 992 : index
      %swap3A_1935 = tpu.vector_load %arg5[%swap3A_1933, %swap3A_1934] {strides = array<i32>} : memref<8x1024xf32, #tpu.memory_space<vmem>>, vector<1x16xf32>,
      %swap3A_1936 = vector.shape_cast %swap3A_1935 : vector<1x16xf32> to vector<16xf32>
      %swap3A_1937 = vector.shape_cast %div3A_14 : vector<16xf32> to vector<1x16xf32>
      tpu.vector_store %arg5[%swap3A_1933, %swap3A_1934], %swap3A_1937 {strides = array<i32>} : memref<8x1024xf32, #tpu.memory_space<vmem>>, vector<1x16xf32>,
      %swap3A_1938 = arith.constant 4 : i32
      %swap3A_1939 = arith.index_cast %swap3A_1938 : i32 to index
      %swap3A_1940 = arith.constant 1008 : index
      %swap3A_1941 = tpu.vector_load %arg5[%swap3A_1939, %swap3A_1940] {strides = array<i32>} : memref<8x1024xf32, #tpu.memory_space<vmem>>, vector<1x16xf32>,
      %swap3A_1942 = vector.shape_cast %swap3A_1941 : vector<1x16xf32> to vector<16xf32>
      %swap3A_1943 = vector.shape_cast %div3A_14 : vector<16xf32> to vector<1x16xf32>
      tpu.vector_store %arg5[%swap3A_1939, %swap3A_1940], %swap3A_1943 {strides = array<i32>} : memref<8x1024xf32, #tpu.memory_space<vmem>>, vector<1x16xf32>,
      %swap3A_1944 = arith.constant 5 : i32
      %swap3A_1945 = arith.index_cast %swap3A_1944 : i32 to index
      %swap3A_1946 = arith.constant 0 : index
      %swap3A_1947 = tpu.vector_load %arg5[%swap3A_1945, %swap3A_1946] {strides = array<i32>} : memref<8x1024xf32, #tpu.memory_space<vmem>>, vector<1x16xf32>,
      %swap3A_1948 = vector.shape_cast %swap3A_1947 : vector<1x16xf32> to vector<16xf32>
      %swap3A_1949 = vector.shape_cast %div3A_24 : vector<16xf32> to vector<1x16xf32>
      tpu.vector_store %arg5[%swap3A_1945, %swap3A_1946], %swap3A_1949 {strides = array<i32>} : memref<8x1024xf32, #tpu.memory_space<vmem>>, vector<1x16xf32>,
      %swap3A_1950 = arith.constant 5 : i32
      %swap3A_1951 = arith.index_cast %swap3A_1950 : i32 to index
      %swap3A_1952 = arith.constant 16 : index
      %swap3A_1953 = tpu.vector_load %arg5[%swap3A_1951, %swap3A_1952] {strides = array<i32>} : memref<8x1024xf32, #tpu.memory_space<vmem>>, vector<1x16xf32>,
      %swap3A_1954 = vector.shape_cast %swap3A_1953 : vector<1x16xf32> to vector<16xf32>
      %swap3A_1955 = vector.shape_cast %div3A_24 : vector<16xf32> to vector<1x16xf32>
      tpu.vector_store %arg5[%swap3A_1951, %swap3A_1952], %swap3A_1955 {strides = array<i32>} : memref<8x1024xf32, #tpu.memory_space<vmem>>, vector<1x16xf32>,
      %swap3A_1956 = arith.constant 5 : i32
      %swap3A_1957 = arith.index_cast %swap3A_1956 : i32 to index
      %swap3A_1958 = arith.constant 32 : index
      %swap3A_1959 = tpu.vector_load %arg5[%swap3A_1957, %swap3A_1958] {strides = array<i32>} : memref<8x1024xf32, #tpu.memory_space<vmem>>, vector<1x16xf32>,
      %swap3A_1960 = vector.shape_cast %swap3A_1959 : vector<1x16xf32> to vector<16xf32>
      %swap3A_1961 = vector.shape_cast %div3A_24 : vector<16xf32> to vector<1x16xf32>
      tpu.vector_store %arg5[%swap3A_1957, %swap3A_1958], %swap3A_1961 {strides = array<i32>} : memref<8x1024xf32, #tpu.memory_space<vmem>>, vector<1x16xf32>,
      %swap3A_1962 = arith.constant 5 : i32
      %swap3A_1963 = arith.index_cast %swap3A_1962 : i32 to index
      %swap3A_1964 = arith.constant 48 : index
      %swap3A_1965 = tpu.vector_load %arg5[%swap3A_1963, %swap3A_1964] {strides = array<i32>} : memref<8x1024xf32, #tpu.memory_space<vmem>>, vector<1x16xf32>,
      %swap3A_1966 = vector.shape_cast %swap3A_1965 : vector<1x16xf32> to vector<16xf32>
      %swap3A_1967 = vector.shape_cast %div3A_24 : vector<16xf32> to vector<1x16xf32>
      tpu.vector_store %arg5[%swap3A_1963, %swap3A_1964], %swap3A_1967 {strides = array<i32>} : memref<8x1024xf32, #tpu.memory_space<vmem>>, vector<1x16xf32>,
      %swap3A_1968 = arith.constant 5 : i32
      %swap3A_1969 = arith.index_cast %swap3A_1968 : i32 to index
      %swap3A_1970 = arith.constant 64 : index
      %swap3A_1971 = tpu.vector_load %arg5[%swap3A_1969, %swap3A_1970] {strides = array<i32>} : memref<8x1024xf32, #tpu.memory_space<vmem>>, vector<1x16xf32>,
      %swap3A_1972 = vector.shape_cast %swap3A_1971 : vector<1x16xf32> to vector<16xf32>
      %swap3A_1973 = vector.shape_cast %div3A_24 : vector<16xf32> to vector<1x16xf32>
      tpu.vector_store %arg5[%swap3A_1969, %swap3A_1970], %swap3A_1973 {strides = array<i32>} : memref<8x1024xf32, #tpu.memory_space<vmem>>, vector<1x16xf32>,
      %swap3A_1974 = arith.constant 5 : i32
      %swap3A_1975 = arith.index_cast %swap3A_1974 : i32 to index
      %swap3A_1976 = arith.constant 80 : index
      %swap3A_1977 = tpu.vector_load %arg5[%swap3A_1975, %swap3A_1976] {strides = array<i32>} : memref<8x1024xf32, #tpu.memory_space<vmem>>, vector<1x16xf32>,
      %swap3A_1978 = vector.shape_cast %swap3A_1977 : vector<1x16xf32> to vector<16xf32>
      %swap3A_1979 = vector.shape_cast %div3A_24 : vector<16xf32> to vector<1x16xf32>
      tpu.vector_store %arg5[%swap3A_1975, %swap3A_1976], %swap3A_1979 {strides = array<i32>} : memref<8x1024xf32, #tpu.memory_space<vmem>>, vector<1x16xf32>,
      %swap3A_1980 = arith.constant 5 : i32
      %swap3A_1981 = arith.index_cast %swap3A_1980 : i32 to index
      %swap3A_1982 = arith.constant 96 : index
      %swap3A_1983 = tpu.vector_load %arg5[%swap3A_1981, %swap3A_1982] {strides = array<i32>} : memref<8x1024xf32, #tpu.memory_space<vmem>>, vector<1x16xf32>,
      %swap3A_1984 = vector.shape_cast %swap3A_1983 : vector<1x16xf32> to vector<16xf32>
      %swap3A_1985 = vector.shape_cast %div3A_24 : vector<16xf32> to vector<1x16xf32>
      tpu.vector_store %arg5[%swap3A_1981, %swap3A_1982], %swap3A_1985 {strides = array<i32>} : memref<8x1024xf32, #tpu.memory_space<vmem>>, vector<1x16xf32>,
      %swap3A_1986 = arith.constant 5 : i32
      %swap3A_1987 = arith.index_cast %swap3A_1986 : i32 to index
      %swap3A_1988 = arith.constant 112 : index
      %swap3A_1989 = tpu.vector_load %arg5[%swap3A_1987, %swap3A_1988] {strides = array<i32>} : memref<8x1024xf32, #tpu.memory_space<vmem>>, vector<1x16xf32>,
      %swap3A_1990 = vector.shape_cast %swap3A_1989 : vector<1x16xf32> to vector<16xf32>
      %swap3A_1991 = vector.shape_cast %div3A_24 : vector<16xf32> to vector<1x16xf32>
      tpu.vector_store %arg5[%swap3A_1987, %swap3A_1988], %swap3A_1991 {strides = array<i32>} : memref<8x1024xf32, #tpu.memory_space<vmem>>, vector<1x16xf32>,
      %swap3A_1992 = arith.constant 5 : i32
      %swap3A_1993 = arith.index_cast %swap3A_1992 : i32 to index
      %swap3A_1994 = arith.constant 128 : index
      %swap3A_1995 = tpu.vector_load %arg5[%swap3A_1993, %swap3A_1994] {strides = array<i32>} : memref<8x1024xf32, #tpu.memory_space<vmem>>, vector<1x16xf32>,
      %swap3A_1996 = vector.shape_cast %swap3A_1995 : vector<1x16xf32> to vector<16xf32>
      %swap3A_1997 = vector.shape_cast %div3A_24 : vector<16xf32> to vector<1x16xf32>
      tpu.vector_store %arg5[%swap3A_1993, %swap3A_1994], %swap3A_1997 {strides = array<i32>} : memref<8x1024xf32, #tpu.memory_space<vmem>>, vector<1x16xf32>,
      %swap3A_1998 = arith.constant 5 : i32
      %swap3A_1999 = arith.index_cast %swap3A_1998 : i32 to index
      %swap3A_2000 = arith.constant 144 : index
      %swap3A_2001 = tpu.vector_load %arg5[%swap3A_1999, %swap3A_2000] {strides = array<i32>} : memref<8x1024xf32, #tpu.memory_space<vmem>>, vector<1x16xf32>,
      %swap3A_2002 = vector.shape_cast %swap3A_2001 : vector<1x16xf32> to vector<16xf32>
      %swap3A_2003 = vector.shape_cast %div3A_24 : vector<16xf32> to vector<1x16xf32>
      tpu.vector_store %arg5[%swap3A_1999, %swap3A_2000], %swap3A_2003 {strides = array<i32>} : memref<8x1024xf32, #tpu.memory_space<vmem>>, vector<1x16xf32>,
      %swap3A_2004 = arith.constant 5 : i32
      %swap3A_2005 = arith.index_cast %swap3A_2004 : i32 to index
      %swap3A_2006 = arith.constant 160 : index
      %swap3A_2007 = tpu.vector_load %arg5[%swap3A_2005, %swap3A_2006] {strides = array<i32>} : memref<8x1024xf32, #tpu.memory_space<vmem>>, vector<1x16xf32>,
      %swap3A_2008 = vector.shape_cast %swap3A_2007 : vector<1x16xf32> to vector<16xf32>
      %swap3A_2009 = vector.shape_cast %div3A_24 : vector<16xf32> to vector<1x16xf32>
      tpu.vector_store %arg5[%swap3A_2005, %swap3A_2006], %swap3A_2009 {strides = array<i32>} : memref<8x1024xf32, #tpu.memory_space<vmem>>, vector<1x16xf32>,
      %swap3A_2010 = arith.constant 5 : i32
      %swap3A_2011 = arith.index_cast %swap3A_2010 : i32 to index
      %swap3A_2012 = arith.constant 176 : index
      %swap3A_2013 = tpu.vector_load %arg5[%swap3A_2011, %swap3A_2012] {strides = array<i32>} : memref<8x1024xf32, #tpu.memory_space<vmem>>, vector<1x16xf32>,
      %swap3A_2014 = vector.shape_cast %swap3A_2013 : vector<1x16xf32> to vector<16xf32>
      %swap3A_2015 = vector.shape_cast %div3A_24 : vector<16xf32> to vector<1x16xf32>
      tpu.vector_store %arg5[%swap3A_2011, %swap3A_2012], %swap3A_2015 {strides = array<i32>} : memref<8x1024xf32, #tpu.memory_space<vmem>>, vector<1x16xf32>,
      %swap3A_2016 = arith.constant 5 : i32
      %swap3A_2017 = arith.index_cast %swap3A_2016 : i32 to index
      %swap3A_2018 = arith.constant 192 : index
      %swap3A_2019 = tpu.vector_load %arg5[%swap3A_2017, %swap3A_2018] {strides = array<i32>} : memref<8x1024xf32, #tpu.memory_space<vmem>>, vector<1x16xf32>,
      %swap3A_2020 = vector.shape_cast %swap3A_2019 : vector<1x16xf32> to vector<16xf32>
      %swap3A_2021 = vector.shape_cast %div3A_24 : vector<16xf32> to vector<1x16xf32>
      tpu.vector_store %arg5[%swap3A_2017, %swap3A_2018], %swap3A_2021 {strides = array<i32>} : memref<8x1024xf32, #tpu.memory_space<vmem>>, vector<1x16xf32>,
      %swap3A_2022 = arith.constant 5 : i32
      %swap3A_2023 = arith.index_cast %swap3A_2022 : i32 to index
      %swap3A_2024 = arith.constant 208 : index
      %swap3A_2025 = tpu.vector_load %arg5[%swap3A_2023, %swap3A_2024] {strides = array<i32>} : memref<8x1024xf32, #tpu.memory_space<vmem>>, vector<1x16xf32>,
      %swap3A_2026 = vector.shape_cast %swap3A_2025 : vector<1x16xf32> to vector<16xf32>
      %swap3A_2027 = vector.shape_cast %div3A_24 : vector<16xf32> to vector<1x16xf32>
      tpu.vector_store %arg5[%swap3A_2023, %swap3A_2024], %swap3A_2027 {strides = array<i32>} : memref<8x1024xf32, #tpu.memory_space<vmem>>, vector<1x16xf32>,
      %swap3A_2028 = arith.constant 5 : i32
      %swap3A_2029 = arith.index_cast %swap3A_2028 : i32 to index
      %swap3A_2030 = arith.constant 224 : index
      %swap3A_2031 = tpu.vector_load %arg5[%swap3A_2029, %swap3A_2030] {strides = array<i32>} : memref<8x1024xf32, #tpu.memory_space<vmem>>, vector<1x16xf32>,
      %swap3A_2032 = vector.shape_cast %swap3A_2031 : vector<1x16xf32> to vector<16xf32>
      %swap3A_2033 = vector.shape_cast %div3A_24 : vector<16xf32> to vector<1x16xf32>
      tpu.vector_store %arg5[%swap3A_2029, %swap3A_2030], %swap3A_2033 {strides = array<i32>} : memref<8x1024xf32, #tpu.memory_space<vmem>>, vector<1x16xf32>,
      %swap3A_2034 = arith.constant 5 : i32
      %swap3A_2035 = arith.index_cast %swap3A_2034 : i32 to index
      %swap3A_2036 = arith.constant 240 : index
      %swap3A_2037 = tpu.vector_load %arg5[%swap3A_2035, %swap3A_2036] {strides = array<i32>} : memref<8x1024xf32, #tpu.memory_space<vmem>>, vector<1x16xf32>,
      %swap3A_2038 = vector.shape_cast %swap3A_2037 : vector<1x16xf32> to vector<16xf32>
      %swap3A_2039 = vector.shape_cast %div3A_24 : vector<16xf32> to vector<1x16xf32>
      tpu.vector_store %arg5[%swap3A_2035, %swap3A_2036], %swap3A_2039 {strides = array<i32>} : memref<8x1024xf32, #tpu.memory_space<vmem>>, vector<1x16xf32>,
      %swap3A_2040 = arith.constant 5 : i32
      %swap3A_2041 = arith.index_cast %swap3A_2040 : i32 to index
      %swap3A_2042 = arith.constant 256 : index
      %swap3A_2043 = tpu.vector_load %arg5[%swap3A_2041, %swap3A_2042] {strides = array<i32>} : memref<8x1024xf32, #tpu.memory_space<vmem>>, vector<1x16xf32>,
      %swap3A_2044 = vector.shape_cast %swap3A_2043 : vector<1x16xf32> to vector<16xf32>
      %swap3A_2045 = vector.shape_cast %div3A_24 : vector<16xf32> to vector<1x16xf32>
      tpu.vector_store %arg5[%swap3A_2041, %swap3A_2042], %swap3A_2045 {strides = array<i32>} : memref<8x1024xf32, #tpu.memory_space<vmem>>, vector<1x16xf32>,
      %swap3A_2046 = arith.constant 5 : i32
      %swap3A_2047 = arith.index_cast %swap3A_2046 : i32 to index
      %swap3A_2048 = arith.constant 272 : index
      %swap3A_2049 = tpu.vector_load %arg5[%swap3A_2047, %swap3A_2048] {strides = array<i32>} : memref<8x1024xf32, #tpu.memory_space<vmem>>, vector<1x16xf32>,
      %swap3A_2050 = vector.shape_cast %swap3A_2049 : vector<1x16xf32> to vector<16xf32>
      %swap3A_2051 = vector.shape_cast %div3A_24 : vector<16xf32> to vector<1x16xf32>
      tpu.vector_store %arg5[%swap3A_2047, %swap3A_2048], %swap3A_2051 {strides = array<i32>} : memref<8x1024xf32, #tpu.memory_space<vmem>>, vector<1x16xf32>,
      %swap3A_2052 = arith.constant 5 : i32
      %swap3A_2053 = arith.index_cast %swap3A_2052 : i32 to index
      %swap3A_2054 = arith.constant 288 : index
      %swap3A_2055 = tpu.vector_load %arg5[%swap3A_2053, %swap3A_2054] {strides = array<i32>} : memref<8x1024xf32, #tpu.memory_space<vmem>>, vector<1x16xf32>,
      %swap3A_2056 = vector.shape_cast %swap3A_2055 : vector<1x16xf32> to vector<16xf32>
      %swap3A_2057 = vector.shape_cast %div3A_24 : vector<16xf32> to vector<1x16xf32>
      tpu.vector_store %arg5[%swap3A_2053, %swap3A_2054], %swap3A_2057 {strides = array<i32>} : memref<8x1024xf32, #tpu.memory_space<vmem>>, vector<1x16xf32>,
      %swap3A_2058 = arith.constant 5 : i32
      %swap3A_2059 = arith.index_cast %swap3A_2058 : i32 to index
      %swap3A_2060 = arith.constant 304 : index
      %swap3A_2061 = tpu.vector_load %arg5[%swap3A_2059, %swap3A_2060] {strides = array<i32>} : memref<8x1024xf32, #tpu.memory_space<vmem>>, vector<1x16xf32>,
      %swap3A_2062 = vector.shape_cast %swap3A_2061 : vector<1x16xf32> to vector<16xf32>
      %swap3A_2063 = vector.shape_cast %div3A_24 : vector<16xf32> to vector<1x16xf32>
      tpu.vector_store %arg5[%swap3A_2059, %swap3A_2060], %swap3A_2063 {strides = array<i32>} : memref<8x1024xf32, #tpu.memory_space<vmem>>, vector<1x16xf32>,
      %swap3A_2064 = arith.constant 5 : i32
      %swap3A_2065 = arith.index_cast %swap3A_2064 : i32 to index
      %swap3A_2066 = arith.constant 320 : index
      %swap3A_2067 = tpu.vector_load %arg5[%swap3A_2065, %swap3A_2066] {strides = array<i32>} : memref<8x1024xf32, #tpu.memory_space<vmem>>, vector<1x16xf32>,
      %swap3A_2068 = vector.shape_cast %swap3A_2067 : vector<1x16xf32> to vector<16xf32>
      %swap3A_2069 = vector.shape_cast %div3A_24 : vector<16xf32> to vector<1x16xf32>
      tpu.vector_store %arg5[%swap3A_2065, %swap3A_2066], %swap3A_2069 {strides = array<i32>} : memref<8x1024xf32, #tpu.memory_space<vmem>>, vector<1x16xf32>,
      %swap3A_2070 = arith.constant 5 : i32
      %swap3A_2071 = arith.index_cast %swap3A_2070 : i32 to index
      %swap3A_2072 = arith.constant 336 : index
      %swap3A_2073 = tpu.vector_load %arg5[%swap3A_2071, %swap3A_2072] {strides = array<i32>} : memref<8x1024xf32, #tpu.memory_space<vmem>>, vector<1x16xf32>,
      %swap3A_2074 = vector.shape_cast %swap3A_2073 : vector<1x16xf32> to vector<16xf32>
      %swap3A_2075 = vector.shape_cast %div3A_24 : vector<16xf32> to vector<1x16xf32>
      tpu.vector_store %arg5[%swap3A_2071, %swap3A_2072], %swap3A_2075 {strides = array<i32>} : memref<8x1024xf32, #tpu.memory_space<vmem>>, vector<1x16xf32>,
      %swap3A_2076 = arith.constant 5 : i32
      %swap3A_2077 = arith.index_cast %swap3A_2076 : i32 to index
      %swap3A_2078 = arith.constant 352 : index
      %swap3A_2079 = tpu.vector_load %arg5[%swap3A_2077, %swap3A_2078] {strides = array<i32>} : memref<8x1024xf32, #tpu.memory_space<vmem>>, vector<1x16xf32>,
      %swap3A_2080 = vector.shape_cast %swap3A_2079 : vector<1x16xf32> to vector<16xf32>
      %swap3A_2081 = vector.shape_cast %div3A_24 : vector<16xf32> to vector<1x16xf32>
      tpu.vector_store %arg5[%swap3A_2077, %swap3A_2078], %swap3A_2081 {strides = array<i32>} : memref<8x1024xf32, #tpu.memory_space<vmem>>, vector<1x16xf32>,
      %swap3A_2082 = arith.constant 5 : i32
      %swap3A_2083 = arith.index_cast %swap3A_2082 : i32 to index
      %swap3A_2084 = arith.constant 368 : index
      %swap3A_2085 = tpu.vector_load %arg5[%swap3A_2083, %swap3A_2084] {strides = array<i32>} : memref<8x1024xf32, #tpu.memory_space<vmem>>, vector<1x16xf32>,
      %swap3A_2086 = vector.shape_cast %swap3A_2085 : vector<1x16xf32> to vector<16xf32>
      %swap3A_2087 = vector.shape_cast %div3A_24 : vector<16xf32> to vector<1x16xf32>
      tpu.vector_store %arg5[%swap3A_2083, %swap3A_2084], %swap3A_2087 {strides = array<i32>} : memref<8x1024xf32, #tpu.memory_space<vmem>>, vector<1x16xf32>,
      %swap3A_2088 = arith.constant 5 : i32
      %swap3A_2089 = arith.index_cast %swap3A_2088 : i32 to index
      %swap3A_2090 = arith.constant 384 : index
      %swap3A_2091 = tpu.vector_load %arg5[%swap3A_2089, %swap3A_2090] {strides = array<i32>} : memref<8x1024xf32, #tpu.memory_space<vmem>>, vector<1x16xf32>,
      %swap3A_2092 = vector.shape_cast %swap3A_2091 : vector<1x16xf32> to vector<16xf32>
      %swap3A_2093 = vector.shape_cast %div3A_24 : vector<16xf32> to vector<1x16xf32>
      tpu.vector_store %arg5[%swap3A_2089, %swap3A_2090], %swap3A_2093 {strides = array<i32>} : memref<8x1024xf32, #tpu.memory_space<vmem>>, vector<1x16xf32>,
      %swap3A_2094 = arith.constant 5 : i32
      %swap3A_2095 = arith.index_cast %swap3A_2094 : i32 to index
      %swap3A_2096 = arith.constant 400 : index
      %swap3A_2097 = tpu.vector_load %arg5[%swap3A_2095, %swap3A_2096] {strides = array<i32>} : memref<8x1024xf32, #tpu.memory_space<vmem>>, vector<1x16xf32>,
      %swap3A_2098 = vector.shape_cast %swap3A_2097 : vector<1x16xf32> to vector<16xf32>
      %swap3A_2099 = vector.shape_cast %div3A_24 : vector<16xf32> to vector<1x16xf32>
      tpu.vector_store %arg5[%swap3A_2095, %swap3A_2096], %swap3A_2099 {strides = array<i32>} : memref<8x1024xf32, #tpu.memory_space<vmem>>, vector<1x16xf32>,
      %swap3A_2100 = arith.constant 5 : i32
      %swap3A_2101 = arith.index_cast %swap3A_2100 : i32 to index
      %swap3A_2102 = arith.constant 416 : index
      %swap3A_2103 = tpu.vector_load %arg5[%swap3A_2101, %swap3A_2102] {strides = array<i32>} : memref<8x1024xf32, #tpu.memory_space<vmem>>, vector<1x16xf32>,
      %swap3A_2104 = vector.shape_cast %swap3A_2103 : vector<1x16xf32> to vector<16xf32>
      %swap3A_2105 = vector.shape_cast %div3A_24 : vector<16xf32> to vector<1x16xf32>
      tpu.vector_store %arg5[%swap3A_2101, %swap3A_2102], %swap3A_2105 {strides = array<i32>} : memref<8x1024xf32, #tpu.memory_space<vmem>>, vector<1x16xf32>,
      %swap3A_2106 = arith.constant 5 : i32
      %swap3A_2107 = arith.index_cast %swap3A_2106 : i32 to index
      %swap3A_2108 = arith.constant 432 : index
      %swap3A_2109 = tpu.vector_load %arg5[%swap3A_2107, %swap3A_2108] {strides = array<i32>} : memref<8x1024xf32, #tpu.memory_space<vmem>>, vector<1x16xf32>,
      %swap3A_2110 = vector.shape_cast %swap3A_2109 : vector<1x16xf32> to vector<16xf32>
      %swap3A_2111 = vector.shape_cast %div3A_24 : vector<16xf32> to vector<1x16xf32>
      tpu.vector_store %arg5[%swap3A_2107, %swap3A_2108], %swap3A_2111 {strides = array<i32>} : memref<8x1024xf32, #tpu.memory_space<vmem>>, vector<1x16xf32>,
      %swap3A_2112 = arith.constant 5 : i32
      %swap3A_2113 = arith.index_cast %swap3A_2112 : i32 to index
      %swap3A_2114 = arith.constant 448 : index
      %swap3A_2115 = tpu.vector_load %arg5[%swap3A_2113, %swap3A_2114] {strides = array<i32>} : memref<8x1024xf32, #tpu.memory_space<vmem>>, vector<1x16xf32>,
      %swap3A_2116 = vector.shape_cast %swap3A_2115 : vector<1x16xf32> to vector<16xf32>
      %swap3A_2117 = vector.shape_cast %div3A_24 : vector<16xf32> to vector<1x16xf32>
      tpu.vector_store %arg5[%swap3A_2113, %swap3A_2114], %swap3A_2117 {strides = array<i32>} : memref<8x1024xf32, #tpu.memory_space<vmem>>, vector<1x16xf32>,
      %swap3A_2118 = arith.constant 5 : i32
      %swap3A_2119 = arith.index_cast %swap3A_2118 : i32 to index
      %swap3A_2120 = arith.constant 464 : index
      %swap3A_2121 = tpu.vector_load %arg5[%swap3A_2119, %swap3A_2120] {strides = array<i32>} : memref<8x1024xf32, #tpu.memory_space<vmem>>, vector<1x16xf32>,
      %swap3A_2122 = vector.shape_cast %swap3A_2121 : vector<1x16xf32> to vector<16xf32>
      %swap3A_2123 = vector.shape_cast %div3A_24 : vector<16xf32> to vector<1x16xf32>
      tpu.vector_store %arg5[%swap3A_2119, %swap3A_2120], %swap3A_2123 {strides = array<i32>} : memref<8x1024xf32, #tpu.memory_space<vmem>>, vector<1x16xf32>,
      %swap3A_2124 = arith.constant 5 : i32
      %swap3A_2125 = arith.index_cast %swap3A_2124 : i32 to index
      %swap3A_2126 = arith.constant 480 : index
      %swap3A_2127 = tpu.vector_load %arg5[%swap3A_2125, %swap3A_2126] {strides = array<i32>} : memref<8x1024xf32, #tpu.memory_space<vmem>>, vector<1x16xf32>,
      %swap3A_2128 = vector.shape_cast %swap3A_2127 : vector<1x16xf32> to vector<16xf32>
      %swap3A_2129 = vector.shape_cast %div3A_24 : vector<16xf32> to vector<1x16xf32>
      tpu.vector_store %arg5[%swap3A_2125, %swap3A_2126], %swap3A_2129 {strides = array<i32>} : memref<8x1024xf32, #tpu.memory_space<vmem>>, vector<1x16xf32>,
      %swap3A_2130 = arith.constant 5 : i32
      %swap3A_2131 = arith.index_cast %swap3A_2130 : i32 to index
      %swap3A_2132 = arith.constant 496 : index
      %swap3A_2133 = tpu.vector_load %arg5[%swap3A_2131, %swap3A_2132] {strides = array<i32>} : memref<8x1024xf32, #tpu.memory_space<vmem>>, vector<1x16xf32>,
      %swap3A_2134 = vector.shape_cast %swap3A_2133 : vector<1x16xf32> to vector<16xf32>
      %swap3A_2135 = vector.shape_cast %div3A_24 : vector<16xf32> to vector<1x16xf32>
      tpu.vector_store %arg5[%swap3A_2131, %swap3A_2132], %swap3A_2135 {strides = array<i32>} : memref<8x1024xf32, #tpu.memory_space<vmem>>, vector<1x16xf32>,
      %swap3A_2136 = arith.constant 5 : i32
      %swap3A_2137 = arith.index_cast %swap3A_2136 : i32 to index
      %swap3A_2138 = arith.constant 512 : index
      %swap3A_2139 = tpu.vector_load %arg5[%swap3A_2137, %swap3A_2138] {strides = array<i32>} : memref<8x1024xf32, #tpu.memory_space<vmem>>, vector<1x16xf32>,
      %swap3A_2140 = vector.shape_cast %swap3A_2139 : vector<1x16xf32> to vector<16xf32>
      %swap3A_2141 = vector.shape_cast %div3A_24 : vector<16xf32> to vector<1x16xf32>
      tpu.vector_store %arg5[%swap3A_2137, %swap3A_2138], %swap3A_2141 {strides = array<i32>} : memref<8x1024xf32, #tpu.memory_space<vmem>>, vector<1x16xf32>,
      %swap3A_2142 = arith.constant 5 : i32
      %swap3A_2143 = arith.index_cast %swap3A_2142 : i32 to index
      %swap3A_2144 = arith.constant 528 : index
      %swap3A_2145 = tpu.vector_load %arg5[%swap3A_2143, %swap3A_2144] {strides = array<i32>} : memref<8x1024xf32, #tpu.memory_space<vmem>>, vector<1x16xf32>,
      %swap3A_2146 = vector.shape_cast %swap3A_2145 : vector<1x16xf32> to vector<16xf32>
      %swap3A_2147 = vector.shape_cast %div3A_24 : vector<16xf32> to vector<1x16xf32>
      tpu.vector_store %arg5[%swap3A_2143, %swap3A_2144], %swap3A_2147 {strides = array<i32>} : memref<8x1024xf32, #tpu.memory_space<vmem>>, vector<1x16xf32>,
      %swap3A_2148 = arith.constant 5 : i32
      %swap3A_2149 = arith.index_cast %swap3A_2148 : i32 to index
      %swap3A_2150 = arith.constant 544 : index
      %swap3A_2151 = tpu.vector_load %arg5[%swap3A_2149, %swap3A_2150] {strides = array<i32>} : memref<8x1024xf32, #tpu.memory_space<vmem>>, vector<1x16xf32>,
      %swap3A_2152 = vector.shape_cast %swap3A_2151 : vector<1x16xf32> to vector<16xf32>
      %swap3A_2153 = vector.shape_cast %div3A_24 : vector<16xf32> to vector<1x16xf32>
      tpu.vector_store %arg5[%swap3A_2149, %swap3A_2150], %swap3A_2153 {strides = array<i32>} : memref<8x1024xf32, #tpu.memory_space<vmem>>, vector<1x16xf32>,
      %swap3A_2154 = arith.constant 5 : i32
      %swap3A_2155 = arith.index_cast %swap3A_2154 : i32 to index
      %swap3A_2156 = arith.constant 560 : index
      %swap3A_2157 = tpu.vector_load %arg5[%swap3A_2155, %swap3A_2156] {strides = array<i32>} : memref<8x1024xf32, #tpu.memory_space<vmem>>, vector<1x16xf32>,
      %swap3A_2158 = vector.shape_cast %swap3A_2157 : vector<1x16xf32> to vector<16xf32>
      %swap3A_2159 = vector.shape_cast %div3A_24 : vector<16xf32> to vector<1x16xf32>
      tpu.vector_store %arg5[%swap3A_2155, %swap3A_2156], %swap3A_2159 {strides = array<i32>} : memref<8x1024xf32, #tpu.memory_space<vmem>>, vector<1x16xf32>,
      %swap3A_2160 = arith.constant 5 : i32
      %swap3A_2161 = arith.index_cast %swap3A_2160 : i32 to index
      %swap3A_2162 = arith.constant 576 : index
      %swap3A_2163 = tpu.vector_load %arg5[%swap3A_2161, %swap3A_2162] {strides = array<i32>} : memref<8x1024xf32, #tpu.memory_space<vmem>>, vector<1x16xf32>,
      %swap3A_2164 = vector.shape_cast %swap3A_2163 : vector<1x16xf32> to vector<16xf32>
      %swap3A_2165 = vector.shape_cast %div3A_24 : vector<16xf32> to vector<1x16xf32>
      tpu.vector_store %arg5[%swap3A_2161, %swap3A_2162], %swap3A_2165 {strides = array<i32>} : memref<8x1024xf32, #tpu.memory_space<vmem>>, vector<1x16xf32>,
      %swap3A_2166 = arith.constant 5 : i32
      %swap3A_2167 = arith.index_cast %swap3A_2166 : i32 to index
      %swap3A_2168 = arith.constant 592 : index
      %swap3A_2169 = tpu.vector_load %arg5[%swap3A_2167, %swap3A_2168] {strides = array<i32>} : memref<8x1024xf32, #tpu.memory_space<vmem>>, vector<1x16xf32>,
      %swap3A_2170 = vector.shape_cast %swap3A_2169 : vector<1x16xf32> to vector<16xf32>
      %swap3A_2171 = vector.shape_cast %div3A_24 : vector<16xf32> to vector<1x16xf32>
      tpu.vector_store %arg5[%swap3A_2167, %swap3A_2168], %swap3A_2171 {strides = array<i32>} : memref<8x1024xf32, #tpu.memory_space<vmem>>, vector<1x16xf32>,
      %swap3A_2172 = arith.constant 5 : i32
      %swap3A_2173 = arith.index_cast %swap3A_2172 : i32 to index
      %swap3A_2174 = arith.constant 608 : index
      %swap3A_2175 = tpu.vector_load %arg5[%swap3A_2173, %swap3A_2174] {strides = array<i32>} : memref<8x1024xf32, #tpu.memory_space<vmem>>, vector<1x16xf32>,
      %swap3A_2176 = vector.shape_cast %swap3A_2175 : vector<1x16xf32> to vector<16xf32>
      %swap3A_2177 = vector.shape_cast %div3A_24 : vector<16xf32> to vector<1x16xf32>
      tpu.vector_store %arg5[%swap3A_2173, %swap3A_2174], %swap3A_2177 {strides = array<i32>} : memref<8x1024xf32, #tpu.memory_space<vmem>>, vector<1x16xf32>,
      %swap3A_2178 = arith.constant 5 : i32
      %swap3A_2179 = arith.index_cast %swap3A_2178 : i32 to index
      %swap3A_2180 = arith.constant 624 : index
      %swap3A_2181 = tpu.vector_load %arg5[%swap3A_2179, %swap3A_2180] {strides = array<i32>} : memref<8x1024xf32, #tpu.memory_space<vmem>>, vector<1x16xf32>,
      %swap3A_2182 = vector.shape_cast %swap3A_2181 : vector<1x16xf32> to vector<16xf32>
      %swap3A_2183 = vector.shape_cast %div3A_24 : vector<16xf32> to vector<1x16xf32>
      tpu.vector_store %arg5[%swap3A_2179, %swap3A_2180], %swap3A_2183 {strides = array<i32>} : memref<8x1024xf32, #tpu.memory_space<vmem>>, vector<1x16xf32>,
      %swap3A_2184 = arith.constant 5 : i32
      %swap3A_2185 = arith.index_cast %swap3A_2184 : i32 to index
      %swap3A_2186 = arith.constant 640 : index
      %swap3A_2187 = tpu.vector_load %arg5[%swap3A_2185, %swap3A_2186] {strides = array<i32>} : memref<8x1024xf32, #tpu.memory_space<vmem>>, vector<1x16xf32>,
      %swap3A_2188 = vector.shape_cast %swap3A_2187 : vector<1x16xf32> to vector<16xf32>
      %swap3A_2189 = vector.shape_cast %div3A_24 : vector<16xf32> to vector<1x16xf32>
      tpu.vector_store %arg5[%swap3A_2185, %swap3A_2186], %swap3A_2189 {strides = array<i32>} : memref<8x1024xf32, #tpu.memory_space<vmem>>, vector<1x16xf32>,
      %swap3A_2190 = arith.constant 5 : i32
      %swap3A_2191 = arith.index_cast %swap3A_2190 : i32 to index
      %swap3A_2192 = arith.constant 656 : index
      %swap3A_2193 = tpu.vector_load %arg5[%swap3A_2191, %swap3A_2192] {strides = array<i32>} : memref<8x1024xf32, #tpu.memory_space<vmem>>, vector<1x16xf32>,
      %swap3A_2194 = vector.shape_cast %swap3A_2193 : vector<1x16xf32> to vector<16xf32>
      %swap3A_2195 = vector.shape_cast %div3A_24 : vector<16xf32> to vector<1x16xf32>
      tpu.vector_store %arg5[%swap3A_2191, %swap3A_2192], %swap3A_2195 {strides = array<i32>} : memref<8x1024xf32, #tpu.memory_space<vmem>>, vector<1x16xf32>,
      %swap3A_2196 = arith.constant 5 : i32
      %swap3A_2197 = arith.index_cast %swap3A_2196 : i32 to index
      %swap3A_2198 = arith.constant 672 : index
      %swap3A_2199 = tpu.vector_load %arg5[%swap3A_2197, %swap3A_2198] {strides = array<i32>} : memref<8x1024xf32, #tpu.memory_space<vmem>>, vector<1x16xf32>,
      %swap3A_2200 = vector.shape_cast %swap3A_2199 : vector<1x16xf32> to vector<16xf32>
      %swap3A_2201 = vector.shape_cast %div3A_24 : vector<16xf32> to vector<1x16xf32>
      tpu.vector_store %arg5[%swap3A_2197, %swap3A_2198], %swap3A_2201 {strides = array<i32>} : memref<8x1024xf32, #tpu.memory_space<vmem>>, vector<1x16xf32>,
      %swap3A_2202 = arith.constant 5 : i32
      %swap3A_2203 = arith.index_cast %swap3A_2202 : i32 to index
      %swap3A_2204 = arith.constant 688 : index
      %swap3A_2205 = tpu.vector_load %arg5[%swap3A_2203, %swap3A_2204] {strides = array<i32>} : memref<8x1024xf32, #tpu.memory_space<vmem>>, vector<1x16xf32>,
      %swap3A_2206 = vector.shape_cast %swap3A_2205 : vector<1x16xf32> to vector<16xf32>
      %swap3A_2207 = vector.shape_cast %div3A_24 : vector<16xf32> to vector<1x16xf32>
      tpu.vector_store %arg5[%swap3A_2203, %swap3A_2204], %swap3A_2207 {strides = array<i32>} : memref<8x1024xf32, #tpu.memory_space<vmem>>, vector<1x16xf32>,
      %swap3A_2208 = arith.constant 5 : i32
      %swap3A_2209 = arith.index_cast %swap3A_2208 : i32 to index
      %swap3A_2210 = arith.constant 704 : index
      %swap3A_2211 = tpu.vector_load %arg5[%swap3A_2209, %swap3A_2210] {strides = array<i32>} : memref<8x1024xf32, #tpu.memory_space<vmem>>, vector<1x16xf32>,
      %swap3A_2212 = vector.shape_cast %swap3A_2211 : vector<1x16xf32> to vector<16xf32>
      %swap3A_2213 = vector.shape_cast %div3A_24 : vector<16xf32> to vector<1x16xf32>
      tpu.vector_store %arg5[%swap3A_2209, %swap3A_2210], %swap3A_2213 {strides = array<i32>} : memref<8x1024xf32, #tpu.memory_space<vmem>>, vector<1x16xf32>,
      %swap3A_2214 = arith.constant 5 : i32
      %swap3A_2215 = arith.index_cast %swap3A_2214 : i32 to index
      %swap3A_2216 = arith.constant 720 : index
      %swap3A_2217 = tpu.vector_load %arg5[%swap3A_2215, %swap3A_2216] {strides = array<i32>} : memref<8x1024xf32, #tpu.memory_space<vmem>>, vector<1x16xf32>,
      %swap3A_2218 = vector.shape_cast %swap3A_2217 : vector<1x16xf32> to vector<16xf32>
      %swap3A_2219 = vector.shape_cast %div3A_24 : vector<16xf32> to vector<1x16xf32>
      tpu.vector_store %arg5[%swap3A_2215, %swap3A_2216], %swap3A_2219 {strides = array<i32>} : memref<8x1024xf32, #tpu.memory_space<vmem>>, vector<1x16xf32>,
      %swap3A_2220 = arith.constant 5 : i32
      %swap3A_2221 = arith.index_cast %swap3A_2220 : i32 to index
      %swap3A_2222 = arith.constant 736 : index
      %swap3A_2223 = tpu.vector_load %arg5[%swap3A_2221, %swap3A_2222] {strides = array<i32>} : memref<8x1024xf32, #tpu.memory_space<vmem>>, vector<1x16xf32>,
      %swap3A_2224 = vector.shape_cast %swap3A_2223 : vector<1x16xf32> to vector<16xf32>
      %swap3A_2225 = vector.shape_cast %div3A_24 : vector<16xf32> to vector<1x16xf32>
      tpu.vector_store %arg5[%swap3A_2221, %swap3A_2222], %swap3A_2225 {strides = array<i32>} : memref<8x1024xf32, #tpu.memory_space<vmem>>, vector<1x16xf32>,
      %swap3A_2226 = arith.constant 5 : i32
      %swap3A_2227 = arith.index_cast %swap3A_2226 : i32 to index
      %swap3A_2228 = arith.constant 752 : index
      %swap3A_2229 = tpu.vector_load %arg5[%swap3A_2227, %swap3A_2228] {strides = array<i32>} : memref<8x1024xf32, #tpu.memory_space<vmem>>, vector<1x16xf32>,
      %swap3A_2230 = vector.shape_cast %swap3A_2229 : vector<1x16xf32> to vector<16xf32>
      %swap3A_2231 = vector.shape_cast %div3A_24 : vector<16xf32> to vector<1x16xf32>
      tpu.vector_store %arg5[%swap3A_2227, %swap3A_2228], %swap3A_2231 {strides = array<i32>} : memref<8x1024xf32, #tpu.memory_space<vmem>>, vector<1x16xf32>,
      %swap3A_2232 = arith.constant 5 : i32
      %swap3A_2233 = arith.index_cast %swap3A_2232 : i32 to index
      %swap3A_2234 = arith.constant 768 : index
      %swap3A_2235 = tpu.vector_load %arg5[%swap3A_2233, %swap3A_2234] {strides = array<i32>} : memref<8x1024xf32, #tpu.memory_space<vmem>>, vector<1x16xf32>,
      %swap3A_2236 = vector.shape_cast %swap3A_2235 : vector<1x16xf32> to vector<16xf32>
      %swap3A_2237 = vector.shape_cast %div3A_24 : vector<16xf32> to vector<1x16xf32>
      tpu.vector_store %arg5[%swap3A_2233, %swap3A_2234], %swap3A_2237 {strides = array<i32>} : memref<8x1024xf32, #tpu.memory_space<vmem>>, vector<1x16xf32>,
      %swap3A_2238 = arith.constant 5 : i32
      %swap3A_2239 = arith.index_cast %swap3A_2238 : i32 to index
      %swap3A_2240 = arith.constant 784 : index
      %swap3A_2241 = tpu.vector_load %arg5[%swap3A_2239, %swap3A_2240] {strides = array<i32>} : memref<8x1024xf32, #tpu.memory_space<vmem>>, vector<1x16xf32>,
      %swap3A_2242 = vector.shape_cast %swap3A_2241 : vector<1x16xf32> to vector<16xf32>
      %swap3A_2243 = vector.shape_cast %div3A_24 : vector<16xf32> to vector<1x16xf32>
      tpu.vector_store %arg5[%swap3A_2239, %swap3A_2240], %swap3A_2243 {strides = array<i32>} : memref<8x1024xf32, #tpu.memory_space<vmem>>, vector<1x16xf32>,
      %swap3A_2244 = arith.constant 5 : i32
      %swap3A_2245 = arith.index_cast %swap3A_2244 : i32 to index
      %swap3A_2246 = arith.constant 800 : index
      %swap3A_2247 = tpu.vector_load %arg5[%swap3A_2245, %swap3A_2246] {strides = array<i32>} : memref<8x1024xf32, #tpu.memory_space<vmem>>, vector<1x16xf32>,
      %swap3A_2248 = vector.shape_cast %swap3A_2247 : vector<1x16xf32> to vector<16xf32>
      %swap3A_2249 = vector.shape_cast %div3A_24 : vector<16xf32> to vector<1x16xf32>
      tpu.vector_store %arg5[%swap3A_2245, %swap3A_2246], %swap3A_2249 {strides = array<i32>} : memref<8x1024xf32, #tpu.memory_space<vmem>>, vector<1x16xf32>,
      %swap3A_2250 = arith.constant 5 : i32
      %swap3A_2251 = arith.index_cast %swap3A_2250 : i32 to index
      %swap3A_2252 = arith.constant 816 : index
      %swap3A_2253 = tpu.vector_load %arg5[%swap3A_2251, %swap3A_2252] {strides = array<i32>} : memref<8x1024xf32, #tpu.memory_space<vmem>>, vector<1x16xf32>,
      %swap3A_2254 = vector.shape_cast %swap3A_2253 : vector<1x16xf32> to vector<16xf32>
      %swap3A_2255 = vector.shape_cast %div3A_24 : vector<16xf32> to vector<1x16xf32>
      tpu.vector_store %arg5[%swap3A_2251, %swap3A_2252], %swap3A_2255 {strides = array<i32>} : memref<8x1024xf32, #tpu.memory_space<vmem>>, vector<1x16xf32>,
      %swap3A_2256 = arith.constant 5 : i32
      %swap3A_2257 = arith.index_cast %swap3A_2256 : i32 to index
      %swap3A_2258 = arith.constant 832 : index
      %swap3A_2259 = tpu.vector_load %arg5[%swap3A_2257, %swap3A_2258] {strides = array<i32>} : memref<8x1024xf32, #tpu.memory_space<vmem>>, vector<1x16xf32>,
      %swap3A_2260 = vector.shape_cast %swap3A_2259 : vector<1x16xf32> to vector<16xf32>
      %swap3A_2261 = vector.shape_cast %div3A_24 : vector<16xf32> to vector<1x16xf32>
      tpu.vector_store %arg5[%swap3A_2257, %swap3A_2258], %swap3A_2261 {strides = array<i32>} : memref<8x1024xf32, #tpu.memory_space<vmem>>, vector<1x16xf32>,
      %swap3A_2262 = arith.constant 5 : i32
      %swap3A_2263 = arith.index_cast %swap3A_2262 : i32 to index
      %swap3A_2264 = arith.constant 848 : index
      %swap3A_2265 = tpu.vector_load %arg5[%swap3A_2263, %swap3A_2264] {strides = array<i32>} : memref<8x1024xf32, #tpu.memory_space<vmem>>, vector<1x16xf32>,
      %swap3A_2266 = vector.shape_cast %swap3A_2265 : vector<1x16xf32> to vector<16xf32>
      %swap3A_2267 = vector.shape_cast %div3A_24 : vector<16xf32> to vector<1x16xf32>
      tpu.vector_store %arg5[%swap3A_2263, %swap3A_2264], %swap3A_2267 {strides = array<i32>} : memref<8x1024xf32, #tpu.memory_space<vmem>>, vector<1x16xf32>,
      %swap3A_2268 = arith.constant 5 : i32
      %swap3A_2269 = arith.index_cast %swap3A_2268 : i32 to index
      %swap3A_2270 = arith.constant 864 : index
      %swap3A_2271 = tpu.vector_load %arg5[%swap3A_2269, %swap3A_2270] {strides = array<i32>} : memref<8x1024xf32, #tpu.memory_space<vmem>>, vector<1x16xf32>,
      %swap3A_2272 = vector.shape_cast %swap3A_2271 : vector<1x16xf32> to vector<16xf32>
      %swap3A_2273 = vector.shape_cast %div3A_24 : vector<16xf32> to vector<1x16xf32>
      tpu.vector_store %arg5[%swap3A_2269, %swap3A_2270], %swap3A_2273 {strides = array<i32>} : memref<8x1024xf32, #tpu.memory_space<vmem>>, vector<1x16xf32>,
      %swap3A_2274 = arith.constant 5 : i32
      %swap3A_2275 = arith.index_cast %swap3A_2274 : i32 to index
      %swap3A_2276 = arith.constant 880 : index
      %swap3A_2277 = tpu.vector_load %arg5[%swap3A_2275, %swap3A_2276] {strides = array<i32>} : memref<8x1024xf32, #tpu.memory_space<vmem>>, vector<1x16xf32>,
      %swap3A_2278 = vector.shape_cast %swap3A_2277 : vector<1x16xf32> to vector<16xf32>
      %swap3A_2279 = vector.shape_cast %div3A_24 : vector<16xf32> to vector<1x16xf32>
      tpu.vector_store %arg5[%swap3A_2275, %swap3A_2276], %swap3A_2279 {strides = array<i32>} : memref<8x1024xf32, #tpu.memory_space<vmem>>, vector<1x16xf32>,
      %swap3A_2280 = arith.constant 5 : i32
      %swap3A_2281 = arith.index_cast %swap3A_2280 : i32 to index
      %swap3A_2282 = arith.constant 896 : index
      %swap3A_2283 = tpu.vector_load %arg5[%swap3A_2281, %swap3A_2282] {strides = array<i32>} : memref<8x1024xf32, #tpu.memory_space<vmem>>, vector<1x16xf32>,
      %swap3A_2284 = vector.shape_cast %swap3A_2283 : vector<1x16xf32> to vector<16xf32>
      %swap3A_2285 = vector.shape_cast %div3A_24 : vector<16xf32> to vector<1x16xf32>
      tpu.vector_store %arg5[%swap3A_2281, %swap3A_2282], %swap3A_2285 {strides = array<i32>} : memref<8x1024xf32, #tpu.memory_space<vmem>>, vector<1x16xf32>,
      %swap3A_2286 = arith.constant 5 : i32
      %swap3A_2287 = arith.index_cast %swap3A_2286 : i32 to index
      %swap3A_2288 = arith.constant 912 : index
      %swap3A_2289 = tpu.vector_load %arg5[%swap3A_2287, %swap3A_2288] {strides = array<i32>} : memref<8x1024xf32, #tpu.memory_space<vmem>>, vector<1x16xf32>,
      %swap3A_2290 = vector.shape_cast %swap3A_2289 : vector<1x16xf32> to vector<16xf32>
      %swap3A_2291 = vector.shape_cast %div3A_24 : vector<16xf32> to vector<1x16xf32>
      tpu.vector_store %arg5[%swap3A_2287, %swap3A_2288], %swap3A_2291 {strides = array<i32>} : memref<8x1024xf32, #tpu.memory_space<vmem>>, vector<1x16xf32>,
      %swap3A_2292 = arith.constant 5 : i32
      %swap3A_2293 = arith.index_cast %swap3A_2292 : i32 to index
      %swap3A_2294 = arith.constant 928 : index
      %swap3A_2295 = tpu.vector_load %arg5[%swap3A_2293, %swap3A_2294] {strides = array<i32>} : memref<8x1024xf32, #tpu.memory_space<vmem>>, vector<1x16xf32>,
      %swap3A_2296 = vector.shape_cast %swap3A_2295 : vector<1x16xf32> to vector<16xf32>
      %swap3A_2297 = vector.shape_cast %div3A_24 : vector<16xf32> to vector<1x16xf32>
      tpu.vector_store %arg5[%swap3A_2293, %swap3A_2294], %swap3A_2297 {strides = array<i32>} : memref<8x1024xf32, #tpu.memory_space<vmem>>, vector<1x16xf32>,
      %swap3A_2298 = arith.constant 5 : i32
      %swap3A_2299 = arith.index_cast %swap3A_2298 : i32 to index
      %swap3A_2300 = arith.constant 944 : index
      %swap3A_2301 = tpu.vector_load %arg5[%swap3A_2299, %swap3A_2300] {strides = array<i32>} : memref<8x1024xf32, #tpu.memory_space<vmem>>, vector<1x16xf32>,
      %swap3A_2302 = vector.shape_cast %swap3A_2301 : vector<1x16xf32> to vector<16xf32>
      %swap3A_2303 = vector.shape_cast %div3A_24 : vector<16xf32> to vector<1x16xf32>
      tpu.vector_store %arg5[%swap3A_2299, %swap3A_2300], %swap3A_2303 {strides = array<i32>} : memref<8x1024xf32, #tpu.memory_space<vmem>>, vector<1x16xf32>,
      %swap3A_2304 = arith.constant 5 : i32
      %swap3A_2305 = arith.index_cast %swap3A_2304 : i32 to index
      %swap3A_2306 = arith.constant 960 : index
      %swap3A_2307 = tpu.vector_load %arg5[%swap3A_2305, %swap3A_2306] {strides = array<i32>} : memref<8x1024xf32, #tpu.memory_space<vmem>>, vector<1x16xf32>,
      %swap3A_2308 = vector.shape_cast %swap3A_2307 : vector<1x16xf32> to vector<16xf32>
      %swap3A_2309 = vector.shape_cast %div3A_24 : vector<16xf32> to vector<1x16xf32>
      tpu.vector_store %arg5[%swap3A_2305, %swap3A_2306], %swap3A_2309 {strides = array<i32>} : memref<8x1024xf32, #tpu.memory_space<vmem>>, vector<1x16xf32>,
      %swap3A_2310 = arith.constant 5 : i32
      %swap3A_2311 = arith.index_cast %swap3A_2310 : i32 to index
      %swap3A_2312 = arith.constant 976 : index
      %swap3A_2313 = tpu.vector_load %arg5[%swap3A_2311, %swap3A_2312] {strides = array<i32>} : memref<8x1024xf32, #tpu.memory_space<vmem>>, vector<1x16xf32>,
      %swap3A_2314 = vector.shape_cast %swap3A_2313 : vector<1x16xf32> to vector<16xf32>
      %swap3A_2315 = vector.shape_cast %div3A_24 : vector<16xf32> to vector<1x16xf32>
      tpu.vector_store %arg5[%swap3A_2311, %swap3A_2312], %swap3A_2315 {strides = array<i32>} : memref<8x1024xf32, #tpu.memory_space<vmem>>, vector<1x16xf32>,
      %swap3A_2316 = arith.constant 5 : i32
      %swap3A_2317 = arith.index_cast %swap3A_2316 : i32 to index
      %swap3A_2318 = arith.constant 992 : index
      %swap3A_2319 = tpu.vector_load %arg5[%swap3A_2317, %swap3A_2318] {strides = array<i32>} : memref<8x1024xf32, #tpu.memory_space<vmem>>, vector<1x16xf32>,
      %swap3A_2320 = vector.shape_cast %swap3A_2319 : vector<1x16xf32> to vector<16xf32>
      %swap3A_2321 = vector.shape_cast %div3A_24 : vector<16xf32> to vector<1x16xf32>
      tpu.vector_store %arg5[%swap3A_2317, %swap3A_2318], %swap3A_2321 {strides = array<i32>} : memref<8x1024xf32, #tpu.memory_space<vmem>>, vector<1x16xf32>,
      %swap3A_2322 = arith.constant 5 : i32
      %swap3A_2323 = arith.index_cast %swap3A_2322 : i32 to index
      %swap3A_2324 = arith.constant 1008 : index
      %swap3A_2325 = tpu.vector_load %arg5[%swap3A_2323, %swap3A_2324] {strides = array<i32>} : memref<8x1024xf32, #tpu.memory_space<vmem>>, vector<1x16xf32>,
      %swap3A_2326 = vector.shape_cast %swap3A_2325 : vector<1x16xf32> to vector<16xf32>
      %swap3A_2327 = vector.shape_cast %div3A_24 : vector<16xf32> to vector<1x16xf32>
      tpu.vector_store %arg5[%swap3A_2323, %swap3A_2324], %swap3A_2327 {strides = array<i32>} : memref<8x1024xf32, #tpu.memory_space<vmem>>, vector<1x16xf32>,
      %swap3A_2328 = arith.constant 6 : i32
      %swap3A_2329 = arith.index_cast %swap3A_2328 : i32 to index
      %swap3A_2330 = arith.constant 0 : index
      %swap3A_2331 = tpu.vector_load %arg5[%swap3A_2329, %swap3A_2330] {strides = array<i32>} : memref<8x1024xf32, #tpu.memory_space<vmem>>, vector<1x16xf32>,
      %swap3A_2332 = vector.shape_cast %swap3A_2331 : vector<1x16xf32> to vector<16xf32>
      %swap3A_2333 = vector.shape_cast %div3A_14 : vector<16xf32> to vector<1x16xf32>
      tpu.vector_store %arg5[%swap3A_2329, %swap3A_2330], %swap3A_2333 {strides = array<i32>} : memref<8x1024xf32, #tpu.memory_space<vmem>>, vector<1x16xf32>,
      %swap3A_2334 = arith.constant 6 : i32
      %swap3A_2335 = arith.index_cast %swap3A_2334 : i32 to index
      %swap3A_2336 = arith.constant 16 : index
      %swap3A_2337 = tpu.vector_load %arg5[%swap3A_2335, %swap3A_2336] {strides = array<i32>} : memref<8x1024xf32, #tpu.memory_space<vmem>>, vector<1x16xf32>,
      %swap3A_2338 = vector.shape_cast %swap3A_2337 : vector<1x16xf32> to vector<16xf32>
      %swap3A_2339 = vector.shape_cast %div3A_14 : vector<16xf32> to vector<1x16xf32>
      tpu.vector_store %arg5[%swap3A_2335, %swap3A_2336], %swap3A_2339 {strides = array<i32>} : memref<8x1024xf32, #tpu.memory_space<vmem>>, vector<1x16xf32>,
      %swap3A_2340 = arith.constant 6 : i32
      %swap3A_2341 = arith.index_cast %swap3A_2340 : i32 to index
      %swap3A_2342 = arith.constant 32 : index
      %swap3A_2343 = tpu.vector_load %arg5[%swap3A_2341, %swap3A_2342] {strides = array<i32>} : memref<8x1024xf32, #tpu.memory_space<vmem>>, vector<1x16xf32>,
      %swap3A_2344 = vector.shape_cast %swap3A_2343 : vector<1x16xf32> to vector<16xf32>
      %swap3A_2345 = vector.shape_cast %div3A_14 : vector<16xf32> to vector<1x16xf32>
      tpu.vector_store %arg5[%swap3A_2341, %swap3A_2342], %swap3A_2345 {strides = array<i32>} : memref<8x1024xf32, #tpu.memory_space<vmem>>, vector<1x16xf32>,
      %swap3A_2346 = arith.constant 6 : i32
      %swap3A_2347 = arith.index_cast %swap3A_2346 : i32 to index
      %swap3A_2348 = arith.constant 48 : index
      %swap3A_2349 = tpu.vector_load %arg5[%swap3A_2347, %swap3A_2348] {strides = array<i32>} : memref<8x1024xf32, #tpu.memory_space<vmem>>, vector<1x16xf32>,
      %swap3A_2350 = vector.shape_cast %swap3A_2349 : vector<1x16xf32> to vector<16xf32>
      %swap3A_2351 = vector.shape_cast %div3A_14 : vector<16xf32> to vector<1x16xf32>
      tpu.vector_store %arg5[%swap3A_2347, %swap3A_2348], %swap3A_2351 {strides = array<i32>} : memref<8x1024xf32, #tpu.memory_space<vmem>>, vector<1x16xf32>,
      %swap3A_2352 = arith.constant 6 : i32
      %swap3A_2353 = arith.index_cast %swap3A_2352 : i32 to index
      %swap3A_2354 = arith.constant 64 : index
      %swap3A_2355 = tpu.vector_load %arg5[%swap3A_2353, %swap3A_2354] {strides = array<i32>} : memref<8x1024xf32, #tpu.memory_space<vmem>>, vector<1x16xf32>,
      %swap3A_2356 = vector.shape_cast %swap3A_2355 : vector<1x16xf32> to vector<16xf32>
      %swap3A_2357 = vector.shape_cast %div3A_14 : vector<16xf32> to vector<1x16xf32>
      tpu.vector_store %arg5[%swap3A_2353, %swap3A_2354], %swap3A_2357 {strides = array<i32>} : memref<8x1024xf32, #tpu.memory_space<vmem>>, vector<1x16xf32>,
      %swap3A_2358 = arith.constant 6 : i32
      %swap3A_2359 = arith.index_cast %swap3A_2358 : i32 to index
      %swap3A_2360 = arith.constant 80 : index
      %swap3A_2361 = tpu.vector_load %arg5[%swap3A_2359, %swap3A_2360] {strides = array<i32>} : memref<8x1024xf32, #tpu.memory_space<vmem>>, vector<1x16xf32>,
      %swap3A_2362 = vector.shape_cast %swap3A_2361 : vector<1x16xf32> to vector<16xf32>
      %swap3A_2363 = vector.shape_cast %div3A_14 : vector<16xf32> to vector<1x16xf32>
      tpu.vector_store %arg5[%swap3A_2359, %swap3A_2360], %swap3A_2363 {strides = array<i32>} : memref<8x1024xf32, #tpu.memory_space<vmem>>, vector<1x16xf32>,
      %swap3A_2364 = arith.constant 6 : i32
      %swap3A_2365 = arith.index_cast %swap3A_2364 : i32 to index
      %swap3A_2366 = arith.constant 96 : index
      %swap3A_2367 = tpu.vector_load %arg5[%swap3A_2365, %swap3A_2366] {strides = array<i32>} : memref<8x1024xf32, #tpu.memory_space<vmem>>, vector<1x16xf32>,
      %swap3A_2368 = vector.shape_cast %swap3A_2367 : vector<1x16xf32> to vector<16xf32>
      %swap3A_2369 = vector.shape_cast %div3A_14 : vector<16xf32> to vector<1x16xf32>
      tpu.vector_store %arg5[%swap3A_2365, %swap3A_2366], %swap3A_2369 {strides = array<i32>} : memref<8x1024xf32, #tpu.memory_space<vmem>>, vector<1x16xf32>,
      %swap3A_2370 = arith.constant 6 : i32
      %swap3A_2371 = arith.index_cast %swap3A_2370 : i32 to index
      %swap3A_2372 = arith.constant 112 : index
      %swap3A_2373 = tpu.vector_load %arg5[%swap3A_2371, %swap3A_2372] {strides = array<i32>} : memref<8x1024xf32, #tpu.memory_space<vmem>>, vector<1x16xf32>,
      %swap3A_2374 = vector.shape_cast %swap3A_2373 : vector<1x16xf32> to vector<16xf32>
      %swap3A_2375 = vector.shape_cast %div3A_14 : vector<16xf32> to vector<1x16xf32>
      tpu.vector_store %arg5[%swap3A_2371, %swap3A_2372], %swap3A_2375 {strides = array<i32>} : memref<8x1024xf32, #tpu.memory_space<vmem>>, vector<1x16xf32>,
      %swap3A_2376 = arith.constant 6 : i32
      %swap3A_2377 = arith.index_cast %swap3A_2376 : i32 to index
      %swap3A_2378 = arith.constant 128 : index
      %swap3A_2379 = tpu.vector_load %arg5[%swap3A_2377, %swap3A_2378] {strides = array<i32>} : memref<8x1024xf32, #tpu.memory_space<vmem>>, vector<1x16xf32>,
      %swap3A_2380 = vector.shape_cast %swap3A_2379 : vector<1x16xf32> to vector<16xf32>
      %swap3A_2381 = vector.shape_cast %div3A_14 : vector<16xf32> to vector<1x16xf32>
      tpu.vector_store %arg5[%swap3A_2377, %swap3A_2378], %swap3A_2381 {strides = array<i32>} : memref<8x1024xf32, #tpu.memory_space<vmem>>, vector<1x16xf32>,
      %swap3A_2382 = arith.constant 6 : i32
      %swap3A_2383 = arith.index_cast %swap3A_2382 : i32 to index
      %swap3A_2384 = arith.constant 144 : index
      %swap3A_2385 = tpu.vector_load %arg5[%swap3A_2383, %swap3A_2384] {strides = array<i32>} : memref<8x1024xf32, #tpu.memory_space<vmem>>, vector<1x16xf32>,
      %swap3A_2386 = vector.shape_cast %swap3A_2385 : vector<1x16xf32> to vector<16xf32>
      %swap3A_2387 = vector.shape_cast %div3A_14 : vector<16xf32> to vector<1x16xf32>
      tpu.vector_store %arg5[%swap3A_2383, %swap3A_2384], %swap3A_2387 {strides = array<i32>} : memref<8x1024xf32, #tpu.memory_space<vmem>>, vector<1x16xf32>,
      %swap3A_2388 = arith.constant 6 : i32
      %swap3A_2389 = arith.index_cast %swap3A_2388 : i32 to index
      %swap3A_2390 = arith.constant 160 : index
      %swap3A_2391 = tpu.vector_load %arg5[%swap3A_2389, %swap3A_2390] {strides = array<i32>} : memref<8x1024xf32, #tpu.memory_space<vmem>>, vector<1x16xf32>,
      %swap3A_2392 = vector.shape_cast %swap3A_2391 : vector<1x16xf32> to vector<16xf32>
      %swap3A_2393 = vector.shape_cast %div3A_14 : vector<16xf32> to vector<1x16xf32>
      tpu.vector_store %arg5[%swap3A_2389, %swap3A_2390], %swap3A_2393 {strides = array<i32>} : memref<8x1024xf32, #tpu.memory_space<vmem>>, vector<1x16xf32>,
      %swap3A_2394 = arith.constant 6 : i32
      %swap3A_2395 = arith.index_cast %swap3A_2394 : i32 to index
      %swap3A_2396 = arith.constant 176 : index
      %swap3A_2397 = tpu.vector_load %arg5[%swap3A_2395, %swap3A_2396] {strides = array<i32>} : memref<8x1024xf32, #tpu.memory_space<vmem>>, vector<1x16xf32>,
      %swap3A_2398 = vector.shape_cast %swap3A_2397 : vector<1x16xf32> to vector<16xf32>
      %swap3A_2399 = vector.shape_cast %div3A_14 : vector<16xf32> to vector<1x16xf32>
      tpu.vector_store %arg5[%swap3A_2395, %swap3A_2396], %swap3A_2399 {strides = array<i32>} : memref<8x1024xf32, #tpu.memory_space<vmem>>, vector<1x16xf32>,
      %swap3A_2400 = arith.constant 6 : i32
      %swap3A_2401 = arith.index_cast %swap3A_2400 : i32 to index
      %swap3A_2402 = arith.constant 192 : index
      %swap3A_2403 = tpu.vector_load %arg5[%swap3A_2401, %swap3A_2402] {strides = array<i32>} : memref<8x1024xf32, #tpu.memory_space<vmem>>, vector<1x16xf32>,
      %swap3A_2404 = vector.shape_cast %swap3A_2403 : vector<1x16xf32> to vector<16xf32>
      %swap3A_2405 = vector.shape_cast %div3A_14 : vector<16xf32> to vector<1x16xf32>
      tpu.vector_store %arg5[%swap3A_2401, %swap3A_2402], %swap3A_2405 {strides = array<i32>} : memref<8x1024xf32, #tpu.memory_space<vmem>>, vector<1x16xf32>,
      %swap3A_2406 = arith.constant 6 : i32
      %swap3A_2407 = arith.index_cast %swap3A_2406 : i32 to index
      %swap3A_2408 = arith.constant 208 : index
      %swap3A_2409 = tpu.vector_load %arg5[%swap3A_2407, %swap3A_2408] {strides = array<i32>} : memref<8x1024xf32, #tpu.memory_space<vmem>>, vector<1x16xf32>,
      %swap3A_2410 = vector.shape_cast %swap3A_2409 : vector<1x16xf32> to vector<16xf32>
      %swap3A_2411 = vector.shape_cast %div3A_14 : vector<16xf32> to vector<1x16xf32>
      tpu.vector_store %arg5[%swap3A_2407, %swap3A_2408], %swap3A_2411 {strides = array<i32>} : memref<8x1024xf32, #tpu.memory_space<vmem>>, vector<1x16xf32>,
      %swap3A_2412 = arith.constant 6 : i32
      %swap3A_2413 = arith.index_cast %swap3A_2412 : i32 to index
      %swap3A_2414 = arith.constant 224 : index
      %swap3A_2415 = tpu.vector_load %arg5[%swap3A_2413, %swap3A_2414] {strides = array<i32>} : memref<8x1024xf32, #tpu.memory_space<vmem>>, vector<1x16xf32>,
      %swap3A_2416 = vector.shape_cast %swap3A_2415 : vector<1x16xf32> to vector<16xf32>
      %swap3A_2417 = vector.shape_cast %div3A_14 : vector<16xf32> to vector<1x16xf32>
      tpu.vector_store %arg5[%swap3A_2413, %swap3A_2414], %swap3A_2417 {strides = array<i32>} : memref<8x1024xf32, #tpu.memory_space<vmem>>, vector<1x16xf32>,
      %swap3A_2418 = arith.constant 6 : i32
      %swap3A_2419 = arith.index_cast %swap3A_2418 : i32 to index
      %swap3A_2420 = arith.constant 240 : index
      %swap3A_2421 = tpu.vector_load %arg5[%swap3A_2419, %swap3A_2420] {strides = array<i32>} : memref<8x1024xf32, #tpu.memory_space<vmem>>, vector<1x16xf32>,
      %swap3A_2422 = vector.shape_cast %swap3A_2421 : vector<1x16xf32> to vector<16xf32>
      %swap3A_2423 = vector.shape_cast %div3A_14 : vector<16xf32> to vector<1x16xf32>
      tpu.vector_store %arg5[%swap3A_2419, %swap3A_2420], %swap3A_2423 {strides = array<i32>} : memref<8x1024xf32, #tpu.memory_space<vmem>>, vector<1x16xf32>,
      %swap3A_2424 = arith.constant 6 : i32
      %swap3A_2425 = arith.index_cast %swap3A_2424 : i32 to index
      %swap3A_2426 = arith.constant 256 : index
      %swap3A_2427 = tpu.vector_load %arg5[%swap3A_2425, %swap3A_2426] {strides = array<i32>} : memref<8x1024xf32, #tpu.memory_space<vmem>>, vector<1x16xf32>,
      %swap3A_2428 = vector.shape_cast %swap3A_2427 : vector<1x16xf32> to vector<16xf32>
      %swap3A_2429 = vector.shape_cast %div3A_14 : vector<16xf32> to vector<1x16xf32>
      tpu.vector_store %arg5[%swap3A_2425, %swap3A_2426], %swap3A_2429 {strides = array<i32>} : memref<8x1024xf32, #tpu.memory_space<vmem>>, vector<1x16xf32>,
      %swap3A_2430 = arith.constant 6 : i32
      %swap3A_2431 = arith.index_cast %swap3A_2430 : i32 to index
      %swap3A_2432 = arith.constant 272 : index
      %swap3A_2433 = tpu.vector_load %arg5[%swap3A_2431, %swap3A_2432] {strides = array<i32>} : memref<8x1024xf32, #tpu.memory_space<vmem>>, vector<1x16xf32>,
      %swap3A_2434 = vector.shape_cast %swap3A_2433 : vector<1x16xf32> to vector<16xf32>
      %swap3A_2435 = vector.shape_cast %div3A_14 : vector<16xf32> to vector<1x16xf32>
      tpu.vector_store %arg5[%swap3A_2431, %swap3A_2432], %swap3A_2435 {strides = array<i32>} : memref<8x1024xf32, #tpu.memory_space<vmem>>, vector<1x16xf32>,
      %swap3A_2436 = arith.constant 6 : i32
      %swap3A_2437 = arith.index_cast %swap3A_2436 : i32 to index
      %swap3A_2438 = arith.constant 288 : index
      %swap3A_2439 = tpu.vector_load %arg5[%swap3A_2437, %swap3A_2438] {strides = array<i32>} : memref<8x1024xf32, #tpu.memory_space<vmem>>, vector<1x16xf32>,
      %swap3A_2440 = vector.shape_cast %swap3A_2439 : vector<1x16xf32> to vector<16xf32>
      %swap3A_2441 = vector.shape_cast %div3A_14 : vector<16xf32> to vector<1x16xf32>
      tpu.vector_store %arg5[%swap3A_2437, %swap3A_2438], %swap3A_2441 {strides = array<i32>} : memref<8x1024xf32, #tpu.memory_space<vmem>>, vector<1x16xf32>,
      %swap3A_2442 = arith.constant 6 : i32
      %swap3A_2443 = arith.index_cast %swap3A_2442 : i32 to index
      %swap3A_2444 = arith.constant 304 : index
      %swap3A_2445 = tpu.vector_load %arg5[%swap3A_2443, %swap3A_2444] {strides = array<i32>} : memref<8x1024xf32, #tpu.memory_space<vmem>>, vector<1x16xf32>,
      %swap3A_2446 = vector.shape_cast %swap3A_2445 : vector<1x16xf32> to vector<16xf32>
      %swap3A_2447 = vector.shape_cast %div3A_14 : vector<16xf32> to vector<1x16xf32>
      tpu.vector_store %arg5[%swap3A_2443, %swap3A_2444], %swap3A_2447 {strides = array<i32>} : memref<8x1024xf32, #tpu.memory_space<vmem>>, vector<1x16xf32>,
      %swap3A_2448 = arith.constant 6 : i32
      %swap3A_2449 = arith.index_cast %swap3A_2448 : i32 to index
      %swap3A_2450 = arith.constant 320 : index
      %swap3A_2451 = tpu.vector_load %arg5[%swap3A_2449, %swap3A_2450] {strides = array<i32>} : memref<8x1024xf32, #tpu.memory_space<vmem>>, vector<1x16xf32>,
      %swap3A_2452 = vector.shape_cast %swap3A_2451 : vector<1x16xf32> to vector<16xf32>
      %swap3A_2453 = vector.shape_cast %div3A_14 : vector<16xf32> to vector<1x16xf32>
      tpu.vector_store %arg5[%swap3A_2449, %swap3A_2450], %swap3A_2453 {strides = array<i32>} : memref<8x1024xf32, #tpu.memory_space<vmem>>, vector<1x16xf32>,
      %swap3A_2454 = arith.constant 6 : i32
      %swap3A_2455 = arith.index_cast %swap3A_2454 : i32 to index
      %swap3A_2456 = arith.constant 336 : index
      %swap3A_2457 = tpu.vector_load %arg5[%swap3A_2455, %swap3A_2456] {strides = array<i32>} : memref<8x1024xf32, #tpu.memory_space<vmem>>, vector<1x16xf32>,
      %swap3A_2458 = vector.shape_cast %swap3A_2457 : vector<1x16xf32> to vector<16xf32>
      %swap3A_2459 = vector.shape_cast %div3A_14 : vector<16xf32> to vector<1x16xf32>
      tpu.vector_store %arg5[%swap3A_2455, %swap3A_2456], %swap3A_2459 {strides = array<i32>} : memref<8x1024xf32, #tpu.memory_space<vmem>>, vector<1x16xf32>,
      %swap3A_2460 = arith.constant 6 : i32
      %swap3A_2461 = arith.index_cast %swap3A_2460 : i32 to index
      %swap3A_2462 = arith.constant 352 : index
      %swap3A_2463 = tpu.vector_load %arg5[%swap3A_2461, %swap3A_2462] {strides = array<i32>} : memref<8x1024xf32, #tpu.memory_space<vmem>>, vector<1x16xf32>,
      %swap3A_2464 = vector.shape_cast %swap3A_2463 : vector<1x16xf32> to vector<16xf32>
      %swap3A_2465 = vector.shape_cast %div3A_14 : vector<16xf32> to vector<1x16xf32>
      tpu.vector_store %arg5[%swap3A_2461, %swap3A_2462], %swap3A_2465 {strides = array<i32>} : memref<8x1024xf32, #tpu.memory_space<vmem>>, vector<1x16xf32>,
      %swap3A_2466 = arith.constant 6 : i32
      %swap3A_2467 = arith.index_cast %swap3A_2466 : i32 to index
      %swap3A_2468 = arith.constant 368 : index
      %swap3A_2469 = tpu.vector_load %arg5[%swap3A_2467, %swap3A_2468] {strides = array<i32>} : memref<8x1024xf32, #tpu.memory_space<vmem>>, vector<1x16xf32>,
      %swap3A_2470 = vector.shape_cast %swap3A_2469 : vector<1x16xf32> to vector<16xf32>
      %swap3A_2471 = vector.shape_cast %div3A_14 : vector<16xf32> to vector<1x16xf32>
      tpu.vector_store %arg5[%swap3A_2467, %swap3A_2468], %swap3A_2471 {strides = array<i32>} : memref<8x1024xf32, #tpu.memory_space<vmem>>, vector<1x16xf32>,
      %swap3A_2472 = arith.constant 6 : i32
      %swap3A_2473 = arith.index_cast %swap3A_2472 : i32 to index
      %swap3A_2474 = arith.constant 384 : index
      %swap3A_2475 = tpu.vector_load %arg5[%swap3A_2473, %swap3A_2474] {strides = array<i32>} : memref<8x1024xf32, #tpu.memory_space<vmem>>, vector<1x16xf32>,
      %swap3A_2476 = vector.shape_cast %swap3A_2475 : vector<1x16xf32> to vector<16xf32>
      %swap3A_2477 = vector.shape_cast %div3A_14 : vector<16xf32> to vector<1x16xf32>
      tpu.vector_store %arg5[%swap3A_2473, %swap3A_2474], %swap3A_2477 {strides = array<i32>} : memref<8x1024xf32, #tpu.memory_space<vmem>>, vector<1x16xf32>,
      %swap3A_2478 = arith.constant 6 : i32
      %swap3A_2479 = arith.index_cast %swap3A_2478 : i32 to index
      %swap3A_2480 = arith.constant 400 : index
      %swap3A_2481 = tpu.vector_load %arg5[%swap3A_2479, %swap3A_2480] {strides = array<i32>} : memref<8x1024xf32, #tpu.memory_space<vmem>>, vector<1x16xf32>,
      %swap3A_2482 = vector.shape_cast %swap3A_2481 : vector<1x16xf32> to vector<16xf32>
      %swap3A_2483 = vector.shape_cast %div3A_14 : vector<16xf32> to vector<1x16xf32>
      tpu.vector_store %arg5[%swap3A_2479, %swap3A_2480], %swap3A_2483 {strides = array<i32>} : memref<8x1024xf32, #tpu.memory_space<vmem>>, vector<1x16xf32>,
      %swap3A_2484 = arith.constant 6 : i32
      %swap3A_2485 = arith.index_cast %swap3A_2484 : i32 to index
      %swap3A_2486 = arith.constant 416 : index
      %swap3A_2487 = tpu.vector_load %arg5[%swap3A_2485, %swap3A_2486] {strides = array<i32>} : memref<8x1024xf32, #tpu.memory_space<vmem>>, vector<1x16xf32>,
      %swap3A_2488 = vector.shape_cast %swap3A_2487 : vector<1x16xf32> to vector<16xf32>
      %swap3A_2489 = vector.shape_cast %div3A_14 : vector<16xf32> to vector<1x16xf32>
      tpu.vector_store %arg5[%swap3A_2485, %swap3A_2486], %swap3A_2489 {strides = array<i32>} : memref<8x1024xf32, #tpu.memory_space<vmem>>, vector<1x16xf32>,
      %swap3A_2490 = arith.constant 6 : i32
      %swap3A_2491 = arith.index_cast %swap3A_2490 : i32 to index
      %swap3A_2492 = arith.constant 432 : index
      %swap3A_2493 = tpu.vector_load %arg5[%swap3A_2491, %swap3A_2492] {strides = array<i32>} : memref<8x1024xf32, #tpu.memory_space<vmem>>, vector<1x16xf32>,
      %swap3A_2494 = vector.shape_cast %swap3A_2493 : vector<1x16xf32> to vector<16xf32>
      %swap3A_2495 = vector.shape_cast %div3A_14 : vector<16xf32> to vector<1x16xf32>
      tpu.vector_store %arg5[%swap3A_2491, %swap3A_2492], %swap3A_2495 {strides = array<i32>} : memref<8x1024xf32, #tpu.memory_space<vmem>>, vector<1x16xf32>,
      %swap3A_2496 = arith.constant 6 : i32
      %swap3A_2497 = arith.index_cast %swap3A_2496 : i32 to index
      %swap3A_2498 = arith.constant 448 : index
      %swap3A_2499 = tpu.vector_load %arg5[%swap3A_2497, %swap3A_2498] {strides = array<i32>} : memref<8x1024xf32, #tpu.memory_space<vmem>>, vector<1x16xf32>,
      %swap3A_2500 = vector.shape_cast %swap3A_2499 : vector<1x16xf32> to vector<16xf32>
      %swap3A_2501 = vector.shape_cast %div3A_14 : vector<16xf32> to vector<1x16xf32>
      tpu.vector_store %arg5[%swap3A_2497, %swap3A_2498], %swap3A_2501 {strides = array<i32>} : memref<8x1024xf32, #tpu.memory_space<vmem>>, vector<1x16xf32>,
      %swap3A_2502 = arith.constant 6 : i32
      %swap3A_2503 = arith.index_cast %swap3A_2502 : i32 to index
      %swap3A_2504 = arith.constant 464 : index
      %swap3A_2505 = tpu.vector_load %arg5[%swap3A_2503, %swap3A_2504] {strides = array<i32>} : memref<8x1024xf32, #tpu.memory_space<vmem>>, vector<1x16xf32>,
      %swap3A_2506 = vector.shape_cast %swap3A_2505 : vector<1x16xf32> to vector<16xf32>
      %swap3A_2507 = vector.shape_cast %div3A_14 : vector<16xf32> to vector<1x16xf32>
      tpu.vector_store %arg5[%swap3A_2503, %swap3A_2504], %swap3A_2507 {strides = array<i32>} : memref<8x1024xf32, #tpu.memory_space<vmem>>, vector<1x16xf32>,
      %swap3A_2508 = arith.constant 6 : i32
      %swap3A_2509 = arith.index_cast %swap3A_2508 : i32 to index
      %swap3A_2510 = arith.constant 480 : index
      %swap3A_2511 = tpu.vector_load %arg5[%swap3A_2509, %swap3A_2510] {strides = array<i32>} : memref<8x1024xf32, #tpu.memory_space<vmem>>, vector<1x16xf32>,
      %swap3A_2512 = vector.shape_cast %swap3A_2511 : vector<1x16xf32> to vector<16xf32>
      %swap3A_2513 = vector.shape_cast %div3A_14 : vector<16xf32> to vector<1x16xf32>
      tpu.vector_store %arg5[%swap3A_2509, %swap3A_2510], %swap3A_2513 {strides = array<i32>} : memref<8x1024xf32, #tpu.memory_space<vmem>>, vector<1x16xf32>,
      %swap3A_2514 = arith.constant 6 : i32
      %swap3A_2515 = arith.index_cast %swap3A_2514 : i32 to index
      %swap3A_2516 = arith.constant 496 : index
      %swap3A_2517 = tpu.vector_load %arg5[%swap3A_2515, %swap3A_2516] {strides = array<i32>} : memref<8x1024xf32, #tpu.memory_space<vmem>>, vector<1x16xf32>,
      %swap3A_2518 = vector.shape_cast %swap3A_2517 : vector<1x16xf32> to vector<16xf32>
      %swap3A_2519 = vector.shape_cast %div3A_14 : vector<16xf32> to vector<1x16xf32>
      tpu.vector_store %arg5[%swap3A_2515, %swap3A_2516], %swap3A_2519 {strides = array<i32>} : memref<8x1024xf32, #tpu.memory_space<vmem>>, vector<1x16xf32>,
      %swap3A_2520 = arith.constant 6 : i32
      %swap3A_2521 = arith.index_cast %swap3A_2520 : i32 to index
      %swap3A_2522 = arith.constant 512 : index
      %swap3A_2523 = tpu.vector_load %arg5[%swap3A_2521, %swap3A_2522] {strides = array<i32>} : memref<8x1024xf32, #tpu.memory_space<vmem>>, vector<1x16xf32>,
      %swap3A_2524 = vector.shape_cast %swap3A_2523 : vector<1x16xf32> to vector<16xf32>
      %swap3A_2525 = vector.shape_cast %div3A_14 : vector<16xf32> to vector<1x16xf32>
      tpu.vector_store %arg5[%swap3A_2521, %swap3A_2522], %swap3A_2525 {strides = array<i32>} : memref<8x1024xf32, #tpu.memory_space<vmem>>, vector<1x16xf32>,
      %swap3A_2526 = arith.constant 6 : i32
      %swap3A_2527 = arith.index_cast %swap3A_2526 : i32 to index
      %swap3A_2528 = arith.constant 528 : index
      %swap3A_2529 = tpu.vector_load %arg5[%swap3A_2527, %swap3A_2528] {strides = array<i32>} : memref<8x1024xf32, #tpu.memory_space<vmem>>, vector<1x16xf32>,
      %swap3A_2530 = vector.shape_cast %swap3A_2529 : vector<1x16xf32> to vector<16xf32>
      %swap3A_2531 = vector.shape_cast %div3A_14 : vector<16xf32> to vector<1x16xf32>
      tpu.vector_store %arg5[%swap3A_2527, %swap3A_2528], %swap3A_2531 {strides = array<i32>} : memref<8x1024xf32, #tpu.memory_space<vmem>>, vector<1x16xf32>,
      %swap3A_2532 = arith.constant 6 : i32
      %swap3A_2533 = arith.index_cast %swap3A_2532 : i32 to index
      %swap3A_2534 = arith.constant 544 : index
      %swap3A_2535 = tpu.vector_load %arg5[%swap3A_2533, %swap3A_2534] {strides = array<i32>} : memref<8x1024xf32, #tpu.memory_space<vmem>>, vector<1x16xf32>,
      %swap3A_2536 = vector.shape_cast %swap3A_2535 : vector<1x16xf32> to vector<16xf32>
      %swap3A_2537 = vector.shape_cast %div3A_14 : vector<16xf32> to vector<1x16xf32>
      tpu.vector_store %arg5[%swap3A_2533, %swap3A_2534], %swap3A_2537 {strides = array<i32>} : memref<8x1024xf32, #tpu.memory_space<vmem>>, vector<1x16xf32>,
      %swap3A_2538 = arith.constant 6 : i32
      %swap3A_2539 = arith.index_cast %swap3A_2538 : i32 to index
      %swap3A_2540 = arith.constant 560 : index
      %swap3A_2541 = tpu.vector_load %arg5[%swap3A_2539, %swap3A_2540] {strides = array<i32>} : memref<8x1024xf32, #tpu.memory_space<vmem>>, vector<1x16xf32>,
      %swap3A_2542 = vector.shape_cast %swap3A_2541 : vector<1x16xf32> to vector<16xf32>
      %swap3A_2543 = vector.shape_cast %div3A_14 : vector<16xf32> to vector<1x16xf32>
      tpu.vector_store %arg5[%swap3A_2539, %swap3A_2540], %swap3A_2543 {strides = array<i32>} : memref<8x1024xf32, #tpu.memory_space<vmem>>, vector<1x16xf32>,
      %swap3A_2544 = arith.constant 6 : i32
      %swap3A_2545 = arith.index_cast %swap3A_2544 : i32 to index
      %swap3A_2546 = arith.constant 576 : index
      %swap3A_2547 = tpu.vector_load %arg5[%swap3A_2545, %swap3A_2546] {strides = array<i32>} : memref<8x1024xf32, #tpu.memory_space<vmem>>, vector<1x16xf32>,
      %swap3A_2548 = vector.shape_cast %swap3A_2547 : vector<1x16xf32> to vector<16xf32>
      %swap3A_2549 = vector.shape_cast %div3A_14 : vector<16xf32> to vector<1x16xf32>
      tpu.vector_store %arg5[%swap3A_2545, %swap3A_2546], %swap3A_2549 {strides = array<i32>} : memref<8x1024xf32, #tpu.memory_space<vmem>>, vector<1x16xf32>,
      %swap3A_2550 = arith.constant 6 : i32
      %swap3A_2551 = arith.index_cast %swap3A_2550 : i32 to index
      %swap3A_2552 = arith.constant 592 : index
      %swap3A_2553 = tpu.vector_load %arg5[%swap3A_2551, %swap3A_2552] {strides = array<i32>} : memref<8x1024xf32, #tpu.memory_space<vmem>>, vector<1x16xf32>,
      %swap3A_2554 = vector.shape_cast %swap3A_2553 : vector<1x16xf32> to vector<16xf32>
      %swap3A_2555 = vector.shape_cast %div3A_14 : vector<16xf32> to vector<1x16xf32>
      tpu.vector_store %arg5[%swap3A_2551, %swap3A_2552], %swap3A_2555 {strides = array<i32>} : memref<8x1024xf32, #tpu.memory_space<vmem>>, vector<1x16xf32>,
      %swap3A_2556 = arith.constant 6 : i32
      %swap3A_2557 = arith.index_cast %swap3A_2556 : i32 to index
      %swap3A_2558 = arith.constant 608 : index
      %swap3A_2559 = tpu.vector_load %arg5[%swap3A_2557, %swap3A_2558] {strides = array<i32>} : memref<8x1024xf32, #tpu.memory_space<vmem>>, vector<1x16xf32>,
      %swap3A_2560 = vector.shape_cast %swap3A_2559 : vector<1x16xf32> to vector<16xf32>
      %swap3A_2561 = vector.shape_cast %div3A_14 : vector<16xf32> to vector<1x16xf32>
      tpu.vector_store %arg5[%swap3A_2557, %swap3A_2558], %swap3A_2561 {strides = array<i32>} : memref<8x1024xf32, #tpu.memory_space<vmem>>, vector<1x16xf32>,
      %swap3A_2562 = arith.constant 6 : i32
      %swap3A_2563 = arith.index_cast %swap3A_2562 : i32 to index
      %swap3A_2564 = arith.constant 624 : index
      %swap3A_2565 = tpu.vector_load %arg5[%swap3A_2563, %swap3A_2564] {strides = array<i32>} : memref<8x1024xf32, #tpu.memory_space<vmem>>, vector<1x16xf32>,
      %swap3A_2566 = vector.shape_cast %swap3A_2565 : vector<1x16xf32> to vector<16xf32>
      %swap3A_2567 = vector.shape_cast %div3A_14 : vector<16xf32> to vector<1x16xf32>
      tpu.vector_store %arg5[%swap3A_2563, %swap3A_2564], %swap3A_2567 {strides = array<i32>} : memref<8x1024xf32, #tpu.memory_space<vmem>>, vector<1x16xf32>,
      %swap3A_2568 = arith.constant 6 : i32
      %swap3A_2569 = arith.index_cast %swap3A_2568 : i32 to index
      %swap3A_2570 = arith.constant 640 : index
      %swap3A_2571 = tpu.vector_load %arg5[%swap3A_2569, %swap3A_2570] {strides = array<i32>} : memref<8x1024xf32, #tpu.memory_space<vmem>>, vector<1x16xf32>,
      %swap3A_2572 = vector.shape_cast %swap3A_2571 : vector<1x16xf32> to vector<16xf32>
      %swap3A_2573 = vector.shape_cast %div3A_14 : vector<16xf32> to vector<1x16xf32>
      tpu.vector_store %arg5[%swap3A_2569, %swap3A_2570], %swap3A_2573 {strides = array<i32>} : memref<8x1024xf32, #tpu.memory_space<vmem>>, vector<1x16xf32>,
      %swap3A_2574 = arith.constant 6 : i32
      %swap3A_2575 = arith.index_cast %swap3A_2574 : i32 to index
      %swap3A_2576 = arith.constant 656 : index
      %swap3A_2577 = tpu.vector_load %arg5[%swap3A_2575, %swap3A_2576] {strides = array<i32>} : memref<8x1024xf32, #tpu.memory_space<vmem>>, vector<1x16xf32>,
      %swap3A_2578 = vector.shape_cast %swap3A_2577 : vector<1x16xf32> to vector<16xf32>
      %swap3A_2579 = vector.shape_cast %div3A_14 : vector<16xf32> to vector<1x16xf32>
      tpu.vector_store %arg5[%swap3A_2575, %swap3A_2576], %swap3A_2579 {strides = array<i32>} : memref<8x1024xf32, #tpu.memory_space<vmem>>, vector<1x16xf32>,
      %swap3A_2580 = arith.constant 6 : i32
      %swap3A_2581 = arith.index_cast %swap3A_2580 : i32 to index
      %swap3A_2582 = arith.constant 672 : index
      %swap3A_2583 = tpu.vector_load %arg5[%swap3A_2581, %swap3A_2582] {strides = array<i32>} : memref<8x1024xf32, #tpu.memory_space<vmem>>, vector<1x16xf32>,
      %swap3A_2584 = vector.shape_cast %swap3A_2583 : vector<1x16xf32> to vector<16xf32>
      %swap3A_2585 = vector.shape_cast %div3A_14 : vector<16xf32> to vector<1x16xf32>
      tpu.vector_store %arg5[%swap3A_2581, %swap3A_2582], %swap3A_2585 {strides = array<i32>} : memref<8x1024xf32, #tpu.memory_space<vmem>>, vector<1x16xf32>,
      %swap3A_2586 = arith.constant 6 : i32
      %swap3A_2587 = arith.index_cast %swap3A_2586 : i32 to index
      %swap3A_2588 = arith.constant 688 : index
      %swap3A_2589 = tpu.vector_load %arg5[%swap3A_2587, %swap3A_2588] {strides = array<i32>} : memref<8x1024xf32, #tpu.memory_space<vmem>>, vector<1x16xf32>,
      %swap3A_2590 = vector.shape_cast %swap3A_2589 : vector<1x16xf32> to vector<16xf32>
      %swap3A_2591 = vector.shape_cast %div3A_14 : vector<16xf32> to vector<1x16xf32>
      tpu.vector_store %arg5[%swap3A_2587, %swap3A_2588], %swap3A_2591 {strides = array<i32>} : memref<8x1024xf32, #tpu.memory_space<vmem>>, vector<1x16xf32>,
      %swap3A_2592 = arith.constant 6 : i32
      %swap3A_2593 = arith.index_cast %swap3A_2592 : i32 to index
      %swap3A_2594 = arith.constant 704 : index
      %swap3A_2595 = tpu.vector_load %arg5[%swap3A_2593, %swap3A_2594] {strides = array<i32>} : memref<8x1024xf32, #tpu.memory_space<vmem>>, vector<1x16xf32>,
      %swap3A_2596 = vector.shape_cast %swap3A_2595 : vector<1x16xf32> to vector<16xf32>
      %swap3A_2597 = vector.shape_cast %div3A_14 : vector<16xf32> to vector<1x16xf32>
      tpu.vector_store %arg5[%swap3A_2593, %swap3A_2594], %swap3A_2597 {strides = array<i32>} : memref<8x1024xf32, #tpu.memory_space<vmem>>, vector<1x16xf32>,
      %swap3A_2598 = arith.constant 6 : i32
      %swap3A_2599 = arith.index_cast %swap3A_2598 : i32 to index
      %swap3A_2600 = arith.constant 720 : index
      %swap3A_2601 = tpu.vector_load %arg5[%swap3A_2599, %swap3A_2600] {strides = array<i32>} : memref<8x1024xf32, #tpu.memory_space<vmem>>, vector<1x16xf32>,
      %swap3A_2602 = vector.shape_cast %swap3A_2601 : vector<1x16xf32> to vector<16xf32>
      %swap3A_2603 = vector.shape_cast %div3A_14 : vector<16xf32> to vector<1x16xf32>
      tpu.vector_store %arg5[%swap3A_2599, %swap3A_2600], %swap3A_2603 {strides = array<i32>} : memref<8x1024xf32, #tpu.memory_space<vmem>>, vector<1x16xf32>,
      %swap3A_2604 = arith.constant 6 : i32
      %swap3A_2605 = arith.index_cast %swap3A_2604 : i32 to index
      %swap3A_2606 = arith.constant 736 : index
      %swap3A_2607 = tpu.vector_load %arg5[%swap3A_2605, %swap3A_2606] {strides = array<i32>} : memref<8x1024xf32, #tpu.memory_space<vmem>>, vector<1x16xf32>,
      %swap3A_2608 = vector.shape_cast %swap3A_2607 : vector<1x16xf32> to vector<16xf32>
      %swap3A_2609 = vector.shape_cast %div3A_14 : vector<16xf32> to vector<1x16xf32>
      tpu.vector_store %arg5[%swap3A_2605, %swap3A_2606], %swap3A_2609 {strides = array<i32>} : memref<8x1024xf32, #tpu.memory_space<vmem>>, vector<1x16xf32>,
      %swap3A_2610 = arith.constant 6 : i32
      %swap3A_2611 = arith.index_cast %swap3A_2610 : i32 to index
      %swap3A_2612 = arith.constant 752 : index
      %swap3A_2613 = tpu.vector_load %arg5[%swap3A_2611, %swap3A_2612] {strides = array<i32>} : memref<8x1024xf32, #tpu.memory_space<vmem>>, vector<1x16xf32>,
      %swap3A_2614 = vector.shape_cast %swap3A_2613 : vector<1x16xf32> to vector<16xf32>
      %swap3A_2615 = vector.shape_cast %div3A_14 : vector<16xf32> to vector<1x16xf32>
      tpu.vector_store %arg5[%swap3A_2611, %swap3A_2612], %swap3A_2615 {strides = array<i32>} : memref<8x1024xf32, #tpu.memory_space<vmem>>, vector<1x16xf32>,
      %swap3A_2616 = arith.constant 6 : i32
      %swap3A_2617 = arith.index_cast %swap3A_2616 : i32 to index
      %swap3A_2618 = arith.constant 768 : index
      %swap3A_2619 = tpu.vector_load %arg5[%swap3A_2617, %swap3A_2618] {strides = array<i32>} : memref<8x1024xf32, #tpu.memory_space<vmem>>, vector<1x16xf32>,
      %swap3A_2620 = vector.shape_cast %swap3A_2619 : vector<1x16xf32> to vector<16xf32>
      %swap3A_2621 = vector.shape_cast %div3A_14 : vector<16xf32> to vector<1x16xf32>
      tpu.vector_store %arg5[%swap3A_2617, %swap3A_2618], %swap3A_2621 {strides = array<i32>} : memref<8x1024xf32, #tpu.memory_space<vmem>>, vector<1x16xf32>,
      %swap3A_2622 = arith.constant 6 : i32
      %swap3A_2623 = arith.index_cast %swap3A_2622 : i32 to index
      %swap3A_2624 = arith.constant 784 : index
      %swap3A_2625 = tpu.vector_load %arg5[%swap3A_2623, %swap3A_2624] {strides = array<i32>} : memref<8x1024xf32, #tpu.memory_space<vmem>>, vector<1x16xf32>,
      %swap3A_2626 = vector.shape_cast %swap3A_2625 : vector<1x16xf32> to vector<16xf32>
      %swap3A_2627 = vector.shape_cast %div3A_14 : vector<16xf32> to vector<1x16xf32>
      tpu.vector_store %arg5[%swap3A_2623, %swap3A_2624], %swap3A_2627 {strides = array<i32>} : memref<8x1024xf32, #tpu.memory_space<vmem>>, vector<1x16xf32>,
      %swap3A_2628 = arith.constant 6 : i32
      %swap3A_2629 = arith.index_cast %swap3A_2628 : i32 to index
      %swap3A_2630 = arith.constant 800 : index
      %swap3A_2631 = tpu.vector_load %arg5[%swap3A_2629, %swap3A_2630] {strides = array<i32>} : memref<8x1024xf32, #tpu.memory_space<vmem>>, vector<1x16xf32>,
      %swap3A_2632 = vector.shape_cast %swap3A_2631 : vector<1x16xf32> to vector<16xf32>
      %swap3A_2633 = vector.shape_cast %div3A_14 : vector<16xf32> to vector<1x16xf32>
      tpu.vector_store %arg5[%swap3A_2629, %swap3A_2630], %swap3A_2633 {strides = array<i32>} : memref<8x1024xf32, #tpu.memory_space<vmem>>, vector<1x16xf32>,
      %swap3A_2634 = arith.constant 6 : i32
      %swap3A_2635 = arith.index_cast %swap3A_2634 : i32 to index
      %swap3A_2636 = arith.constant 816 : index
      %swap3A_2637 = tpu.vector_load %arg5[%swap3A_2635, %swap3A_2636] {strides = array<i32>} : memref<8x1024xf32, #tpu.memory_space<vmem>>, vector<1x16xf32>,
      %swap3A_2638 = vector.shape_cast %swap3A_2637 : vector<1x16xf32> to vector<16xf32>
      %swap3A_2639 = vector.shape_cast %div3A_14 : vector<16xf32> to vector<1x16xf32>
      tpu.vector_store %arg5[%swap3A_2635, %swap3A_2636], %swap3A_2639 {strides = array<i32>} : memref<8x1024xf32, #tpu.memory_space<vmem>>, vector<1x16xf32>,
      %swap3A_2640 = arith.constant 6 : i32
      %swap3A_2641 = arith.index_cast %swap3A_2640 : i32 to index
      %swap3A_2642 = arith.constant 832 : index
      %swap3A_2643 = tpu.vector_load %arg5[%swap3A_2641, %swap3A_2642] {strides = array<i32>} : memref<8x1024xf32, #tpu.memory_space<vmem>>, vector<1x16xf32>,
      %swap3A_2644 = vector.shape_cast %swap3A_2643 : vector<1x16xf32> to vector<16xf32>
      %swap3A_2645 = vector.shape_cast %div3A_14 : vector<16xf32> to vector<1x16xf32>
      tpu.vector_store %arg5[%swap3A_2641, %swap3A_2642], %swap3A_2645 {strides = array<i32>} : memref<8x1024xf32, #tpu.memory_space<vmem>>, vector<1x16xf32>,
      %swap3A_2646 = arith.constant 6 : i32
      %swap3A_2647 = arith.index_cast %swap3A_2646 : i32 to index
      %swap3A_2648 = arith.constant 848 : index
      %swap3A_2649 = tpu.vector_load %arg5[%swap3A_2647, %swap3A_2648] {strides = array<i32>} : memref<8x1024xf32, #tpu.memory_space<vmem>>, vector<1x16xf32>,
      %swap3A_2650 = vector.shape_cast %swap3A_2649 : vector<1x16xf32> to vector<16xf32>
      %swap3A_2651 = vector.shape_cast %div3A_14 : vector<16xf32> to vector<1x16xf32>
      tpu.vector_store %arg5[%swap3A_2647, %swap3A_2648], %swap3A_2651 {strides = array<i32>} : memref<8x1024xf32, #tpu.memory_space<vmem>>, vector<1x16xf32>,
      %swap3A_2652 = arith.constant 6 : i32
      %swap3A_2653 = arith.index_cast %swap3A_2652 : i32 to index
      %swap3A_2654 = arith.constant 864 : index
      %swap3A_2655 = tpu.vector_load %arg5[%swap3A_2653, %swap3A_2654] {strides = array<i32>} : memref<8x1024xf32, #tpu.memory_space<vmem>>, vector<1x16xf32>,
      %swap3A_2656 = vector.shape_cast %swap3A_2655 : vector<1x16xf32> to vector<16xf32>
      %swap3A_2657 = vector.shape_cast %div3A_14 : vector<16xf32> to vector<1x16xf32>
      tpu.vector_store %arg5[%swap3A_2653, %swap3A_2654], %swap3A_2657 {strides = array<i32>} : memref<8x1024xf32, #tpu.memory_space<vmem>>, vector<1x16xf32>,
      %swap3A_2658 = arith.constant 6 : i32
      %swap3A_2659 = arith.index_cast %swap3A_2658 : i32 to index
      %swap3A_2660 = arith.constant 880 : index
      %swap3A_2661 = tpu.vector_load %arg5[%swap3A_2659, %swap3A_2660] {strides = array<i32>} : memref<8x1024xf32, #tpu.memory_space<vmem>>, vector<1x16xf32>,
      %swap3A_2662 = vector.shape_cast %swap3A_2661 : vector<1x16xf32> to vector<16xf32>
      %swap3A_2663 = vector.shape_cast %div3A_14 : vector<16xf32> to vector<1x16xf32>
      tpu.vector_store %arg5[%swap3A_2659, %swap3A_2660], %swap3A_2663 {strides = array<i32>} : memref<8x1024xf32, #tpu.memory_space<vmem>>, vector<1x16xf32>,
      %swap3A_2664 = arith.constant 6 : i32
      %swap3A_2665 = arith.index_cast %swap3A_2664 : i32 to index
      %swap3A_2666 = arith.constant 896 : index
      %swap3A_2667 = tpu.vector_load %arg5[%swap3A_2665, %swap3A_2666] {strides = array<i32>} : memref<8x1024xf32, #tpu.memory_space<vmem>>, vector<1x16xf32>,
      %swap3A_2668 = vector.shape_cast %swap3A_2667 : vector<1x16xf32> to vector<16xf32>
      %swap3A_2669 = vector.shape_cast %div3A_14 : vector<16xf32> to vector<1x16xf32>
      tpu.vector_store %arg5[%swap3A_2665, %swap3A_2666], %swap3A_2669 {strides = array<i32>} : memref<8x1024xf32, #tpu.memory_space<vmem>>, vector<1x16xf32>,
      %swap3A_2670 = arith.constant 6 : i32
      %swap3A_2671 = arith.index_cast %swap3A_2670 : i32 to index
      %swap3A_2672 = arith.constant 912 : index
      %swap3A_2673 = tpu.vector_load %arg5[%swap3A_2671, %swap3A_2672] {strides = array<i32>} : memref<8x1024xf32, #tpu.memory_space<vmem>>, vector<1x16xf32>,
      %swap3A_2674 = vector.shape_cast %swap3A_2673 : vector<1x16xf32> to vector<16xf32>
      %swap3A_2675 = vector.shape_cast %div3A_14 : vector<16xf32> to vector<1x16xf32>
      tpu.vector_store %arg5[%swap3A_2671, %swap3A_2672], %swap3A_2675 {strides = array<i32>} : memref<8x1024xf32, #tpu.memory_space<vmem>>, vector<1x16xf32>,
      %swap3A_2676 = arith.constant 6 : i32
      %swap3A_2677 = arith.index_cast %swap3A_2676 : i32 to index
      %swap3A_2678 = arith.constant 928 : index
      %swap3A_2679 = tpu.vector_load %arg5[%swap3A_2677, %swap3A_2678] {strides = array<i32>} : memref<8x1024xf32, #tpu.memory_space<vmem>>, vector<1x16xf32>,
      %swap3A_2680 = vector.shape_cast %swap3A_2679 : vector<1x16xf32> to vector<16xf32>
      %swap3A_2681 = vector.shape_cast %div3A_14 : vector<16xf32> to vector<1x16xf32>
      tpu.vector_store %arg5[%swap3A_2677, %swap3A_2678], %swap3A_2681 {strides = array<i32>} : memref<8x1024xf32, #tpu.memory_space<vmem>>, vector<1x16xf32>,
      %swap3A_2682 = arith.constant 6 : i32
      %swap3A_2683 = arith.index_cast %swap3A_2682 : i32 to index
      %swap3A_2684 = arith.constant 944 : index
      %swap3A_2685 = tpu.vector_load %arg5[%swap3A_2683, %swap3A_2684] {strides = array<i32>} : memref<8x1024xf32, #tpu.memory_space<vmem>>, vector<1x16xf32>,
      %swap3A_2686 = vector.shape_cast %swap3A_2685 : vector<1x16xf32> to vector<16xf32>
      %swap3A_2687 = vector.shape_cast %div3A_14 : vector<16xf32> to vector<1x16xf32>
      tpu.vector_store %arg5[%swap3A_2683, %swap3A_2684], %swap3A_2687 {strides = array<i32>} : memref<8x1024xf32, #tpu.memory_space<vmem>>, vector<1x16xf32>,
      %swap3A_2688 = arith.constant 6 : i32
      %swap3A_2689 = arith.index_cast %swap3A_2688 : i32 to index
      %swap3A_2690 = arith.constant 960 : index
      %swap3A_2691 = tpu.vector_load %arg5[%swap3A_2689, %swap3A_2690] {strides = array<i32>} : memref<8x1024xf32, #tpu.memory_space<vmem>>, vector<1x16xf32>,
      %swap3A_2692 = vector.shape_cast %swap3A_2691 : vector<1x16xf32> to vector<16xf32>
      %swap3A_2693 = vector.shape_cast %div3A_14 : vector<16xf32> to vector<1x16xf32>
      tpu.vector_store %arg5[%swap3A_2689, %swap3A_2690], %swap3A_2693 {strides = array<i32>} : memref<8x1024xf32, #tpu.memory_space<vmem>>, vector<1x16xf32>,
      %swap3A_2694 = arith.constant 6 : i32
      %swap3A_2695 = arith.index_cast %swap3A_2694 : i32 to index
      %swap3A_2696 = arith.constant 976 : index
      %swap3A_2697 = tpu.vector_load %arg5[%swap3A_2695, %swap3A_2696] {strides = array<i32>} : memref<8x1024xf32, #tpu.memory_space<vmem>>, vector<1x16xf32>,
      %swap3A_2698 = vector.shape_cast %swap3A_2697 : vector<1x16xf32> to vector<16xf32>
      %swap3A_2699 = vector.shape_cast %div3A_14 : vector<16xf32> to vector<1x16xf32>
      tpu.vector_store %arg5[%swap3A_2695, %swap3A_2696], %swap3A_2699 {strides = array<i32>} : memref<8x1024xf32, #tpu.memory_space<vmem>>, vector<1x16xf32>,
      %swap3A_2700 = arith.constant 6 : i32
      %swap3A_2701 = arith.index_cast %swap3A_2700 : i32 to index
      %swap3A_2702 = arith.constant 992 : index
      %swap3A_2703 = tpu.vector_load %arg5[%swap3A_2701, %swap3A_2702] {strides = array<i32>} : memref<8x1024xf32, #tpu.memory_space<vmem>>, vector<1x16xf32>,
      %swap3A_2704 = vector.shape_cast %swap3A_2703 : vector<1x16xf32> to vector<16xf32>
      %swap3A_2705 = vector.shape_cast %div3A_14 : vector<16xf32> to vector<1x16xf32>
      tpu.vector_store %arg5[%swap3A_2701, %swap3A_2702], %swap3A_2705 {strides = array<i32>} : memref<8x1024xf32, #tpu.memory_space<vmem>>, vector<1x16xf32>,
      %swap3A_2706 = arith.constant 6 : i32
      %swap3A_2707 = arith.index_cast %swap3A_2706 : i32 to index
      %swap3A_2708 = arith.constant 1008 : index
      %swap3A_2709 = tpu.vector_load %arg5[%swap3A_2707, %swap3A_2708] {strides = array<i32>} : memref<8x1024xf32, #tpu.memory_space<vmem>>, vector<1x16xf32>,
      %swap3A_2710 = vector.shape_cast %swap3A_2709 : vector<1x16xf32> to vector<16xf32>
      %swap3A_2711 = vector.shape_cast %div3A_14 : vector<16xf32> to vector<1x16xf32>
      tpu.vector_store %arg5[%swap3A_2707, %swap3A_2708], %swap3A_2711 {strides = array<i32>} : memref<8x1024xf32, #tpu.memory_space<vmem>>, vector<1x16xf32>,
      %swap3A_2712 = arith.constant 7 : i32
      %swap3A_2713 = arith.index_cast %swap3A_2712 : i32 to index
      %swap3A_2714 = arith.constant 0 : index
      %swap3A_2715 = tpu.vector_load %arg5[%swap3A_2713, %swap3A_2714] {strides = array<i32>} : memref<8x1024xf32, #tpu.memory_space<vmem>>, vector<1x16xf32>,
      %swap3A_2716 = vector.shape_cast %swap3A_2715 : vector<1x16xf32> to vector<16xf32>
      %swap3A_2717 = vector.shape_cast %div3A_24 : vector<16xf32> to vector<1x16xf32>
      tpu.vector_store %arg5[%swap3A_2713, %swap3A_2714], %swap3A_2717 {strides = array<i32>} : memref<8x1024xf32, #tpu.memory_space<vmem>>, vector<1x16xf32>,
      %swap3A_2718 = arith.constant 7 : i32
      %swap3A_2719 = arith.index_cast %swap3A_2718 : i32 to index
      %swap3A_2720 = arith.constant 16 : index
      %swap3A_2721 = tpu.vector_load %arg5[%swap3A_2719, %swap3A_2720] {strides = array<i32>} : memref<8x1024xf32, #tpu.memory_space<vmem>>, vector<1x16xf32>,
      %swap3A_2722 = vector.shape_cast %swap3A_2721 : vector<1x16xf32> to vector<16xf32>
      %swap3A_2723 = vector.shape_cast %div3A_24 : vector<16xf32> to vector<1x16xf32>
      tpu.vector_store %arg5[%swap3A_2719, %swap3A_2720], %swap3A_2723 {strides = array<i32>} : memref<8x1024xf32, #tpu.memory_space<vmem>>, vector<1x16xf32>,
      %swap3A_2724 = arith.constant 7 : i32
      %swap3A_2725 = arith.index_cast %swap3A_2724 : i32 to index
      %swap3A_2726 = arith.constant 32 : index
      %swap3A_2727 = tpu.vector_load %arg5[%swap3A_2725, %swap3A_2726] {strides = array<i32>} : memref<8x1024xf32, #tpu.memory_space<vmem>>, vector<1x16xf32>,
      %swap3A_2728 = vector.shape_cast %swap3A_2727 : vector<1x16xf32> to vector<16xf32>
      %swap3A_2729 = vector.shape_cast %div3A_24 : vector<16xf32> to vector<1x16xf32>
      tpu.vector_store %arg5[%swap3A_2725, %swap3A_2726], %swap3A_2729 {strides = array<i32>} : memref<8x1024xf32, #tpu.memory_space<vmem>>, vector<1x16xf32>,
      %swap3A_2730 = arith.constant 7 : i32
      %swap3A_2731 = arith.index_cast %swap3A_2730 : i32 to index
      %swap3A_2732 = arith.constant 48 : index
      %swap3A_2733 = tpu.vector_load %arg5[%swap3A_2731, %swap3A_2732] {strides = array<i32>} : memref<8x1024xf32, #tpu.memory_space<vmem>>, vector<1x16xf32>,
      %swap3A_2734 = vector.shape_cast %swap3A_2733 : vector<1x16xf32> to vector<16xf32>
      %swap3A_2735 = vector.shape_cast %div3A_24 : vector<16xf32> to vector<1x16xf32>
      tpu.vector_store %arg5[%swap3A_2731, %swap3A_2732], %swap3A_2735 {strides = array<i32>} : memref<8x1024xf32, #tpu.memory_space<vmem>>, vector<1x16xf32>,
      %swap3A_2736 = arith.constant 7 : i32
      %swap3A_2737 = arith.index_cast %swap3A_2736 : i32 to index
      %swap3A_2738 = arith.constant 64 : index
      %swap3A_2739 = tpu.vector_load %arg5[%swap3A_2737, %swap3A_2738] {strides = array<i32>} : memref<8x1024xf32, #tpu.memory_space<vmem>>, vector<1x16xf32>,
      %swap3A_2740 = vector.shape_cast %swap3A_2739 : vector<1x16xf32> to vector<16xf32>
      %swap3A_2741 = vector.shape_cast %div3A_24 : vector<16xf32> to vector<1x16xf32>
      tpu.vector_store %arg5[%swap3A_2737, %swap3A_2738], %swap3A_2741 {strides = array<i32>} : memref<8x1024xf32, #tpu.memory_space<vmem>>, vector<1x16xf32>,
      %swap3A_2742 = arith.constant 7 : i32
      %swap3A_2743 = arith.index_cast %swap3A_2742 : i32 to index
      %swap3A_2744 = arith.constant 80 : index
      %swap3A_2745 = tpu.vector_load %arg5[%swap3A_2743, %swap3A_2744] {strides = array<i32>} : memref<8x1024xf32, #tpu.memory_space<vmem>>, vector<1x16xf32>,
      %swap3A_2746 = vector.shape_cast %swap3A_2745 : vector<1x16xf32> to vector<16xf32>
      %swap3A_2747 = vector.shape_cast %div3A_24 : vector<16xf32> to vector<1x16xf32>
      tpu.vector_store %arg5[%swap3A_2743, %swap3A_2744], %swap3A_2747 {strides = array<i32>} : memref<8x1024xf32, #tpu.memory_space<vmem>>, vector<1x16xf32>,
      %swap3A_2748 = arith.constant 7 : i32
      %swap3A_2749 = arith.index_cast %swap3A_2748 : i32 to index
      %swap3A_2750 = arith.constant 96 : index
      %swap3A_2751 = tpu.vector_load %arg5[%swap3A_2749, %swap3A_2750] {strides = array<i32>} : memref<8x1024xf32, #tpu.memory_space<vmem>>, vector<1x16xf32>,
      %swap3A_2752 = vector.shape_cast %swap3A_2751 : vector<1x16xf32> to vector<16xf32>
      %swap3A_2753 = vector.shape_cast %div3A_24 : vector<16xf32> to vector<1x16xf32>
      tpu.vector_store %arg5[%swap3A_2749, %swap3A_2750], %swap3A_2753 {strides = array<i32>} : memref<8x1024xf32, #tpu.memory_space<vmem>>, vector<1x16xf32>,
      %swap3A_2754 = arith.constant 7 : i32
      %swap3A_2755 = arith.index_cast %swap3A_2754 : i32 to index
      %swap3A_2756 = arith.constant 112 : index
      %swap3A_2757 = tpu.vector_load %arg5[%swap3A_2755, %swap3A_2756] {strides = array<i32>} : memref<8x1024xf32, #tpu.memory_space<vmem>>, vector<1x16xf32>,
      %swap3A_2758 = vector.shape_cast %swap3A_2757 : vector<1x16xf32> to vector<16xf32>
      %swap3A_2759 = vector.shape_cast %div3A_24 : vector<16xf32> to vector<1x16xf32>
      tpu.vector_store %arg5[%swap3A_2755, %swap3A_2756], %swap3A_2759 {strides = array<i32>} : memref<8x1024xf32, #tpu.memory_space<vmem>>, vector<1x16xf32>,
      %swap3A_2760 = arith.constant 7 : i32
      %swap3A_2761 = arith.index_cast %swap3A_2760 : i32 to index
      %swap3A_2762 = arith.constant 128 : index
      %swap3A_2763 = tpu.vector_load %arg5[%swap3A_2761, %swap3A_2762] {strides = array<i32>} : memref<8x1024xf32, #tpu.memory_space<vmem>>, vector<1x16xf32>,
      %swap3A_2764 = vector.shape_cast %swap3A_2763 : vector<1x16xf32> to vector<16xf32>
      %swap3A_2765 = vector.shape_cast %div3A_24 : vector<16xf32> to vector<1x16xf32>
      tpu.vector_store %arg5[%swap3A_2761, %swap3A_2762], %swap3A_2765 {strides = array<i32>} : memref<8x1024xf32, #tpu.memory_space<vmem>>, vector<1x16xf32>,
      %swap3A_2766 = arith.constant 7 : i32
      %swap3A_2767 = arith.index_cast %swap3A_2766 : i32 to index
      %swap3A_2768 = arith.constant 144 : index
      %swap3A_2769 = tpu.vector_load %arg5[%swap3A_2767, %swap3A_2768] {strides = array<i32>} : memref<8x1024xf32, #tpu.memory_space<vmem>>, vector<1x16xf32>,
      %swap3A_2770 = vector.shape_cast %swap3A_2769 : vector<1x16xf32> to vector<16xf32>
      %swap3A_2771 = vector.shape_cast %div3A_24 : vector<16xf32> to vector<1x16xf32>
      tpu.vector_store %arg5[%swap3A_2767, %swap3A_2768], %swap3A_2771 {strides = array<i32>} : memref<8x1024xf32, #tpu.memory_space<vmem>>, vector<1x16xf32>,
      %swap3A_2772 = arith.constant 7 : i32
      %swap3A_2773 = arith.index_cast %swap3A_2772 : i32 to index
      %swap3A_2774 = arith.constant 160 : index
      %swap3A_2775 = tpu.vector_load %arg5[%swap3A_2773, %swap3A_2774] {strides = array<i32>} : memref<8x1024xf32, #tpu.memory_space<vmem>>, vector<1x16xf32>,
      %swap3A_2776 = vector.shape_cast %swap3A_2775 : vector<1x16xf32> to vector<16xf32>
      %swap3A_2777 = vector.shape_cast %div3A_24 : vector<16xf32> to vector<1x16xf32>
      tpu.vector_store %arg5[%swap3A_2773, %swap3A_2774], %swap3A_2777 {strides = array<i32>} : memref<8x1024xf32, #tpu.memory_space<vmem>>, vector<1x16xf32>,
      %swap3A_2778 = arith.constant 7 : i32
      %swap3A_2779 = arith.index_cast %swap3A_2778 : i32 to index
      %swap3A_2780 = arith.constant 176 : index
      %swap3A_2781 = tpu.vector_load %arg5[%swap3A_2779, %swap3A_2780] {strides = array<i32>} : memref<8x1024xf32, #tpu.memory_space<vmem>>, vector<1x16xf32>,
      %swap3A_2782 = vector.shape_cast %swap3A_2781 : vector<1x16xf32> to vector<16xf32>
      %swap3A_2783 = vector.shape_cast %div3A_24 : vector<16xf32> to vector<1x16xf32>
      tpu.vector_store %arg5[%swap3A_2779, %swap3A_2780], %swap3A_2783 {strides = array<i32>} : memref<8x1024xf32, #tpu.memory_space<vmem>>, vector<1x16xf32>,
      %swap3A_2784 = arith.constant 7 : i32
      %swap3A_2785 = arith.index_cast %swap3A_2784 : i32 to index
      %swap3A_2786 = arith.constant 192 : index
      %swap3A_2787 = tpu.vector_load %arg5[%swap3A_2785, %swap3A_2786] {strides = array<i32>} : memref<8x1024xf32, #tpu.memory_space<vmem>>, vector<1x16xf32>,
      %swap3A_2788 = vector.shape_cast %swap3A_2787 : vector<1x16xf32> to vector<16xf32>
      %swap3A_2789 = vector.shape_cast %div3A_24 : vector<16xf32> to vector<1x16xf32>
      tpu.vector_store %arg5[%swap3A_2785, %swap3A_2786], %swap3A_2789 {strides = array<i32>} : memref<8x1024xf32, #tpu.memory_space<vmem>>, vector<1x16xf32>,
      %swap3A_2790 = arith.constant 7 : i32
      %swap3A_2791 = arith.index_cast %swap3A_2790 : i32 to index
      %swap3A_2792 = arith.constant 208 : index
      %swap3A_2793 = tpu.vector_load %arg5[%swap3A_2791, %swap3A_2792] {strides = array<i32>} : memref<8x1024xf32, #tpu.memory_space<vmem>>, vector<1x16xf32>,
      %swap3A_2794 = vector.shape_cast %swap3A_2793 : vector<1x16xf32> to vector<16xf32>
      %swap3A_2795 = vector.shape_cast %div3A_24 : vector<16xf32> to vector<1x16xf32>
      tpu.vector_store %arg5[%swap3A_2791, %swap3A_2792], %swap3A_2795 {strides = array<i32>} : memref<8x1024xf32, #tpu.memory_space<vmem>>, vector<1x16xf32>,
      %swap3A_2796 = arith.constant 7 : i32
      %swap3A_2797 = arith.index_cast %swap3A_2796 : i32 to index
      %swap3A_2798 = arith.constant 224 : index
      %swap3A_2799 = tpu.vector_load %arg5[%swap3A_2797, %swap3A_2798] {strides = array<i32>} : memref<8x1024xf32, #tpu.memory_space<vmem>>, vector<1x16xf32>,
      %swap3A_2800 = vector.shape_cast %swap3A_2799 : vector<1x16xf32> to vector<16xf32>
      %swap3A_2801 = vector.shape_cast %div3A_24 : vector<16xf32> to vector<1x16xf32>
      tpu.vector_store %arg5[%swap3A_2797, %swap3A_2798], %swap3A_2801 {strides = array<i32>} : memref<8x1024xf32, #tpu.memory_space<vmem>>, vector<1x16xf32>,
      %swap3A_2802 = arith.constant 7 : i32
      %swap3A_2803 = arith.index_cast %swap3A_2802 : i32 to index
      %swap3A_2804 = arith.constant 240 : index
      %swap3A_2805 = tpu.vector_load %arg5[%swap3A_2803, %swap3A_2804] {strides = array<i32>} : memref<8x1024xf32, #tpu.memory_space<vmem>>, vector<1x16xf32>,
      %swap3A_2806 = vector.shape_cast %swap3A_2805 : vector<1x16xf32> to vector<16xf32>
      %swap3A_2807 = vector.shape_cast %div3A_24 : vector<16xf32> to vector<1x16xf32>
      tpu.vector_store %arg5[%swap3A_2803, %swap3A_2804], %swap3A_2807 {strides = array<i32>} : memref<8x1024xf32, #tpu.memory_space<vmem>>, vector<1x16xf32>,
      %swap3A_2808 = arith.constant 7 : i32
      %swap3A_2809 = arith.index_cast %swap3A_2808 : i32 to index
      %swap3A_2810 = arith.constant 256 : index
      %swap3A_2811 = tpu.vector_load %arg5[%swap3A_2809, %swap3A_2810] {strides = array<i32>} : memref<8x1024xf32, #tpu.memory_space<vmem>>, vector<1x16xf32>,
      %swap3A_2812 = vector.shape_cast %swap3A_2811 : vector<1x16xf32> to vector<16xf32>
      %swap3A_2813 = vector.shape_cast %div3A_24 : vector<16xf32> to vector<1x16xf32>
      tpu.vector_store %arg5[%swap3A_2809, %swap3A_2810], %swap3A_2813 {strides = array<i32>} : memref<8x1024xf32, #tpu.memory_space<vmem>>, vector<1x16xf32>,
      %swap3A_2814 = arith.constant 7 : i32
      %swap3A_2815 = arith.index_cast %swap3A_2814 : i32 to index
      %swap3A_2816 = arith.constant 272 : index
      %swap3A_2817 = tpu.vector_load %arg5[%swap3A_2815, %swap3A_2816] {strides = array<i32>} : memref<8x1024xf32, #tpu.memory_space<vmem>>, vector<1x16xf32>,
      %swap3A_2818 = vector.shape_cast %swap3A_2817 : vector<1x16xf32> to vector<16xf32>
      %swap3A_2819 = vector.shape_cast %div3A_24 : vector<16xf32> to vector<1x16xf32>
      tpu.vector_store %arg5[%swap3A_2815, %swap3A_2816], %swap3A_2819 {strides = array<i32>} : memref<8x1024xf32, #tpu.memory_space<vmem>>, vector<1x16xf32>,
      %swap3A_2820 = arith.constant 7 : i32
      %swap3A_2821 = arith.index_cast %swap3A_2820 : i32 to index
      %swap3A_2822 = arith.constant 288 : index
      %swap3A_2823 = tpu.vector_load %arg5[%swap3A_2821, %swap3A_2822] {strides = array<i32>} : memref<8x1024xf32, #tpu.memory_space<vmem>>, vector<1x16xf32>,
      %swap3A_2824 = vector.shape_cast %swap3A_2823 : vector<1x16xf32> to vector<16xf32>
      %swap3A_2825 = vector.shape_cast %div3A_24 : vector<16xf32> to vector<1x16xf32>
      tpu.vector_store %arg5[%swap3A_2821, %swap3A_2822], %swap3A_2825 {strides = array<i32>} : memref<8x1024xf32, #tpu.memory_space<vmem>>, vector<1x16xf32>,
      %swap3A_2826 = arith.constant 7 : i32
      %swap3A_2827 = arith.index_cast %swap3A_2826 : i32 to index
      %swap3A_2828 = arith.constant 304 : index
      %swap3A_2829 = tpu.vector_load %arg5[%swap3A_2827, %swap3A_2828] {strides = array<i32>} : memref<8x1024xf32, #tpu.memory_space<vmem>>, vector<1x16xf32>,
      %swap3A_2830 = vector.shape_cast %swap3A_2829 : vector<1x16xf32> to vector<16xf32>
      %swap3A_2831 = vector.shape_cast %div3A_24 : vector<16xf32> to vector<1x16xf32>
      tpu.vector_store %arg5[%swap3A_2827, %swap3A_2828], %swap3A_2831 {strides = array<i32>} : memref<8x1024xf32, #tpu.memory_space<vmem>>, vector<1x16xf32>,
      %swap3A_2832 = arith.constant 7 : i32
      %swap3A_2833 = arith.index_cast %swap3A_2832 : i32 to index
      %swap3A_2834 = arith.constant 320 : index
      %swap3A_2835 = tpu.vector_load %arg5[%swap3A_2833, %swap3A_2834] {strides = array<i32>} : memref<8x1024xf32, #tpu.memory_space<vmem>>, vector<1x16xf32>,
      %swap3A_2836 = vector.shape_cast %swap3A_2835 : vector<1x16xf32> to vector<16xf32>
      %swap3A_2837 = vector.shape_cast %div3A_24 : vector<16xf32> to vector<1x16xf32>
      tpu.vector_store %arg5[%swap3A_2833, %swap3A_2834], %swap3A_2837 {strides = array<i32>} : memref<8x1024xf32, #tpu.memory_space<vmem>>, vector<1x16xf32>,
      %swap3A_2838 = arith.constant 7 : i32
      %swap3A_2839 = arith.index_cast %swap3A_2838 : i32 to index
      %swap3A_2840 = arith.constant 336 : index
      %swap3A_2841 = tpu.vector_load %arg5[%swap3A_2839, %swap3A_2840] {strides = array<i32>} : memref<8x1024xf32, #tpu.memory_space<vmem>>, vector<1x16xf32>,
      %swap3A_2842 = vector.shape_cast %swap3A_2841 : vector<1x16xf32> to vector<16xf32>
      %swap3A_2843 = vector.shape_cast %div3A_24 : vector<16xf32> to vector<1x16xf32>
      tpu.vector_store %arg5[%swap3A_2839, %swap3A_2840], %swap3A_2843 {strides = array<i32>} : memref<8x1024xf32, #tpu.memory_space<vmem>>, vector<1x16xf32>,
      %swap3A_2844 = arith.constant 7 : i32
      %swap3A_2845 = arith.index_cast %swap3A_2844 : i32 to index
      %swap3A_2846 = arith.constant 352 : index
      %swap3A_2847 = tpu.vector_load %arg5[%swap3A_2845, %swap3A_2846] {strides = array<i32>} : memref<8x1024xf32, #tpu.memory_space<vmem>>, vector<1x16xf32>,
      %swap3A_2848 = vector.shape_cast %swap3A_2847 : vector<1x16xf32> to vector<16xf32>
      %swap3A_2849 = vector.shape_cast %div3A_24 : vector<16xf32> to vector<1x16xf32>
      tpu.vector_store %arg5[%swap3A_2845, %swap3A_2846], %swap3A_2849 {strides = array<i32>} : memref<8x1024xf32, #tpu.memory_space<vmem>>, vector<1x16xf32>,
      %swap3A_2850 = arith.constant 7 : i32
      %swap3A_2851 = arith.index_cast %swap3A_2850 : i32 to index
      %swap3A_2852 = arith.constant 368 : index
      %swap3A_2853 = tpu.vector_load %arg5[%swap3A_2851, %swap3A_2852] {strides = array<i32>} : memref<8x1024xf32, #tpu.memory_space<vmem>>, vector<1x16xf32>,
      %swap3A_2854 = vector.shape_cast %swap3A_2853 : vector<1x16xf32> to vector<16xf32>
      %swap3A_2855 = vector.shape_cast %div3A_24 : vector<16xf32> to vector<1x16xf32>
      tpu.vector_store %arg5[%swap3A_2851, %swap3A_2852], %swap3A_2855 {strides = array<i32>} : memref<8x1024xf32, #tpu.memory_space<vmem>>, vector<1x16xf32>,
      %swap3A_2856 = arith.constant 7 : i32
      %swap3A_2857 = arith.index_cast %swap3A_2856 : i32 to index
      %swap3A_2858 = arith.constant 384 : index
      %swap3A_2859 = tpu.vector_load %arg5[%swap3A_2857, %swap3A_2858] {strides = array<i32>} : memref<8x1024xf32, #tpu.memory_space<vmem>>, vector<1x16xf32>,
      %swap3A_2860 = vector.shape_cast %swap3A_2859 : vector<1x16xf32> to vector<16xf32>
      %swap3A_2861 = vector.shape_cast %div3A_24 : vector<16xf32> to vector<1x16xf32>
      tpu.vector_store %arg5[%swap3A_2857, %swap3A_2858], %swap3A_2861 {strides = array<i32>} : memref<8x1024xf32, #tpu.memory_space<vmem>>, vector<1x16xf32>,
      %swap3A_2862 = arith.constant 7 : i32
      %swap3A_2863 = arith.index_cast %swap3A_2862 : i32 to index
      %swap3A_2864 = arith.constant 400 : index
      %swap3A_2865 = tpu.vector_load %arg5[%swap3A_2863, %swap3A_2864] {strides = array<i32>} : memref<8x1024xf32, #tpu.memory_space<vmem>>, vector<1x16xf32>,
      %swap3A_2866 = vector.shape_cast %swap3A_2865 : vector<1x16xf32> to vector<16xf32>
      %swap3A_2867 = vector.shape_cast %div3A_24 : vector<16xf32> to vector<1x16xf32>
      tpu.vector_store %arg5[%swap3A_2863, %swap3A_2864], %swap3A_2867 {strides = array<i32>} : memref<8x1024xf32, #tpu.memory_space<vmem>>, vector<1x16xf32>,
      %swap3A_2868 = arith.constant 7 : i32
      %swap3A_2869 = arith.index_cast %swap3A_2868 : i32 to index
      %swap3A_2870 = arith.constant 416 : index
      %swap3A_2871 = tpu.vector_load %arg5[%swap3A_2869, %swap3A_2870] {strides = array<i32>} : memref<8x1024xf32, #tpu.memory_space<vmem>>, vector<1x16xf32>,
      %swap3A_2872 = vector.shape_cast %swap3A_2871 : vector<1x16xf32> to vector<16xf32>
      %swap3A_2873 = vector.shape_cast %div3A_24 : vector<16xf32> to vector<1x16xf32>
      tpu.vector_store %arg5[%swap3A_2869, %swap3A_2870], %swap3A_2873 {strides = array<i32>} : memref<8x1024xf32, #tpu.memory_space<vmem>>, vector<1x16xf32>,
      %swap3A_2874 = arith.constant 7 : i32
      %swap3A_2875 = arith.index_cast %swap3A_2874 : i32 to index
      %swap3A_2876 = arith.constant 432 : index
      %swap3A_2877 = tpu.vector_load %arg5[%swap3A_2875, %swap3A_2876] {strides = array<i32>} : memref<8x1024xf32, #tpu.memory_space<vmem>>, vector<1x16xf32>,
      %swap3A_2878 = vector.shape_cast %swap3A_2877 : vector<1x16xf32> to vector<16xf32>
      %swap3A_2879 = vector.shape_cast %div3A_24 : vector<16xf32> to vector<1x16xf32>
      tpu.vector_store %arg5[%swap3A_2875, %swap3A_2876], %swap3A_2879 {strides = array<i32>} : memref<8x1024xf32, #tpu.memory_space<vmem>>, vector<1x16xf32>,
      %swap3A_2880 = arith.constant 7 : i32
      %swap3A_2881 = arith.index_cast %swap3A_2880 : i32 to index
      %swap3A_2882 = arith.constant 448 : index
      %swap3A_2883 = tpu.vector_load %arg5[%swap3A_2881, %swap3A_2882] {strides = array<i32>} : memref<8x1024xf32, #tpu.memory_space<vmem>>, vector<1x16xf32>,
      %swap3A_2884 = vector.shape_cast %swap3A_2883 : vector<1x16xf32> to vector<16xf32>
      %swap3A_2885 = vector.shape_cast %div3A_24 : vector<16xf32> to vector<1x16xf32>
      tpu.vector_store %arg5[%swap3A_2881, %swap3A_2882], %swap3A_2885 {strides = array<i32>} : memref<8x1024xf32, #tpu.memory_space<vmem>>, vector<1x16xf32>,
      %swap3A_2886 = arith.constant 7 : i32
      %swap3A_2887 = arith.index_cast %swap3A_2886 : i32 to index
      %swap3A_2888 = arith.constant 464 : index
      %swap3A_2889 = tpu.vector_load %arg5[%swap3A_2887, %swap3A_2888] {strides = array<i32>} : memref<8x1024xf32, #tpu.memory_space<vmem>>, vector<1x16xf32>,
      %swap3A_2890 = vector.shape_cast %swap3A_2889 : vector<1x16xf32> to vector<16xf32>
      %swap3A_2891 = vector.shape_cast %div3A_24 : vector<16xf32> to vector<1x16xf32>
      tpu.vector_store %arg5[%swap3A_2887, %swap3A_2888], %swap3A_2891 {strides = array<i32>} : memref<8x1024xf32, #tpu.memory_space<vmem>>, vector<1x16xf32>,
      %swap3A_2892 = arith.constant 7 : i32
      %swap3A_2893 = arith.index_cast %swap3A_2892 : i32 to index
      %swap3A_2894 = arith.constant 480 : index
      %swap3A_2895 = tpu.vector_load %arg5[%swap3A_2893, %swap3A_2894] {strides = array<i32>} : memref<8x1024xf32, #tpu.memory_space<vmem>>, vector<1x16xf32>,
      %swap3A_2896 = vector.shape_cast %swap3A_2895 : vector<1x16xf32> to vector<16xf32>
      %swap3A_2897 = vector.shape_cast %div3A_24 : vector<16xf32> to vector<1x16xf32>
      tpu.vector_store %arg5[%swap3A_2893, %swap3A_2894], %swap3A_2897 {strides = array<i32>} : memref<8x1024xf32, #tpu.memory_space<vmem>>, vector<1x16xf32>,
      %swap3A_2898 = arith.constant 7 : i32
      %swap3A_2899 = arith.index_cast %swap3A_2898 : i32 to index
      %swap3A_2900 = arith.constant 496 : index
      %swap3A_2901 = tpu.vector_load %arg5[%swap3A_2899, %swap3A_2900] {strides = array<i32>} : memref<8x1024xf32, #tpu.memory_space<vmem>>, vector<1x16xf32>,
      %swap3A_2902 = vector.shape_cast %swap3A_2901 : vector<1x16xf32> to vector<16xf32>
      %swap3A_2903 = vector.shape_cast %div3A_24 : vector<16xf32> to vector<1x16xf32>
      tpu.vector_store %arg5[%swap3A_2899, %swap3A_2900], %swap3A_2903 {strides = array<i32>} : memref<8x1024xf32, #tpu.memory_space<vmem>>, vector<1x16xf32>,
      %swap3A_2904 = arith.constant 7 : i32
      %swap3A_2905 = arith.index_cast %swap3A_2904 : i32 to index
      %swap3A_2906 = arith.constant 512 : index
      %swap3A_2907 = tpu.vector_load %arg5[%swap3A_2905, %swap3A_2906] {strides = array<i32>} : memref<8x1024xf32, #tpu.memory_space<vmem>>, vector<1x16xf32>,
      %swap3A_2908 = vector.shape_cast %swap3A_2907 : vector<1x16xf32> to vector<16xf32>
      %swap3A_2909 = vector.shape_cast %div3A_24 : vector<16xf32> to vector<1x16xf32>
      tpu.vector_store %arg5[%swap3A_2905, %swap3A_2906], %swap3A_2909 {strides = array<i32>} : memref<8x1024xf32, #tpu.memory_space<vmem>>, vector<1x16xf32>,
      %swap3A_2910 = arith.constant 7 : i32
      %swap3A_2911 = arith.index_cast %swap3A_2910 : i32 to index
      %swap3A_2912 = arith.constant 528 : index
      %swap3A_2913 = tpu.vector_load %arg5[%swap3A_2911, %swap3A_2912] {strides = array<i32>} : memref<8x1024xf32, #tpu.memory_space<vmem>>, vector<1x16xf32>,
      %swap3A_2914 = vector.shape_cast %swap3A_2913 : vector<1x16xf32> to vector<16xf32>
      %swap3A_2915 = vector.shape_cast %div3A_24 : vector<16xf32> to vector<1x16xf32>
      tpu.vector_store %arg5[%swap3A_2911, %swap3A_2912], %swap3A_2915 {strides = array<i32>} : memref<8x1024xf32, #tpu.memory_space<vmem>>, vector<1x16xf32>,
      %swap3A_2916 = arith.constant 7 : i32
      %swap3A_2917 = arith.index_cast %swap3A_2916 : i32 to index
      %swap3A_2918 = arith.constant 544 : index
      %swap3A_2919 = tpu.vector_load %arg5[%swap3A_2917, %swap3A_2918] {strides = array<i32>} : memref<8x1024xf32, #tpu.memory_space<vmem>>, vector<1x16xf32>,
      %swap3A_2920 = vector.shape_cast %swap3A_2919 : vector<1x16xf32> to vector<16xf32>
      %swap3A_2921 = vector.shape_cast %div3A_24 : vector<16xf32> to vector<1x16xf32>
      tpu.vector_store %arg5[%swap3A_2917, %swap3A_2918], %swap3A_2921 {strides = array<i32>} : memref<8x1024xf32, #tpu.memory_space<vmem>>, vector<1x16xf32>,
      %swap3A_2922 = arith.constant 7 : i32
      %swap3A_2923 = arith.index_cast %swap3A_2922 : i32 to index
      %swap3A_2924 = arith.constant 560 : index
      %swap3A_2925 = tpu.vector_load %arg5[%swap3A_2923, %swap3A_2924] {strides = array<i32>} : memref<8x1024xf32, #tpu.memory_space<vmem>>, vector<1x16xf32>,
      %swap3A_2926 = vector.shape_cast %swap3A_2925 : vector<1x16xf32> to vector<16xf32>
      %swap3A_2927 = vector.shape_cast %div3A_24 : vector<16xf32> to vector<1x16xf32>
      tpu.vector_store %arg5[%swap3A_2923, %swap3A_2924], %swap3A_2927 {strides = array<i32>} : memref<8x1024xf32, #tpu.memory_space<vmem>>, vector<1x16xf32>,
      %swap3A_2928 = arith.constant 7 : i32
      %swap3A_2929 = arith.index_cast %swap3A_2928 : i32 to index
      %swap3A_2930 = arith.constant 576 : index
      %swap3A_2931 = tpu.vector_load %arg5[%swap3A_2929, %swap3A_2930] {strides = array<i32>} : memref<8x1024xf32, #tpu.memory_space<vmem>>, vector<1x16xf32>,
      %swap3A_2932 = vector.shape_cast %swap3A_2931 : vector<1x16xf32> to vector<16xf32>
      %swap3A_2933 = vector.shape_cast %div3A_24 : vector<16xf32> to vector<1x16xf32>
      tpu.vector_store %arg5[%swap3A_2929, %swap3A_2930], %swap3A_2933 {strides = array<i32>} : memref<8x1024xf32, #tpu.memory_space<vmem>>, vector<1x16xf32>,
      %swap3A_2934 = arith.constant 7 : i32
      %swap3A_2935 = arith.index_cast %swap3A_2934 : i32 to index
      %swap3A_2936 = arith.constant 592 : index
      %swap3A_2937 = tpu.vector_load %arg5[%swap3A_2935, %swap3A_2936] {strides = array<i32>} : memref<8x1024xf32, #tpu.memory_space<vmem>>, vector<1x16xf32>,
      %swap3A_2938 = vector.shape_cast %swap3A_2937 : vector<1x16xf32> to vector<16xf32>
      %swap3A_2939 = vector.shape_cast %div3A_24 : vector<16xf32> to vector<1x16xf32>
      tpu.vector_store %arg5[%swap3A_2935, %swap3A_2936], %swap3A_2939 {strides = array<i32>} : memref<8x1024xf32, #tpu.memory_space<vmem>>, vector<1x16xf32>,
      %swap3A_2940 = arith.constant 7 : i32
      %swap3A_2941 = arith.index_cast %swap3A_2940 : i32 to index
      %swap3A_2942 = arith.constant 608 : index
      %swap3A_2943 = tpu.vector_load %arg5[%swap3A_2941, %swap3A_2942] {strides = array<i32>} : memref<8x1024xf32, #tpu.memory_space<vmem>>, vector<1x16xf32>,
      %swap3A_2944 = vector.shape_cast %swap3A_2943 : vector<1x16xf32> to vector<16xf32>
      %swap3A_2945 = vector.shape_cast %div3A_24 : vector<16xf32> to vector<1x16xf32>
      tpu.vector_store %arg5[%swap3A_2941, %swap3A_2942], %swap3A_2945 {strides = array<i32>} : memref<8x1024xf32, #tpu.memory_space<vmem>>, vector<1x16xf32>,
      %swap3A_2946 = arith.constant 7 : i32
      %swap3A_2947 = arith.index_cast %swap3A_2946 : i32 to index
      %swap3A_2948 = arith.constant 624 : index
      %swap3A_2949 = tpu.vector_load %arg5[%swap3A_2947, %swap3A_2948] {strides = array<i32>} : memref<8x1024xf32, #tpu.memory_space<vmem>>, vector<1x16xf32>,
      %swap3A_2950 = vector.shape_cast %swap3A_2949 : vector<1x16xf32> to vector<16xf32>
      %swap3A_2951 = vector.shape_cast %div3A_24 : vector<16xf32> to vector<1x16xf32>
      tpu.vector_store %arg5[%swap3A_2947, %swap3A_2948], %swap3A_2951 {strides = array<i32>} : memref<8x1024xf32, #tpu.memory_space<vmem>>, vector<1x16xf32>,
      %swap3A_2952 = arith.constant 7 : i32
      %swap3A_2953 = arith.index_cast %swap3A_2952 : i32 to index
      %swap3A_2954 = arith.constant 640 : index
      %swap3A_2955 = tpu.vector_load %arg5[%swap3A_2953, %swap3A_2954] {strides = array<i32>} : memref<8x1024xf32, #tpu.memory_space<vmem>>, vector<1x16xf32>,
      %swap3A_2956 = vector.shape_cast %swap3A_2955 : vector<1x16xf32> to vector<16xf32>
      %swap3A_2957 = vector.shape_cast %div3A_24 : vector<16xf32> to vector<1x16xf32>
      tpu.vector_store %arg5[%swap3A_2953, %swap3A_2954], %swap3A_2957 {strides = array<i32>} : memref<8x1024xf32, #tpu.memory_space<vmem>>, vector<1x16xf32>,
      %swap3A_2958 = arith.constant 7 : i32
      %swap3A_2959 = arith.index_cast %swap3A_2958 : i32 to index
      %swap3A_2960 = arith.constant 656 : index
      %swap3A_2961 = tpu.vector_load %arg5[%swap3A_2959, %swap3A_2960] {strides = array<i32>} : memref<8x1024xf32, #tpu.memory_space<vmem>>, vector<1x16xf32>,
      %swap3A_2962 = vector.shape_cast %swap3A_2961 : vector<1x16xf32> to vector<16xf32>
      %swap3A_2963 = vector.shape_cast %div3A_24 : vector<16xf32> to vector<1x16xf32>
      tpu.vector_store %arg5[%swap3A_2959, %swap3A_2960], %swap3A_2963 {strides = array<i32>} : memref<8x1024xf32, #tpu.memory_space<vmem>>, vector<1x16xf32>,
      %swap3A_2964 = arith.constant 7 : i32
      %swap3A_2965 = arith.index_cast %swap3A_2964 : i32 to index
      %swap3A_2966 = arith.constant 672 : index
      %swap3A_2967 = tpu.vector_load %arg5[%swap3A_2965, %swap3A_2966] {strides = array<i32>} : memref<8x1024xf32, #tpu.memory_space<vmem>>, vector<1x16xf32>,
      %swap3A_2968 = vector.shape_cast %swap3A_2967 : vector<1x16xf32> to vector<16xf32>
      %swap3A_2969 = vector.shape_cast %div3A_24 : vector<16xf32> to vector<1x16xf32>
      tpu.vector_store %arg5[%swap3A_2965, %swap3A_2966], %swap3A_2969 {strides = array<i32>} : memref<8x1024xf32, #tpu.memory_space<vmem>>, vector<1x16xf32>,
      %swap3A_2970 = arith.constant 7 : i32
      %swap3A_2971 = arith.index_cast %swap3A_2970 : i32 to index
      %swap3A_2972 = arith.constant 688 : index
      %swap3A_2973 = tpu.vector_load %arg5[%swap3A_2971, %swap3A_2972] {strides = array<i32>} : memref<8x1024xf32, #tpu.memory_space<vmem>>, vector<1x16xf32>,
      %swap3A_2974 = vector.shape_cast %swap3A_2973 : vector<1x16xf32> to vector<16xf32>
      %swap3A_2975 = vector.shape_cast %div3A_24 : vector<16xf32> to vector<1x16xf32>
      tpu.vector_store %arg5[%swap3A_2971, %swap3A_2972], %swap3A_2975 {strides = array<i32>} : memref<8x1024xf32, #tpu.memory_space<vmem>>, vector<1x16xf32>,
      %swap3A_2976 = arith.constant 7 : i32
      %swap3A_2977 = arith.index_cast %swap3A_2976 : i32 to index
      %swap3A_2978 = arith.constant 704 : index
      %swap3A_2979 = tpu.vector_load %arg5[%swap3A_2977, %swap3A_2978] {strides = array<i32>} : memref<8x1024xf32, #tpu.memory_space<vmem>>, vector<1x16xf32>,
      %swap3A_2980 = vector.shape_cast %swap3A_2979 : vector<1x16xf32> to vector<16xf32>
      %swap3A_2981 = vector.shape_cast %div3A_24 : vector<16xf32> to vector<1x16xf32>
      tpu.vector_store %arg5[%swap3A_2977, %swap3A_2978], %swap3A_2981 {strides = array<i32>} : memref<8x1024xf32, #tpu.memory_space<vmem>>, vector<1x16xf32>,
      %swap3A_2982 = arith.constant 7 : i32
      %swap3A_2983 = arith.index_cast %swap3A_2982 : i32 to index
      %swap3A_2984 = arith.constant 720 : index
      %swap3A_2985 = tpu.vector_load %arg5[%swap3A_2983, %swap3A_2984] {strides = array<i32>} : memref<8x1024xf32, #tpu.memory_space<vmem>>, vector<1x16xf32>,
      %swap3A_2986 = vector.shape_cast %swap3A_2985 : vector<1x16xf32> to vector<16xf32>
      %swap3A_2987 = vector.shape_cast %div3A_24 : vector<16xf32> to vector<1x16xf32>
      tpu.vector_store %arg5[%swap3A_2983, %swap3A_2984], %swap3A_2987 {strides = array<i32>} : memref<8x1024xf32, #tpu.memory_space<vmem>>, vector<1x16xf32>,
      %swap3A_2988 = arith.constant 7 : i32
      %swap3A_2989 = arith.index_cast %swap3A_2988 : i32 to index
      %swap3A_2990 = arith.constant 736 : index
      %swap3A_2991 = tpu.vector_load %arg5[%swap3A_2989, %swap3A_2990] {strides = array<i32>} : memref<8x1024xf32, #tpu.memory_space<vmem>>, vector<1x16xf32>,
      %swap3A_2992 = vector.shape_cast %swap3A_2991 : vector<1x16xf32> to vector<16xf32>
      %swap3A_2993 = vector.shape_cast %div3A_24 : vector<16xf32> to vector<1x16xf32>
      tpu.vector_store %arg5[%swap3A_2989, %swap3A_2990], %swap3A_2993 {strides = array<i32>} : memref<8x1024xf32, #tpu.memory_space<vmem>>, vector<1x16xf32>,
      %swap3A_2994 = arith.constant 7 : i32
      %swap3A_2995 = arith.index_cast %swap3A_2994 : i32 to index
      %swap3A_2996 = arith.constant 752 : index
      %swap3A_2997 = tpu.vector_load %arg5[%swap3A_2995, %swap3A_2996] {strides = array<i32>} : memref<8x1024xf32, #tpu.memory_space<vmem>>, vector<1x16xf32>,
      %swap3A_2998 = vector.shape_cast %swap3A_2997 : vector<1x16xf32> to vector<16xf32>
      %swap3A_2999 = vector.shape_cast %div3A_24 : vector<16xf32> to vector<1x16xf32>
      tpu.vector_store %arg5[%swap3A_2995, %swap3A_2996], %swap3A_2999 {strides = array<i32>} : memref<8x1024xf32, #tpu.memory_space<vmem>>, vector<1x16xf32>,
      %swap3A_3000 = arith.constant 7 : i32
      %swap3A_3001 = arith.index_cast %swap3A_3000 : i32 to index
      %swap3A_3002 = arith.constant 768 : index
      %swap3A_3003 = tpu.vector_load %arg5[%swap3A_3001, %swap3A_3002] {strides = array<i32>} : memref<8x1024xf32, #tpu.memory_space<vmem>>, vector<1x16xf32>,
      %swap3A_3004 = vector.shape_cast %swap3A_3003 : vector<1x16xf32> to vector<16xf32>
      %swap3A_3005 = vector.shape_cast %div3A_24 : vector<16xf32> to vector<1x16xf32>
      tpu.vector_store %arg5[%swap3A_3001, %swap3A_3002], %swap3A_3005 {strides = array<i32>} : memref<8x1024xf32, #tpu.memory_space<vmem>>, vector<1x16xf32>,
      %swap3A_3006 = arith.constant 7 : i32
      %swap3A_3007 = arith.index_cast %swap3A_3006 : i32 to index
      %swap3A_3008 = arith.constant 784 : index
      %swap3A_3009 = tpu.vector_load %arg5[%swap3A_3007, %swap3A_3008] {strides = array<i32>} : memref<8x1024xf32, #tpu.memory_space<vmem>>, vector<1x16xf32>,
      %swap3A_3010 = vector.shape_cast %swap3A_3009 : vector<1x16xf32> to vector<16xf32>
      %swap3A_3011 = vector.shape_cast %div3A_24 : vector<16xf32> to vector<1x16xf32>
      tpu.vector_store %arg5[%swap3A_3007, %swap3A_3008], %swap3A_3011 {strides = array<i32>} : memref<8x1024xf32, #tpu.memory_space<vmem>>, vector<1x16xf32>,
      %swap3A_3012 = arith.constant 7 : i32
      %swap3A_3013 = arith.index_cast %swap3A_3012 : i32 to index
      %swap3A_3014 = arith.constant 800 : index
      %swap3A_3015 = tpu.vector_load %arg5[%swap3A_3013, %swap3A_3014] {strides = array<i32>} : memref<8x1024xf32, #tpu.memory_space<vmem>>, vector<1x16xf32>,
      %swap3A_3016 = vector.shape_cast %swap3A_3015 : vector<1x16xf32> to vector<16xf32>
      %swap3A_3017 = vector.shape_cast %div3A_24 : vector<16xf32> to vector<1x16xf32>
      tpu.vector_store %arg5[%swap3A_3013, %swap3A_3014], %swap3A_3017 {strides = array<i32>} : memref<8x1024xf32, #tpu.memory_space<vmem>>, vector<1x16xf32>,
      %swap3A_3018 = arith.constant 7 : i32
      %swap3A_3019 = arith.index_cast %swap3A_3018 : i32 to index
      %swap3A_3020 = arith.constant 816 : index
      %swap3A_3021 = tpu.vector_load %arg5[%swap3A_3019, %swap3A_3020] {strides = array<i32>} : memref<8x1024xf32, #tpu.memory_space<vmem>>, vector<1x16xf32>,
      %swap3A_3022 = vector.shape_cast %swap3A_3021 : vector<1x16xf32> to vector<16xf32>
      %swap3A_3023 = vector.shape_cast %div3A_24 : vector<16xf32> to vector<1x16xf32>
      tpu.vector_store %arg5[%swap3A_3019, %swap3A_3020], %swap3A_3023 {strides = array<i32>} : memref<8x1024xf32, #tpu.memory_space<vmem>>, vector<1x16xf32>,
      %swap3A_3024 = arith.constant 7 : i32
      %swap3A_3025 = arith.index_cast %swap3A_3024 : i32 to index
      %swap3A_3026 = arith.constant 832 : index
      %swap3A_3027 = tpu.vector_load %arg5[%swap3A_3025, %swap3A_3026] {strides = array<i32>} : memref<8x1024xf32, #tpu.memory_space<vmem>>, vector<1x16xf32>,
      %swap3A_3028 = vector.shape_cast %swap3A_3027 : vector<1x16xf32> to vector<16xf32>
      %swap3A_3029 = vector.shape_cast %div3A_24 : vector<16xf32> to vector<1x16xf32>
      tpu.vector_store %arg5[%swap3A_3025, %swap3A_3026], %swap3A_3029 {strides = array<i32>} : memref<8x1024xf32, #tpu.memory_space<vmem>>, vector<1x16xf32>,
      %swap3A_3030 = arith.constant 7 : i32
      %swap3A_3031 = arith.index_cast %swap3A_3030 : i32 to index
      %swap3A_3032 = arith.constant 848 : index
      %swap3A_3033 = tpu.vector_load %arg5[%swap3A_3031, %swap3A_3032] {strides = array<i32>} : memref<8x1024xf32, #tpu.memory_space<vmem>>, vector<1x16xf32>,
      %swap3A_3034 = vector.shape_cast %swap3A_3033 : vector<1x16xf32> to vector<16xf32>
      %swap3A_3035 = vector.shape_cast %div3A_24 : vector<16xf32> to vector<1x16xf32>
      tpu.vector_store %arg5[%swap3A_3031, %swap3A_3032], %swap3A_3035 {strides = array<i32>} : memref<8x1024xf32, #tpu.memory_space<vmem>>, vector<1x16xf32>,
      %swap3A_3036 = arith.constant 7 : i32
      %swap3A_3037 = arith.index_cast %swap3A_3036 : i32 to index
      %swap3A_3038 = arith.constant 864 : index
      %swap3A_3039 = tpu.vector_load %arg5[%swap3A_3037, %swap3A_3038] {strides = array<i32>} : memref<8x1024xf32, #tpu.memory_space<vmem>>, vector<1x16xf32>,
      %swap3A_3040 = vector.shape_cast %swap3A_3039 : vector<1x16xf32> to vector<16xf32>
      %swap3A_3041 = vector.shape_cast %div3A_24 : vector<16xf32> to vector<1x16xf32>
      tpu.vector_store %arg5[%swap3A_3037, %swap3A_3038], %swap3A_3041 {strides = array<i32>} : memref<8x1024xf32, #tpu.memory_space<vmem>>, vector<1x16xf32>,
      %swap3A_3042 = arith.constant 7 : i32
      %swap3A_3043 = arith.index_cast %swap3A_3042 : i32 to index
      %swap3A_3044 = arith.constant 880 : index
      %swap3A_3045 = tpu.vector_load %arg5[%swap3A_3043, %swap3A_3044] {strides = array<i32>} : memref<8x1024xf32, #tpu.memory_space<vmem>>, vector<1x16xf32>,
      %swap3A_3046 = vector.shape_cast %swap3A_3045 : vector<1x16xf32> to vector<16xf32>
      %swap3A_3047 = vector.shape_cast %div3A_24 : vector<16xf32> to vector<1x16xf32>
      tpu.vector_store %arg5[%swap3A_3043, %swap3A_3044], %swap3A_3047 {strides = array<i32>} : memref<8x1024xf32, #tpu.memory_space<vmem>>, vector<1x16xf32>,
      %swap3A_3048 = arith.constant 7 : i32
      %swap3A_3049 = arith.index_cast %swap3A_3048 : i32 to index
      %swap3A_3050 = arith.constant 896 : index
      %swap3A_3051 = tpu.vector_load %arg5[%swap3A_3049, %swap3A_3050] {strides = array<i32>} : memref<8x1024xf32, #tpu.memory_space<vmem>>, vector<1x16xf32>,
      %swap3A_3052 = vector.shape_cast %swap3A_3051 : vector<1x16xf32> to vector<16xf32>
      %swap3A_3053 = vector.shape_cast %div3A_24 : vector<16xf32> to vector<1x16xf32>
      tpu.vector_store %arg5[%swap3A_3049, %swap3A_3050], %swap3A_3053 {strides = array<i32>} : memref<8x1024xf32, #tpu.memory_space<vmem>>, vector<1x16xf32>,
      %swap3A_3054 = arith.constant 7 : i32
      %swap3A_3055 = arith.index_cast %swap3A_3054 : i32 to index
      %swap3A_3056 = arith.constant 912 : index
      %swap3A_3057 = tpu.vector_load %arg5[%swap3A_3055, %swap3A_3056] {strides = array<i32>} : memref<8x1024xf32, #tpu.memory_space<vmem>>, vector<1x16xf32>,
      %swap3A_3058 = vector.shape_cast %swap3A_3057 : vector<1x16xf32> to vector<16xf32>
      %swap3A_3059 = vector.shape_cast %div3A_24 : vector<16xf32> to vector<1x16xf32>
      tpu.vector_store %arg5[%swap3A_3055, %swap3A_3056], %swap3A_3059 {strides = array<i32>} : memref<8x1024xf32, #tpu.memory_space<vmem>>, vector<1x16xf32>,
      %swap3A_3060 = arith.constant 7 : i32
      %swap3A_3061 = arith.index_cast %swap3A_3060 : i32 to index
      %swap3A_3062 = arith.constant 928 : index
      %swap3A_3063 = tpu.vector_load %arg5[%swap3A_3061, %swap3A_3062] {strides = array<i32>} : memref<8x1024xf32, #tpu.memory_space<vmem>>, vector<1x16xf32>,
      %swap3A_3064 = vector.shape_cast %swap3A_3063 : vector<1x16xf32> to vector<16xf32>
      %swap3A_3065 = vector.shape_cast %div3A_24 : vector<16xf32> to vector<1x16xf32>
      tpu.vector_store %arg5[%swap3A_3061, %swap3A_3062], %swap3A_3065 {strides = array<i32>} : memref<8x1024xf32, #tpu.memory_space<vmem>>, vector<1x16xf32>,
      %swap3A_3066 = arith.constant 7 : i32
      %swap3A_3067 = arith.index_cast %swap3A_3066 : i32 to index
      %swap3A_3068 = arith.constant 944 : index
      %swap3A_3069 = tpu.vector_load %arg5[%swap3A_3067, %swap3A_3068] {strides = array<i32>} : memref<8x1024xf32, #tpu.memory_space<vmem>>, vector<1x16xf32>,
      %swap3A_3070 = vector.shape_cast %swap3A_3069 : vector<1x16xf32> to vector<16xf32>
      %swap3A_3071 = vector.shape_cast %div3A_24 : vector<16xf32> to vector<1x16xf32>
      tpu.vector_store %arg5[%swap3A_3067, %swap3A_3068], %swap3A_3071 {strides = array<i32>} : memref<8x1024xf32, #tpu.memory_space<vmem>>, vector<1x16xf32>,
      %swap3A_3072 = arith.constant 7 : i32
      %swap3A_3073 = arith.index_cast %swap3A_3072 : i32 to index
      %swap3A_3074 = arith.constant 960 : index
      %swap3A_3075 = tpu.vector_load %arg5[%swap3A_3073, %swap3A_3074] {strides = array<i32>} : memref<8x1024xf32, #tpu.memory_space<vmem>>, vector<1x16xf32>,
      %swap3A_3076 = vector.shape_cast %swap3A_3075 : vector<1x16xf32> to vector<16xf32>
      %swap3A_3077 = vector.shape_cast %div3A_24 : vector<16xf32> to vector<1x16xf32>
      tpu.vector_store %arg5[%swap3A_3073, %swap3A_3074], %swap3A_3077 {strides = array<i32>} : memref<8x1024xf32, #tpu.memory_space<vmem>>, vector<1x16xf32>,
      %swap3A_3078 = arith.constant 7 : i32
      %swap3A_3079 = arith.index_cast %swap3A_3078 : i32 to index
      %swap3A_3080 = arith.constant 976 : index
      %swap3A_3081 = tpu.vector_load %arg5[%swap3A_3079, %swap3A_3080] {strides = array<i32>} : memref<8x1024xf32, #tpu.memory_space<vmem>>, vector<1x16xf32>,
      %swap3A_3082 = vector.shape_cast %swap3A_3081 : vector<1x16xf32> to vector<16xf32>
      %swap3A_3083 = vector.shape_cast %div3A_24 : vector<16xf32> to vector<1x16xf32>
      tpu.vector_store %arg5[%swap3A_3079, %swap3A_3080], %swap3A_3083 {strides = array<i32>} : memref<8x1024xf32, #tpu.memory_space<vmem>>, vector<1x16xf32>,
      %swap3A_3084 = arith.constant 7 : i32
      %swap3A_3085 = arith.index_cast %swap3A_3084 : i32 to index
      %swap3A_3086 = arith.constant 992 : index
      %swap3A_3087 = tpu.vector_load %arg5[%swap3A_3085, %swap3A_3086] {strides = array<i32>} : memref<8x1024xf32, #tpu.memory_space<vmem>>, vector<1x16xf32>,
      %swap3A_3088 = vector.shape_cast %swap3A_3087 : vector<1x16xf32> to vector<16xf32>
      %swap3A_3089 = vector.shape_cast %div3A_24 : vector<16xf32> to vector<1x16xf32>
      tpu.vector_store %arg5[%swap3A_3085, %swap3A_3086], %swap3A_3089 {strides = array<i32>} : memref<8x1024xf32, #tpu.memory_space<vmem>>, vector<1x16xf32>,
      %swap3A_3090 = arith.constant 7 : i32
      %swap3A_3091 = arith.index_cast %swap3A_3090 : i32 to index
      %swap3A_3092 = arith.constant 1008 : index
      %swap3A_3093 = tpu.vector_load %arg5[%swap3A_3091, %swap3A_3092] {strides = array<i32>} : memref<8x1024xf32, #tpu.memory_space<vmem>>, vector<1x16xf32>,
      %swap3A_3094 = vector.shape_cast %swap3A_3093 : vector<1x16xf32> to vector<16xf32>
      %swap3A_3095 = vector.shape_cast %div3A_24 : vector<16xf32> to vector<1x16xf32>
      tpu.vector_store %arg5[%swap3A_3091, %swap3A_3092], %swap3A_3095 {strides = array<i32>} : memref<8x1024xf32, #tpu.memory_space<vmem>>, vector<1x16xf32>,
      %mul3A_3096 = arith.constant 40 : i32
      %mul3A_3097 = arith.muli %add3A, %mul3A_3096 : i32
      %add3A_3098 = arith.constant 0 : i32
      %add3A_3099 = arith.addi %mul3A_3097, %add3A_3098 : i32
      %add3A_3100 = arith.constant 8 : i32
      %add3A_3101 = arith.addi %mul3A_3097, %add3A_3100 : i32
      %add3A_3102 = arith.constant 16 : i32
      %add3A_3103 = arith.addi %mul3A_3097, %add3A_3102 : i32
      %add3A_3104 = arith.constant 24 : i32
      %add3A_3105 = arith.addi %mul3A_3097, %add3A_3104 : i32
      %add3A_3106 = arith.constant 32 : i32
      %add3A_3107 = arith.addi %mul3A_3097, %add3A_3106 : i32
      %dma_start3A = arith.constant 0 : i32
      %dma_start3A_3108 = tpu.memref_slice %arg3[%add3A_3099, %dma_start3A] : memref<1000x1024xf32, #tpu.memory_space<hbm>> -> memref<8x1024xf32, #tpu.memory_space<hbm>>
      %dma_start3A_3109 = arith.constant 0 : i32
      %dma_start3A_3110 = tpu.memref_slice %arg3[%add3A_3099, %dma_start3A_3109] : memref<1000x1024xf32, #tpu.memory_space<hbm>> -> memref<8x1024xf32, #tpu.memory_space<hbm>>
      tpu.enqueue_dma source(%arg5 : memref<8x1024xf32, #tpu.memory_space<vmem>>) target(%dma_start3A_3110 : memref<8x1024xf32, #tpu.memory_space<hbm>>) target_semaphore(%arg6 : memref<!tpu.dma_semaphore, #tpu.memory_space<semaphore_mem>>)
      %dma_start3A_3111 = arith.constant 0 : i32
      %dma_start3A_3112 = tpu.memref_slice %arg3[%add3A_3101, %dma_start3A_3111] : memref<1000x1024xf32, #tpu.memory_space<hbm>> -> memref<8x1024xf32, #tpu.memory_space<hbm>>
      %dma_start3A_3113 = arith.constant 0 : i32
      %dma_start3A_3114 = tpu.memref_slice %arg3[%add3A_3101, %dma_start3A_3113] : memref<1000x1024xf32, #tpu.memory_space<hbm>> -> memref<8x1024xf32, #tpu.memory_space<hbm>>
      tpu.enqueue_dma source(%arg5 : memref<8x1024xf32, #tpu.memory_space<vmem>>) target(%dma_start3A_3114 : memref<8x1024xf32, #tpu.memory_space<hbm>>) target_semaphore(%arg6 : memref<!tpu.dma_semaphore, #tpu.memory_space<semaphore_mem>>)
      %dma_start3A_3115 = arith.constant 0 : i32
      %dma_start3A_3116 = tpu.memref_slice %arg3[%add3A_3103, %dma_start3A_3115] : memref<1000x1024xf32, #tpu.memory_space<hbm>> -> memref<8x1024xf32, #tpu.memory_space<hbm>>
      %dma_start3A_3117 = arith.constant 0 : i32
      %dma_start3A_3118 = tpu.memref_slice %arg3[%add3A_3103, %dma_start3A_3117] : memref<1000x1024xf32, #tpu.memory_space<hbm>> -> memref<8x1024xf32, #tpu.memory_space<hbm>>
      tpu.enqueue_dma source(%arg5 : memref<8x1024xf32, #tpu.memory_space<vmem>>) target(%dma_start3A_3118 : memref<8x1024xf32, #tpu.memory_space<hbm>>) target_semaphore(%arg6 : memref<!tpu.dma_semaphore, #tpu.memory_space<semaphore_mem>>)
      %dma_start3A_3119 = arith.constant 0 : i32
      %dma_start3A_3120 = tpu.memref_slice %arg3[%add3A_3105, %dma_start3A_3119] : memref<1000x1024xf32, #tpu.memory_space<hbm>> -> memref<8x1024xf32, #tpu.memory_space<hbm>>
      %dma_start3A_3121 = arith.constant 0 : i32
      %dma_start3A_3122 = tpu.memref_slice %arg3[%add3A_3105, %dma_start3A_3121] : memref<1000x1024xf32, #tpu.memory_space<hbm>> -> memref<8x1024xf32, #tpu.memory_space<hbm>>
      tpu.enqueue_dma source(%arg5 : memref<8x1024xf32, #tpu.memory_space<vmem>>) target(%dma_start3A_3122 : memref<8x1024xf32, #tpu.memory_space<hbm>>) target_semaphore(%arg6 : memref<!tpu.dma_semaphore, #tpu.memory_space<semaphore_mem>>)
      %dma_start3A_3123 = arith.constant 0 : i32
      %dma_start3A_3124 = tpu.memref_slice %arg3[%add3A_3107, %dma_start3A_3123] : memref<1000x1024xf32, #tpu.memory_space<hbm>> -> memref<8x1024xf32, #tpu.memory_space<hbm>>
      %dma_start3A_3125 = arith.constant 0 : i32
      %dma_start3A_3126 = tpu.memref_slice %arg3[%add3A_3107, %dma_start3A_3125] : memref<1000x1024xf32, #tpu.memory_space<hbm>> -> memref<8x1024xf32, #tpu.memory_space<hbm>>
      tpu.enqueue_dma source(%arg5 : memref<8x1024xf32, #tpu.memory_space<vmem>>) target(%dma_start3A_3126 : memref<8x1024xf32, #tpu.memory_space<hbm>>) target_semaphore(%arg6 : memref<!tpu.dma_semaphore, #tpu.memory_space<semaphore_mem>>)
      %dma_wait3A = arith.constant 0 : i32
      %dma_wait3A_3127 = tpu.memref_slice %arg3[%add3A_3099, %dma_wait3A] : memref<1000x1024xf32, #tpu.memory_space<hbm>> -> memref<8x1024xf32, #tpu.memory_space<hbm>>
      %dma_wait3A_3128 = arith.constant 0 : i32
      %dma_wait3A_3129 = tpu.memref_slice %arg3[%add3A_3099, %dma_wait3A_3128] : memref<1000x1024xf32, #tpu.memory_space<hbm>> -> memref<8x1024xf32, #tpu.memory_space<hbm>>
      tpu.wait_dma2 semaphore(%arg6 : memref<!tpu.dma_semaphore, #tpu.memory_space<semaphore_mem>>) src(%arg5 : memref<8x1024xf32, #tpu.memory_space<vmem>>) dst(%dma_wait3A_3129 : memref<8x1024xf32, #tpu.memory_space<hbm>>)
      %dma_wait3A_3130 = arith.constant 0 : i32
      %dma_wait3A_3131 = tpu.memref_slice %arg3[%add3A_3101, %dma_wait3A_3130] : memref<1000x1024xf32, #tpu.memory_space<hbm>> -> memref<8x1024xf32, #tpu.memory_space<hbm>>
      %dma_wait3A_3132 = arith.constant 0 : i32
      %dma_wait3A_3133 = tpu.memref_slice %arg3[%add3A_3101, %dma_wait3A_3132] : memref<1000x1024xf32, #tpu.memory_space<hbm>> -> memref<8x1024xf32, #tpu.memory_space<hbm>>
      tpu.wait_dma2 semaphore(%arg6 : memref<!tpu.dma_semaphore, #tpu.memory_space<semaphore_mem>>) src(%arg5 : memref<8x1024xf32, #tpu.memory_space<vmem>>) dst(%dma_wait3A_3133 : memref<8x1024xf32, #tpu.memory_space<hbm>>)
      %dma_wait3A_3134 = arith.constant 0 : i32
      %dma_wait3A_3135 = tpu.memref_slice %arg3[%add3A_3103, %dma_wait3A_3134] : memref<1000x1024xf32, #tpu.memory_space<hbm>> -> memref<8x1024xf32, #tpu.memory_space<hbm>>
      %dma_wait3A_3136 = arith.constant 0 : i32
      %dma_wait3A_3137 = tpu.memref_slice %arg3[%add3A_3103, %dma_wait3A_3136] : memref<1000x1024xf32, #tpu.memory_space<hbm>> -> memref<8x1024xf32, #tpu.memory_space<hbm>>
      tpu.wait_dma2 semaphore(%arg6 : memref<!tpu.dma_semaphore, #tpu.memory_space<semaphore_mem>>) src(%arg5 : memref<8x1024xf32, #tpu.memory_space<vmem>>) dst(%dma_wait3A_3137 : memref<8x1024xf32, #tpu.memory_space<hbm>>)
      %dma_wait3A_3138 = arith.constant 0 : i32
      %dma_wait3A_3139 = tpu.memref_slice %arg3[%add3A_3105, %dma_wait3A_3138] : memref<1000x1024xf32, #tpu.memory_space<hbm>> -> memref<8x1024xf32, #tpu.memory_space<hbm>>
      %dma_wait3A_3140 = arith.constant 0 : i32
      %dma_wait3A_3141 = tpu.memref_slice %arg3[%add3A_3105, %dma_wait3A_3140] : memref<1000x1024xf32, #tpu.memory_space<hbm>> -> memref<8x1024xf32, #tpu.memory_space<hbm>>
      tpu.wait_dma2 semaphore(%arg6 : memref<!tpu.dma_semaphore, #tpu.memory_space<semaphore_mem>>) src(%arg5 : memref<8x1024xf32, #tpu.memory_space<vmem>>) dst(%dma_wait3A_3141 : memref<8x1024xf32, #tpu.memory_space<hbm>>)
      %dma_wait3A_3142 = arith.constant 0 : i32
      %dma_wait3A_3143 = tpu.memref_slice %arg3[%add3A_3107, %dma_wait3A_3142] : memref<1000x1024xf32, #tpu.memory_space<hbm>> -> memref<8x1024xf32, #tpu.memory_space<hbm>>
      %dma_wait3A_3144 = arith.constant 0 : i32
      %dma_wait3A_3145 = tpu.memref_slice %arg3[%add3A_3107, %dma_wait3A_3144] : memref<1000x1024xf32, #tpu.memory_space<hbm>> -> memref<8x1024xf32, #tpu.memory_space<hbm>>
      tpu.wait_dma2 semaphore(%arg6 : memref<!tpu.dma_semaphore, #tpu.memory_space<semaphore_mem>>) src(%arg5 : memref<8x1024xf32, #tpu.memory_space<vmem>>) dst(%dma_wait3A_3145 : memref<8x1024xf32, #tpu.memory_space<hbm>>)
    } else {
    }
    return
  }
}

module attributes {stable_mosaic.version = 14 : i64} {
  func.func @_tc_body(%arg0: i32, %arg1: memref<25x64x1024xf32, #tpu.memory_space<vmem>>, %arg2: memref<16x64xf32, #tpu.memory_space<vmem>>, %arg3: memref<1x16xf32, #tpu.memory_space<vmem>>, %arg4: memref<1x1x400xf32, #tpu.memory_space<vmem>>, %arg5: memref<1x1xf32, #tpu.memory_space<vmem>>, %arg6: memref<1x1024xf32, #tpu.memory_space<vmem>>, %arg7: memref<400x1024xf32, #tpu.memory_space<vmem>>, %arg8: memref<16x1xf32, #tpu.memory_space<vmem>>) attributes {dimension_semantics = [#tpu.dimension_semantics<arbitrary>], iteration_bounds = array<i64: 20>, scalar_prefetch = 0 : i64, scratch_operands = 2 : i64, tpu.core_type = #tpu.core_type<tc>, window_params = [{transform_indices = @transform_0, window_bounds = array<i64: 25, 64, 1024>}, {pipeline_mode = #tpu.pipeline_mode<synchronous>, transform_indices = @transform_1, window_bounds = array<i64: 16, 64>}, {pipeline_mode = #tpu.pipeline_mode<synchronous>, transform_indices = @transform_2, window_bounds = array<i64: 1, 16>}, {transform_indices = @transform_3, window_bounds = array<i64: 1, 1, 400>}, {pipeline_mode = #tpu.pipeline_mode<synchronous>, transform_indices = @transform_4, window_bounds = array<i64: 1, 1>}, {pipeline_mode = #tpu.pipeline_mode<synchronous>, transform_indices = @transform_5, window_bounds = array<i64: 1, 1024>}]} {
    %eq3A = arith.constant 0 : i32
    %eq3A_0 = arith.cmpi eq, %arg0, %eq3A : i32
    %convert_element_type3A = arith.extui %eq3A_0 : i1 to i32
    %cond3A = arith.constant 0 : i32
    %cond3A_1 = arith.cmpi ne, %convert_element_type3A, %cond3A : i32
    scf.if %cond3A_1 {
      %get3A_395 = arith.constant 0 : index
      %get3A_396 = arith.constant 0 : index
      %get3A_397 = vector.load %arg5[%get3A_395, %get3A_396] : memref<1x1xf32, #tpu.memory_space<vmem>>, vector<1x1xf32>
      %get3A_398 = vector.extract %get3A_397[0, 0] : f32 from vector<1x1xf32>
      %broadcast_in_dim3A = vector.broadcast %get3A_398 : f32 to vector<1x1024xf32>
      %swap3A_399 = arith.constant 0 : index
      %swap3A_400 = arith.constant 0 : index
      %swap3A_401 = vector.load %arg6[%swap3A_399, %swap3A_400] : memref<1x1024xf32, #tpu.memory_space<vmem>>, vector<1x1024xf32>
      tpu.vector_store %arg6[%swap3A_399, %swap3A_400], %broadcast_in_dim3A {strides = array<i32>} : memref<1x1024xf32, #tpu.memory_space<vmem>>, vector<1x1024xf32>,
      %iota3A = tpu.iota {dimensions = array<i32: 0>} : vector<16x1xi32>
      %broadcast_in_dim3A_402 = arith.constant 0.000000e+00 : f32
      %broadcast_in_dim3A_403 = vector.broadcast %broadcast_in_dim3A_402 : f32 to vector<16x1xf32>
      %eq3A_404 = arith.constant 0 : i32
      %eq3A_405 = vector.broadcast %eq3A_404 : i32 to vector<16x1xi32>
      %eq3A_406 = arith.cmpi eq, %iota3A, %eq3A_405 : vector<16x1xi32>
      %get3A_407 = arith.constant 0 : index
      %get3A_408 = arith.constant 0 : index
      %get3A_409 = vector.load %arg3[%get3A_407, %get3A_408] : memref<1x16xf32, #tpu.memory_space<vmem>>, vector<1x1xf32>
      %get3A_410 = vector.extract %get3A_409[0, 0] : f32 from vector<1x1xf32>
      %broadcast_in_dim3A_411 = vector.broadcast %get3A_410 : f32 to vector<16x1xf32>
      %select_n3A = arith.select %eq3A_406, %broadcast_in_dim3A_411, %broadcast_in_dim3A_403 : vector<16x1xi1>, vector<16x1xf32>
      %eq3A_412 = arith.constant 1 : i32
      %eq3A_413 = vector.broadcast %eq3A_412 : i32 to vector<16x1xi32>
      %eq3A_414 = arith.cmpi eq, %iota3A, %eq3A_413 : vector<16x1xi32>
      %get3A_415 = arith.constant 0 : index
      %get3A_416 = arith.constant 1 : index
      %get3A_417 = vector.load %arg3[%get3A_415, %get3A_416] : memref<1x16xf32, #tpu.memory_space<vmem>>, vector<1x1xf32>
      %get3A_418 = vector.extract %get3A_417[0, 0] : f32 from vector<1x1xf32>
      %broadcast_in_dim3A_419 = vector.broadcast %get3A_418 : f32 to vector<16x1xf32>
      %select_n3A_420 = arith.select %eq3A_414, %broadcast_in_dim3A_419, %select_n3A : vector<16x1xi1>, vector<16x1xf32>
      %eq3A_421 = arith.constant 2 : i32
      %eq3A_422 = vector.broadcast %eq3A_421 : i32 to vector<16x1xi32>
      %eq3A_423 = arith.cmpi eq, %iota3A, %eq3A_422 : vector<16x1xi32>
      %get3A_424 = arith.constant 0 : index
      %get3A_425 = arith.constant 2 : index
      %get3A_426 = vector.load %arg3[%get3A_424, %get3A_425] : memref<1x16xf32, #tpu.memory_space<vmem>>, vector<1x1xf32>
      %get3A_427 = vector.extract %get3A_426[0, 0] : f32 from vector<1x1xf32>
      %broadcast_in_dim3A_428 = vector.broadcast %get3A_427 : f32 to vector<16x1xf32>
      %select_n3A_429 = arith.select %eq3A_423, %broadcast_in_dim3A_428, %select_n3A_420 : vector<16x1xi1>, vector<16x1xf32>
      %eq3A_430 = arith.constant 3 : i32
      %eq3A_431 = vector.broadcast %eq3A_430 : i32 to vector<16x1xi32>
      %eq3A_432 = arith.cmpi eq, %iota3A, %eq3A_431 : vector<16x1xi32>
      %get3A_433 = arith.constant 0 : index
      %get3A_434 = arith.constant 3 : index
      %get3A_435 = vector.load %arg3[%get3A_433, %get3A_434] : memref<1x16xf32, #tpu.memory_space<vmem>>, vector<1x1xf32>
      %get3A_436 = vector.extract %get3A_435[0, 0] : f32 from vector<1x1xf32>
      %broadcast_in_dim3A_437 = vector.broadcast %get3A_436 : f32 to vector<16x1xf32>
      %select_n3A_438 = arith.select %eq3A_432, %broadcast_in_dim3A_437, %select_n3A_429 : vector<16x1xi1>, vector<16x1xf32>
      %eq3A_439 = arith.constant 4 : i32
      %eq3A_440 = vector.broadcast %eq3A_439 : i32 to vector<16x1xi32>
      %eq3A_441 = arith.cmpi eq, %iota3A, %eq3A_440 : vector<16x1xi32>
      %get3A_442 = arith.constant 0 : index
      %get3A_443 = arith.constant 4 : index
      %get3A_444 = vector.load %arg3[%get3A_442, %get3A_443] : memref<1x16xf32, #tpu.memory_space<vmem>>, vector<1x1xf32>
      %get3A_445 = vector.extract %get3A_444[0, 0] : f32 from vector<1x1xf32>
      %broadcast_in_dim3A_446 = vector.broadcast %get3A_445 : f32 to vector<16x1xf32>
      %select_n3A_447 = arith.select %eq3A_441, %broadcast_in_dim3A_446, %select_n3A_438 : vector<16x1xi1>, vector<16x1xf32>
      %eq3A_448 = arith.constant 5 : i32
      %eq3A_449 = vector.broadcast %eq3A_448 : i32 to vector<16x1xi32>
      %eq3A_450 = arith.cmpi eq, %iota3A, %eq3A_449 : vector<16x1xi32>
      %get3A_451 = arith.constant 0 : index
      %get3A_452 = arith.constant 5 : index
      %get3A_453 = vector.load %arg3[%get3A_451, %get3A_452] : memref<1x16xf32, #tpu.memory_space<vmem>>, vector<1x1xf32>
      %get3A_454 = vector.extract %get3A_453[0, 0] : f32 from vector<1x1xf32>
      %broadcast_in_dim3A_455 = vector.broadcast %get3A_454 : f32 to vector<16x1xf32>
      %select_n3A_456 = arith.select %eq3A_450, %broadcast_in_dim3A_455, %select_n3A_447 : vector<16x1xi1>, vector<16x1xf32>
      %eq3A_457 = arith.constant 6 : i32
      %eq3A_458 = vector.broadcast %eq3A_457 : i32 to vector<16x1xi32>
      %eq3A_459 = arith.cmpi eq, %iota3A, %eq3A_458 : vector<16x1xi32>
      %get3A_460 = arith.constant 0 : index
      %get3A_461 = arith.constant 6 : index
      %get3A_462 = vector.load %arg3[%get3A_460, %get3A_461] : memref<1x16xf32, #tpu.memory_space<vmem>>, vector<1x1xf32>
      %get3A_463 = vector.extract %get3A_462[0, 0] : f32 from vector<1x1xf32>
      %broadcast_in_dim3A_464 = vector.broadcast %get3A_463 : f32 to vector<16x1xf32>
      %select_n3A_465 = arith.select %eq3A_459, %broadcast_in_dim3A_464, %select_n3A_456 : vector<16x1xi1>, vector<16x1xf32>
      %eq3A_466 = arith.constant 7 : i32
      %eq3A_467 = vector.broadcast %eq3A_466 : i32 to vector<16x1xi32>
      %eq3A_468 = arith.cmpi eq, %iota3A, %eq3A_467 : vector<16x1xi32>
      %get3A_469 = arith.constant 0 : index
      %get3A_470 = arith.constant 7 : index
      %get3A_471 = vector.load %arg3[%get3A_469, %get3A_470] : memref<1x16xf32, #tpu.memory_space<vmem>>, vector<1x1xf32>
      %get3A_472 = vector.extract %get3A_471[0, 0] : f32 from vector<1x1xf32>
      %broadcast_in_dim3A_473 = vector.broadcast %get3A_472 : f32 to vector<16x1xf32>
      %select_n3A_474 = arith.select %eq3A_468, %broadcast_in_dim3A_473, %select_n3A_465 : vector<16x1xi1>, vector<16x1xf32>
      %eq3A_475 = arith.constant 8 : i32
      %eq3A_476 = vector.broadcast %eq3A_475 : i32 to vector<16x1xi32>
      %eq3A_477 = arith.cmpi eq, %iota3A, %eq3A_476 : vector<16x1xi32>
      %get3A_478 = arith.constant 0 : index
      %get3A_479 = arith.constant 8 : index
      %get3A_480 = vector.load %arg3[%get3A_478, %get3A_479] : memref<1x16xf32, #tpu.memory_space<vmem>>, vector<1x1xf32>
      %get3A_481 = vector.extract %get3A_480[0, 0] : f32 from vector<1x1xf32>
      %broadcast_in_dim3A_482 = vector.broadcast %get3A_481 : f32 to vector<16x1xf32>
      %select_n3A_483 = arith.select %eq3A_477, %broadcast_in_dim3A_482, %select_n3A_474 : vector<16x1xi1>, vector<16x1xf32>
      %eq3A_484 = arith.constant 9 : i32
      %eq3A_485 = vector.broadcast %eq3A_484 : i32 to vector<16x1xi32>
      %eq3A_486 = arith.cmpi eq, %iota3A, %eq3A_485 : vector<16x1xi32>
      %get3A_487 = arith.constant 0 : index
      %get3A_488 = arith.constant 9 : index
      %get3A_489 = vector.load %arg3[%get3A_487, %get3A_488] : memref<1x16xf32, #tpu.memory_space<vmem>>, vector<1x1xf32>
      %get3A_490 = vector.extract %get3A_489[0, 0] : f32 from vector<1x1xf32>
      %broadcast_in_dim3A_491 = vector.broadcast %get3A_490 : f32 to vector<16x1xf32>
      %select_n3A_492 = arith.select %eq3A_486, %broadcast_in_dim3A_491, %select_n3A_483 : vector<16x1xi1>, vector<16x1xf32>
      %eq3A_493 = arith.constant 10 : i32
      %eq3A_494 = vector.broadcast %eq3A_493 : i32 to vector<16x1xi32>
      %eq3A_495 = arith.cmpi eq, %iota3A, %eq3A_494 : vector<16x1xi32>
      %get3A_496 = arith.constant 0 : index
      %get3A_497 = arith.constant 10 : index
      %get3A_498 = vector.load %arg3[%get3A_496, %get3A_497] : memref<1x16xf32, #tpu.memory_space<vmem>>, vector<1x1xf32>
      %get3A_499 = vector.extract %get3A_498[0, 0] : f32 from vector<1x1xf32>
      %broadcast_in_dim3A_500 = vector.broadcast %get3A_499 : f32 to vector<16x1xf32>
      %select_n3A_501 = arith.select %eq3A_495, %broadcast_in_dim3A_500, %select_n3A_492 : vector<16x1xi1>, vector<16x1xf32>
      %eq3A_502 = arith.constant 11 : i32
      %eq3A_503 = vector.broadcast %eq3A_502 : i32 to vector<16x1xi32>
      %eq3A_504 = arith.cmpi eq, %iota3A, %eq3A_503 : vector<16x1xi32>
      %get3A_505 = arith.constant 0 : index
      %get3A_506 = arith.constant 11 : index
      %get3A_507 = vector.load %arg3[%get3A_505, %get3A_506] : memref<1x16xf32, #tpu.memory_space<vmem>>, vector<1x1xf32>
      %get3A_508 = vector.extract %get3A_507[0, 0] : f32 from vector<1x1xf32>
      %broadcast_in_dim3A_509 = vector.broadcast %get3A_508 : f32 to vector<16x1xf32>
      %select_n3A_510 = arith.select %eq3A_504, %broadcast_in_dim3A_509, %select_n3A_501 : vector<16x1xi1>, vector<16x1xf32>
      %eq3A_511 = arith.constant 12 : i32
      %eq3A_512 = vector.broadcast %eq3A_511 : i32 to vector<16x1xi32>
      %eq3A_513 = arith.cmpi eq, %iota3A, %eq3A_512 : vector<16x1xi32>
      %get3A_514 = arith.constant 0 : index
      %get3A_515 = arith.constant 12 : index
      %get3A_516 = vector.load %arg3[%get3A_514, %get3A_515] : memref<1x16xf32, #tpu.memory_space<vmem>>, vector<1x1xf32>
      %get3A_517 = vector.extract %get3A_516[0, 0] : f32 from vector<1x1xf32>
      %broadcast_in_dim3A_518 = vector.broadcast %get3A_517 : f32 to vector<16x1xf32>
      %select_n3A_519 = arith.select %eq3A_513, %broadcast_in_dim3A_518, %select_n3A_510 : vector<16x1xi1>, vector<16x1xf32>
      %eq3A_520 = arith.constant 13 : i32
      %eq3A_521 = vector.broadcast %eq3A_520 : i32 to vector<16x1xi32>
      %eq3A_522 = arith.cmpi eq, %iota3A, %eq3A_521 : vector<16x1xi32>
      %get3A_523 = arith.constant 0 : index
      %get3A_524 = arith.constant 13 : index
      %get3A_525 = vector.load %arg3[%get3A_523, %get3A_524] : memref<1x16xf32, #tpu.memory_space<vmem>>, vector<1x1xf32>
      %get3A_526 = vector.extract %get3A_525[0, 0] : f32 from vector<1x1xf32>
      %broadcast_in_dim3A_527 = vector.broadcast %get3A_526 : f32 to vector<16x1xf32>
      %select_n3A_528 = arith.select %eq3A_522, %broadcast_in_dim3A_527, %select_n3A_519 : vector<16x1xi1>, vector<16x1xf32>
      %eq3A_529 = arith.constant 14 : i32
      %eq3A_530 = vector.broadcast %eq3A_529 : i32 to vector<16x1xi32>
      %eq3A_531 = arith.cmpi eq, %iota3A, %eq3A_530 : vector<16x1xi32>
      %get3A_532 = arith.constant 0 : index
      %get3A_533 = arith.constant 14 : index
      %get3A_534 = vector.load %arg3[%get3A_532, %get3A_533] : memref<1x16xf32, #tpu.memory_space<vmem>>, vector<1x1xf32>
      %get3A_535 = vector.extract %get3A_534[0, 0] : f32 from vector<1x1xf32>
      %broadcast_in_dim3A_536 = vector.broadcast %get3A_535 : f32 to vector<16x1xf32>
      %select_n3A_537 = arith.select %eq3A_531, %broadcast_in_dim3A_536, %select_n3A_528 : vector<16x1xi1>, vector<16x1xf32>
      %eq3A_538 = arith.constant 15 : i32
      %eq3A_539 = vector.broadcast %eq3A_538 : i32 to vector<16x1xi32>
      %eq3A_540 = arith.cmpi eq, %iota3A, %eq3A_539 : vector<16x1xi32>
      %get3A_541 = arith.constant 0 : index
      %get3A_542 = arith.constant 15 : index
      %get3A_543 = vector.load %arg3[%get3A_541, %get3A_542] : memref<1x16xf32, #tpu.memory_space<vmem>>, vector<1x1xf32>
      %get3A_544 = vector.extract %get3A_543[0, 0] : f32 from vector<1x1xf32>
      %broadcast_in_dim3A_545 = vector.broadcast %get3A_544 : f32 to vector<16x1xf32>
      %select_n3A_546 = arith.select %eq3A_540, %broadcast_in_dim3A_545, %select_n3A_537 : vector<16x1xi1>, vector<16x1xf32>
      %swap3A_547 = arith.constant 0 : index
      %swap3A_548 = arith.constant 0 : index
      %swap3A_549 = vector.load %arg8[%swap3A_547, %swap3A_548] : memref<16x1xf32, #tpu.memory_space<vmem>>, vector<16x1xf32>
      tpu.vector_store %arg8[%swap3A_547, %swap3A_548], %select_n3A_546 {strides = array<i32>} : memref<16x1xf32, #tpu.memory_space<vmem>>, vector<16x1xf32>,
    } else {
    }
    %get3A = arith.constant 0 : index
    %get3A_2 = arith.constant 0 : index
    %get3A_3 = vector.load %arg2[%get3A, %get3A_2] : memref<16x64xf32, #tpu.memory_space<vmem>>, vector<16x64xf32>
    %get3A_4 = arith.constant 0 : index
    %get3A_5 = arith.constant 0 : index
    %get3A_6 = vector.load %arg8[%get3A_4, %get3A_5] : memref<16x1xf32, #tpu.memory_space<vmem>>, vector<16x1xf32>
    %get3A_7 = arith.constant 0 : index
    %get3A_8 = arith.constant 0 : index
    %get3A_9 = arith.constant 0 : index
    %get3A_10 = vector.load %arg1[%get3A_7, %get3A_8, %get3A_9] : memref<25x64x1024xf32, #tpu.memory_space<vmem>>, vector<1x64x1024xf32>
    %get3A_11 = vector.shape_cast %get3A_10 : vector<1x64x1024xf32> to vector<64x1024xf32>
    %dot_general3A = arith.constant dense<0.000000e+00> : vector<16x1024xf32>
    %dot_general3A_12 = tpu.matmul %get3A_3, %get3A_11, %dot_general3A {dimension_numbers = #tpu.dot_dimension_numbers<[1], [0], [0], [1], [0, 0, 1, 1], [], []>, transpose_lhs_hint = false} : vector<16x64xf32>, vector<64x1024xf32>, vector<16x1024xf32> -> vector<16x1024xf32>
    %add3A = vector.broadcast %get3A_6 : vector<16x1xf32> to vector<16x1024xf32>
    %add3A_13 = arith.addf %dot_general3A_12, %add3A : vector<16x1024xf32>
    %max3A = arith.constant 0.000000e+00 : f32
    %max3A_14 = vector.broadcast %max3A : f32 to vector<16x1024xf32>
    %max3A_15 = arith.maximumf %add3A_13, %max3A_14 : vector<16x1024xf32>
    %swap3A = arith.constant 0 : index
    %swap3A_16 = arith.constant 0 : index
    %swap3A_17 = vector.load %arg7[%swap3A, %swap3A_16] : memref<400x1024xf32, #tpu.memory_space<vmem>>, vector<16x1024xf32>
    tpu.vector_store %arg7[%swap3A, %swap3A_16], %max3A_15 {strides = array<i32>} : memref<400x1024xf32, #tpu.memory_space<vmem>>, vector<16x1024xf32>,
    %get3A_18 = arith.constant 1 : index
    %get3A_19 = arith.constant 0 : index
    %get3A_20 = arith.constant 0 : index
    %get3A_21 = vector.load %arg1[%get3A_18, %get3A_19, %get3A_20] : memref<25x64x1024xf32, #tpu.memory_space<vmem>>, vector<1x64x1024xf32>
    %get3A_22 = vector.shape_cast %get3A_21 : vector<1x64x1024xf32> to vector<64x1024xf32>
    %dot_general3A_23 = arith.constant dense<0.000000e+00> : vector<16x1024xf32>
    %dot_general3A_24 = tpu.matmul %get3A_3, %get3A_22, %dot_general3A_23 {dimension_numbers = #tpu.dot_dimension_numbers<[1], [0], [0], [1], [0, 0, 1, 1], [], []>, transpose_lhs_hint = false} : vector<16x64xf32>, vector<64x1024xf32>, vector<16x1024xf32> -> vector<16x1024xf32>
    %add3A_25 = vector.broadcast %get3A_6 : vector<16x1xf32> to vector<16x1024xf32>
    %add3A_26 = arith.addf %dot_general3A_24, %add3A_25 : vector<16x1024xf32>
    %max3A_27 = arith.constant 0.000000e+00 : f32
    %max3A_28 = vector.broadcast %max3A_27 : f32 to vector<16x1024xf32>
    %max3A_29 = arith.maximumf %add3A_26, %max3A_28 : vector<16x1024xf32>
    %swap3A_30 = arith.constant 16 : index
    %swap3A_31 = arith.constant 0 : index
    %swap3A_32 = vector.load %arg7[%swap3A_30, %swap3A_31] : memref<400x1024xf32, #tpu.memory_space<vmem>>, vector<16x1024xf32>
    tpu.vector_store %arg7[%swap3A_30, %swap3A_31], %max3A_29 {strides = array<i32>} : memref<400x1024xf32, #tpu.memory_space<vmem>>, vector<16x1024xf32>,
    %get3A_33 = arith.constant 2 : index
    %get3A_34 = arith.constant 0 : index
    %get3A_35 = arith.constant 0 : index
    %get3A_36 = vector.load %arg1[%get3A_33, %get3A_34, %get3A_35] : memref<25x64x1024xf32, #tpu.memory_space<vmem>>, vector<1x64x1024xf32>
    %get3A_37 = vector.shape_cast %get3A_36 : vector<1x64x1024xf32> to vector<64x1024xf32>
    %dot_general3A_38 = arith.constant dense<0.000000e+00> : vector<16x1024xf32>
    %dot_general3A_39 = tpu.matmul %get3A_3, %get3A_37, %dot_general3A_38 {dimension_numbers = #tpu.dot_dimension_numbers<[1], [0], [0], [1], [0, 0, 1, 1], [], []>, transpose_lhs_hint = false} : vector<16x64xf32>, vector<64x1024xf32>, vector<16x1024xf32> -> vector<16x1024xf32>
    %add3A_40 = vector.broadcast %get3A_6 : vector<16x1xf32> to vector<16x1024xf32>
    %add3A_41 = arith.addf %dot_general3A_39, %add3A_40 : vector<16x1024xf32>
    %max3A_42 = arith.constant 0.000000e+00 : f32
    %max3A_43 = vector.broadcast %max3A_42 : f32 to vector<16x1024xf32>
    %max3A_44 = arith.maximumf %add3A_41, %max3A_43 : vector<16x1024xf32>
    %swap3A_45 = arith.constant 32 : index
    %swap3A_46 = arith.constant 0 : index
    %swap3A_47 = vector.load %arg7[%swap3A_45, %swap3A_46] : memref<400x1024xf32, #tpu.memory_space<vmem>>, vector<16x1024xf32>
    tpu.vector_store %arg7[%swap3A_45, %swap3A_46], %max3A_44 {strides = array<i32>} : memref<400x1024xf32, #tpu.memory_space<vmem>>, vector<16x1024xf32>,
    %get3A_48 = arith.constant 3 : index
    %get3A_49 = arith.constant 0 : index
    %get3A_50 = arith.constant 0 : index
    %get3A_51 = vector.load %arg1[%get3A_48, %get3A_49, %get3A_50] : memref<25x64x1024xf32, #tpu.memory_space<vmem>>, vector<1x64x1024xf32>
    %get3A_52 = vector.shape_cast %get3A_51 : vector<1x64x1024xf32> to vector<64x1024xf32>
    %dot_general3A_53 = arith.constant dense<0.000000e+00> : vector<16x1024xf32>
    %dot_general3A_54 = tpu.matmul %get3A_3, %get3A_52, %dot_general3A_53 {dimension_numbers = #tpu.dot_dimension_numbers<[1], [0], [0], [1], [0, 0, 1, 1], [], []>, transpose_lhs_hint = false} : vector<16x64xf32>, vector<64x1024xf32>, vector<16x1024xf32> -> vector<16x1024xf32>
    %add3A_55 = vector.broadcast %get3A_6 : vector<16x1xf32> to vector<16x1024xf32>
    %add3A_56 = arith.addf %dot_general3A_54, %add3A_55 : vector<16x1024xf32>
    %max3A_57 = arith.constant 0.000000e+00 : f32
    %max3A_58 = vector.broadcast %max3A_57 : f32 to vector<16x1024xf32>
    %max3A_59 = arith.maximumf %add3A_56, %max3A_58 : vector<16x1024xf32>
    %swap3A_60 = arith.constant 48 : index
    %swap3A_61 = arith.constant 0 : index
    %swap3A_62 = vector.load %arg7[%swap3A_60, %swap3A_61] : memref<400x1024xf32, #tpu.memory_space<vmem>>, vector<16x1024xf32>
    tpu.vector_store %arg7[%swap3A_60, %swap3A_61], %max3A_59 {strides = array<i32>} : memref<400x1024xf32, #tpu.memory_space<vmem>>, vector<16x1024xf32>,
    %get3A_63 = arith.constant 4 : index
    %get3A_64 = arith.constant 0 : index
    %get3A_65 = arith.constant 0 : index
    %get3A_66 = vector.load %arg1[%get3A_63, %get3A_64, %get3A_65] : memref<25x64x1024xf32, #tpu.memory_space<vmem>>, vector<1x64x1024xf32>
    %get3A_67 = vector.shape_cast %get3A_66 : vector<1x64x1024xf32> to vector<64x1024xf32>
    %dot_general3A_68 = arith.constant dense<0.000000e+00> : vector<16x1024xf32>
    %dot_general3A_69 = tpu.matmul %get3A_3, %get3A_67, %dot_general3A_68 {dimension_numbers = #tpu.dot_dimension_numbers<[1], [0], [0], [1], [0, 0, 1, 1], [], []>, transpose_lhs_hint = false} : vector<16x64xf32>, vector<64x1024xf32>, vector<16x1024xf32> -> vector<16x1024xf32>
    %add3A_70 = vector.broadcast %get3A_6 : vector<16x1xf32> to vector<16x1024xf32>
    %add3A_71 = arith.addf %dot_general3A_69, %add3A_70 : vector<16x1024xf32>
    %max3A_72 = arith.constant 0.000000e+00 : f32
    %max3A_73 = vector.broadcast %max3A_72 : f32 to vector<16x1024xf32>
    %max3A_74 = arith.maximumf %add3A_71, %max3A_73 : vector<16x1024xf32>
    %swap3A_75 = arith.constant 64 : index
    %swap3A_76 = arith.constant 0 : index
    %swap3A_77 = vector.load %arg7[%swap3A_75, %swap3A_76] : memref<400x1024xf32, #tpu.memory_space<vmem>>, vector<16x1024xf32>
    tpu.vector_store %arg7[%swap3A_75, %swap3A_76], %max3A_74 {strides = array<i32>} : memref<400x1024xf32, #tpu.memory_space<vmem>>, vector<16x1024xf32>,
    %get3A_78 = arith.constant 5 : index
    %get3A_79 = arith.constant 0 : index
    %get3A_80 = arith.constant 0 : index
    %get3A_81 = vector.load %arg1[%get3A_78, %get3A_79, %get3A_80] : memref<25x64x1024xf32, #tpu.memory_space<vmem>>, vector<1x64x1024xf32>
    %get3A_82 = vector.shape_cast %get3A_81 : vector<1x64x1024xf32> to vector<64x1024xf32>
    %dot_general3A_83 = arith.constant dense<0.000000e+00> : vector<16x1024xf32>
    %dot_general3A_84 = tpu.matmul %get3A_3, %get3A_82, %dot_general3A_83 {dimension_numbers = #tpu.dot_dimension_numbers<[1], [0], [0], [1], [0, 0, 1, 1], [], []>, transpose_lhs_hint = false} : vector<16x64xf32>, vector<64x1024xf32>, vector<16x1024xf32> -> vector<16x1024xf32>
    %add3A_85 = vector.broadcast %get3A_6 : vector<16x1xf32> to vector<16x1024xf32>
    %add3A_86 = arith.addf %dot_general3A_84, %add3A_85 : vector<16x1024xf32>
    %max3A_87 = arith.constant 0.000000e+00 : f32
    %max3A_88 = vector.broadcast %max3A_87 : f32 to vector<16x1024xf32>
    %max3A_89 = arith.maximumf %add3A_86, %max3A_88 : vector<16x1024xf32>
    %swap3A_90 = arith.constant 80 : index
    %swap3A_91 = arith.constant 0 : index
    %swap3A_92 = vector.load %arg7[%swap3A_90, %swap3A_91] : memref<400x1024xf32, #tpu.memory_space<vmem>>, vector<16x1024xf32>
    tpu.vector_store %arg7[%swap3A_90, %swap3A_91], %max3A_89 {strides = array<i32>} : memref<400x1024xf32, #tpu.memory_space<vmem>>, vector<16x1024xf32>,
    %get3A_93 = arith.constant 6 : index
    %get3A_94 = arith.constant 0 : index
    %get3A_95 = arith.constant 0 : index
    %get3A_96 = vector.load %arg1[%get3A_93, %get3A_94, %get3A_95] : memref<25x64x1024xf32, #tpu.memory_space<vmem>>, vector<1x64x1024xf32>
    %get3A_97 = vector.shape_cast %get3A_96 : vector<1x64x1024xf32> to vector<64x1024xf32>
    %dot_general3A_98 = arith.constant dense<0.000000e+00> : vector<16x1024xf32>
    %dot_general3A_99 = tpu.matmul %get3A_3, %get3A_97, %dot_general3A_98 {dimension_numbers = #tpu.dot_dimension_numbers<[1], [0], [0], [1], [0, 0, 1, 1], [], []>, transpose_lhs_hint = false} : vector<16x64xf32>, vector<64x1024xf32>, vector<16x1024xf32> -> vector<16x1024xf32>
    %add3A_100 = vector.broadcast %get3A_6 : vector<16x1xf32> to vector<16x1024xf32>
    %add3A_101 = arith.addf %dot_general3A_99, %add3A_100 : vector<16x1024xf32>
    %max3A_102 = arith.constant 0.000000e+00 : f32
    %max3A_103 = vector.broadcast %max3A_102 : f32 to vector<16x1024xf32>
    %max3A_104 = arith.maximumf %add3A_101, %max3A_103 : vector<16x1024xf32>
    %swap3A_105 = arith.constant 96 : index
    %swap3A_106 = arith.constant 0 : index
    %swap3A_107 = vector.load %arg7[%swap3A_105, %swap3A_106] : memref<400x1024xf32, #tpu.memory_space<vmem>>, vector<16x1024xf32>
    tpu.vector_store %arg7[%swap3A_105, %swap3A_106], %max3A_104 {strides = array<i32>} : memref<400x1024xf32, #tpu.memory_space<vmem>>, vector<16x1024xf32>,
    %get3A_108 = arith.constant 7 : index
    %get3A_109 = arith.constant 0 : index
    %get3A_110 = arith.constant 0 : index
    %get3A_111 = vector.load %arg1[%get3A_108, %get3A_109, %get3A_110] : memref<25x64x1024xf32, #tpu.memory_space<vmem>>, vector<1x64x1024xf32>
    %get3A_112 = vector.shape_cast %get3A_111 : vector<1x64x1024xf32> to vector<64x1024xf32>
    %dot_general3A_113 = arith.constant dense<0.000000e+00> : vector<16x1024xf32>
    %dot_general3A_114 = tpu.matmul %get3A_3, %get3A_112, %dot_general3A_113 {dimension_numbers = #tpu.dot_dimension_numbers<[1], [0], [0], [1], [0, 0, 1, 1], [], []>, transpose_lhs_hint = false} : vector<16x64xf32>, vector<64x1024xf32>, vector<16x1024xf32> -> vector<16x1024xf32>
    %add3A_115 = vector.broadcast %get3A_6 : vector<16x1xf32> to vector<16x1024xf32>
    %add3A_116 = arith.addf %dot_general3A_114, %add3A_115 : vector<16x1024xf32>
    %max3A_117 = arith.constant 0.000000e+00 : f32
    %max3A_118 = vector.broadcast %max3A_117 : f32 to vector<16x1024xf32>
    %max3A_119 = arith.maximumf %add3A_116, %max3A_118 : vector<16x1024xf32>
    %swap3A_120 = arith.constant 112 : index
    %swap3A_121 = arith.constant 0 : index
    %swap3A_122 = vector.load %arg7[%swap3A_120, %swap3A_121] : memref<400x1024xf32, #tpu.memory_space<vmem>>, vector<16x1024xf32>
    tpu.vector_store %arg7[%swap3A_120, %swap3A_121], %max3A_119 {strides = array<i32>} : memref<400x1024xf32, #tpu.memory_space<vmem>>, vector<16x1024xf32>,
    %get3A_123 = arith.constant 8 : index
    %get3A_124 = arith.constant 0 : index
    %get3A_125 = arith.constant 0 : index
    %get3A_126 = vector.load %arg1[%get3A_123, %get3A_124, %get3A_125] : memref<25x64x1024xf32, #tpu.memory_space<vmem>>, vector<1x64x1024xf32>
    %get3A_127 = vector.shape_cast %get3A_126 : vector<1x64x1024xf32> to vector<64x1024xf32>
    %dot_general3A_128 = arith.constant dense<0.000000e+00> : vector<16x1024xf32>
    %dot_general3A_129 = tpu.matmul %get3A_3, %get3A_127, %dot_general3A_128 {dimension_numbers = #tpu.dot_dimension_numbers<[1], [0], [0], [1], [0, 0, 1, 1], [], []>, transpose_lhs_hint = false} : vector<16x64xf32>, vector<64x1024xf32>, vector<16x1024xf32> -> vector<16x1024xf32>
    %add3A_130 = vector.broadcast %get3A_6 : vector<16x1xf32> to vector<16x1024xf32>
    %add3A_131 = arith.addf %dot_general3A_129, %add3A_130 : vector<16x1024xf32>
    %max3A_132 = arith.constant 0.000000e+00 : f32
    %max3A_133 = vector.broadcast %max3A_132 : f32 to vector<16x1024xf32>
    %max3A_134 = arith.maximumf %add3A_131, %max3A_133 : vector<16x1024xf32>
    %swap3A_135 = arith.constant 128 : index
    %swap3A_136 = arith.constant 0 : index
    %swap3A_137 = vector.load %arg7[%swap3A_135, %swap3A_136] : memref<400x1024xf32, #tpu.memory_space<vmem>>, vector<16x1024xf32>
    tpu.vector_store %arg7[%swap3A_135, %swap3A_136], %max3A_134 {strides = array<i32>} : memref<400x1024xf32, #tpu.memory_space<vmem>>, vector<16x1024xf32>,
    %get3A_138 = arith.constant 9 : index
    %get3A_139 = arith.constant 0 : index
    %get3A_140 = arith.constant 0 : index
    %get3A_141 = vector.load %arg1[%get3A_138, %get3A_139, %get3A_140] : memref<25x64x1024xf32, #tpu.memory_space<vmem>>, vector<1x64x1024xf32>
    %get3A_142 = vector.shape_cast %get3A_141 : vector<1x64x1024xf32> to vector<64x1024xf32>
    %dot_general3A_143 = arith.constant dense<0.000000e+00> : vector<16x1024xf32>
    %dot_general3A_144 = tpu.matmul %get3A_3, %get3A_142, %dot_general3A_143 {dimension_numbers = #tpu.dot_dimension_numbers<[1], [0], [0], [1], [0, 0, 1, 1], [], []>, transpose_lhs_hint = false} : vector<16x64xf32>, vector<64x1024xf32>, vector<16x1024xf32> -> vector<16x1024xf32>
    %add3A_145 = vector.broadcast %get3A_6 : vector<16x1xf32> to vector<16x1024xf32>
    %add3A_146 = arith.addf %dot_general3A_144, %add3A_145 : vector<16x1024xf32>
    %max3A_147 = arith.constant 0.000000e+00 : f32
    %max3A_148 = vector.broadcast %max3A_147 : f32 to vector<16x1024xf32>
    %max3A_149 = arith.maximumf %add3A_146, %max3A_148 : vector<16x1024xf32>
    %swap3A_150 = arith.constant 144 : index
    %swap3A_151 = arith.constant 0 : index
    %swap3A_152 = vector.load %arg7[%swap3A_150, %swap3A_151] : memref<400x1024xf32, #tpu.memory_space<vmem>>, vector<16x1024xf32>
    tpu.vector_store %arg7[%swap3A_150, %swap3A_151], %max3A_149 {strides = array<i32>} : memref<400x1024xf32, #tpu.memory_space<vmem>>, vector<16x1024xf32>,
    %get3A_153 = arith.constant 10 : index
    %get3A_154 = arith.constant 0 : index
    %get3A_155 = arith.constant 0 : index
    %get3A_156 = vector.load %arg1[%get3A_153, %get3A_154, %get3A_155] : memref<25x64x1024xf32, #tpu.memory_space<vmem>>, vector<1x64x1024xf32>
    %get3A_157 = vector.shape_cast %get3A_156 : vector<1x64x1024xf32> to vector<64x1024xf32>
    %dot_general3A_158 = arith.constant dense<0.000000e+00> : vector<16x1024xf32>
    %dot_general3A_159 = tpu.matmul %get3A_3, %get3A_157, %dot_general3A_158 {dimension_numbers = #tpu.dot_dimension_numbers<[1], [0], [0], [1], [0, 0, 1, 1], [], []>, transpose_lhs_hint = false} : vector<16x64xf32>, vector<64x1024xf32>, vector<16x1024xf32> -> vector<16x1024xf32>
    %add3A_160 = vector.broadcast %get3A_6 : vector<16x1xf32> to vector<16x1024xf32>
    %add3A_161 = arith.addf %dot_general3A_159, %add3A_160 : vector<16x1024xf32>
    %max3A_162 = arith.constant 0.000000e+00 : f32
    %max3A_163 = vector.broadcast %max3A_162 : f32 to vector<16x1024xf32>
    %max3A_164 = arith.maximumf %add3A_161, %max3A_163 : vector<16x1024xf32>
    %swap3A_165 = arith.constant 160 : index
    %swap3A_166 = arith.constant 0 : index
    %swap3A_167 = vector.load %arg7[%swap3A_165, %swap3A_166] : memref<400x1024xf32, #tpu.memory_space<vmem>>, vector<16x1024xf32>
    tpu.vector_store %arg7[%swap3A_165, %swap3A_166], %max3A_164 {strides = array<i32>} : memref<400x1024xf32, #tpu.memory_space<vmem>>, vector<16x1024xf32>,
    %get3A_168 = arith.constant 11 : index
    %get3A_169 = arith.constant 0 : index
    %get3A_170 = arith.constant 0 : index
    %get3A_171 = vector.load %arg1[%get3A_168, %get3A_169, %get3A_170] : memref<25x64x1024xf32, #tpu.memory_space<vmem>>, vector<1x64x1024xf32>
    %get3A_172 = vector.shape_cast %get3A_171 : vector<1x64x1024xf32> to vector<64x1024xf32>
    %dot_general3A_173 = arith.constant dense<0.000000e+00> : vector<16x1024xf32>
    %dot_general3A_174 = tpu.matmul %get3A_3, %get3A_172, %dot_general3A_173 {dimension_numbers = #tpu.dot_dimension_numbers<[1], [0], [0], [1], [0, 0, 1, 1], [], []>, transpose_lhs_hint = false} : vector<16x64xf32>, vector<64x1024xf32>, vector<16x1024xf32> -> vector<16x1024xf32>
    %add3A_175 = vector.broadcast %get3A_6 : vector<16x1xf32> to vector<16x1024xf32>
    %add3A_176 = arith.addf %dot_general3A_174, %add3A_175 : vector<16x1024xf32>
    %max3A_177 = arith.constant 0.000000e+00 : f32
    %max3A_178 = vector.broadcast %max3A_177 : f32 to vector<16x1024xf32>
    %max3A_179 = arith.maximumf %add3A_176, %max3A_178 : vector<16x1024xf32>
    %swap3A_180 = arith.constant 176 : index
    %swap3A_181 = arith.constant 0 : index
    %swap3A_182 = vector.load %arg7[%swap3A_180, %swap3A_181] : memref<400x1024xf32, #tpu.memory_space<vmem>>, vector<16x1024xf32>
    tpu.vector_store %arg7[%swap3A_180, %swap3A_181], %max3A_179 {strides = array<i32>} : memref<400x1024xf32, #tpu.memory_space<vmem>>, vector<16x1024xf32>,
    %get3A_183 = arith.constant 12 : index
    %get3A_184 = arith.constant 0 : index
    %get3A_185 = arith.constant 0 : index
    %get3A_186 = vector.load %arg1[%get3A_183, %get3A_184, %get3A_185] : memref<25x64x1024xf32, #tpu.memory_space<vmem>>, vector<1x64x1024xf32>
    %get3A_187 = vector.shape_cast %get3A_186 : vector<1x64x1024xf32> to vector<64x1024xf32>
    %dot_general3A_188 = arith.constant dense<0.000000e+00> : vector<16x1024xf32>
    %dot_general3A_189 = tpu.matmul %get3A_3, %get3A_187, %dot_general3A_188 {dimension_numbers = #tpu.dot_dimension_numbers<[1], [0], [0], [1], [0, 0, 1, 1], [], []>, transpose_lhs_hint = false} : vector<16x64xf32>, vector<64x1024xf32>, vector<16x1024xf32> -> vector<16x1024xf32>
    %add3A_190 = vector.broadcast %get3A_6 : vector<16x1xf32> to vector<16x1024xf32>
    %add3A_191 = arith.addf %dot_general3A_189, %add3A_190 : vector<16x1024xf32>
    %max3A_192 = arith.constant 0.000000e+00 : f32
    %max3A_193 = vector.broadcast %max3A_192 : f32 to vector<16x1024xf32>
    %max3A_194 = arith.maximumf %add3A_191, %max3A_193 : vector<16x1024xf32>
    %swap3A_195 = arith.constant 192 : index
    %swap3A_196 = arith.constant 0 : index
    %swap3A_197 = vector.load %arg7[%swap3A_195, %swap3A_196] : memref<400x1024xf32, #tpu.memory_space<vmem>>, vector<16x1024xf32>
    tpu.vector_store %arg7[%swap3A_195, %swap3A_196], %max3A_194 {strides = array<i32>} : memref<400x1024xf32, #tpu.memory_space<vmem>>, vector<16x1024xf32>,
    %get3A_198 = arith.constant 13 : index
    %get3A_199 = arith.constant 0 : index
    %get3A_200 = arith.constant 0 : index
    %get3A_201 = vector.load %arg1[%get3A_198, %get3A_199, %get3A_200] : memref<25x64x1024xf32, #tpu.memory_space<vmem>>, vector<1x64x1024xf32>
    %get3A_202 = vector.shape_cast %get3A_201 : vector<1x64x1024xf32> to vector<64x1024xf32>
    %dot_general3A_203 = arith.constant dense<0.000000e+00> : vector<16x1024xf32>
    %dot_general3A_204 = tpu.matmul %get3A_3, %get3A_202, %dot_general3A_203 {dimension_numbers = #tpu.dot_dimension_numbers<[1], [0], [0], [1], [0, 0, 1, 1], [], []>, transpose_lhs_hint = false} : vector<16x64xf32>, vector<64x1024xf32>, vector<16x1024xf32> -> vector<16x1024xf32>
    %add3A_205 = vector.broadcast %get3A_6 : vector<16x1xf32> to vector<16x1024xf32>
    %add3A_206 = arith.addf %dot_general3A_204, %add3A_205 : vector<16x1024xf32>
    %max3A_207 = arith.constant 0.000000e+00 : f32
    %max3A_208 = vector.broadcast %max3A_207 : f32 to vector<16x1024xf32>
    %max3A_209 = arith.maximumf %add3A_206, %max3A_208 : vector<16x1024xf32>
    %swap3A_210 = arith.constant 208 : index
    %swap3A_211 = arith.constant 0 : index
    %swap3A_212 = vector.load %arg7[%swap3A_210, %swap3A_211] : memref<400x1024xf32, #tpu.memory_space<vmem>>, vector<16x1024xf32>
    tpu.vector_store %arg7[%swap3A_210, %swap3A_211], %max3A_209 {strides = array<i32>} : memref<400x1024xf32, #tpu.memory_space<vmem>>, vector<16x1024xf32>,
    %get3A_213 = arith.constant 14 : index
    %get3A_214 = arith.constant 0 : index
    %get3A_215 = arith.constant 0 : index
    %get3A_216 = vector.load %arg1[%get3A_213, %get3A_214, %get3A_215] : memref<25x64x1024xf32, #tpu.memory_space<vmem>>, vector<1x64x1024xf32>
    %get3A_217 = vector.shape_cast %get3A_216 : vector<1x64x1024xf32> to vector<64x1024xf32>
    %dot_general3A_218 = arith.constant dense<0.000000e+00> : vector<16x1024xf32>
    %dot_general3A_219 = tpu.matmul %get3A_3, %get3A_217, %dot_general3A_218 {dimension_numbers = #tpu.dot_dimension_numbers<[1], [0], [0], [1], [0, 0, 1, 1], [], []>, transpose_lhs_hint = false} : vector<16x64xf32>, vector<64x1024xf32>, vector<16x1024xf32> -> vector<16x1024xf32>
    %add3A_220 = vector.broadcast %get3A_6 : vector<16x1xf32> to vector<16x1024xf32>
    %add3A_221 = arith.addf %dot_general3A_219, %add3A_220 : vector<16x1024xf32>
    %max3A_222 = arith.constant 0.000000e+00 : f32
    %max3A_223 = vector.broadcast %max3A_222 : f32 to vector<16x1024xf32>
    %max3A_224 = arith.maximumf %add3A_221, %max3A_223 : vector<16x1024xf32>
    %swap3A_225 = arith.constant 224 : index
    %swap3A_226 = arith.constant 0 : index
    %swap3A_227 = vector.load %arg7[%swap3A_225, %swap3A_226] : memref<400x1024xf32, #tpu.memory_space<vmem>>, vector<16x1024xf32>
    tpu.vector_store %arg7[%swap3A_225, %swap3A_226], %max3A_224 {strides = array<i32>} : memref<400x1024xf32, #tpu.memory_space<vmem>>, vector<16x1024xf32>,
    %get3A_228 = arith.constant 15 : index
    %get3A_229 = arith.constant 0 : index
    %get3A_230 = arith.constant 0 : index
    %get3A_231 = vector.load %arg1[%get3A_228, %get3A_229, %get3A_230] : memref<25x64x1024xf32, #tpu.memory_space<vmem>>, vector<1x64x1024xf32>
    %get3A_232 = vector.shape_cast %get3A_231 : vector<1x64x1024xf32> to vector<64x1024xf32>
    %dot_general3A_233 = arith.constant dense<0.000000e+00> : vector<16x1024xf32>
    %dot_general3A_234 = tpu.matmul %get3A_3, %get3A_232, %dot_general3A_233 {dimension_numbers = #tpu.dot_dimension_numbers<[1], [0], [0], [1], [0, 0, 1, 1], [], []>, transpose_lhs_hint = false} : vector<16x64xf32>, vector<64x1024xf32>, vector<16x1024xf32> -> vector<16x1024xf32>
    %add3A_235 = vector.broadcast %get3A_6 : vector<16x1xf32> to vector<16x1024xf32>
    %add3A_236 = arith.addf %dot_general3A_234, %add3A_235 : vector<16x1024xf32>
    %max3A_237 = arith.constant 0.000000e+00 : f32
    %max3A_238 = vector.broadcast %max3A_237 : f32 to vector<16x1024xf32>
    %max3A_239 = arith.maximumf %add3A_236, %max3A_238 : vector<16x1024xf32>
    %swap3A_240 = arith.constant 240 : index
    %swap3A_241 = arith.constant 0 : index
    %swap3A_242 = vector.load %arg7[%swap3A_240, %swap3A_241] : memref<400x1024xf32, #tpu.memory_space<vmem>>, vector<16x1024xf32>
    tpu.vector_store %arg7[%swap3A_240, %swap3A_241], %max3A_239 {strides = array<i32>} : memref<400x1024xf32, #tpu.memory_space<vmem>>, vector<16x1024xf32>,
    %get3A_243 = arith.constant 16 : index
    %get3A_244 = arith.constant 0 : index
    %get3A_245 = arith.constant 0 : index
    %get3A_246 = vector.load %arg1[%get3A_243, %get3A_244, %get3A_245] : memref<25x64x1024xf32, #tpu.memory_space<vmem>>, vector<1x64x1024xf32>
    %get3A_247 = vector.shape_cast %get3A_246 : vector<1x64x1024xf32> to vector<64x1024xf32>
    %dot_general3A_248 = arith.constant dense<0.000000e+00> : vector<16x1024xf32>
    %dot_general3A_249 = tpu.matmul %get3A_3, %get3A_247, %dot_general3A_248 {dimension_numbers = #tpu.dot_dimension_numbers<[1], [0], [0], [1], [0, 0, 1, 1], [], []>, transpose_lhs_hint = false} : vector<16x64xf32>, vector<64x1024xf32>, vector<16x1024xf32> -> vector<16x1024xf32>
    %add3A_250 = vector.broadcast %get3A_6 : vector<16x1xf32> to vector<16x1024xf32>
    %add3A_251 = arith.addf %dot_general3A_249, %add3A_250 : vector<16x1024xf32>
    %max3A_252 = arith.constant 0.000000e+00 : f32
    %max3A_253 = vector.broadcast %max3A_252 : f32 to vector<16x1024xf32>
    %max3A_254 = arith.maximumf %add3A_251, %max3A_253 : vector<16x1024xf32>
    %swap3A_255 = arith.constant 256 : index
    %swap3A_256 = arith.constant 0 : index
    %swap3A_257 = vector.load %arg7[%swap3A_255, %swap3A_256] : memref<400x1024xf32, #tpu.memory_space<vmem>>, vector<16x1024xf32>
    tpu.vector_store %arg7[%swap3A_255, %swap3A_256], %max3A_254 {strides = array<i32>} : memref<400x1024xf32, #tpu.memory_space<vmem>>, vector<16x1024xf32>,
    %get3A_258 = arith.constant 17 : index
    %get3A_259 = arith.constant 0 : index
    %get3A_260 = arith.constant 0 : index
    %get3A_261 = vector.load %arg1[%get3A_258, %get3A_259, %get3A_260] : memref<25x64x1024xf32, #tpu.memory_space<vmem>>, vector<1x64x1024xf32>
    %get3A_262 = vector.shape_cast %get3A_261 : vector<1x64x1024xf32> to vector<64x1024xf32>
    %dot_general3A_263 = arith.constant dense<0.000000e+00> : vector<16x1024xf32>
    %dot_general3A_264 = tpu.matmul %get3A_3, %get3A_262, %dot_general3A_263 {dimension_numbers = #tpu.dot_dimension_numbers<[1], [0], [0], [1], [0, 0, 1, 1], [], []>, transpose_lhs_hint = false} : vector<16x64xf32>, vector<64x1024xf32>, vector<16x1024xf32> -> vector<16x1024xf32>
    %add3A_265 = vector.broadcast %get3A_6 : vector<16x1xf32> to vector<16x1024xf32>
    %add3A_266 = arith.addf %dot_general3A_264, %add3A_265 : vector<16x1024xf32>
    %max3A_267 = arith.constant 0.000000e+00 : f32
    %max3A_268 = vector.broadcast %max3A_267 : f32 to vector<16x1024xf32>
    %max3A_269 = arith.maximumf %add3A_266, %max3A_268 : vector<16x1024xf32>
    %swap3A_270 = arith.constant 272 : index
    %swap3A_271 = arith.constant 0 : index
    %swap3A_272 = vector.load %arg7[%swap3A_270, %swap3A_271] : memref<400x1024xf32, #tpu.memory_space<vmem>>, vector<16x1024xf32>
    tpu.vector_store %arg7[%swap3A_270, %swap3A_271], %max3A_269 {strides = array<i32>} : memref<400x1024xf32, #tpu.memory_space<vmem>>, vector<16x1024xf32>,
    %get3A_273 = arith.constant 18 : index
    %get3A_274 = arith.constant 0 : index
    %get3A_275 = arith.constant 0 : index
    %get3A_276 = vector.load %arg1[%get3A_273, %get3A_274, %get3A_275] : memref<25x64x1024xf32, #tpu.memory_space<vmem>>, vector<1x64x1024xf32>
    %get3A_277 = vector.shape_cast %get3A_276 : vector<1x64x1024xf32> to vector<64x1024xf32>
    %dot_general3A_278 = arith.constant dense<0.000000e+00> : vector<16x1024xf32>
    %dot_general3A_279 = tpu.matmul %get3A_3, %get3A_277, %dot_general3A_278 {dimension_numbers = #tpu.dot_dimension_numbers<[1], [0], [0], [1], [0, 0, 1, 1], [], []>, transpose_lhs_hint = false} : vector<16x64xf32>, vector<64x1024xf32>, vector<16x1024xf32> -> vector<16x1024xf32>
    %add3A_280 = vector.broadcast %get3A_6 : vector<16x1xf32> to vector<16x1024xf32>
    %add3A_281 = arith.addf %dot_general3A_279, %add3A_280 : vector<16x1024xf32>
    %max3A_282 = arith.constant 0.000000e+00 : f32
    %max3A_283 = vector.broadcast %max3A_282 : f32 to vector<16x1024xf32>
    %max3A_284 = arith.maximumf %add3A_281, %max3A_283 : vector<16x1024xf32>
    %swap3A_285 = arith.constant 288 : index
    %swap3A_286 = arith.constant 0 : index
    %swap3A_287 = vector.load %arg7[%swap3A_285, %swap3A_286] : memref<400x1024xf32, #tpu.memory_space<vmem>>, vector<16x1024xf32>
    tpu.vector_store %arg7[%swap3A_285, %swap3A_286], %max3A_284 {strides = array<i32>} : memref<400x1024xf32, #tpu.memory_space<vmem>>, vector<16x1024xf32>,
    %get3A_288 = arith.constant 19 : index
    %get3A_289 = arith.constant 0 : index
    %get3A_290 = arith.constant 0 : index
    %get3A_291 = vector.load %arg1[%get3A_288, %get3A_289, %get3A_290] : memref<25x64x1024xf32, #tpu.memory_space<vmem>>, vector<1x64x1024xf32>
    %get3A_292 = vector.shape_cast %get3A_291 : vector<1x64x1024xf32> to vector<64x1024xf32>
    %dot_general3A_293 = arith.constant dense<0.000000e+00> : vector<16x1024xf32>
    %dot_general3A_294 = tpu.matmul %get3A_3, %get3A_292, %dot_general3A_293 {dimension_numbers = #tpu.dot_dimension_numbers<[1], [0], [0], [1], [0, 0, 1, 1], [], []>, transpose_lhs_hint = false} : vector<16x64xf32>, vector<64x1024xf32>, vector<16x1024xf32> -> vector<16x1024xf32>
    %add3A_295 = vector.broadcast %get3A_6 : vector<16x1xf32> to vector<16x1024xf32>
    %add3A_296 = arith.addf %dot_general3A_294, %add3A_295 : vector<16x1024xf32>
    %max3A_297 = arith.constant 0.000000e+00 : f32
    %max3A_298 = vector.broadcast %max3A_297 : f32 to vector<16x1024xf32>
    %max3A_299 = arith.maximumf %add3A_296, %max3A_298 : vector<16x1024xf32>
    %swap3A_300 = arith.constant 304 : index
    %swap3A_301 = arith.constant 0 : index
    %swap3A_302 = vector.load %arg7[%swap3A_300, %swap3A_301] : memref<400x1024xf32, #tpu.memory_space<vmem>>, vector<16x1024xf32>
    tpu.vector_store %arg7[%swap3A_300, %swap3A_301], %max3A_299 {strides = array<i32>} : memref<400x1024xf32, #tpu.memory_space<vmem>>, vector<16x1024xf32>,
    %get3A_303 = arith.constant 20 : index
    %get3A_304 = arith.constant 0 : index
    %get3A_305 = arith.constant 0 : index
    %get3A_306 = vector.load %arg1[%get3A_303, %get3A_304, %get3A_305] : memref<25x64x1024xf32, #tpu.memory_space<vmem>>, vector<1x64x1024xf32>
    %get3A_307 = vector.shape_cast %get3A_306 : vector<1x64x1024xf32> to vector<64x1024xf32>
    %dot_general3A_308 = arith.constant dense<0.000000e+00> : vector<16x1024xf32>
    %dot_general3A_309 = tpu.matmul %get3A_3, %get3A_307, %dot_general3A_308 {dimension_numbers = #tpu.dot_dimension_numbers<[1], [0], [0], [1], [0, 0, 1, 1], [], []>, transpose_lhs_hint = false} : vector<16x64xf32>, vector<64x1024xf32>, vector<16x1024xf32> -> vector<16x1024xf32>
    %add3A_310 = vector.broadcast %get3A_6 : vector<16x1xf32> to vector<16x1024xf32>
    %add3A_311 = arith.addf %dot_general3A_309, %add3A_310 : vector<16x1024xf32>
    %max3A_312 = arith.constant 0.000000e+00 : f32
    %max3A_313 = vector.broadcast %max3A_312 : f32 to vector<16x1024xf32>
    %max3A_314 = arith.maximumf %add3A_311, %max3A_313 : vector<16x1024xf32>
    %swap3A_315 = arith.constant 320 : index
    %swap3A_316 = arith.constant 0 : index
    %swap3A_317 = vector.load %arg7[%swap3A_315, %swap3A_316] : memref<400x1024xf32, #tpu.memory_space<vmem>>, vector<16x1024xf32>
    tpu.vector_store %arg7[%swap3A_315, %swap3A_316], %max3A_314 {strides = array<i32>} : memref<400x1024xf32, #tpu.memory_space<vmem>>, vector<16x1024xf32>,
    %get3A_318 = arith.constant 21 : index
    %get3A_319 = arith.constant 0 : index
    %get3A_320 = arith.constant 0 : index
    %get3A_321 = vector.load %arg1[%get3A_318, %get3A_319, %get3A_320] : memref<25x64x1024xf32, #tpu.memory_space<vmem>>, vector<1x64x1024xf32>
    %get3A_322 = vector.shape_cast %get3A_321 : vector<1x64x1024xf32> to vector<64x1024xf32>
    %dot_general3A_323 = arith.constant dense<0.000000e+00> : vector<16x1024xf32>
    %dot_general3A_324 = tpu.matmul %get3A_3, %get3A_322, %dot_general3A_323 {dimension_numbers = #tpu.dot_dimension_numbers<[1], [0], [0], [1], [0, 0, 1, 1], [], []>, transpose_lhs_hint = false} : vector<16x64xf32>, vector<64x1024xf32>, vector<16x1024xf32> -> vector<16x1024xf32>
    %add3A_325 = vector.broadcast %get3A_6 : vector<16x1xf32> to vector<16x1024xf32>
    %add3A_326 = arith.addf %dot_general3A_324, %add3A_325 : vector<16x1024xf32>
    %max3A_327 = arith.constant 0.000000e+00 : f32
    %max3A_328 = vector.broadcast %max3A_327 : f32 to vector<16x1024xf32>
    %max3A_329 = arith.maximumf %add3A_326, %max3A_328 : vector<16x1024xf32>
    %swap3A_330 = arith.constant 336 : index
    %swap3A_331 = arith.constant 0 : index
    %swap3A_332 = vector.load %arg7[%swap3A_330, %swap3A_331] : memref<400x1024xf32, #tpu.memory_space<vmem>>, vector<16x1024xf32>
    tpu.vector_store %arg7[%swap3A_330, %swap3A_331], %max3A_329 {strides = array<i32>} : memref<400x1024xf32, #tpu.memory_space<vmem>>, vector<16x1024xf32>,
    %get3A_333 = arith.constant 22 : index
    %get3A_334 = arith.constant 0 : index
    %get3A_335 = arith.constant 0 : index
    %get3A_336 = vector.load %arg1[%get3A_333, %get3A_334, %get3A_335] : memref<25x64x1024xf32, #tpu.memory_space<vmem>>, vector<1x64x1024xf32>
    %get3A_337 = vector.shape_cast %get3A_336 : vector<1x64x1024xf32> to vector<64x1024xf32>
    %dot_general3A_338 = arith.constant dense<0.000000e+00> : vector<16x1024xf32>
    %dot_general3A_339 = tpu.matmul %get3A_3, %get3A_337, %dot_general3A_338 {dimension_numbers = #tpu.dot_dimension_numbers<[1], [0], [0], [1], [0, 0, 1, 1], [], []>, transpose_lhs_hint = false} : vector<16x64xf32>, vector<64x1024xf32>, vector<16x1024xf32> -> vector<16x1024xf32>
    %add3A_340 = vector.broadcast %get3A_6 : vector<16x1xf32> to vector<16x1024xf32>
    %add3A_341 = arith.addf %dot_general3A_339, %add3A_340 : vector<16x1024xf32>
    %max3A_342 = arith.constant 0.000000e+00 : f32
    %max3A_343 = vector.broadcast %max3A_342 : f32 to vector<16x1024xf32>
    %max3A_344 = arith.maximumf %add3A_341, %max3A_343 : vector<16x1024xf32>
    %swap3A_345 = arith.constant 352 : index
    %swap3A_346 = arith.constant 0 : index
    %swap3A_347 = vector.load %arg7[%swap3A_345, %swap3A_346] : memref<400x1024xf32, #tpu.memory_space<vmem>>, vector<16x1024xf32>
    tpu.vector_store %arg7[%swap3A_345, %swap3A_346], %max3A_344 {strides = array<i32>} : memref<400x1024xf32, #tpu.memory_space<vmem>>, vector<16x1024xf32>,
    %get3A_348 = arith.constant 23 : index
    %get3A_349 = arith.constant 0 : index
    %get3A_350 = arith.constant 0 : index
    %get3A_351 = vector.load %arg1[%get3A_348, %get3A_349, %get3A_350] : memref<25x64x1024xf32, #tpu.memory_space<vmem>>, vector<1x64x1024xf32>
    %get3A_352 = vector.shape_cast %get3A_351 : vector<1x64x1024xf32> to vector<64x1024xf32>
    %dot_general3A_353 = arith.constant dense<0.000000e+00> : vector<16x1024xf32>
    %dot_general3A_354 = tpu.matmul %get3A_3, %get3A_352, %dot_general3A_353 {dimension_numbers = #tpu.dot_dimension_numbers<[1], [0], [0], [1], [0, 0, 1, 1], [], []>, transpose_lhs_hint = false} : vector<16x64xf32>, vector<64x1024xf32>, vector<16x1024xf32> -> vector<16x1024xf32>
    %add3A_355 = vector.broadcast %get3A_6 : vector<16x1xf32> to vector<16x1024xf32>
    %add3A_356 = arith.addf %dot_general3A_354, %add3A_355 : vector<16x1024xf32>
    %max3A_357 = arith.constant 0.000000e+00 : f32
    %max3A_358 = vector.broadcast %max3A_357 : f32 to vector<16x1024xf32>
    %max3A_359 = arith.maximumf %add3A_356, %max3A_358 : vector<16x1024xf32>
    %swap3A_360 = arith.constant 368 : index
    %swap3A_361 = arith.constant 0 : index
    %swap3A_362 = vector.load %arg7[%swap3A_360, %swap3A_361] : memref<400x1024xf32, #tpu.memory_space<vmem>>, vector<16x1024xf32>
    tpu.vector_store %arg7[%swap3A_360, %swap3A_361], %max3A_359 {strides = array<i32>} : memref<400x1024xf32, #tpu.memory_space<vmem>>, vector<16x1024xf32>,
    %get3A_363 = arith.constant 24 : index
    %get3A_364 = arith.constant 0 : index
    %get3A_365 = arith.constant 0 : index
    %get3A_366 = vector.load %arg1[%get3A_363, %get3A_364, %get3A_365] : memref<25x64x1024xf32, #tpu.memory_space<vmem>>, vector<1x64x1024xf32>
    %get3A_367 = vector.shape_cast %get3A_366 : vector<1x64x1024xf32> to vector<64x1024xf32>
    %dot_general3A_368 = arith.constant dense<0.000000e+00> : vector<16x1024xf32>
    %dot_general3A_369 = tpu.matmul %get3A_3, %get3A_367, %dot_general3A_368 {dimension_numbers = #tpu.dot_dimension_numbers<[1], [0], [0], [1], [0, 0, 1, 1], [], []>, transpose_lhs_hint = false} : vector<16x64xf32>, vector<64x1024xf32>, vector<16x1024xf32> -> vector<16x1024xf32>
    %add3A_370 = vector.broadcast %get3A_6 : vector<16x1xf32> to vector<16x1024xf32>
    %add3A_371 = arith.addf %dot_general3A_369, %add3A_370 : vector<16x1024xf32>
    %max3A_372 = arith.constant 0.000000e+00 : f32
    %max3A_373 = vector.broadcast %max3A_372 : f32 to vector<16x1024xf32>
    %max3A_374 = arith.maximumf %add3A_371, %max3A_373 : vector<16x1024xf32>
    %swap3A_375 = arith.constant 384 : index
    %swap3A_376 = arith.constant 0 : index
    %swap3A_377 = vector.load %arg7[%swap3A_375, %swap3A_376] : memref<400x1024xf32, #tpu.memory_space<vmem>>, vector<16x1024xf32>
    tpu.vector_store %arg7[%swap3A_375, %swap3A_376], %max3A_374 {strides = array<i32>} : memref<400x1024xf32, #tpu.memory_space<vmem>>, vector<16x1024xf32>,
    %get3A_378 = arith.constant 0 : index
    %get3A_379 = arith.constant 0 : index
    %get3A_380 = arith.constant 0 : index
    %get3A_381 = vector.load %arg4[%get3A_378, %get3A_379, %get3A_380] : memref<1x1x400xf32, #tpu.memory_space<vmem>>, vector<1x1x400xf32>
    %get3A_382 = vector.shape_cast %get3A_381 : vector<1x1x400xf32> to vector<1x400xf32>
    %get3A_383 = arith.constant 0 : index
    %get3A_384 = arith.constant 0 : index
    %get3A_385 = vector.load %arg7[%get3A_383, %get3A_384] : memref<400x1024xf32, #tpu.memory_space<vmem>>, vector<400x1024xf32>
    %dot_general3A_386 = arith.constant dense<0.000000e+00> : vector<1x1024xf32>
    %dot_general3A_387 = tpu.matmul %get3A_382, %get3A_385, %dot_general3A_386 {dimension_numbers = #tpu.dot_dimension_numbers<[1], [0], [0], [1], [0, 0, 1, 1], [], []>, transpose_lhs_hint = false} : vector<1x400xf32>, vector<400x1024xf32>, vector<1x1024xf32> -> vector<1x1024xf32>
    %get3A_388 = arith.constant 0 : index
    %get3A_389 = arith.constant 0 : index
    %get3A_390 = vector.load %arg6[%get3A_388, %get3A_389] : memref<1x1024xf32, #tpu.memory_space<vmem>>, vector<1x1024xf32>
    %add3A_391 = arith.addf %get3A_390, %dot_general3A_387 : vector<1x1024xf32>
    %swap3A_392 = arith.constant 0 : index
    %swap3A_393 = arith.constant 0 : index
    %swap3A_394 = vector.load %arg6[%swap3A_392, %swap3A_393] : memref<1x1024xf32, #tpu.memory_space<vmem>>, vector<1x1024xf32>
    tpu.vector_store %arg6[%swap3A_392, %swap3A_393], %add3A_391 {strides = array<i32>} : memref<1x1024xf32, #tpu.memory_space<vmem>>, vector<1x1024xf32>,
    return
  }
  func.func @transform_0(%arg0: i32) -> (i32, i32, i32) {
    %c0_i32 = arith.constant 0 : i32
    %c0_i32_0 = arith.constant 0 : i32
    %c0_i32_1 = arith.constant 0 : i32
    return %arg0, %c0_i32, %c0_i32_0 : i32, i32, i32
  }
  func.func @transform_1(%arg0: i32) -> (i32, i32) {
    %c0_i32 = arith.constant 0 : i32
    %c0_i32_0 = arith.constant 0 : i32
    %c0_i32_1 = arith.constant 0 : i32
    return %c0_i32, %c0_i32_0 : i32, i32
  }
  func.func @transform_2(%arg0: i32) -> (i32, i32) {
    %c0_i32 = arith.constant 0 : i32
    %c0_i32_0 = arith.constant 0 : i32
    %c0_i32_1 = arith.constant 0 : i32
    return %c0_i32, %c0_i32_0 : i32, i32
  }
  func.func @transform_3(%arg0: i32) -> (i32, i32, i32) {
    %c0_i32 = arith.constant 0 : i32
    %c0_i32_0 = arith.constant 0 : i32
    %c0_i32_1 = arith.constant 0 : i32
    return %arg0, %c0_i32, %c0_i32_0 : i32, i32, i32
  }
  func.func @transform_4(%arg0: i32) -> (i32, i32) {
    %c0_i32 = arith.constant 0 : i32
    %c0_i32_0 = arith.constant 0 : i32
    %c0_i32_1 = arith.constant 0 : i32
    return %c0_i32, %c0_i32_0 : i32, i32
  }
  func.func @transform_5(%arg0: i32) -> (i32, i32) {
    %c0_i32 = arith.constant 0 : i32
    %c0_i32_0 = arith.constant 0 : i32
    %c0_i32_1 = arith.constant 0 : i32
    return %c0_i32, %c0_i32_0 : i32, i32
  }
}

</mosaic_0001>

<sc_bundles>
// kernel: kernel.4.cloned.1.call-start
scs
__scs_entry_jumppad:
0x0: {  	(pc) =	sbr.rel $0x88, $3  }
0x1: {  	(tag) =	ssettag $0x0;
	lr =	simm.s32 $0x1  }
0x2: {  	[smem:$0x3F9B] =	sst lr;
	_ =	strace $0xD0000000  }
0x3: {  	_ = 	snop  }
0x4: {  	_ = 	snop  }
0x5: {  	_ = 	snop  }
0x6: {  	_ = 	snop  }
0x7: {  	_ = 	snop  }
__scs_overlays_trampoline_lowered:
0x8: {  	[smem:$0x3FAA] =	sst s0  }
0x9: {  	[smem:$0x3FAB] =	sst s1  }
0xa: {  	[smem:$0x3FAC] =	sst s2  }
0xb: {  	[smem:$0x3FAD] =	sst s3  }
0xc: {  	[smem:$0x3FAE] =	sst s4  }
0xd: {  	[smem:$0x3FAF] =	sst s5  }
0xe: {  	[smem:$0x3FB0] =	sst s6  }
0xf: {  	[smem:$0x3FB1] =	sst s7  }
0x10: {  	[smem:$0x3FB2] =	sst s8  }
0x11: {  	[smem:$0x3FB3] =	sst s9;
	s0 =	simm.s32 @!p0 $0x0  }
0x12: {  	s1 =	sld [smem:$0x3F99];
	s0 =	simm.s32 @p0 $0x1  }
0x13: {  	[smem:$0x3FB4] =	sst s0;
	s0 =	simm.s32 @!p1 $0x0  }
0x14: {  	s2 =	sld [smem:$0x3F98];
	s0 =	simm.s32 @p1 $0x1  }
0x15: {  	[smem:$0x3FB5] =	sst s0;
	s0 =	simm.s32 @!p2 $0x0  }
0x16: {  	s3 =	sld [smem:$0x3FDB];
	s0 =	simm.s32 @p2 $0x1  }
0x17: {  	s4 =	simm.s32 $0x1BF5;
	[smem:$0x3FB7] =	sst s0  }
0x18: {  	s0 =	sld [smem:$0x3F9A];
	_ =	swait.ge [sflag:s4], $0x0  }
0x19: {  	s7 =	sld [smem:$0x3F9B]  }
0x1a: {  	s8 =	sadd.s32 $0xFFFFE003, lr  }
0x1b: {  	s9 =	sadd.s32 $0xFFFFFEF7, lr;
	s5 =	simm.s32 $0xFFFFFFFF;
	p2 =	slt.u32 s8, $0xFFFFF086  }
0x1c: {  	p1 =	slt.u32 s9, $0xF7A;
	s5 =	simm.s32 @!p2 $0x0  }
0x1d: {  	s5 =	simm.s32 @p1 $0x1;
	p0 =	seq.s32 s7, s2  }
0x1e: {  	s7 =	smul.u32 @!p0 $0xF7A, s2;
	p2 =	seq.s32 @!p0 s5, $0x0  }
0x1f: {  	s9 =	smul.u32 $0xF7A, s1;
	s8 =	simm.s32 @!p0 $0x1BF5;
	p2 =	por !p2, p0  }
0x20: {  	[sflag:s8] =	ssyncset.s32 @!p0 $0xFFFFF086;
	s6 =	sadd.s32 @!p0 s3, s7;
	s7 =	simm.s32 @!p0 $0x108  }
0x21: {  	s3 =	sadd.s32 s3, s9;
	s6 =	sadd.s32 @!p0 $0x88, s6;
	s7 =	simm.s32 @p2 $0x1082  }
0x22: {  	[simem:s7], [sflag:s8] =	dma.local @!p0 [hbm:s6], $0xF7A  }
0x23: {  	s9 =	sor.u32 $0xD0000000, s2;
	s6 =	simm.s32 $0x108;
	_ =	swait.ge @!p0 [sflag:s8], $0x0  }
0x24: {  	s3 =	sadd.s32 $0x88, s3;
	s6 =	simm.s32 @!p1 $0x1082;
	[sflag:s4] =	ssyncset.s32 $0xFFFFF086  }
0x25: {  	[simem:s6], [sflag:s4] =	dma.local [hbm:s3], $0xF7A  }
0x26: {  	[smem:$0x3F9B] =	sst s1;
	(tag) =	ssettag s2;
	_ =	strace s9  }
0x27: {  	s1 =	sld [smem:$0x3FAB]  }
0x28: {  	s2 =	sld [smem:$0x3FAC]  }
0x29: {  	s4 =	sld [smem:$0x3FAE]  }
0x2a: {  	p0 =	seq.s32 s5, $0x0;
	s5 =	sld [smem:$0x3FAF]  }
0x2b: {  	s6 =	sld [smem:$0x3FB0]  }
0x2c: {  	s7 =	sld [smem:$0x3FB1]  }
0x2d: {  	s3 =	simm.s32 $0x108;
	s8 =	sld [smem:$0x3FB2]  }
0x2e: {  	s3 =	simm.s32 @!p0 $0x1082;
	s9 =	sld [smem:$0x3FB3]  }
0x2f: {  	lr =	sadd.s32 s0, s3;
	s0 =	sld [smem:$0x3FAA]  }
0x30: {  	s3 =	sld [smem:$0x3FAD]  }
0x31: {  	[smem:$0x3FB6] =	sst s10  }
0x32: {  	s10 =	sld [smem:$0x3FB4];
	_ =	sdelay $0x3  }
0x33: {  	p0 =	seq.s32 s10, $0x1;
	s10 =	sld [smem:$0x3FB6];
	_ =	sdelay $0x3  }
0x34: {  	[smem:$0x3FB6] =	sst s10  }
0x35: {  	s10 =	sld [smem:$0x3FB5];
	_ =	sdelay $0x3  }
0x36: {  	p1 =	seq.s32 s10, $0x1;
	s10 =	sld [smem:$0x3FB6];
	_ =	sdelay $0x3  }
0x37: {  	[smem:$0x3FB6] =	sst s10  }
0x38: {  	s10 =	sld [smem:$0x3FB7]  }
0x39: {  	_ = 	snop;
	(pc) =	sbr.ind lr, $3  }
0x3a: {  	_ = 	snop  }
0x3b: {  	_ = 	snop  }
0x3c: {  	p2 =	seq.s32 s10, $0x1;
	s10 =	sld [smem:$0x3FB6]  }
0x3d: {  	_ =	shalt  }
0x3e: {  	_ =	shalt  }
0x3f: {  	_ =	shalt  }
0x40: {  	_ =	shalt  }
0x41: {  	_ =	shalt  }
0x42: {  	_ =	shalt  }
0x43: {  	_ =	shalt  }
0x44: {  	_ =	shalt  }
0x45: {  	_ =	shalt  }
0x46: {  	_ =	shalt  }
0x47: {  	_ =	shalt  }
0x48: {  	_ =	shalt  }
0x49: {  	_ =	shalt  }
0x4a: {  	_ =	shalt  }
0x4b: {  	_ =	shalt  }
0x4c: {  	_ =	shalt  }
0x4d: {  	_ =	shalt  }
0x4e: {  	_ =	shalt  }
0x4f: {  	_ =	shalt  }
0x50: {  	_ =	shalt  }
0x51: {  	_ =	shalt  }
0x52: {  	_ =	shalt  }
0x53: {  	_ =	shalt  }
0x54: {  	_ =	shalt  }
0x55: {  	_ =	shalt  }
0x56: {  	_ =	shalt  }
0x57: {  	_ =	shalt  }
0x58: {  	_ =	shalt  }
0x59: {  	_ =	shalt  }
0x5a: {  	_ =	shalt  }
0x5b: {  	_ =	shalt  }
0x5c: {  	_ =	shalt  }
0x5d: {  	_ =	shalt  }
0x5e: {  	_ =	shalt  }
0x5f: {  	_ =	shalt  }
0x60: {  	_ =	shalt  }
0x61: {  	_ =	shalt  }
0x62: {  	_ =	shalt  }
0x63: {  	_ =	shalt  }
0x64: {  	_ =	shalt  }
0x65: {  	_ =	shalt  }
0x66: {  	_ =	shalt  }
0x67: {  	_ =	shalt  }
0x68: {  	_ =	shalt  }
0x69: {  	_ =	shalt  }
0x6a: {  	_ =	shalt  }
0x6b: {  	_ =	shalt  }
0x6c: {  	_ =	shalt  }
0x6d: {  	_ =	shalt  }
0x6e: {  	_ =	shalt  }
0x6f: {  	_ =	shalt  }
0x70: {  	_ =	shalt  }
0x71: {  	_ =	shalt  }
0x72: {  	_ =	shalt  }
0x73: {  	_ =	shalt  }
0x74: {  	_ =	shalt  }
0x75: {  	_ =	shalt  }
0x76: {  	_ =	shalt  }
0x77: {  	_ =	shalt  }
0x78: {  	_ =	shalt  }
0x79: {  	_ =	shalt  }
0x7a: {  	_ =	shalt  }
0x7b: {  	_ =	shalt  }
0x7c: {  	_ =	shalt  }
0x7d: {  	_ =	shalt  }
0x7e: {  	_ =	shalt  }
0x7f: {  	_ =	shalt  }
0x80: {  	_ =	shalt  }
0x81: {  	_ =	shalt  }
0x82: {  	_ =	shalt  }
0x83: {  	_ =	shalt  }
0x84: {  	_ =	shalt  }
0x85: {  	_ =	shalt  }
0x86: {  	_ =	shalt  }
0x87: {  	_ =	shalt  }
.Lfunc_end0:
.L_simem_size_0:
called_computation_lowered:
.L_overlay_start_0:
0x88: {  	s2 =	sld [smem:$0x3FD9]  }
0x89: {  	s3 =	sld [smem:$0x3FFE];
	_ =	sdelay $0x1  }
0x8a: {  	s1 =	srdreg.scid  }
0x8b: {  	s0 =	sand.u32 $0x1, s1  }
0x8c: {  	s14 =	sshll.u32 s0, $0xA;
	s2 =	sadd.s32 s3, s2  }
0x8d: {  	s2 =	sadd.s32 s2, s14  }
0x8e: {  	[smem:$0x3FC2] =	sst s2  }
0x8f: {  	_ = 	snop  }
0x90: {  	s2 =	sld [smem:$0x3FD0];
	_ =	sdelay $0x2  }
0x91: {  	s15 =	simm.s32 $0xA;
	s4 =	simm.s32 $0x10  }
0x92: {  	[smem:s4], [sflag:s15] =	dma.local [hbm:s2], $0x1  }
0x93: {  	_ =	swait.eq [sflag:s15], $0x1  }
0x94: {  	[sflag:s15] =	ssyncset.done $0x0  }
0x95: {  	[sflag:s15] =	ssyncadd.s32 $0xFFFFFFFF  }
0x96: {  	s16 =	sld [smem:$0x10];
	(tm) =	ssettm $0x1  }
0x97: {  	s17 =	sld [smem:$0x3FFB];
	_ =	sdelay $0x3  }
0x98: {  	_ =	strace s17  }
0x99: {  	s3 =	sld [smem:$0x3FFC];
	_ =	sdelay $0x3  }
0x9a: {  	_ =	strace s3  }
0x9b: {  	s3 =	sld [smem:$0x3FFD];
	_ =	sdelay $0x3  }
0x9c: {  	_ =	strace s3  }
0x9d: {  	_ =	strace $0x8FFFFFFF  }
0x9e: {  	s18 =	sld [smem:$0x3FDB];
	_ =	sdelay $0x1  }
0x9f: {  	s19 =	simm.s32 $_scs_section_size  }
0xa0: {  	s5 =	simm.s32 $_size__tile_overlayer_lowered;
	s6 =	simm.s32 $_tile_overlayer_lowered  }
0xa1: {  	s22 =	simm.s32 $0x1BFF;
	s21 =	sshll.u32 s6, $0x1;
	s3 =	sadd.s32 s19, s18  }
0xa2: {  	s7 =	simm.s32 $0x0;
	s20 =	sshll.u32 s5, $0x1;
	s5 =	sadd.s32 s21, s3  }
0xa3: {  	[timem:s7], [sflag:s22] =	dma.local [hbm:s5], s20  }
0xa4: {  	_ =	swait.ge [sflag:s22], s20  }
0xa5: {  	s4 =	ssub.s32 $0x0, s20;
	[sflag:s22] =	ssyncset.done $0x0  }
0xa6: {  	[sflag:s22] =	ssyncadd.s32 s4;
	_ =	sdelay $0x1  }
0xa7: {  	s23 =	simm.s32 $0x1B8B  }
0xa8: {  	_ =	swait.ge [sflag:s23], $0x1  }
0xa9: {  	[sflag:s23] =	ssyncset.done $0x0  }
0xaa: {  	s25 =	simm.s32 $0x1B8E;
	s24 =	sld [smem:$0x3FFE];
	[sflag:s23] =	ssyncadd.s32 $0xFFFFFFFF  }
0xab: {  	s26 =	simm.s32 $execute0_lowered;
	[smem:$0x3FD2] =	sst s25  }
0xac: {  	s5 =	sshll.u32 s26, $0x1;
	_ =	strace $0x80000046;
	[dreg:$0x1] =	wrdreg $0xFFFFFFFF  }
0xad: {  	s28 =	simm.s32 $_size_execute0_lowered;
	s3 =	sadd.s32 s3, s5;
	[dreg:$0x0] =	wrdreg $0x0  }
0xae: {  	s5 =	sshll.u32 s28, $0x1;
	[dreg:$0x2] =	wrdreg s3  }
0xaf: {  	[dreg:$0x3] =	wrdreg s5  }
0xb0: {  	[dreg:$0x4] =	wrdreg $0xC0  }
0xb1: {  	_ =	task [dreg:s7], $0x5FFFF  }
0xb2: {  	[dreg:$0x1] =	wrdreg $0xFFFFFFFF  }
0xb3: {  	[dreg:$0x0] =	wrdreg $0x60  }
0xb4: {  	[dreg:$0x2] =	wrdreg s24  }
0xb5: {  	[dreg:$0x3] =	wrdreg s16  }
0xb6: {  	[dreg:$0x4] =	wrdreg $0x9  }
0xb7: {  	_ =	task.clear_ibuf [dreg:s7], $0x5FFFF;
	_ =	strace $0x90000046  }
0xb8: {  	s29 =	simm.s32 $0x9;
	_ =	strace $0x80000048  }
0xb9: {  	_ =	swait.ge [sflag:s29], $0x1  }
0xba: {  	[sflag:s29] =	ssyncadd.s32 $0xFFFFFFFF  }
0xbb: {  	_ =	strace $0x90000048  }
0xbc: {  	_ =	sfence  }
0xbd: {  	s30 =	sld [smem:$0x0];
	_ =	sdelay $0x2  }
0xbe: {  	s31 =	sshll.u32 s1, $0xD;
	s1 =	sshrl.u32 s1, $0x2  }
0xbf: {  	s3 =	sand.u32 $0x4000, s31;
	s1 =	sadd.s32 s1, s30  }
0xc0: {  	s0 =	sor.u32 s3, s0;
	s1 =	sshll.u32 s1, $0x11  }
0xc1: {  	s0 =	sor.u32 s1, s0  }
0xc2: {  	s0 =	sadd.s32 $0x8F2B, s0  }
0xc3: {  	[sflag:s0] =	ssyncadd.remote.s32 $0x1  }
0xc4: {  	_ =	sfence.sel $0xFFFF  }
0xc5: {  	[dreg:$0x0] =	wrdreg $0xFFFFFFFF;
	(pc) =	sbr.abs _section_cstart, $3  }
0xc6: {  	[dreg:$0x1] =	wrdreg $0xFFFFFFFF  }
0xc7: {  	_ =	task.clear_ibuf [dreg:s7], $0x2FFFF;
	_ =	strace $0x9FFFFFFF  }
0xc8: {  	(tm) =	ssettm $0x7FFFFFFF  }
0xc9: {  	_ =	shalt  }
tec
execute0_lowered:
.L_overlay_start_1:
0x0: {  	(tag) =	ssettag $0x1  }
0x1: {  	s0 =	srdreg.scid  }
0x2: {  	s4 =	sand.u32 $0x1, s0  }
0x3: {  	s1 =	stileid.u32;
	s6 =	sshll.u32 s4, $0x4  }
0x4: {  	s6 =	sor.u32 s1, s6  }
0x5: {  	p0 =	sgt.u32 s6, $0x18  }
.Ltmp0:
0x6: {  	_ = 	snop;
	(pc) =	sbr.rel @p0 .LBB2_3-.Ltmp0, $4  }
0x7: {  	s3 =	rddreg [dreg:$0x0]  }
0x8: {  	s5 =	rddreg [dreg:$0x1];
	s2 =	simm.s32 $0x0  }
0x9: {  	[smem:$0x7FF] =	sst s2  }
0xa: {  	s0 =	rddreg [dreg:$0x2];
	_ =	strace $0x80000047  }
0xb: {  	s7 =	smul.u32 $0xA000, s6  }
0xc: {  	s30 =	smul.u32 $0x1400, s6  }
0xd: {  	s3 =	sadd.s32 $0x400, s3;
	s8 =	ssub.s32 $0x2, s4;
	s11 =	simm.s32 $0x80  }
0xe: {  	s12 =	simm.s32 $0x1;
	s31 =	sshrl.u32 s8, $0x1;
	s7 =	sshrl.u32 s7, $0x3  }
0xf: {  	s4 =	sadd.s32 s5, s30;
	s10 =	ssub.s32 s8, s31;
	s9 =	sadd.s32 s5, s7  }
0x10: {  	s5 =	sadd.s32 $0x400, s9;
	s6 =	sadd.s32 $0x800, s9;
	s7 =	sadd.s32 $0xC00, s9  }
0x11: {  	s8 =	sadd.s32 $0x1000, s9;
	s9 =	smax.u32 s10, $0x1;
	s10 =	simm.s32 $0x2  }
.LBB2_2:
0x12: {  	[tilespmem:s2], [sflag:$0x2] =	stream.linear.gather [hbm4b:s3+s2], $0x80, $0x38;
	[tilespmem:$0x2080] =	vst v63  }
0x13: {  	_ =	swait.ge [sflag:s10], $0x80  }
0x14: {  	[sflag:s10] =	ssyncset.done $0x0  }
0x15: {  	[sflag:s10] =	ssyncadd.s32 $0xFFFFFF80  }
0x16: {  	v0 =	vld [tilespmem:$0x0];
	_ =	sdelay $0x4  }
0x17: {  	v0 =	vsub.f32 $0.0e+00, v0;
	_ =	sdelay $0x1  }
0x18: {  	v0 =	vmul.f32 $1.442695020e+00, v0;
	_ =	sdelay $0x1  }
0x19: {  	(erf) = vpow2.f32 v0;
	_ =	sdelay $0x8  }
0x1a: {  	v0 =	vpop (erf)  }
0x1b: {  	v0 =	vadd.f32 $1.000000000e+00, v0;
	_ =	sdelay $0x1  }
0x1c: {  	(erf) = vrcp.f32 v0;
	_ =	sdelay $0x6  }
0x1d: {  	v1 =	vld [tilespmem:$0x10];
	_ =	sdelay $0x1  }
0x1e: {  	v0 =	vpop (erf)  }
0x1f: {  	[tilespmem:$0x80] =	vst v0  }
0x20: {  	[tilespmem:$0x90] =	vst v0  }
0x21: {  	v1 =	vsub.f32 $0.0e+00, v1;
	[tilespmem:$0xA0] =	vst v0  }
0x22: {  	[tilespmem:$0xB0] =	vst v0  }
0x23: {  	v1 =	vmul.f32 $1.442695020e+00, v1;
	[tilespmem:$0xC0] =	vst v0  }
0x24: {  	[tilespmem:$0xD0] =	vst v0  }
0x25: {  	(erf) = vpow2.f32 v1;
	[tilespmem:$0xE0] =	vst v0  }
0x26: {  	[tilespmem:$0xF0] =	vst v0  }
0x27: {  	[tilespmem:$0x480] =	vst v0  }
0x28: {  	[tilespmem:$0x490] =	vst v0  }
0x29: {  	[tilespmem:$0x4A0] =	vst v0  }
0x2a: {  	[tilespmem:$0x4B0] =	vst v0  }
0x2b: {  	[tilespmem:$0x4C0] =	vst v0  }
0x2c: {  	[tilespmem:$0x4D0] =	vst v0  }
0x2d: {  	[tilespmem:$0x4E0] =	vst v0  }
0x2e: {  	[tilespmem:$0x4F0] =	vst v0;
	v1 =	vpop (erf)  }
0x2f: {  	[tilespmem:$0x880] =	vst v0;
	v1 =	vadd.f32 $1.000000000e+00, v1  }
0x30: {  	[tilespmem:$0x890] =	vst v0  }
0x31: {  	[tilespmem:$0x8A0] =	vst v0;
	(erf) = vrcp.f32 v1  }
0x32: {  	[tilespmem:$0x8B0] =	vst v0  }
0x33: {  	[tilespmem:$0x8C0] =	vst v0  }
0x34: {  	[tilespmem:$0x8D0] =	vst v0  }
0x35: {  	[tilespmem:$0x8E0] =	vst v0  }
0x36: {  	[tilespmem:$0x8F0] =	vst v0  }
0x37: {  	[tilespmem:$0xC80] =	vst v0  }
0x38: {  	[tilespmem:$0xC90] =	vst v0  }
0x39: {  	[tilespmem:$0xCA0] =	vst v0  }
0x3a: {  	v1 =	vpop (erf);
	[tilespmem:$0xCB0] =	vst v0  }
0x3b: {  	[tilespmem:$0xCC0] =	vst v0  }
0x3c: {  	[tilespmem:$0xCD0] =	vst v0  }
0x3d: {  	[tilespmem:$0xCE0] =	vst v0  }
0x3e: {  	[tilespmem:$0xCF0] =	vst v0  }
0x3f: {  	[tilespmem:$0x1080] =	vst v0  }
0x40: {  	[tilespmem:$0x1090] =	vst v0  }
0x41: {  	[tilespmem:$0x10A0] =	vst v0  }
0x42: {  	[tilespmem:$0x10B0] =	vst v0  }
0x43: {  	[tilespmem:$0x10C0] =	vst v0  }
0x44: {  	[tilespmem:$0x10D0] =	vst v0  }
0x45: {  	[tilespmem:$0x10E0] =	vst v0  }
0x46: {  	[tilespmem:$0x10F0] =	vst v0  }
0x47: {  	[tilespmem:$0x1480] =	vst v0  }
0x48: {  	[tilespmem:$0x1490] =	vst v0  }
0x49: {  	[tilespmem:$0x14A0] =	vst v0  }
0x4a: {  	[tilespmem:$0x14B0] =	vst v0  }
0x4b: {  	[tilespmem:$0x14C0] =	vst v0  }
0x4c: {  	[tilespmem:$0x14D0] =	vst v0  }
0x4d: {  	[tilespmem:$0x14E0] =	vst v0  }
0x4e: {  	[tilespmem:$0x14F0] =	vst v0  }
0x4f: {  	[tilespmem:$0x1880] =	vst v0  }
0x50: {  	[tilespmem:$0x1890] =	vst v0  }
0x51: {  	[tilespmem:$0x18A0] =	vst v0  }
0x52: {  	[tilespmem:$0x18B0] =	vst v0  }
0x53: {  	[tilespmem:$0x18C0] =	vst v0  }
0x54: {  	[tilespmem:$0x18D0] =	vst v0  }
0x55: {  	[tilespmem:$0x18E0] =	vst v0  }
0x56: {  	[tilespmem:$0x18F0] =	vst v0  }
0x57: {  	[tilespmem:$0x1C80] =	vst v0  }
0x58: {  	[tilespmem:$0x1C90] =	vst v0  }
0x59: {  	[tilespmem:$0x1CA0] =	vst v0  }
0x5a: {  	[tilespmem:$0x1CB0] =	vst v0  }
0x5b: {  	[tilespmem:$0x1CC0] =	vst v0  }
0x5c: {  	[tilespmem:$0x1CD0] =	vst v0  }
0x5d: {  	[tilespmem:$0x1CE0] =	vst v0  }
0x5e: {  	[tilespmem:$0x1CF0] =	vst v0  }
0x5f: {  	[tilespmem:$0x180] =	vst v0  }
0x60: {  	[tilespmem:$0x190] =	vst v0  }
0x61: {  	[tilespmem:$0x1A0] =	vst v0  }
0x62: {  	[tilespmem:$0x1B0] =	vst v0  }
0x63: {  	[tilespmem:$0x1C0] =	vst v0  }
0x64: {  	[tilespmem:$0x1D0] =	vst v0  }
0x65: {  	[tilespmem:$0x1E0] =	vst v0  }
0x66: {  	[tilespmem:$0x1F0] =	vst v0  }
0x67: {  	[tilespmem:$0x580] =	vst v0  }
0x68: {  	[tilespmem:$0x590] =	vst v0  }
0x69: {  	[tilespmem:$0x5A0] =	vst v0  }
0x6a: {  	[tilespmem:$0x5B0] =	vst v0  }
0x6b: {  	[tilespmem:$0x5C0] =	vst v0  }
0x6c: {  	[tilespmem:$0x5D0] =	vst v0  }
0x6d: {  	[tilespmem:$0x5E0] =	vst v0  }
0x6e: {  	[tilespmem:$0x5F0] =	vst v0  }
0x6f: {  	[tilespmem:$0x980] =	vst v0  }
0x70: {  	[tilespmem:$0x990] =	vst v0  }
0x71: {  	[tilespmem:$0x9A0] =	vst v0  }
0x72: {  	[tilespmem:$0x9B0] =	vst v0  }
0x73: {  	[tilespmem:$0x9C0] =	vst v0  }
0x74: {  	[tilespmem:$0x9D0] =	vst v0  }
0x75: {  	[tilespmem:$0x9E0] =	vst v0  }
0x76: {  	[tilespmem:$0x9F0] =	vst v0  }
0x77: {  	[tilespmem:$0xD80] =	vst v0  }
0x78: {  	[tilespmem:$0xD90] =	vst v0  }
0x79: {  	[tilespmem:$0xDA0] =	vst v0  }
0x7a: {  	[tilespmem:$0xDB0] =	vst v0  }
0x7b: {  	[tilespmem:$0xDC0] =	vst v0  }
0x7c: {  	[tilespmem:$0xDD0] =	vst v0  }
0x7d: {  	[tilespmem:$0xDE0] =	vst v0  }
0x7e: {  	[tilespmem:$0xDF0] =	vst v0  }
0x7f: {  	[tilespmem:$0x1180] =	vst v0  }
0x80: {  	[tilespmem:$0x1190] =	vst v0  }
0x81: {  	[tilespmem:$0x11A0] =	vst v0  }
0x82: {  	[tilespmem:$0x11B0] =	vst v0  }
0x83: {  	[tilespmem:$0x11C0] =	vst v0  }
0x84: {  	[tilespmem:$0x11D0] =	vst v0  }
0x85: {  	[tilespmem:$0x11E0] =	vst v0  }
0x86: {  	[tilespmem:$0x11F0] =	vst v0  }
0x87: {  	[tilespmem:$0x1580] =	vst v0  }
0x88: {  	[tilespmem:$0x1590] =	vst v0  }
0x89: {  	[tilespmem:$0x15A0] =	vst v0  }
0x8a: {  	[tilespmem:$0x15B0] =	vst v0  }
0x8b: {  	[tilespmem:$0x15C0] =	vst v0  }
0x8c: {  	[tilespmem:$0x15D0] =	vst v0  }
0x8d: {  	[tilespmem:$0x15E0] =	vst v0  }
0x8e: {  	[tilespmem:$0x15F0] =	vst v0  }
0x8f: {  	[tilespmem:$0x1980] =	vst v0  }
0x90: {  	[tilespmem:$0x1990] =	vst v0  }
0x91: {  	[tilespmem:$0x19A0] =	vst v0  }
0x92: {  	[tilespmem:$0x19B0] =	vst v0  }
0x93: {  	[tilespmem:$0x19C0] =	vst v0  }
0x94: {  	[tilespmem:$0x19D0] =	vst v0  }
0x95: {  	[tilespmem:$0x19E0] =	vst v0  }
0x96: {  	[tilespmem:$0x19F0] =	vst v0  }
0x97: {  	[tilespmem:$0x1D80] =	vst v0  }
0x98: {  	[tilespmem:$0x1D90] =	vst v0  }
0x99: {  	[tilespmem:$0x1DA0] =	vst v0  }
0x9a: {  	[tilespmem:$0x1DB0] =	vst v0  }
0x9b: {  	[tilespmem:$0x1DC0] =	vst v0  }
0x9c: {  	[tilespmem:$0x1DD0] =	vst v0  }
0x9d: {  	[tilespmem:$0x1DE0] =	vst v0  }
0x9e: {  	[tilespmem:$0x1DF0] =	vst v0  }
0x9f: {  	[tilespmem:$0x280] =	vst v0  }
0xa0: {  	[tilespmem:$0x290] =	vst v0  }
0xa1: {  	[tilespmem:$0x2A0] =	vst v0  }
0xa2: {  	[tilespmem:$0x2B0] =	vst v0  }
0xa3: {  	[tilespmem:$0x2C0] =	vst v0  }
0xa4: {  	[tilespmem:$0x2D0] =	vst v0  }
0xa5: {  	[tilespmem:$0x2E0] =	vst v0  }
0xa6: {  	[tilespmem:$0x2F0] =	vst v0  }
0xa7: {  	[tilespmem:$0x680] =	vst v0  }
0xa8: {  	[tilespmem:$0x690] =	vst v0  }
0xa9: {  	[tilespmem:$0x6A0] =	vst v0  }
0xaa: {  	[tilespmem:$0x6B0] =	vst v0  }
0xab: {  	[tilespmem:$0x6C0] =	vst v0  }
0xac: {  	[tilespmem:$0x6D0] =	vst v0  }
0xad: {  	[tilespmem:$0x6E0] =	vst v0  }
0xae: {  	[tilespmem:$0x6F0] =	vst v0  }
0xaf: {  	[tilespmem:$0xA80] =	vst v0  }
0xb0: {  	[tilespmem:$0xA90] =	vst v0  }
0xb1: {  	[tilespmem:$0xAA0] =	vst v0  }
0xb2: {  	[tilespmem:$0xAB0] =	vst v0  }
0xb3: {  	[tilespmem:$0xAC0] =	vst v0  }
0xb4: {  	[tilespmem:$0xAD0] =	vst v0  }
0xb5: {  	[tilespmem:$0xAE0] =	vst v0  }
0xb6: {  	[tilespmem:$0xAF0] =	vst v0  }
0xb7: {  	[tilespmem:$0xE80] =	vst v0  }
0xb8: {  	[tilespmem:$0xE90] =	vst v0  }
0xb9: {  	[tilespmem:$0xEA0] =	vst v0  }
0xba: {  	[tilespmem:$0x1FF0] =	vst v0  }
0xbb: {  	[tilespmem:$0x1FE0] =	vst v0  }
0xbc: {  	[tilespmem:$0x1FD0] =	vst v0  }
0xbd: {  	[tilespmem:$0x1FC0] =	vst v0  }
0xbe: {  	[tilespmem:$0x1FB0] =	vst v0  }
0xbf: {  	[tilespmem:$0x1FA0] =	vst v0  }
0xc0: {  	[tilespmem:$0x1F90] =	vst v0  }
0xc1: {  	[tilespmem:$0x1F80] =	vst v0  }
0xc2: {  	[tilespmem:$0x1BF0] =	vst v0  }
0xc3: {  	[tilespmem:$0x1BE0] =	vst v0  }
0xc4: {  	[tilespmem:$0x1BD0] =	vst v0  }
0xc5: {  	[tilespmem:$0x1BC0] =	vst v0  }
0xc6: {  	[tilespmem:$0x1BB0] =	vst v0  }
0xc7: {  	[tilespmem:$0x1BA0] =	vst v0  }
0xc8: {  	[tilespmem:$0x1B90] =	vst v0  }
0xc9: {  	[tilespmem:$0x1B80] =	vst v0  }
0xca: {  	[tilespmem:$0x17F0] =	vst v0  }
0xcb: {  	[tilespmem:$0x17E0] =	vst v0  }
0xcc: {  	[tilespmem:$0x17D0] =	vst v0  }
0xcd: {  	[tilespmem:$0x17C0] =	vst v0  }
0xce: {  	[tilespmem:$0x17B0] =	vst v0  }
0xcf: {  	[tilespmem:$0x17A0] =	vst v0  }
0xd0: {  	[tilespmem:$0x1790] =	vst v0  }
0xd1: {  	[tilespmem:$0x1780] =	vst v0  }
0xd2: {  	[tilespmem:$0x13F0] =	vst v0  }
0xd3: {  	[tilespmem:$0x13E0] =	vst v0  }
0xd4: {  	[tilespmem:$0x13D0] =	vst v0  }
0xd5: {  	[tilespmem:$0x13C0] =	vst v0  }
0xd6: {  	[tilespmem:$0x13B0] =	vst v0  }
0xd7: {  	[tilespmem:$0x13A0] =	vst v0  }
0xd8: {  	[tilespmem:$0x1390] =	vst v0  }
0xd9: {  	[tilespmem:$0x1380] =	vst v0  }
0xda: {  	[tilespmem:$0xFF0] =	vst v0  }
0xdb: {  	[tilespmem:$0xFE0] =	vst v0  }
0xdc: {  	[tilespmem:$0xFD0] =	vst v0  }
0xdd: {  	[tilespmem:$0xFC0] =	vst v0  }
0xde: {  	[tilespmem:$0xFB0] =	vst v0  }
0xdf: {  	[tilespmem:$0xFA0] =	vst v0  }
0xe0: {  	[tilespmem:$0xF90] =	vst v0  }
0xe1: {  	[tilespmem:$0xF80] =	vst v0  }
0xe2: {  	[tilespmem:$0xBF0] =	vst v0  }
0xe3: {  	[tilespmem:$0xBE0] =	vst v0  }
0xe4: {  	[tilespmem:$0xBD0] =	vst v0  }
0xe5: {  	[tilespmem:$0xBC0] =	vst v0  }
0xe6: {  	[tilespmem:$0xBB0] =	vst v0  }
0xe7: {  	[tilespmem:$0xBA0] =	vst v0  }
0xe8: {  	[tilespmem:$0xB90] =	vst v0  }
0xe9: {  	[tilespmem:$0xB80] =	vst v0  }
0xea: {  	[tilespmem:$0x7F0] =	vst v0  }
0xeb: {  	[tilespmem:$0x7E0] =	vst v0  }
0xec: {  	[tilespmem:$0x7D0] =	vst v0  }
0xed: {  	[tilespmem:$0x7C0] =	vst v0  }
0xee: {  	[tilespmem:$0x7B0] =	vst v0  }
0xef: {  	[tilespmem:$0x7A0] =	vst v0  }
0xf0: {  	[tilespmem:$0x790] =	vst v0  }
0xf1: {  	[tilespmem:$0x780] =	vst v0  }
0xf2: {  	[tilespmem:$0x3F0] =	vst v0  }
0xf3: {  	[tilespmem:$0x3E0] =	vst v0  }
0xf4: {  	[tilespmem:$0x3D0] =	vst v0  }
0xf5: {  	[tilespmem:$0x3C0] =	vst v0  }
0xf6: {  	[tilespmem:$0x3B0] =	vst v0  }
0xf7: {  	[tilespmem:$0x3A0] =	vst v0  }
0xf8: {  	[tilespmem:$0x390] =	vst v0  }
0xf9: {  	[tilespmem:$0x380] =	vst v0  }
0xfa: {  	[tilespmem:$0x1EF0] =	vst v0  }
0xfb: {  	[tilespmem:$0x1EE0] =	vst v0  }
0xfc: {  	[tilespmem:$0x1ED0] =	vst v0  }
0xfd: {  	[tilespmem:$0x1EC0] =	vst v0  }
0xfe: {  	[tilespmem:$0x1EB0] =	vst v0  }
0xff: {  	[tilespmem:$0x1EA0] =	vst v0  }
0x100: {  	[tilespmem:$0x1E90] =	vst v0  }
0x101: {  	[tilespmem:$0x1E80] =	vst v0  }
0x102: {  	[tilespmem:$0x1AF0] =	vst v0  }
0x103: {  	[tilespmem:$0x1AE0] =	vst v0  }
0x104: {  	[tilespmem:$0x1AD0] =	vst v0  }
0x105: {  	[tilespmem:$0x1AC0] =	vst v0  }
0x106: {  	[tilespmem:$0x1AB0] =	vst v0  }
0x107: {  	[tilespmem:$0x1AA0] =	vst v0  }
0x108: {  	[tilespmem:$0x1A90] =	vst v0  }
0x109: {  	[tilespmem:$0x1A80] =	vst v0  }
0x10a: {  	[tilespmem:$0x16F0] =	vst v0  }
0x10b: {  	[tilespmem:$0x16E0] =	vst v0  }
0x10c: {  	[tilespmem:$0x16D0] =	vst v0  }
0x10d: {  	[tilespmem:$0x16C0] =	vst v0  }
0x10e: {  	[tilespmem:$0x16B0] =	vst v0  }
0x10f: {  	[tilespmem:$0x16A0] =	vst v0  }
0x110: {  	[tilespmem:$0x1690] =	vst v0  }
0x111: {  	[tilespmem:$0x1680] =	vst v0  }
0x112: {  	[tilespmem:$0x12F0] =	vst v0  }
0x113: {  	[tilespmem:$0x12E0] =	vst v0  }
0x114: {  	[tilespmem:$0x12D0] =	vst v0  }
0x115: {  	[tilespmem:$0x12C0] =	vst v0  }
0x116: {  	[tilespmem:$0x12B0] =	vst v0  }
0x117: {  	[tilespmem:$0x12A0] =	vst v0  }
0x118: {  	[tilespmem:$0x1290] =	vst v0  }
0x119: {  	[tilespmem:$0x1280] =	vst v0  }
0x11a: {  	[tilespmem:$0xEF0] =	vst v0  }
0x11b: {  	[tilespmem:$0xEE0] =	vst v0  }
0x11c: {  	[tilespmem:$0xED0] =	vst v0  }
0x11d: {  	[tilespmem:$0xEC0] =	vst v0;
	v1 =	vmul.f32 $5.000000000e-01, v1  }
0x11e: {  	[tilespmem:$0xEB0] =	vst v0  }
0x11f: {  	[tilespmem:$0x100] =	vst v1  }
0x120: {  	[tilespmem:$0x110] =	vst v1  }
0x121: {  	[tilespmem:$0x120] =	vst v1  }
0x122: {  	[tilespmem:$0x130] =	vst v1  }
0x123: {  	[tilespmem:$0x140] =	vst v1  }
0x124: {  	[tilespmem:$0x150] =	vst v1  }
0x125: {  	[tilespmem:$0x160] =	vst v1  }
0x126: {  	[tilespmem:$0x170] =	vst v1  }
0x127: {  	[tilespmem:$0x500] =	vst v1  }
0x128: {  	[tilespmem:$0x510] =	vst v1  }
0x129: {  	[tilespmem:$0x520] =	vst v1  }
0x12a: {  	[tilespmem:$0x530] =	vst v1  }
0x12b: {  	[tilespmem:$0x540] =	vst v1  }
0x12c: {  	[tilespmem:$0x550] =	vst v1  }
0x12d: {  	[tilespmem:$0x560] =	vst v1  }
0x12e: {  	[tilespmem:$0x570] =	vst v1  }
0x12f: {  	[tilespmem:$0x900] =	vst v1  }
0x130: {  	[tilespmem:$0x910] =	vst v1  }
0x131: {  	[tilespmem:$0x920] =	vst v1  }
0x132: {  	[tilespmem:$0x930] =	vst v1  }
0x133: {  	[tilespmem:$0x940] =	vst v1  }
0x134: {  	[tilespmem:$0x950] =	vst v1  }
0x135: {  	[tilespmem:$0x960] =	vst v1  }
0x136: {  	[tilespmem:$0x970] =	vst v1  }
0x137: {  	[tilespmem:$0xD00] =	vst v1  }
0x138: {  	[tilespmem:$0xD10] =	vst v1  }
0x139: {  	[tilespmem:$0xD20] =	vst v1  }
0x13a: {  	[tilespmem:$0xD30] =	vst v1  }
0x13b: {  	[tilespmem:$0xD40] =	vst v1  }
0x13c: {  	[tilespmem:$0xD50] =	vst v1  }
0x13d: {  	[tilespmem:$0xD60] =	vst v1  }
0x13e: {  	[tilespmem:$0xD70] =	vst v1  }
0x13f: {  	[tilespmem:$0x1100] =	vst v1  }
0x140: {  	[tilespmem:$0x1110] =	vst v1  }
0x141: {  	[tilespmem:$0x1120] =	vst v1  }
0x142: {  	[tilespmem:$0x1130] =	vst v1  }
0x143: {  	[tilespmem:$0x1140] =	vst v1  }
0x144: {  	[tilespmem:$0x1150] =	vst v1  }
0x145: {  	[tilespmem:$0x1160] =	vst v1  }
0x146: {  	[tilespmem:$0x1170] =	vst v1  }
0x147: {  	[tilespmem:$0x1500] =	vst v1  }
0x148: {  	[tilespmem:$0x1510] =	vst v1  }
0x149: {  	[tilespmem:$0x1520] =	vst v1  }
0x14a: {  	[tilespmem:$0x1530] =	vst v1  }
0x14b: {  	[tilespmem:$0x1540] =	vst v1  }
0x14c: {  	[tilespmem:$0x1550] =	vst v1  }
0x14d: {  	[tilespmem:$0x1560] =	vst v1  }
0x14e: {  	[tilespmem:$0x1570] =	vst v1  }
0x14f: {  	[tilespmem:$0x1900] =	vst v1  }
0x150: {  	[tilespmem:$0x1910] =	vst v1  }
0x151: {  	[tilespmem:$0x1920] =	vst v1  }
0x152: {  	[tilespmem:$0x1930] =	vst v1  }
0x153: {  	[tilespmem:$0x1940] =	vst v1  }
0x154: {  	[tilespmem:$0x1950] =	vst v1  }
0x155: {  	[tilespmem:$0x1960] =	vst v1  }
0x156: {  	[tilespmem:$0x1970] =	vst v1  }
0x157: {  	[tilespmem:$0x1D00] =	vst v1  }
0x158: {  	[tilespmem:$0x1D10] =	vst v1  }
0x159: {  	[tilespmem:$0x1D20] =	vst v1  }
0x15a: {  	[tilespmem:$0x1D30] =	vst v1  }
0x15b: {  	[tilespmem:$0x1D40] =	vst v1  }
0x15c: {  	[tilespmem:$0x1D50] =	vst v1  }
0x15d: {  	[tilespmem:$0x1D60] =	vst v1  }
0x15e: {  	[tilespmem:$0x1D70] =	vst v1  }
0x15f: {  	[tilespmem:$0x300] =	vst v1  }
0x160: {  	[tilespmem:$0x310] =	vst v1  }
0x161: {  	[tilespmem:$0x320] =	vst v1  }
0x162: {  	[tilespmem:$0x330] =	vst v1  }
0x163: {  	[tilespmem:$0x340] =	vst v1  }
0x164: {  	[tilespmem:$0x350] =	vst v1  }
0x165: {  	[tilespmem:$0x360] =	vst v1  }
0x166: {  	[tilespmem:$0x370] =	vst v1  }
0x167: {  	[tilespmem:$0x700] =	vst v1  }
0x168: {  	[tilespmem:$0x710] =	vst v1  }
0x169: {  	[tilespmem:$0x720] =	vst v1  }
0x16a: {  	[tilespmem:$0x730] =	vst v1  }
0x16b: {  	[tilespmem:$0x740] =	vst v1  }
0x16c: {  	[tilespmem:$0x750] =	vst v1  }
0x16d: {  	[tilespmem:$0x760] =	vst v1  }
0x16e: {  	[tilespmem:$0x770] =	vst v1  }
0x16f: {  	[tilespmem:$0xB00] =	vst v1  }
0x170: {  	[tilespmem:$0xB10] =	vst v1  }
0x171: {  	[tilespmem:$0xB20] =	vst v1  }
0x172: {  	[tilespmem:$0xB30] =	vst v1  }
0x173: {  	[tilespmem:$0xB40] =	vst v1  }
0x174: {  	[tilespmem:$0xB50] =	vst v1  }
0x175: {  	[tilespmem:$0xB60] =	vst v1  }
0x176: {  	[tilespmem:$0xB70] =	vst v1  }
0x177: {  	[tilespmem:$0xF00] =	vst v1  }
0x178: {  	[tilespmem:$0xF10] =	vst v1  }
0x179: {  	[tilespmem:$0xF20] =	vst v1  }
0x17a: {  	[tilespmem:$0xF30] =	vst v1  }
0x17b: {  	[tilespmem:$0xF40] =	vst v1  }
0x17c: {  	[tilespmem:$0xF50] =	vst v1  }
0x17d: {  	[tilespmem:$0xF60] =	vst v1  }
0x17e: {  	[tilespmem:$0xF70] =	vst v1  }
0x17f: {  	[tilespmem:$0x1300] =	vst v1  }
0x180: {  	[tilespmem:$0x1310] =	vst v1  }
0x181: {  	[tilespmem:$0x1320] =	vst v1  }
0x182: {  	[tilespmem:$0x1330] =	vst v1  }
0x183: {  	[tilespmem:$0x1340] =	vst v1  }
0x184: {  	[tilespmem:$0x1350] =	vst v1  }
0x185: {  	[tilespmem:$0x1360] =	vst v1  }
0x186: {  	[tilespmem:$0x1370] =	vst v1  }
0x187: {  	[tilespmem:$0x1700] =	vst v1  }
0x188: {  	[tilespmem:$0x1710] =	vst v1  }
0x189: {  	[tilespmem:$0x1720] =	vst v1  }
0x18a: {  	[tilespmem:$0x1730] =	vst v1  }
0x18b: {  	[tilespmem:$0x1740] =	vst v1  }
0x18c: {  	[tilespmem:$0x1750] =	vst v1  }
0x18d: {  	[tilespmem:$0x1760] =	vst v1  }
0x18e: {  	[tilespmem:$0x1770] =	vst v1  }
0x18f: {  	[tilespmem:$0x1B00] =	vst v1  }
0x190: {  	[tilespmem:$0x1B10] =	vst v1  }
0x191: {  	[tilespmem:$0x1B20] =	vst v1  }
0x192: {  	[tilespmem:$0x1B30] =	vst v1  }
0x193: {  	[tilespmem:$0x1B40] =	vst v1  }
0x194: {  	[tilespmem:$0x1B50] =	vst v1  }
0x195: {  	[tilespmem:$0x1B60] =	vst v1  }
0x196: {  	[tilespmem:$0x1B70] =	vst v1  }
0x197: {  	[tilespmem:$0x1F00] =	vst v1  }
0x198: {  	[tilespmem:$0x1F10] =	vst v1  }
0x199: {  	[tilespmem:$0x1F20] =	vst v1  }
0x19a: {  	[tilespmem:$0x1F30] =	vst v1  }
0x19b: {  	[tilespmem:$0x1F40] =	vst v1  }
0x19c: {  	[tilespmem:$0x1F50] =	vst v1  }
0x19d: {  	[tilespmem:$0x1F60] =	vst v1  }
0x19e: {  	[tilespmem:$0x1F70] =	vst v1  }
0x19f: {  	[tilespmem:$0x200] =	vst v1  }
0x1a0: {  	[tilespmem:$0x210] =	vst v1  }
0x1a1: {  	[tilespmem:$0x220] =	vst v1  }
0x1a2: {  	[tilespmem:$0x230] =	vst v1  }
0x1a3: {  	[tilespmem:$0x240] =	vst v1  }
0x1a4: {  	[tilespmem:$0x250] =	vst v1  }
0x1a5: {  	[tilespmem:$0x260] =	vst v1  }
0x1a6: {  	[tilespmem:$0x270] =	vst v1  }
0x1a7: {  	[tilespmem:$0x600] =	vst v1  }
0x1a8: {  	[tilespmem:$0x610] =	vst v1  }
0x1a9: {  	[tilespmem:$0x620] =	vst v1  }
0x1aa: {  	[tilespmem:$0x630] =	vst v1  }
0x1ab: {  	[tilespmem:$0x640] =	vst v1  }
0x1ac: {  	[tilespmem:$0x650] =	vst v1  }
0x1ad: {  	[tilespmem:$0x660] =	vst v1  }
0x1ae: {  	[tilespmem:$0x670] =	vst v1  }
0x1af: {  	[tilespmem:$0xA00] =	vst v1  }
0x1b0: {  	[tilespmem:$0xA10] =	vst v1  }
0x1b1: {  	[tilespmem:$0xA20] =	vst v1  }
0x1b2: {  	[tilespmem:$0xA30] =	vst v1  }
0x1b3: {  	[tilespmem:$0xA40] =	vst v1  }
0x1b4: {  	[tilespmem:$0xA50] =	vst v1  }
0x1b5: {  	[tilespmem:$0xA60] =	vst v1  }
0x1b6: {  	[tilespmem:$0xA70] =	vst v1  }
0x1b7: {  	[tilespmem:$0xE00] =	vst v1  }
0x1b8: {  	[tilespmem:$0xE10] =	vst v1  }
0x1b9: {  	[tilespmem:$0xE20] =	vst v1  }
0x1ba: {  	[tilespmem:$0xE30] =	vst v1  }
0x1bb: {  	[tilespmem:$0xE40] =	vst v1  }
0x1bc: {  	[tilespmem:$0xE50] =	vst v1  }
0x1bd: {  	[tilespmem:$0xE60] =	vst v1  }
0x1be: {  	[tilespmem:$0xE70] =	vst v1  }
0x1bf: {  	[tilespmem:$0x1200] =	vst v1  }
0x1c0: {  	[tilespmem:$0x1210] =	vst v1  }
0x1c1: {  	[tilespmem:$0x1220] =	vst v1  }
0x1c2: {  	[tilespmem:$0x1230] =	vst v1  }
0x1c3: {  	[tilespmem:$0x1240] =	vst v1  }
0x1c4: {  	[tilespmem:$0x1250] =	vst v1  }
0x1c5: {  	[tilespmem:$0x1260] =	vst v1  }
0x1c6: {  	[tilespmem:$0x1270] =	vst v1  }
0x1c7: {  	[tilespmem:$0x1600] =	vst v1  }
0x1c8: {  	[tilespmem:$0x1610] =	vst v1  }
0x1c9: {  	[tilespmem:$0x1620] =	vst v1  }
0x1ca: {  	[tilespmem:$0x1630] =	vst v1  }
0x1cb: {  	[tilespmem:$0x1640] =	vst v1  }
0x1cc: {  	[tilespmem:$0x1650] =	vst v1  }
0x1cd: {  	[tilespmem:$0x1660] =	vst v1  }
0x1ce: {  	[tilespmem:$0x1670] =	vst v1  }
0x1cf: {  	[tilespmem:$0x1A00] =	vst v1  }
0x1d0: {  	[tilespmem:$0x1A10] =	vst v1  }
0x1d1: {  	[tilespmem:$0x1A20] =	vst v1  }
0x1d2: {  	[tilespmem:$0x1A30] =	vst v1  }
0x1d3: {  	[tilespmem:$0x1A40] =	vst v1  }
0x1d4: {  	[tilespmem:$0x1A50] =	vst v1  }
0x1d5: {  	[tilespmem:$0x1A60] =	vst v1  }
0x1d6: {  	[tilespmem:$0x1A70] =	vst v1  }
0x1d7: {  	[tilespmem:$0x1E00] =	vst v1  }
0x1d8: {  	[tilespmem:$0x1E10] =	vst v1  }
0x1d9: {  	[tilespmem:$0x1E20] =	vst v1  }
0x1da: {  	[tilespmem:$0x1E30] =	vst v1  }
0x1db: {  	[tilespmem:$0x1E40] =	vst v1  }
0x1dc: {  	[tilespmem:$0x1E50] =	vst v1  }
0x1dd: {  	[tilespmem:$0x1E60] =	vst v1  }
0x1de: {  	[tilespmem:$0x1E70] =	vst v1  }
0x1df: {  	[tilespmem:$0x400] =	vst v1  }
0x1e0: {  	[tilespmem:$0x410] =	vst v1  }
0x1e1: {  	[tilespmem:$0x420] =	vst v1  }
0x1e2: {  	[tilespmem:$0x430] =	vst v1  }
0x1e3: {  	[tilespmem:$0x440] =	vst v1  }
0x1e4: {  	[tilespmem:$0x450] =	vst v1  }
0x1e5: {  	[tilespmem:$0x460] =	vst v1  }
0x1e6: {  	[tilespmem:$0x470] =	vst v1  }
0x1e7: {  	[tilespmem:$0x800] =	vst v1  }
0x1e8: {  	[tilespmem:$0x810] =	vst v1  }
0x1e9: {  	[tilespmem:$0x820] =	vst v1  }
0x1ea: {  	[tilespmem:$0x830] =	vst v1  }
0x1eb: {  	[tilespmem:$0x840] =	vst v1  }
0x1ec: {  	[tilespmem:$0x850] =	vst v1  }
0x1ed: {  	[tilespmem:$0x860] =	vst v1  }
0x1ee: {  	[tilespmem:$0x870] =	vst v1  }
0x1ef: {  	[tilespmem:$0xC00] =	vst v1  }
0x1f0: {  	[tilespmem:$0xC10] =	vst v1  }
0x1f1: {  	[tilespmem:$0xC20] =	vst v1  }
0x1f2: {  	[tilespmem:$0xC30] =	vst v1  }
0x1f3: {  	[tilespmem:$0xC40] =	vst v1  }
0x1f4: {  	[tilespmem:$0xC50] =	vst v1  }
0x1f5: {  	[tilespmem:$0xC60] =	vst v1  }
0x1f6: {  	[tilespmem:$0xC70] =	vst v1  }
0x1f7: {  	[tilespmem:$0x1000] =	vst v1  }
0x1f8: {  	[tilespmem:$0x1010] =	vst v1  }
0x1f9: {  	[tilespmem:$0x1020] =	vst v1  }
0x1fa: {  	[tilespmem:$0x1030] =	vst v1  }
0x1fb: {  	[tilespmem:$0x1040] =	vst v1  }
0x1fc: {  	[tilespmem:$0x1050] =	vst v1  }
0x1fd: {  	[tilespmem:$0x1060] =	vst v1  }
0x1fe: {  	[tilespmem:$0x1070] =	vst v1  }
0x1ff: {  	[tilespmem:$0x1400] =	vst v1  }
0x200: {  	[tilespmem:$0x1410] =	vst v1  }
0x201: {  	[tilespmem:$0x1420] =	vst v1  }
0x202: {  	[tilespmem:$0x1430] =	vst v1  }
0x203: {  	[tilespmem:$0x1440] =	vst v1  }
0x204: {  	[tilespmem:$0x1450] =	vst v1  }
0x205: {  	[tilespmem:$0x1460] =	vst v1  }
0x206: {  	[tilespmem:$0x1470] =	vst v1  }
0x207: {  	[tilespmem:$0x1800] =	vst v1  }
0x208: {  	[tilespmem:$0x1810] =	vst v1  }
0x209: {  	[tilespmem:$0x1820] =	vst v1  }
0x20a: {  	[tilespmem:$0x1830] =	vst v1  }
0x20b: {  	[tilespmem:$0x1840] =	vst v1  }
0x20c: {  	[tilespmem:$0x1850] =	vst v1  }
0x20d: {  	[tilespmem:$0x1860] =	vst v1  }
0x20e: {  	[tilespmem:$0x1870] =	vst v1  }
0x20f: {  	[tilespmem:$0x1C00] =	vst v1  }
0x210: {  	[tilespmem:$0x1C10] =	vst v1  }
0x211: {  	[tilespmem:$0x1C20] =	vst v1  }
0x212: {  	[tilespmem:$0x1C30] =	vst v1  }
0x213: {  	[tilespmem:$0x1C40] =	vst v1  }
0x214: {  	[tilespmem:$0x1C50] =	vst v1  }
0x215: {  	[tilespmem:$0x1C60] =	vst v1  }
0x216: {  	[tilespmem:$0x1C70] =	vst v1  }
0x217: {  	[tilespmem:$0x2000] =	vst v1  }
0x218: {  	[tilespmem:$0x2010] =	vst v1  }
0x219: {  	[tilespmem:$0x2020] =	vst v1  }
0x21a: {  	[tilespmem:$0x2030] =	vst v1  }
0x21b: {  	[tilespmem:$0x2040] =	vst v1  }
0x21c: {  	[tilespmem:$0x2050] =	vst v1  }
0x21d: {  	[tilespmem:$0x2060] =	vst v1  }
0x21e: {  	[tilespmem:$0x2070] =	vst v1  }
0x21f: {  	[hbm4b:s4+s2] =	stream.linear.scatter [tilespmem:s11], [sflag:$0x1], $0x2000, $0x38;
	[tilespmem:$0x2080] =	vst v63  }
0x220: {  	_ = 	snop  }
0x221: {  	[hbm4b:s5+s2] =	stream.linear.scatter [tilespmem:s11], [sflag:$0x1], $0x2000, $0x38;
	[tilespmem:$0x2080] =	vst v63  }
0x222: {  	_ = 	snop  }
0x223: {  	[hbm4b:s6+s2] =	stream.linear.scatter [tilespmem:s11], [sflag:$0x1], $0x2000, $0x38;
	[tilespmem:$0x2080] =	vst v63  }
0x224: {  	_ = 	snop  }
0x225: {  	[hbm4b:s7+s2] =	stream.linear.scatter [tilespmem:s11], [sflag:$0x1], $0x2000, $0x38;
	[tilespmem:$0x2080] =	vst v63  }
0x226: {  	_ = 	snop  }
0x227: {  	[hbm4b:s8+s2] =	stream.linear.scatter [tilespmem:s11], [sflag:$0x1], $0x2000, $0x38;
	[tilespmem:$0x2080] =	vst v63  }
0x228: {  	_ =	swait.ge [sflag:s12], $0x2000  }
0x229: {  	[sflag:s12] =	ssyncset.done $0x0  }
0x22a: {  	[sflag:s12] =	ssyncadd.s32 $0xFFFFE000  }
0x22b: {  	_ =	swait.ge [sflag:s12], $0x2000  }
0x22c: {  	[sflag:s12] =	ssyncset.done $0x0  }
0x22d: {  	[sflag:s12] =	ssyncadd.s32 $0xFFFFE000  }
0x22e: {  	_ =	swait.ge [sflag:s12], $0x2000  }
0x22f: {  	[sflag:s12] =	ssyncset.done $0x0  }
0x230: {  	[sflag:s12] =	ssyncadd.s32 $0xFFFFE000  }
0x231: {  	p0 =	sne.s32 s9, $0x1;
	_ =	swait.ge [sflag:s12], $0x2000  }
.Ltmp1:
0x232: {  	[sflag:s12] =	ssyncset.done $0x0;
	(pc) =	sbr.rel @p0 .LBB2_2-.Ltmp1, $4  }
0x233: {  	[sflag:s12] =	ssyncadd.s32 $0xFFFFE000  }
0x234: {  	_ =	swait.ge [sflag:s12], $0x2000  }
0x235: {  	[sflag:s12] =	ssyncset.done $0x0  }
0x236: {  	s9 =	sadd.s32 $0xFFFFFFFF, s9;
	[sflag:s12] =	ssyncadd.s32 $0xFFFFE000  }
.LBB2_3:
0x237: {  	_ =	sfence.sel $0x180000  }
0x238: {  	[bflag:$0x0] =	sbarrier.arrive $0xFFFF  }
0x239: {  	p0 =	sne.s32 s1, $0x0;
	_ =	strace $0x90000047  }
0x23a: {  	s0 =	sadd.s32 @!p0 $0x100000, s0;
	[bflag:$0x2] =	sbarrier.arrive $0xFFFF  }
0x23b: {  	[sflag:s0] =	ssyncadd.tile.s32 @!p0 $0x1;
	_ =	shalt  }
.Lfunc_end2:
_tile_overlayer_lowered:
.L_overlay_start_2:
0x23c: {  	(tag) =	ssettag $0x2  }
0x23d: {  	s0 =	rddreg [dreg:$0x0];
	s2 =	stileid.u32  }
0x23e: {  	s1 =	rddreg [dreg:$0x1];
	p0 =	sne.s32 s2, $0x0  }
0x23f: {  	s3 =	rddreg [dreg:$0x2];
	[bflag:$0x3] =	sbarrier.arrive $0xFFFF;
	s2 =	simm.s32 @!p0 $0x1C02  }
0x240: {  	[timem:s3], [sflag:s2] =	dma.local @!p0 [hbm:s0], s1  }
0x241: {  	s0 =	simm.s32 @!p0 $0x2  }
0x242: {  	_ =	swait.ge @!p0 [sflag:s0], s1  }
0x243: {  	s1 =	ssub.s32 @!p0 $0x0, s1;
	[sflag:s0] =	ssyncset.done @!p0 $0x0  }
0x244: {  	[sflag:s0] =	ssyncadd.s32 @!p0 s1  }
0x245: {  	[bflag:$0x3] =	sbarrier.arrive $0xFFFF  }
0x246: {  	_ =	shalt  }

</sc_bundles>
